<compile_context>
chip_gen: v7x
topology: tpu7x:2x2x1
jax: 0.10.2.dev20260603
libtpu: 0.0.44.dev20260713+nightly
codegen_flags: <defaults>
</compile_context>

<pallas_src>
import functools

import jax
import jax.numpy as jnp
from jax import lax
from jax.experimental import pallas as pl
from jax.experimental.pallas import tpu as pltpu
from jax.experimental.pallas import tpu_sc as plsc

_N = 10000
_E = 320000
_D = 128
_H = 64
_H2 = 32
_O = 2
_G = 64

_NC = 2
_NS = 16
_NW = _NC * _NS
_EPW = _E // _NW
_K = 1000
_NCHUNK = _EPW // _K

_NP = 10240
_RPT = _NP // _NS
_DW = 16


def _sc_agg_body(feat, with_deg, nbuf, *refs):
    if with_deg:
        (y_hbm, ei_hbm, zagg_hbm, zdeg_hbm, ones_hbm,
         out_agg, out_deg,
         src_v, dst_v, rows_v, ones_v, sem, isem,
         agg_sh, deg_sh) = refs
    else:
        (y_hbm, ei_hbm, zagg_hbm, out_agg,
         src_v, dst_v, rows_v, sem, isem,
         agg_sh) = refs

    c = lax.axis_index("c")
    s = lax.axis_index("s")
    wid = c * _NS + s
    ebase = wid * _EPW

    for j in range(_NCHUNK):
        pltpu.async_copy(ei_hbm.at[0, pl.ds(ebase + j * _K, _K)],
                         src_v.at[j], isem)
        pltpu.async_copy(ei_hbm.at[1, pl.ds(ebase + j * _K, _K)],
                         dst_v.at[j], isem)

    rbase = s * _RPT
    pltpu.sync_copy(zagg_hbm.at[pl.ds(rbase, _RPT)],
                    agg_sh.at[pl.ds(rbase, _RPT)])
    if with_deg:
        pltpu.sync_copy(zdeg_hbm.at[pl.ds(rbase, _RPT)],
                        deg_sh.at[pl.ds(rbase, _RPT)])
        pltpu.sync_copy(ones_hbm, ones_v)
    for j in range(_NCHUNK):
        pltpu.make_async_copy(ei_hbm.at[0, pl.ds(ebase + j * _K, _K)],
                              src_v.at[j], isem).wait()
        pltpu.make_async_copy(ei_hbm.at[1, pl.ds(ebase + j * _K, _K)],
                              dst_v.at[j], isem).wait()
    plsc.subcore_barrier()

    def fire(j, b):
        pltpu.async_copy(y_hbm.at[src_v.at[j]], rows_v.at[b], sem.at[b])

    for b in range(nbuf - 1):
        fire(b, b)

    def chunk(j, carry):
        b = lax.rem(j, nbuf)
        pltpu.make_async_copy(y_hbm.at[src_v.at[j]], rows_v.at[b],
                              sem.at[b]).wait()
        jn = j + nbuf - 1

        @pl.when(jn < _NCHUNK)
        def _():
            fire(jn, lax.rem(jn, nbuf))

        pltpu.sync_copy(rows_v.at[b], agg_sh.at[dst_v.at[j]], add=True)
        if with_deg:
            pltpu.sync_copy(ones_v, deg_sh.at[dst_v.at[j]], add=True)
        return carry

    lax.fori_loop(0, _NCHUNK, chunk, 0)
    plsc.subcore_barrier()

    pltpu.sync_copy(agg_sh.at[pl.ds(rbase, _RPT)],
                    out_agg.at[c, pl.ds(rbase, _RPT)])
    if with_deg:
        pltpu.sync_copy(deg_sh.at[pl.ds(rbase, _RPT)],
                        out_deg.at[c, pl.ds(rbase, _RPT)])


@functools.lru_cache(maxsize=None)
def _make_sc_agg(feat, with_deg, nbuf):
    mesh = plsc.VectorSubcoreMesh(core_axis_name="c", subcore_axis_name="s",
                                  num_cores=_NC, num_subcores=_NS)
    out_type = [jax.ShapeDtypeStruct((_NC, _NP, feat), jnp.bfloat16)]
    scratch = [
        pltpu.VMEM((_NCHUNK, _K), jnp.int32),
        pltpu.VMEM((_NCHUNK, _K), jnp.int32),
        pltpu.VMEM((nbuf, _K, feat), jnp.bfloat16),
    ]
    if with_deg:
        out_type.append(jax.ShapeDtypeStruct((_NC, _NP, _DW), jnp.bfloat16))
        scratch.append(pltpu.VMEM((_K, _DW), jnp.bfloat16))
    scratch.append(pltpu.SemaphoreType.DMA((nbuf,)))
    scratch.append(pltpu.SemaphoreType.DMA)
    scratch.append(pltpu.VMEM_SHARED((_NP, feat), jnp.bfloat16))
    if with_deg:
        scratch.append(pltpu.VMEM_SHARED((_NP, _DW), jnp.bfloat16))

    return pl.kernel(
        functools.partial(_sc_agg_body, feat, with_deg, nbuf),
        out_type=tuple(out_type),
        mesh=mesh,
        scratch_types=tuple(scratch),
        compiler_params=pltpu.CompilerParams(use_tc_tiling_on_sc=False),
    )



def _tc1_body(x_ref, wn_ref, ws_ref, y_ref, xs_ref):
    x = x_ref[...]
    y_ref[...] = jnp.dot(x, wn_ref[...],
                         preferred_element_type=jnp.float32).astype(jnp.bfloat16)
    xs_ref[...] = jnp.dot(x, ws_ref[...], preferred_element_type=jnp.float32)


def _tc2_body(xs_ref, aggp_ref, degp_ref, b1_ref, wn_ref, ws_ref,
              y2_ref, hs_ref):
    agg = (aggp_ref[0, :_N].astype(jnp.float32)
           + aggp_ref[1, :_N].astype(jnp.float32))
    deg = (degp_ref[0, :_N, 0:1].astype(jnp.float32)
           + degp_ref[1, :_N, 0:1].astype(jnp.float32))
    mean = agg / jnp.maximum(deg, 1.0)
    h = jnp.maximum(xs_ref[...] + mean + b1_ref[...][None, :], 0.0)
    y2_ref[...] = jnp.dot(h, wn_ref[...],
                          preferred_element_type=jnp.float32).astype(jnp.bfloat16)
    hs_ref[...] = jnp.dot(h, ws_ref[...], preferred_element_type=jnp.float32)


def _tc3_body(hs_ref, aggp_ref, degp_ref, b2_ref, batch_ref, wfc_ref,
              bfc_ref, out_ref):
    agg = (aggp_ref[0, :_N].astype(jnp.float32)
           + aggp_ref[1, :_N].astype(jnp.float32))
    deg = (degp_ref[0, :_N, 0:1].astype(jnp.float32)
           + degp_ref[1, :_N, 0:1].astype(jnp.float32))
    mean = agg / jnp.maximum(deg, 1.0)
    h2 = jnp.maximum(hs_ref[...] + mean + b2_ref[...][None, :], 0.0)
    gids = lax.broadcasted_iota(jnp.int32, (_G, _N), 0)
    p = (batch_ref[...] == gids).astype(jnp.float32)
    sums = jnp.dot(p, h2, preferred_element_type=jnp.float32)
    counts = jnp.sum(p, axis=1, keepdims=True)
    g = sums / jnp.maximum(counts, 1.0)
    logits = (jnp.dot(g, wfc_ref[...], preferred_element_type=jnp.float32)
              + bfc_ref[...][None, :])
    m = jnp.max(logits, axis=1, keepdims=True)
    lse = m + jnp.log(jnp.sum(jnp.exp(logits - m), axis=1, keepdims=True))
    out_ref[...] = logits - lse


_tc1 = pl.pallas_call(
    _tc1_body,
    out_shape=(jax.ShapeDtypeStruct((_N, _H), jnp.bfloat16),
               jax.ShapeDtypeStruct((_N, _H), jnp.float32)),
)

_tc2 = pl.pallas_call(
    _tc2_body,
    out_shape=(jax.ShapeDtypeStruct((_N, _H2), jnp.bfloat16),
               jax.ShapeDtypeStruct((_N, _H2), jnp.float32)),
)

_tc3 = pl.pallas_call(
    _tc3_body,
    out_shape=jax.ShapeDtypeStruct((_G, _O), jnp.float32),
)


def kernel(x, edge_index, batch, W1_self, W1_neigh, b1, W2_self, W2_neigh,
           b2, W_fc, b_fc):
    zeros_h = jnp.zeros((_NP, _H), jnp.bfloat16)
    zeros_h2 = jnp.zeros((_NP, _H2), jnp.bfloat16)
    zeros_d = jnp.zeros((_NP, _DW), jnp.bfloat16)
    ones_d = jnp.ones((_K, _DW), jnp.bfloat16)
    batch2d = batch.reshape(1, _N)

    y1, xs = _tc1(x, W1_neigh, W1_self)
    aggp1, degp = _make_sc_agg(_H, True, 2)(y1, edge_index, zeros_h,
                                            zeros_d, ones_d)
    y2, hs = _tc2(xs, aggp1, degp, b1, W2_neigh, W2_self)
    aggp2, = _make_sc_agg(_H2, False, 4)(y2, edge_index, zeros_h2)
    return _tc3(hs, aggp2, degp, b2, batch2d, W_fc, b_fc)

# --- scband reference (transcript-rebuilt; emitter-appended) ---
"""Pipeline reference for scband-graph-sagenet-82609400971648 (READ-ONLY COPY).

The authoritative reference and input builder live on the scoring server;
editing this copy changes nothing except your own understanding.
"""

import jax, jax.numpy as jnp
import numpy as np

N = 10000
E = 320000
D = 128
H = 64
H2 = 32
O = 2
G = 64


def sage_conv(x, edge_index, W_self, W_neigh, b, num_nodes):
    src = edge_index[0]
    dst = edge_index[1]
    msgs = jnp.take(x, src, axis=0)
    agg = jax.ops.segment_sum(msgs, dst, num_segments=num_nodes)
    deg = jax.ops.segment_sum(jnp.ones((msgs.shape[0],), dtype=x.dtype), dst, num_segments=num_nodes)
    mean_agg = agg / jnp.maximum(deg, 1.0)[:, None]
    return x @ W_self + mean_agg @ W_neigh + b


def global_mean_pool(x, batch, num_graphs):
    sums = jax.ops.segment_sum(x, batch, num_segments=num_graphs)
    counts = jax.ops.segment_sum(jnp.ones((x.shape[0],), dtype=x.dtype), batch, num_segments=num_graphs)
    return sums / jnp.maximum(counts, 1.0)[:, None]


def setup_inputs(seed: int = 0):
    key = jax.random.key(seed)
    ks = jax.random.split(key, 12)
    x = jax.random.normal(ks[0], (N, D), dtype=jnp.float32)
    edge_index = jax.random.randint(ks[1], (2, E), 0, N, dtype=jnp.int32)
    batch = jnp.sort(jax.random.randint(ks[2], (N,), 0, G, dtype=jnp.int32))
    s = 0.05
    W1_self = jax.random.normal(ks[3], (D, H), dtype=jnp.float32) * s
    W1_neigh = jax.random.normal(ks[4], (D, H), dtype=jnp.float32) * s
    b1 = jnp.zeros((H,), dtype=jnp.float32)
    W2_self = jax.random.normal(ks[5], (H, H2), dtype=jnp.float32) * s
    W2_neigh = jax.random.normal(ks[6], (H, H2), dtype=jnp.float32) * s
    b2 = jnp.zeros((H2,), dtype=jnp.float32)
    W_fc = jax.random.normal(ks[7], (H2, O), dtype=jnp.float32) * s
    b_fc = jnp.zeros((O,), dtype=jnp.float32)
    return {"x": x, "edge_index": edge_index, "batch": batch,
            "W1_self": W1_self, "W1_neigh": W1_neigh, "b1": b1,
            "W2_self": W2_self, "W2_neigh": W2_neigh, "b2": b2,
            "W_fc": W_fc, "b_fc": b_fc}


def reference(x, edge_index, batch, W1_self, W1_neigh, b1, W2_self, W2_neigh, b2, W_fc, b_fc):
    h = sage_conv(x, edge_index, W1_self, W1_neigh, b1, N)
    h = jax.nn.relu(h)
    h = sage_conv(h, edge_index, W2_self, W2_neigh, b2, N)
    h = jax.nn.relu(h)
    g = global_mean_pool(h, batch, G)
    logits = g @ W_fc + b_fc
    return jax.nn.log_softmax(logits, axis=1)

if __name__ == "__main__":
    import jax
    _d = setup_inputs()
    print(jax.jit(kernel)(*tuple(_d.values())))

</pallas_src>

<mosaic_0001>
#map = affine_map<(d0, d1) -> (0, 0)>
#map1 = affine_map<(d0, d1) -> (0, 0, 0)>
module attributes {stable_mosaic.version = 14 : i64} {
  func.func @_sc_agg_body(%arg0: i32, %arg1: i32, %arg2: memref<10000x64xbf16, #tpu.memory_space<hbm>>, %arg3: memref<2x320000xi32, #tpu.memory_space<hbm>>, %arg4: memref<10240x64xbf16, #tpu.memory_space<hbm>>, %arg5: memref<10240x16xbf16, #tpu.memory_space<hbm>>, %arg6: memref<1000x16xbf16, #tpu.memory_space<hbm>>, %arg7: memref<2x10240x64xbf16, #tpu.memory_space<hbm>>, %arg8: memref<2x10240x16xbf16, #tpu.memory_space<hbm>>, %arg9: memref<10x1000xi32, #tpu.memory_space<vmem>>, %arg10: memref<10x1000xi32, #tpu.memory_space<vmem>>, %arg11: memref<2x1000x64xbf16, #tpu.memory_space<vmem>>, %arg12: memref<1000x16xbf16, #tpu.memory_space<vmem>>, %arg13: memref<2x!tpu.dma_semaphore, #tpu.memory_space<semaphore_mem>>, %arg14: memref<!tpu.dma_semaphore, #tpu.memory_space<semaphore_mem>>, %arg15: memref<10240x64xbf16, #tpu.memory_space<vmem_shared>>, %arg16: memref<10240x16xbf16, #tpu.memory_space<vmem_shared>>) attributes {dimension_semantics = [#tpu.dimension_semantics<core_parallel>, #tpu.dimension_semantics<subcore_parallel>], iteration_bounds = array<i64: 2, 16>, scalar_prefetch = 0 : i64, scratch_operands = 8 : i64, tpu.core_type = #tpu.core_type<sc_vector_subcore>, window_params = [{transform_indices = #map}, {transform_indices = #map}, {transform_indices = #map}, {transform_indices = #map}, {transform_indices = #map}, {transform_indices = #map1}, {transform_indices = #map1}]} {
    %mul3A = arith.constant 16 : i32
    %mul3A_0 = arith.muli %arg0, %mul3A : i32
    %add3A = arith.addi %mul3A_0, %arg1 : i32
    %mul3A_1 = arith.constant 10000 : i32
    %mul3A_2 = arith.muli %add3A, %mul3A_1 : i32
    %add3A_3 = arith.constant 0 : i32
    %add3A_4 = arith.addi %mul3A_2, %add3A_3 : i32
    %dma_start3A = arith.constant 0 : i32
    %dma_start3A_5 = arith.constant 0 : i32
    %dma_start3A_6 = arith.constant 0 : i32
    %dma_start3A_7 = tpu.memref_slice %arg9[%dma_start3A_5, %dma_start3A_6] : memref<10x1000xi32, #tpu.memory_space<vmem>> -> memref<1x1000xi32, #tpu.memory_space<vmem>>
    %dma_start3A_8 = tpu.memref_squeeze %dma_start3A_7 : memref<1x1000xi32, #tpu.memory_space<vmem>> -> memref<1000xi32, #tpu.memory_space<vmem>>
    %dma_start3A_9 = tpu.memref_slice %arg3[%dma_start3A, %add3A_4] : memref<2x320000xi32, #tpu.memory_space<hbm>> -> memref<1x1000xi32, #tpu.memory_space<hbm>>
    %dma_start3A_10 = tpu.memref_squeeze %dma_start3A_9 : memref<1x1000xi32, #tpu.memory_space<hbm>> -> memref<1000xi32, #tpu.memory_space<hbm>>
    %dma_start3A_11 = arith.constant 0 : i32
    %dma_start3A_12 = tpu.memref_slice %arg9[%dma_start3A_5, %dma_start3A_11] : memref<10x1000xi32, #tpu.memory_space<vmem>> -> memref<1x1000xi32, #tpu.memory_space<vmem>>
    %dma_start3A_13 = tpu.memref_squeeze %dma_start3A_12 : memref<1x1000xi32, #tpu.memory_space<vmem>> -> memref<1000xi32, #tpu.memory_space<vmem>>
    %dma_start3A_14 = tpu.memref_slice %arg3[%dma_start3A, %add3A_4] : memref<2x320000xi32, #tpu.memory_space<hbm>> -> memref<1x1000xi32, #tpu.memory_space<hbm>>
    %dma_start3A_15 = tpu.memref_squeeze %dma_start3A_14 : memref<1x1000xi32, #tpu.memory_space<hbm>> -> memref<1000xi32, #tpu.memory_space<hbm>>
    tpu.enqueue_dma source(%dma_start3A_15 : memref<1000xi32, #tpu.memory_space<hbm>>) target(%dma_start3A_13 : memref<1000xi32, #tpu.memory_space<vmem>>) target_semaphore(%arg14 : memref<!tpu.dma_semaphore, #tpu.memory_space<semaphore_mem>>)
    %add3A_16 = arith.constant 0 : i32
    %add3A_17 = arith.addi %mul3A_2, %add3A_16 : i32
    %dma_start3A_18 = arith.constant 1 : i32
    %dma_start3A_19 = arith.constant 0 : i32
    %dma_start3A_20 = arith.constant 0 : i32
    %dma_start3A_21 = tpu.memref_slice %arg10[%dma_start3A_19, %dma_start3A_20] : memref<10x1000xi32, #tpu.memory_space<vmem>> -> memref<1x1000xi32, #tpu.memory_space<vmem>>
    %dma_start3A_22 = tpu.memref_squeeze %dma_start3A_21 : memref<1x1000xi32, #tpu.memory_space<vmem>> -> memref<1000xi32, #tpu.memory_space<vmem>>
    %dma_start3A_23 = tpu.memref_slice %arg3[%dma_start3A_18, %add3A_17] : memref<2x320000xi32, #tpu.memory_space<hbm>> -> memref<1x1000xi32, #tpu.memory_space<hbm>>
    %dma_start3A_24 = tpu.memref_squeeze %dma_start3A_23 : memref<1x1000xi32, #tpu.memory_space<hbm>> -> memref<1000xi32, #tpu.memory_space<hbm>>
    %dma_start3A_25 = arith.constant 0 : i32
    %dma_start3A_26 = tpu.memref_slice %arg10[%dma_start3A_19, %dma_start3A_25] : memref<10x1000xi32, #tpu.memory_space<vmem>> -> memref<1x1000xi32, #tpu.memory_space<vmem>>
    %dma_start3A_27 = tpu.memref_squeeze %dma_start3A_26 : memref<1x1000xi32, #tpu.memory_space<vmem>> -> memref<1000xi32, #tpu.memory_space<vmem>>
    %dma_start3A_28 = tpu.memref_slice %arg3[%dma_start3A_18, %add3A_17] : memref<2x320000xi32, #tpu.memory_space<hbm>> -> memref<1x1000xi32, #tpu.memory_space<hbm>>
    %dma_start3A_29 = tpu.memref_squeeze %dma_start3A_28 : memref<1x1000xi32, #tpu.memory_space<hbm>> -> memref<1000xi32, #tpu.memory_space<hbm>>
    tpu.enqueue_dma source(%dma_start3A_29 : memref<1000xi32, #tpu.memory_space<hbm>>) target(%dma_start3A_27 : memref<1000xi32, #tpu.memory_space<vmem>>) target_semaphore(%arg14 : memref<!tpu.dma_semaphore, #tpu.memory_space<semaphore_mem>>)
    %add3A_30 = arith.constant 1000 : i32
    %add3A_31 = arith.addi %mul3A_2, %add3A_30 : i32
    %dma_start3A_32 = arith.constant 0 : i32
    %dma_start3A_33 = arith.constant 1 : i32
    %dma_start3A_34 = arith.constant 0 : i32
    %dma_start3A_35 = tpu.memref_slice %arg9[%dma_start3A_33, %dma_start3A_34] : memref<10x1000xi32, #tpu.memory_space<vmem>> -> memref<1x1000xi32, #tpu.memory_space<vmem>>
    %dma_start3A_36 = tpu.memref_squeeze %dma_start3A_35 : memref<1x1000xi32, #tpu.memory_space<vmem>> -> memref<1000xi32, #tpu.memory_space<vmem>>
    %dma_start3A_37 = tpu.memref_slice %arg3[%dma_start3A_32, %add3A_31] : memref<2x320000xi32, #tpu.memory_space<hbm>> -> memref<1x1000xi32, #tpu.memory_space<hbm>>
    %dma_start3A_38 = tpu.memref_squeeze %dma_start3A_37 : memref<1x1000xi32, #tpu.memory_space<hbm>> -> memref<1000xi32, #tpu.memory_space<hbm>>
    %dma_start3A_39 = arith.constant 0 : i32
    %dma_start3A_40 = tpu.memref_slice %arg9[%dma_start3A_33, %dma_start3A_39] : memref<10x1000xi32, #tpu.memory_space<vmem>> -> memref<1x1000xi32, #tpu.memory_space<vmem>>
    %dma_start3A_41 = tpu.memref_squeeze %dma_start3A_40 : memref<1x1000xi32, #tpu.memory_space<vmem>> -> memref<1000xi32, #tpu.memory_space<vmem>>
    %dma_start3A_42 = tpu.memref_slice %arg3[%dma_start3A_32, %add3A_31] : memref<2x320000xi32, #tpu.memory_space<hbm>> -> memref<1x1000xi32, #tpu.memory_space<hbm>>
    %dma_start3A_43 = tpu.memref_squeeze %dma_start3A_42 : memref<1x1000xi32, #tpu.memory_space<hbm>> -> memref<1000xi32, #tpu.memory_space<hbm>>
    tpu.enqueue_dma source(%dma_start3A_43 : memref<1000xi32, #tpu.memory_space<hbm>>) target(%dma_start3A_41 : memref<1000xi32, #tpu.memory_space<vmem>>) target_semaphore(%arg14 : memref<!tpu.dma_semaphore, #tpu.memory_space<semaphore_mem>>)
    %add3A_44 = arith.constant 1000 : i32
    %add3A_45 = arith.addi %mul3A_2, %add3A_44 : i32
    %dma_start3A_46 = arith.constant 1 : i32
    %dma_start3A_47 = arith.constant 1 : i32
    %dma_start3A_48 = arith.constant 0 : i32
    %dma_start3A_49 = tpu.memref_slice %arg10[%dma_start3A_47, %dma_start3A_48] : memref<10x1000xi32, #tpu.memory_space<vmem>> -> memref<1x1000xi32, #tpu.memory_space<vmem>>
    %dma_start3A_50 = tpu.memref_squeeze %dma_start3A_49 : memref<1x1000xi32, #tpu.memory_space<vmem>> -> memref<1000xi32, #tpu.memory_space<vmem>>
    %dma_start3A_51 = tpu.memref_slice %arg3[%dma_start3A_46, %add3A_45] : memref<2x320000xi32, #tpu.memory_space<hbm>> -> memref<1x1000xi32, #tpu.memory_space<hbm>>
    %dma_start3A_52 = tpu.memref_squeeze %dma_start3A_51 : memref<1x1000xi32, #tpu.memory_space<hbm>> -> memref<1000xi32, #tpu.memory_space<hbm>>
    %dma_start3A_53 = arith.constant 0 : i32
    %dma_start3A_54 = tpu.memref_slice %arg10[%dma_start3A_47, %dma_start3A_53] : memref<10x1000xi32, #tpu.memory_space<vmem>> -> memref<1x1000xi32, #tpu.memory_space<vmem>>
    %dma_start3A_55 = tpu.memref_squeeze %dma_start3A_54 : memref<1x1000xi32, #tpu.memory_space<vmem>> -> memref<1000xi32, #tpu.memory_space<vmem>>
    %dma_start3A_56 = tpu.memref_slice %arg3[%dma_start3A_46, %add3A_45] : memref<2x320000xi32, #tpu.memory_space<hbm>> -> memref<1x1000xi32, #tpu.memory_space<hbm>>
    %dma_start3A_57 = tpu.memref_squeeze %dma_start3A_56 : memref<1x1000xi32, #tpu.memory_space<hbm>> -> memref<1000xi32, #tpu.memory_space<hbm>>
    tpu.enqueue_dma source(%dma_start3A_57 : memref<1000xi32, #tpu.memory_space<hbm>>) target(%dma_start3A_55 : memref<1000xi32, #tpu.memory_space<vmem>>) target_semaphore(%arg14 : memref<!tpu.dma_semaphore, #tpu.memory_space<semaphore_mem>>)
    %add3A_58 = arith.constant 2000 : i32
    %add3A_59 = arith.addi %mul3A_2, %add3A_58 : i32
    %dma_start3A_60 = arith.constant 0 : i32
    %dma_start3A_61 = arith.constant 2 : i32
    %dma_start3A_62 = arith.constant 0 : i32
    %dma_start3A_63 = tpu.memref_slice %arg9[%dma_start3A_61, %dma_start3A_62] : memref<10x1000xi32, #tpu.memory_space<vmem>> -> memref<1x1000xi32, #tpu.memory_space<vmem>>
    %dma_start3A_64 = tpu.memref_squeeze %dma_start3A_63 : memref<1x1000xi32, #tpu.memory_space<vmem>> -> memref<1000xi32, #tpu.memory_space<vmem>>
    %dma_start3A_65 = tpu.memref_slice %arg3[%dma_start3A_60, %add3A_59] : memref<2x320000xi32, #tpu.memory_space<hbm>> -> memref<1x1000xi32, #tpu.memory_space<hbm>>
    %dma_start3A_66 = tpu.memref_squeeze %dma_start3A_65 : memref<1x1000xi32, #tpu.memory_space<hbm>> -> memref<1000xi32, #tpu.memory_space<hbm>>
    %dma_start3A_67 = arith.constant 0 : i32
    %dma_start3A_68 = tpu.memref_slice %arg9[%dma_start3A_61, %dma_start3A_67] : memref<10x1000xi32, #tpu.memory_space<vmem>> -> memref<1x1000xi32, #tpu.memory_space<vmem>>
    %dma_start3A_69 = tpu.memref_squeeze %dma_start3A_68 : memref<1x1000xi32, #tpu.memory_space<vmem>> -> memref<1000xi32, #tpu.memory_space<vmem>>
    %dma_start3A_70 = tpu.memref_slice %arg3[%dma_start3A_60, %add3A_59] : memref<2x320000xi32, #tpu.memory_space<hbm>> -> memref<1x1000xi32, #tpu.memory_space<hbm>>
    %dma_start3A_71 = tpu.memref_squeeze %dma_start3A_70 : memref<1x1000xi32, #tpu.memory_space<hbm>> -> memref<1000xi32, #tpu.memory_space<hbm>>
    tpu.enqueue_dma source(%dma_start3A_71 : memref<1000xi32, #tpu.memory_space<hbm>>) target(%dma_start3A_69 : memref<1000xi32, #tpu.memory_space<vmem>>) target_semaphore(%arg14 : memref<!tpu.dma_semaphore, #tpu.memory_space<semaphore_mem>>)
    %add3A_72 = arith.constant 2000 : i32
    %add3A_73 = arith.addi %mul3A_2, %add3A_72 : i32
    %dma_start3A_74 = arith.constant 1 : i32
    %dma_start3A_75 = arith.constant 2 : i32
    %dma_start3A_76 = arith.constant 0 : i32
    %dma_start3A_77 = tpu.memref_slice %arg10[%dma_start3A_75, %dma_start3A_76] : memref<10x1000xi32, #tpu.memory_space<vmem>> -> memref<1x1000xi32, #tpu.memory_space<vmem>>
    %dma_start3A_78 = tpu.memref_squeeze %dma_start3A_77 : memref<1x1000xi32, #tpu.memory_space<vmem>> -> memref<1000xi32, #tpu.memory_space<vmem>>
    %dma_start3A_79 = tpu.memref_slice %arg3[%dma_start3A_74, %add3A_73] : memref<2x320000xi32, #tpu.memory_space<hbm>> -> memref<1x1000xi32, #tpu.memory_space<hbm>>
    %dma_start3A_80 = tpu.memref_squeeze %dma_start3A_79 : memref<1x1000xi32, #tpu.memory_space<hbm>> -> memref<1000xi32, #tpu.memory_space<hbm>>
    %dma_start3A_81 = arith.constant 0 : i32
    %dma_start3A_82 = tpu.memref_slice %arg10[%dma_start3A_75, %dma_start3A_81] : memref<10x1000xi32, #tpu.memory_space<vmem>> -> memref<1x1000xi32, #tpu.memory_space<vmem>>
    %dma_start3A_83 = tpu.memref_squeeze %dma_start3A_82 : memref<1x1000xi32, #tpu.memory_space<vmem>> -> memref<1000xi32, #tpu.memory_space<vmem>>
    %dma_start3A_84 = tpu.memref_slice %arg3[%dma_start3A_74, %add3A_73] : memref<2x320000xi32, #tpu.memory_space<hbm>> -> memref<1x1000xi32, #tpu.memory_space<hbm>>
    %dma_start3A_85 = tpu.memref_squeeze %dma_start3A_84 : memref<1x1000xi32, #tpu.memory_space<hbm>> -> memref<1000xi32, #tpu.memory_space<hbm>>
    tpu.enqueue_dma source(%dma_start3A_85 : memref<1000xi32, #tpu.memory_space<hbm>>) target(%dma_start3A_83 : memref<1000xi32, #tpu.memory_space<vmem>>) target_semaphore(%arg14 : memref<!tpu.dma_semaphore, #tpu.memory_space<semaphore_mem>>)
    %add3A_86 = arith.constant 3000 : i32
    %add3A_87 = arith.addi %mul3A_2, %add3A_86 : i32
    %dma_start3A_88 = arith.constant 0 : i32
    %dma_start3A_89 = arith.constant 3 : i32
    %dma_start3A_90 = arith.constant 0 : i32
    %dma_start3A_91 = tpu.memref_slice %arg9[%dma_start3A_89, %dma_start3A_90] : memref<10x1000xi32, #tpu.memory_space<vmem>> -> memref<1x1000xi32, #tpu.memory_space<vmem>>
    %dma_start3A_92 = tpu.memref_squeeze %dma_start3A_91 : memref<1x1000xi32, #tpu.memory_space<vmem>> -> memref<1000xi32, #tpu.memory_space<vmem>>
    %dma_start3A_93 = tpu.memref_slice %arg3[%dma_start3A_88, %add3A_87] : memref<2x320000xi32, #tpu.memory_space<hbm>> -> memref<1x1000xi32, #tpu.memory_space<hbm>>
    %dma_start3A_94 = tpu.memref_squeeze %dma_start3A_93 : memref<1x1000xi32, #tpu.memory_space<hbm>> -> memref<1000xi32, #tpu.memory_space<hbm>>
    %dma_start3A_95 = arith.constant 0 : i32
    %dma_start3A_96 = tpu.memref_slice %arg9[%dma_start3A_89, %dma_start3A_95] : memref<10x1000xi32, #tpu.memory_space<vmem>> -> memref<1x1000xi32, #tpu.memory_space<vmem>>
    %dma_start3A_97 = tpu.memref_squeeze %dma_start3A_96 : memref<1x1000xi32, #tpu.memory_space<vmem>> -> memref<1000xi32, #tpu.memory_space<vmem>>
    %dma_start3A_98 = tpu.memref_slice %arg3[%dma_start3A_88, %add3A_87] : memref<2x320000xi32, #tpu.memory_space<hbm>> -> memref<1x1000xi32, #tpu.memory_space<hbm>>
    %dma_start3A_99 = tpu.memref_squeeze %dma_start3A_98 : memref<1x1000xi32, #tpu.memory_space<hbm>> -> memref<1000xi32, #tpu.memory_space<hbm>>
    tpu.enqueue_dma source(%dma_start3A_99 : memref<1000xi32, #tpu.memory_space<hbm>>) target(%dma_start3A_97 : memref<1000xi32, #tpu.memory_space<vmem>>) target_semaphore(%arg14 : memref<!tpu.dma_semaphore, #tpu.memory_space<semaphore_mem>>)
    %add3A_100 = arith.constant 3000 : i32
    %add3A_101 = arith.addi %mul3A_2, %add3A_100 : i32
    %dma_start3A_102 = arith.constant 1 : i32
    %dma_start3A_103 = arith.constant 3 : i32
    %dma_start3A_104 = arith.constant 0 : i32
    %dma_start3A_105 = tpu.memref_slice %arg10[%dma_start3A_103, %dma_start3A_104] : memref<10x1000xi32, #tpu.memory_space<vmem>> -> memref<1x1000xi32, #tpu.memory_space<vmem>>
    %dma_start3A_106 = tpu.memref_squeeze %dma_start3A_105 : memref<1x1000xi32, #tpu.memory_space<vmem>> -> memref<1000xi32, #tpu.memory_space<vmem>>
    %dma_start3A_107 = tpu.memref_slice %arg3[%dma_start3A_102, %add3A_101] : memref<2x320000xi32, #tpu.memory_space<hbm>> -> memref<1x1000xi32, #tpu.memory_space<hbm>>
    %dma_start3A_108 = tpu.memref_squeeze %dma_start3A_107 : memref<1x1000xi32, #tpu.memory_space<hbm>> -> memref<1000xi32, #tpu.memory_space<hbm>>
    %dma_start3A_109 = arith.constant 0 : i32
    %dma_start3A_110 = tpu.memref_slice %arg10[%dma_start3A_103, %dma_start3A_109] : memref<10x1000xi32, #tpu.memory_space<vmem>> -> memref<1x1000xi32, #tpu.memory_space<vmem>>
    %dma_start3A_111 = tpu.memref_squeeze %dma_start3A_110 : memref<1x1000xi32, #tpu.memory_space<vmem>> -> memref<1000xi32, #tpu.memory_space<vmem>>
    %dma_start3A_112 = tpu.memref_slice %arg3[%dma_start3A_102, %add3A_101] : memref<2x320000xi32, #tpu.memory_space<hbm>> -> memref<1x1000xi32, #tpu.memory_space<hbm>>
    %dma_start3A_113 = tpu.memref_squeeze %dma_start3A_112 : memref<1x1000xi32, #tpu.memory_space<hbm>> -> memref<1000xi32, #tpu.memory_space<hbm>>
    tpu.enqueue_dma source(%dma_start3A_113 : memref<1000xi32, #tpu.memory_space<hbm>>) target(%dma_start3A_111 : memref<1000xi32, #tpu.memory_space<vmem>>) target_semaphore(%arg14 : memref<!tpu.dma_semaphore, #tpu.memory_space<semaphore_mem>>)
    %add3A_114 = arith.constant 4000 : i32
    %add3A_115 = arith.addi %mul3A_2, %add3A_114 : i32
    %dma_start3A_116 = arith.constant 0 : i32
    %dma_start3A_117 = arith.constant 4 : i32
    %dma_start3A_118 = arith.constant 0 : i32
    %dma_start3A_119 = tpu.memref_slice %arg9[%dma_start3A_117, %dma_start3A_118] : memref<10x1000xi32, #tpu.memory_space<vmem>> -> memref<1x1000xi32, #tpu.memory_space<vmem>>
    %dma_start3A_120 = tpu.memref_squeeze %dma_start3A_119 : memref<1x1000xi32, #tpu.memory_space<vmem>> -> memref<1000xi32, #tpu.memory_space<vmem>>
    %dma_start3A_121 = tpu.memref_slice %arg3[%dma_start3A_116, %add3A_115] : memref<2x320000xi32, #tpu.memory_space<hbm>> -> memref<1x1000xi32, #tpu.memory_space<hbm>>
    %dma_start3A_122 = tpu.memref_squeeze %dma_start3A_121 : memref<1x1000xi32, #tpu.memory_space<hbm>> -> memref<1000xi32, #tpu.memory_space<hbm>>
    %dma_start3A_123 = arith.constant 0 : i32
    %dma_start3A_124 = tpu.memref_slice %arg9[%dma_start3A_117, %dma_start3A_123] : memref<10x1000xi32, #tpu.memory_space<vmem>> -> memref<1x1000xi32, #tpu.memory_space<vmem>>
    %dma_start3A_125 = tpu.memref_squeeze %dma_start3A_124 : memref<1x1000xi32, #tpu.memory_space<vmem>> -> memref<1000xi32, #tpu.memory_space<vmem>>
    %dma_start3A_126 = tpu.memref_slice %arg3[%dma_start3A_116, %add3A_115] : memref<2x320000xi32, #tpu.memory_space<hbm>> -> memref<1x1000xi32, #tpu.memory_space<hbm>>
    %dma_start3A_127 = tpu.memref_squeeze %dma_start3A_126 : memref<1x1000xi32, #tpu.memory_space<hbm>> -> memref<1000xi32, #tpu.memory_space<hbm>>
    tpu.enqueue_dma source(%dma_start3A_127 : memref<1000xi32, #tpu.memory_space<hbm>>) target(%dma_start3A_125 : memref<1000xi32, #tpu.memory_space<vmem>>) target_semaphore(%arg14 : memref<!tpu.dma_semaphore, #tpu.memory_space<semaphore_mem>>)
    %add3A_128 = arith.constant 4000 : i32
    %add3A_129 = arith.addi %mul3A_2, %add3A_128 : i32
    %dma_start3A_130 = arith.constant 1 : i32
    %dma_start3A_131 = arith.constant 4 : i32
    %dma_start3A_132 = arith.constant 0 : i32
    %dma_start3A_133 = tpu.memref_slice %arg10[%dma_start3A_131, %dma_start3A_132] : memref<10x1000xi32, #tpu.memory_space<vmem>> -> memref<1x1000xi32, #tpu.memory_space<vmem>>
    %dma_start3A_134 = tpu.memref_squeeze %dma_start3A_133 : memref<1x1000xi32, #tpu.memory_space<vmem>> -> memref<1000xi32, #tpu.memory_space<vmem>>
    %dma_start3A_135 = tpu.memref_slice %arg3[%dma_start3A_130, %add3A_129] : memref<2x320000xi32, #tpu.memory_space<hbm>> -> memref<1x1000xi32, #tpu.memory_space<hbm>>
    %dma_start3A_136 = tpu.memref_squeeze %dma_start3A_135 : memref<1x1000xi32, #tpu.memory_space<hbm>> -> memref<1000xi32, #tpu.memory_space<hbm>>
    %dma_start3A_137 = arith.constant 0 : i32
    %dma_start3A_138 = tpu.memref_slice %arg10[%dma_start3A_131, %dma_start3A_137] : memref<10x1000xi32, #tpu.memory_space<vmem>> -> memref<1x1000xi32, #tpu.memory_space<vmem>>
    %dma_start3A_139 = tpu.memref_squeeze %dma_start3A_138 : memref<1x1000xi32, #tpu.memory_space<vmem>> -> memref<1000xi32, #tpu.memory_space<vmem>>
    %dma_start3A_140 = tpu.memref_slice %arg3[%dma_start3A_130, %add3A_129] : memref<2x320000xi32, #tpu.memory_space<hbm>> -> memref<1x1000xi32, #tpu.memory_space<hbm>>
    %dma_start3A_141 = tpu.memref_squeeze %dma_start3A_140 : memref<1x1000xi32, #tpu.memory_space<hbm>> -> memref<1000xi32, #tpu.memory_space<hbm>>
    tpu.enqueue_dma source(%dma_start3A_141 : memref<1000xi32, #tpu.memory_space<hbm>>) target(%dma_start3A_139 : memref<1000xi32, #tpu.memory_space<vmem>>) target_semaphore(%arg14 : memref<!tpu.dma_semaphore, #tpu.memory_space<semaphore_mem>>)
    %add3A_142 = arith.constant 5000 : i32
    %add3A_143 = arith.addi %mul3A_2, %add3A_142 : i32
    %dma_start3A_144 = arith.constant 0 : i32
    %dma_start3A_145 = arith.constant 5 : i32
    %dma_start3A_146 = arith.constant 0 : i32
    %dma_start3A_147 = tpu.memref_slice %arg9[%dma_start3A_145, %dma_start3A_146] : memref<10x1000xi32, #tpu.memory_space<vmem>> -> memref<1x1000xi32, #tpu.memory_space<vmem>>
    %dma_start3A_148 = tpu.memref_squeeze %dma_start3A_147 : memref<1x1000xi32, #tpu.memory_space<vmem>> -> memref<1000xi32, #tpu.memory_space<vmem>>
    %dma_start3A_149 = tpu.memref_slice %arg3[%dma_start3A_144, %add3A_143] : memref<2x320000xi32, #tpu.memory_space<hbm>> -> memref<1x1000xi32, #tpu.memory_space<hbm>>
    %dma_start3A_150 = tpu.memref_squeeze %dma_start3A_149 : memref<1x1000xi32, #tpu.memory_space<hbm>> -> memref<1000xi32, #tpu.memory_space<hbm>>
    %dma_start3A_151 = arith.constant 0 : i32
    %dma_start3A_152 = tpu.memref_slice %arg9[%dma_start3A_145, %dma_start3A_151] : memref<10x1000xi32, #tpu.memory_space<vmem>> -> memref<1x1000xi32, #tpu.memory_space<vmem>>
    %dma_start3A_153 = tpu.memref_squeeze %dma_start3A_152 : memref<1x1000xi32, #tpu.memory_space<vmem>> -> memref<1000xi32, #tpu.memory_space<vmem>>
    %dma_start3A_154 = tpu.memref_slice %arg3[%dma_start3A_144, %add3A_143] : memref<2x320000xi32, #tpu.memory_space<hbm>> -> memref<1x1000xi32, #tpu.memory_space<hbm>>
    %dma_start3A_155 = tpu.memref_squeeze %dma_start3A_154 : memref<1x1000xi32, #tpu.memory_space<hbm>> -> memref<1000xi32, #tpu.memory_space<hbm>>
    tpu.enqueue_dma source(%dma_start3A_155 : memref<1000xi32, #tpu.memory_space<hbm>>) target(%dma_start3A_153 : memref<1000xi32, #tpu.memory_space<vmem>>) target_semaphore(%arg14 : memref<!tpu.dma_semaphore, #tpu.memory_space<semaphore_mem>>)
    %add3A_156 = arith.constant 5000 : i32
    %add3A_157 = arith.addi %mul3A_2, %add3A_156 : i32
    %dma_start3A_158 = arith.constant 1 : i32
    %dma_start3A_159 = arith.constant 5 : i32
    %dma_start3A_160 = arith.constant 0 : i32
    %dma_start3A_161 = tpu.memref_slice %arg10[%dma_start3A_159, %dma_start3A_160] : memref<10x1000xi32, #tpu.memory_space<vmem>> -> memref<1x1000xi32, #tpu.memory_space<vmem>>
    %dma_start3A_162 = tpu.memref_squeeze %dma_start3A_161 : memref<1x1000xi32, #tpu.memory_space<vmem>> -> memref<1000xi32, #tpu.memory_space<vmem>>
    %dma_start3A_163 = tpu.memref_slice %arg3[%dma_start3A_158, %add3A_157] : memref<2x320000xi32, #tpu.memory_space<hbm>> -> memref<1x1000xi32, #tpu.memory_space<hbm>>
    %dma_start3A_164 = tpu.memref_squeeze %dma_start3A_163 : memref<1x1000xi32, #tpu.memory_space<hbm>> -> memref<1000xi32, #tpu.memory_space<hbm>>
    %dma_start3A_165 = arith.constant 0 : i32
    %dma_start3A_166 = tpu.memref_slice %arg10[%dma_start3A_159, %dma_start3A_165] : memref<10x1000xi32, #tpu.memory_space<vmem>> -> memref<1x1000xi32, #tpu.memory_space<vmem>>
    %dma_start3A_167 = tpu.memref_squeeze %dma_start3A_166 : memref<1x1000xi32, #tpu.memory_space<vmem>> -> memref<1000xi32, #tpu.memory_space<vmem>>
    %dma_start3A_168 = tpu.memref_slice %arg3[%dma_start3A_158, %add3A_157] : memref<2x320000xi32, #tpu.memory_space<hbm>> -> memref<1x1000xi32, #tpu.memory_space<hbm>>
    %dma_start3A_169 = tpu.memref_squeeze %dma_start3A_168 : memref<1x1000xi32, #tpu.memory_space<hbm>> -> memref<1000xi32, #tpu.memory_space<hbm>>
    tpu.enqueue_dma source(%dma_start3A_169 : memref<1000xi32, #tpu.memory_space<hbm>>) target(%dma_start3A_167 : memref<1000xi32, #tpu.memory_space<vmem>>) target_semaphore(%arg14 : memref<!tpu.dma_semaphore, #tpu.memory_space<semaphore_mem>>)
    %add3A_170 = arith.constant 6000 : i32
    %add3A_171 = arith.addi %mul3A_2, %add3A_170 : i32
    %dma_start3A_172 = arith.constant 0 : i32
    %dma_start3A_173 = arith.constant 6 : i32
    %dma_start3A_174 = arith.constant 0 : i32
    %dma_start3A_175 = tpu.memref_slice %arg9[%dma_start3A_173, %dma_start3A_174] : memref<10x1000xi32, #tpu.memory_space<vmem>> -> memref<1x1000xi32, #tpu.memory_space<vmem>>
    %dma_start3A_176 = tpu.memref_squeeze %dma_start3A_175 : memref<1x1000xi32, #tpu.memory_space<vmem>> -> memref<1000xi32, #tpu.memory_space<vmem>>
    %dma_start3A_177 = tpu.memref_slice %arg3[%dma_start3A_172, %add3A_171] : memref<2x320000xi32, #tpu.memory_space<hbm>> -> memref<1x1000xi32, #tpu.memory_space<hbm>>
    %dma_start3A_178 = tpu.memref_squeeze %dma_start3A_177 : memref<1x1000xi32, #tpu.memory_space<hbm>> -> memref<1000xi32, #tpu.memory_space<hbm>>
    %dma_start3A_179 = arith.constant 0 : i32
    %dma_start3A_180 = tpu.memref_slice %arg9[%dma_start3A_173, %dma_start3A_179] : memref<10x1000xi32, #tpu.memory_space<vmem>> -> memref<1x1000xi32, #tpu.memory_space<vmem>>
    %dma_start3A_181 = tpu.memref_squeeze %dma_start3A_180 : memref<1x1000xi32, #tpu.memory_space<vmem>> -> memref<1000xi32, #tpu.memory_space<vmem>>
    %dma_start3A_182 = tpu.memref_slice %arg3[%dma_start3A_172, %add3A_171] : memref<2x320000xi32, #tpu.memory_space<hbm>> -> memref<1x1000xi32, #tpu.memory_space<hbm>>
    %dma_start3A_183 = tpu.memref_squeeze %dma_start3A_182 : memref<1x1000xi32, #tpu.memory_space<hbm>> -> memref<1000xi32, #tpu.memory_space<hbm>>
    tpu.enqueue_dma source(%dma_start3A_183 : memref<1000xi32, #tpu.memory_space<hbm>>) target(%dma_start3A_181 : memref<1000xi32, #tpu.memory_space<vmem>>) target_semaphore(%arg14 : memref<!tpu.dma_semaphore, #tpu.memory_space<semaphore_mem>>)
    %add3A_184 = arith.constant 6000 : i32
    %add3A_185 = arith.addi %mul3A_2, %add3A_184 : i32
    %dma_start3A_186 = arith.constant 1 : i32
    %dma_start3A_187 = arith.constant 6 : i32
    %dma_start3A_188 = arith.constant 0 : i32
    %dma_start3A_189 = tpu.memref_slice %arg10[%dma_start3A_187, %dma_start3A_188] : memref<10x1000xi32, #tpu.memory_space<vmem>> -> memref<1x1000xi32, #tpu.memory_space<vmem>>
    %dma_start3A_190 = tpu.memref_squeeze %dma_start3A_189 : memref<1x1000xi32, #tpu.memory_space<vmem>> -> memref<1000xi32, #tpu.memory_space<vmem>>
    %dma_start3A_191 = tpu.memref_slice %arg3[%dma_start3A_186, %add3A_185] : memref<2x320000xi32, #tpu.memory_space<hbm>> -> memref<1x1000xi32, #tpu.memory_space<hbm>>
    %dma_start3A_192 = tpu.memref_squeeze %dma_start3A_191 : memref<1x1000xi32, #tpu.memory_space<hbm>> -> memref<1000xi32, #tpu.memory_space<hbm>>
    %dma_start3A_193 = arith.constant 0 : i32
    %dma_start3A_194 = tpu.memref_slice %arg10[%dma_start3A_187, %dma_start3A_193] : memref<10x1000xi32, #tpu.memory_space<vmem>> -> memref<1x1000xi32, #tpu.memory_space<vmem>>
    %dma_start3A_195 = tpu.memref_squeeze %dma_start3A_194 : memref<1x1000xi32, #tpu.memory_space<vmem>> -> memref<1000xi32, #tpu.memory_space<vmem>>
    %dma_start3A_196 = tpu.memref_slice %arg3[%dma_start3A_186, %add3A_185] : memref<2x320000xi32, #tpu.memory_space<hbm>> -> memref<1x1000xi32, #tpu.memory_space<hbm>>
    %dma_start3A_197 = tpu.memref_squeeze %dma_start3A_196 : memref<1x1000xi32, #tpu.memory_space<hbm>> -> memref<1000xi32, #tpu.memory_space<hbm>>
    tpu.enqueue_dma source(%dma_start3A_197 : memref<1000xi32, #tpu.memory_space<hbm>>) target(%dma_start3A_195 : memref<1000xi32, #tpu.memory_space<vmem>>) target_semaphore(%arg14 : memref<!tpu.dma_semaphore, #tpu.memory_space<semaphore_mem>>)
    %add3A_198 = arith.constant 7000 : i32
    %add3A_199 = arith.addi %mul3A_2, %add3A_198 : i32
    %dma_start3A_200 = arith.constant 0 : i32
    %dma_start3A_201 = arith.constant 7 : i32
    %dma_start3A_202 = arith.constant 0 : i32
    %dma_start3A_203 = tpu.memref_slice %arg9[%dma_start3A_201, %dma_start3A_202] : memref<10x1000xi32, #tpu.memory_space<vmem>> -> memref<1x1000xi32, #tpu.memory_space<vmem>>
    %dma_start3A_204 = tpu.memref_squeeze %dma_start3A_203 : memref<1x1000xi32, #tpu.memory_space<vmem>> -> memref<1000xi32, #tpu.memory_space<vmem>>
    %dma_start3A_205 = tpu.memref_slice %arg3[%dma_start3A_200, %add3A_199] : memref<2x320000xi32, #tpu.memory_space<hbm>> -> memref<1x1000xi32, #tpu.memory_space<hbm>>
    %dma_start3A_206 = tpu.memref_squeeze %dma_start3A_205 : memref<1x1000xi32, #tpu.memory_space<hbm>> -> memref<1000xi32, #tpu.memory_space<hbm>>
    %dma_start3A_207 = arith.constant 0 : i32
    %dma_start3A_208 = tpu.memref_slice %arg9[%dma_start3A_201, %dma_start3A_207] : memref<10x1000xi32, #tpu.memory_space<vmem>> -> memref<1x1000xi32, #tpu.memory_space<vmem>>
    %dma_start3A_209 = tpu.memref_squeeze %dma_start3A_208 : memref<1x1000xi32, #tpu.memory_space<vmem>> -> memref<1000xi32, #tpu.memory_space<vmem>>
    %dma_start3A_210 = tpu.memref_slice %arg3[%dma_start3A_200, %add3A_199] : memref<2x320000xi32, #tpu.memory_space<hbm>> -> memref<1x1000xi32, #tpu.memory_space<hbm>>
    %dma_start3A_211 = tpu.memref_squeeze %dma_start3A_210 : memref<1x1000xi32, #tpu.memory_space<hbm>> -> memref<1000xi32, #tpu.memory_space<hbm>>
    tpu.enqueue_dma source(%dma_start3A_211 : memref<1000xi32, #tpu.memory_space<hbm>>) target(%dma_start3A_209 : memref<1000xi32, #tpu.memory_space<vmem>>) target_semaphore(%arg14 : memref<!tpu.dma_semaphore, #tpu.memory_space<semaphore_mem>>)
    %add3A_212 = arith.constant 7000 : i32
    %add3A_213 = arith.addi %mul3A_2, %add3A_212 : i32
    %dma_start3A_214 = arith.constant 1 : i32
    %dma_start3A_215 = arith.constant 7 : i32
    %dma_start3A_216 = arith.constant 0 : i32
    %dma_start3A_217 = tpu.memref_slice %arg10[%dma_start3A_215, %dma_start3A_216] : memref<10x1000xi32, #tpu.memory_space<vmem>> -> memref<1x1000xi32, #tpu.memory_space<vmem>>
    %dma_start3A_218 = tpu.memref_squeeze %dma_start3A_217 : memref<1x1000xi32, #tpu.memory_space<vmem>> -> memref<1000xi32, #tpu.memory_space<vmem>>
    %dma_start3A_219 = tpu.memref_slice %arg3[%dma_start3A_214, %add3A_213] : memref<2x320000xi32, #tpu.memory_space<hbm>> -> memref<1x1000xi32, #tpu.memory_space<hbm>>
    %dma_start3A_220 = tpu.memref_squeeze %dma_start3A_219 : memref<1x1000xi32, #tpu.memory_space<hbm>> -> memref<1000xi32, #tpu.memory_space<hbm>>
    %dma_start3A_221 = arith.constant 0 : i32
    %dma_start3A_222 = tpu.memref_slice %arg10[%dma_start3A_215, %dma_start3A_221] : memref<10x1000xi32, #tpu.memory_space<vmem>> -> memref<1x1000xi32, #tpu.memory_space<vmem>>
    %dma_start3A_223 = tpu.memref_squeeze %dma_start3A_222 : memref<1x1000xi32, #tpu.memory_space<vmem>> -> memref<1000xi32, #tpu.memory_space<vmem>>
    %dma_start3A_224 = tpu.memref_slice %arg3[%dma_start3A_214, %add3A_213] : memref<2x320000xi32, #tpu.memory_space<hbm>> -> memref<1x1000xi32, #tpu.memory_space<hbm>>
    %dma_start3A_225 = tpu.memref_squeeze %dma_start3A_224 : memref<1x1000xi32, #tpu.memory_space<hbm>> -> memref<1000xi32, #tpu.memory_space<hbm>>
    tpu.enqueue_dma source(%dma_start3A_225 : memref<1000xi32, #tpu.memory_space<hbm>>) target(%dma_start3A_223 : memref<1000xi32, #tpu.memory_space<vmem>>) target_semaphore(%arg14 : memref<!tpu.dma_semaphore, #tpu.memory_space<semaphore_mem>>)
    %add3A_226 = arith.constant 8000 : i32
    %add3A_227 = arith.addi %mul3A_2, %add3A_226 : i32
    %dma_start3A_228 = arith.constant 0 : i32
    %dma_start3A_229 = arith.constant 8 : i32
    %dma_start3A_230 = arith.constant 0 : i32
    %dma_start3A_231 = tpu.memref_slice %arg9[%dma_start3A_229, %dma_start3A_230] : memref<10x1000xi32, #tpu.memory_space<vmem>> -> memref<1x1000xi32, #tpu.memory_space<vmem>>
    %dma_start3A_232 = tpu.memref_squeeze %dma_start3A_231 : memref<1x1000xi32, #tpu.memory_space<vmem>> -> memref<1000xi32, #tpu.memory_space<vmem>>
    %dma_start3A_233 = tpu.memref_slice %arg3[%dma_start3A_228, %add3A_227] : memref<2x320000xi32, #tpu.memory_space<hbm>> -> memref<1x1000xi32, #tpu.memory_space<hbm>>
    %dma_start3A_234 = tpu.memref_squeeze %dma_start3A_233 : memref<1x1000xi32, #tpu.memory_space<hbm>> -> memref<1000xi32, #tpu.memory_space<hbm>>
    %dma_start3A_235 = arith.constant 0 : i32
    %dma_start3A_236 = tpu.memref_slice %arg9[%dma_start3A_229, %dma_start3A_235] : memref<10x1000xi32, #tpu.memory_space<vmem>> -> memref<1x1000xi32, #tpu.memory_space<vmem>>
    %dma_start3A_237 = tpu.memref_squeeze %dma_start3A_236 : memref<1x1000xi32, #tpu.memory_space<vmem>> -> memref<1000xi32, #tpu.memory_space<vmem>>
    %dma_start3A_238 = tpu.memref_slice %arg3[%dma_start3A_228, %add3A_227] : memref<2x320000xi32, #tpu.memory_space<hbm>> -> memref<1x1000xi32, #tpu.memory_space<hbm>>
    %dma_start3A_239 = tpu.memref_squeeze %dma_start3A_238 : memref<1x1000xi32, #tpu.memory_space<hbm>> -> memref<1000xi32, #tpu.memory_space<hbm>>
    tpu.enqueue_dma source(%dma_start3A_239 : memref<1000xi32, #tpu.memory_space<hbm>>) target(%dma_start3A_237 : memref<1000xi32, #tpu.memory_space<vmem>>) target_semaphore(%arg14 : memref<!tpu.dma_semaphore, #tpu.memory_space<semaphore_mem>>)
    %add3A_240 = arith.constant 8000 : i32
    %add3A_241 = arith.addi %mul3A_2, %add3A_240 : i32
    %dma_start3A_242 = arith.constant 1 : i32
    %dma_start3A_243 = arith.constant 8 : i32
    %dma_start3A_244 = arith.constant 0 : i32
    %dma_start3A_245 = tpu.memref_slice %arg10[%dma_start3A_243, %dma_start3A_244] : memref<10x1000xi32, #tpu.memory_space<vmem>> -> memref<1x1000xi32, #tpu.memory_space<vmem>>
    %dma_start3A_246 = tpu.memref_squeeze %dma_start3A_245 : memref<1x1000xi32, #tpu.memory_space<vmem>> -> memref<1000xi32, #tpu.memory_space<vmem>>
    %dma_start3A_247 = tpu.memref_slice %arg3[%dma_start3A_242, %add3A_241] : memref<2x320000xi32, #tpu.memory_space<hbm>> -> memref<1x1000xi32, #tpu.memory_space<hbm>>
    %dma_start3A_248 = tpu.memref_squeeze %dma_start3A_247 : memref<1x1000xi32, #tpu.memory_space<hbm>> -> memref<1000xi32, #tpu.memory_space<hbm>>
    %dma_start3A_249 = arith.constant 0 : i32
    %dma_start3A_250 = tpu.memref_slice %arg10[%dma_start3A_243, %dma_start3A_249] : memref<10x1000xi32, #tpu.memory_space<vmem>> -> memref<1x1000xi32, #tpu.memory_space<vmem>>
    %dma_start3A_251 = tpu.memref_squeeze %dma_start3A_250 : memref<1x1000xi32, #tpu.memory_space<vmem>> -> memref<1000xi32, #tpu.memory_space<vmem>>
    %dma_start3A_252 = tpu.memref_slice %arg3[%dma_start3A_242, %add3A_241] : memref<2x320000xi32, #tpu.memory_space<hbm>> -> memref<1x1000xi32, #tpu.memory_space<hbm>>
    %dma_start3A_253 = tpu.memref_squeeze %dma_start3A_252 : memref<1x1000xi32, #tpu.memory_space<hbm>> -> memref<1000xi32, #tpu.memory_space<hbm>>
    tpu.enqueue_dma source(%dma_start3A_253 : memref<1000xi32, #tpu.memory_space<hbm>>) target(%dma_start3A_251 : memref<1000xi32, #tpu.memory_space<vmem>>) target_semaphore(%arg14 : memref<!tpu.dma_semaphore, #tpu.memory_space<semaphore_mem>>)
    %add3A_254 = arith.constant 9000 : i32
    %add3A_255 = arith.addi %mul3A_2, %add3A_254 : i32
    %dma_start3A_256 = arith.constant 0 : i32
    %dma_start3A_257 = arith.constant 9 : i32
    %dma_start3A_258 = arith.constant 0 : i32
    %dma_start3A_259 = tpu.memref_slice %arg9[%dma_start3A_257, %dma_start3A_258] : memref<10x1000xi32, #tpu.memory_space<vmem>> -> memref<1x1000xi32, #tpu.memory_space<vmem>>
    %dma_start3A_260 = tpu.memref_squeeze %dma_start3A_259 : memref<1x1000xi32, #tpu.memory_space<vmem>> -> memref<1000xi32, #tpu.memory_space<vmem>>
    %dma_start3A_261 = tpu.memref_slice %arg3[%dma_start3A_256, %add3A_255] : memref<2x320000xi32, #tpu.memory_space<hbm>> -> memref<1x1000xi32, #tpu.memory_space<hbm>>
    %dma_start3A_262 = tpu.memref_squeeze %dma_start3A_261 : memref<1x1000xi32, #tpu.memory_space<hbm>> -> memref<1000xi32, #tpu.memory_space<hbm>>
    %dma_start3A_263 = arith.constant 0 : i32
    %dma_start3A_264 = tpu.memref_slice %arg9[%dma_start3A_257, %dma_start3A_263] : memref<10x1000xi32, #tpu.memory_space<vmem>> -> memref<1x1000xi32, #tpu.memory_space<vmem>>
    %dma_start3A_265 = tpu.memref_squeeze %dma_start3A_264 : memref<1x1000xi32, #tpu.memory_space<vmem>> -> memref<1000xi32, #tpu.memory_space<vmem>>
    %dma_start3A_266 = tpu.memref_slice %arg3[%dma_start3A_256, %add3A_255] : memref<2x320000xi32, #tpu.memory_space<hbm>> -> memref<1x1000xi32, #tpu.memory_space<hbm>>
    %dma_start3A_267 = tpu.memref_squeeze %dma_start3A_266 : memref<1x1000xi32, #tpu.memory_space<hbm>> -> memref<1000xi32, #tpu.memory_space<hbm>>
    tpu.enqueue_dma source(%dma_start3A_267 : memref<1000xi32, #tpu.memory_space<hbm>>) target(%dma_start3A_265 : memref<1000xi32, #tpu.memory_space<vmem>>) target_semaphore(%arg14 : memref<!tpu.dma_semaphore, #tpu.memory_space<semaphore_mem>>)
    %add3A_268 = arith.constant 9000 : i32
    %add3A_269 = arith.addi %mul3A_2, %add3A_268 : i32
    %dma_start3A_270 = arith.constant 1 : i32
    %dma_start3A_271 = arith.constant 9 : i32
    %dma_start3A_272 = arith.constant 0 : i32
    %dma_start3A_273 = tpu.memref_slice %arg10[%dma_start3A_271, %dma_start3A_272] : memref<10x1000xi32, #tpu.memory_space<vmem>> -> memref<1x1000xi32, #tpu.memory_space<vmem>>
    %dma_start3A_274 = tpu.memref_squeeze %dma_start3A_273 : memref<1x1000xi32, #tpu.memory_space<vmem>> -> memref<1000xi32, #tpu.memory_space<vmem>>
    %dma_start3A_275 = tpu.memref_slice %arg3[%dma_start3A_270, %add3A_269] : memref<2x320000xi32, #tpu.memory_space<hbm>> -> memref<1x1000xi32, #tpu.memory_space<hbm>>
    %dma_start3A_276 = tpu.memref_squeeze %dma_start3A_275 : memref<1x1000xi32, #tpu.memory_space<hbm>> -> memref<1000xi32, #tpu.memory_space<hbm>>
    %dma_start3A_277 = arith.constant 0 : i32
    %dma_start3A_278 = tpu.memref_slice %arg10[%dma_start3A_271, %dma_start3A_277] : memref<10x1000xi32, #tpu.memory_space<vmem>> -> memref<1x1000xi32, #tpu.memory_space<vmem>>
    %dma_start3A_279 = tpu.memref_squeeze %dma_start3A_278 : memref<1x1000xi32, #tpu.memory_space<vmem>> -> memref<1000xi32, #tpu.memory_space<vmem>>
    %dma_start3A_280 = tpu.memref_slice %arg3[%dma_start3A_270, %add3A_269] : memref<2x320000xi32, #tpu.memory_space<hbm>> -> memref<1x1000xi32, #tpu.memory_space<hbm>>
    %dma_start3A_281 = tpu.memref_squeeze %dma_start3A_280 : memref<1x1000xi32, #tpu.memory_space<hbm>> -> memref<1000xi32, #tpu.memory_space<hbm>>
    tpu.enqueue_dma source(%dma_start3A_281 : memref<1000xi32, #tpu.memory_space<hbm>>) target(%dma_start3A_279 : memref<1000xi32, #tpu.memory_space<vmem>>) target_semaphore(%arg14 : memref<!tpu.dma_semaphore, #tpu.memory_space<semaphore_mem>>)
    %mul3A_282 = arith.constant 640 : i32
    %mul3A_283 = arith.muli %arg1, %mul3A_282 : i32
    "tpu.region"() ({
      %run_scoped3A = tpu.sem_alloc : memref<!tpu.dma_semaphore, #tpu.memory_space<semaphore_mem>>
      %dma_start3A_584 = arith.constant 0 : i32
      %dma_start3A_585 = tpu.memref_slice %arg15[%mul3A_283, %dma_start3A_584] : memref<10240x64xbf16, #tpu.memory_space<vmem_shared>> -> memref<640x64xbf16, #tpu.memory_space<vmem_shared>>
      %dma_start3A_586 = arith.constant 0 : i32
      %dma_start3A_587 = tpu.memref_slice %arg4[%mul3A_283, %dma_start3A_586] : memref<10240x64xbf16, #tpu.memory_space<hbm>> -> memref<640x64xbf16, #tpu.memory_space<hbm>>
      tpu.enqueue_dma source(%dma_start3A_587 : memref<640x64xbf16, #tpu.memory_space<hbm>>) target(%dma_start3A_585 : memref<640x64xbf16, #tpu.memory_space<vmem_shared>>) target_semaphore(%run_scoped3A : memref<!tpu.dma_semaphore, #tpu.memory_space<semaphore_mem>>)
      %dma_wait3A_588 = arith.constant 0 : i32
      %dma_wait3A_589 = tpu.memref_slice %arg15[%mul3A_283, %dma_wait3A_588] : memref<10240x64xbf16, #tpu.memory_space<vmem_shared>> -> memref<640x64xbf16, #tpu.memory_space<vmem_shared>>
      %dma_wait3A_590 = arith.constant 0 : i32
      %dma_wait3A_591 = tpu.memref_slice %arg4[%mul3A_283, %dma_wait3A_590] : memref<10240x64xbf16, #tpu.memory_space<hbm>> -> memref<640x64xbf16, #tpu.memory_space<hbm>>
      tpu.wait_dma2 semaphore(%run_scoped3A : memref<!tpu.dma_semaphore, #tpu.memory_space<semaphore_mem>>) src(%dma_wait3A_591 : memref<640x64xbf16, #tpu.memory_space<hbm>>) dst(%dma_wait3A_589 : memref<640x64xbf16, #tpu.memory_space<vmem_shared>>)
      tpu.yield
    }) : () -> ()
    "tpu.region"() ({
      %run_scoped3A = tpu.sem_alloc : memref<!tpu.dma_semaphore, #tpu.memory_space<semaphore_mem>>
      %dma_start3A_584 = arith.constant 0 : i32
      %dma_start3A_585 = tpu.memref_slice %arg16[%mul3A_283, %dma_start3A_584] : memref<10240x16xbf16, #tpu.memory_space<vmem_shared>> -> memref<640x16xbf16, #tpu.memory_space<vmem_shared>>
      %dma_start3A_586 = arith.constant 0 : i32
      %dma_start3A_587 = tpu.memref_slice %arg5[%mul3A_283, %dma_start3A_586] : memref<10240x16xbf16, #tpu.memory_space<hbm>> -> memref<640x16xbf16, #tpu.memory_space<hbm>>
      tpu.enqueue_dma source(%dma_start3A_587 : memref<640x16xbf16, #tpu.memory_space<hbm>>) target(%dma_start3A_585 : memref<640x16xbf16, #tpu.memory_space<vmem_shared>>) target_semaphore(%run_scoped3A : memref<!tpu.dma_semaphore, #tpu.memory_space<semaphore_mem>>)
      %dma_wait3A_588 = arith.constant 0 : i32
      %dma_wait3A_589 = tpu.memref_slice %arg16[%mul3A_283, %dma_wait3A_588] : memref<10240x16xbf16, #tpu.memory_space<vmem_shared>> -> memref<640x16xbf16, #tpu.memory_space<vmem_shared>>
      %dma_wait3A_590 = arith.constant 0 : i32
      %dma_wait3A_591 = tpu.memref_slice %arg5[%mul3A_283, %dma_wait3A_590] : memref<10240x16xbf16, #tpu.memory_space<hbm>> -> memref<640x16xbf16, #tpu.memory_space<hbm>>
      tpu.wait_dma2 semaphore(%run_scoped3A : memref<!tpu.dma_semaphore, #tpu.memory_space<semaphore_mem>>) src(%dma_wait3A_591 : memref<640x16xbf16, #tpu.memory_space<hbm>>) dst(%dma_wait3A_589 : memref<640x16xbf16, #tpu.memory_space<vmem_shared>>)
      tpu.yield
    }) : () -> ()
    "tpu.region"() ({
      %run_scoped3A = tpu.sem_alloc : memref<!tpu.dma_semaphore, #tpu.memory_space<semaphore_mem>>
      tpu.enqueue_dma source(%arg6 : memref<1000x16xbf16, #tpu.memory_space<hbm>>) target(%arg12 : memref<1000x16xbf16, #tpu.memory_space<vmem>>) target_semaphore(%run_scoped3A : memref<!tpu.dma_semaphore, #tpu.memory_space<semaphore_mem>>)
      tpu.wait_dma2 semaphore(%run_scoped3A : memref<!tpu.dma_semaphore, #tpu.memory_space<semaphore_mem>>) src(%arg6 : memref<1000x16xbf16, #tpu.memory_space<hbm>>) dst(%arg12 : memref<1000x16xbf16, #tpu.memory_space<vmem>>)
      tpu.yield
    }) : () -> ()
    %add3A_284 = arith.constant 0 : i32
    %add3A_285 = arith.addi %mul3A_2, %add3A_284 : i32
    %dma_wait3A = arith.constant 0 : i32
    %dma_wait3A_286 = arith.constant 0 : i32
    %dma_wait3A_287 = arith.constant 0 : i32
    %dma_wait3A_288 = tpu.memref_slice %arg9[%dma_wait3A_286, %dma_wait3A_287] : memref<10x1000xi32, #tpu.memory_space<vmem>> -> memref<1x1000xi32, #tpu.memory_space<vmem>>
    %dma_wait3A_289 = tpu.memref_squeeze %dma_wait3A_288 : memref<1x1000xi32, #tpu.memory_space<vmem>> -> memref<1000xi32, #tpu.memory_space<vmem>>
    %dma_wait3A_290 = tpu.memref_slice %arg3[%dma_wait3A, %add3A_285] : memref<2x320000xi32, #tpu.memory_space<hbm>> -> memref<1x1000xi32, #tpu.memory_space<hbm>>
    %dma_wait3A_291 = tpu.memref_squeeze %dma_wait3A_290 : memref<1x1000xi32, #tpu.memory_space<hbm>> -> memref<1000xi32, #tpu.memory_space<hbm>>
    %dma_wait3A_292 = arith.constant 0 : i32
    %dma_wait3A_293 = tpu.memref_slice %arg9[%dma_wait3A_286, %dma_wait3A_292] : memref<10x1000xi32, #tpu.memory_space<vmem>> -> memref<1x1000xi32, #tpu.memory_space<vmem>>
    %dma_wait3A_294 = tpu.memref_squeeze %dma_wait3A_293 : memref<1x1000xi32, #tpu.memory_space<vmem>> -> memref<1000xi32, #tpu.memory_space<vmem>>
    %dma_wait3A_295 = tpu.memref_slice %arg3[%dma_wait3A, %add3A_285] : memref<2x320000xi32, #tpu.memory_space<hbm>> -> memref<1x1000xi32, #tpu.memory_space<hbm>>
    %dma_wait3A_296 = tpu.memref_squeeze %dma_wait3A_295 : memref<1x1000xi32, #tpu.memory_space<hbm>> -> memref<1000xi32, #tpu.memory_space<hbm>>
    tpu.wait_dma2 semaphore(%arg14 : memref<!tpu.dma_semaphore, #tpu.memory_space<semaphore_mem>>) src(%dma_wait3A_296 : memref<1000xi32, #tpu.memory_space<hbm>>) dst(%dma_wait3A_294 : memref<1000xi32, #tpu.memory_space<vmem>>)
    %add3A_297 = arith.constant 0 : i32
    %add3A_298 = arith.addi %mul3A_2, %add3A_297 : i32
    %dma_wait3A_299 = arith.constant 1 : i32
    %dma_wait3A_300 = arith.constant 0 : i32
    %dma_wait3A_301 = arith.constant 0 : i32
    %dma_wait3A_302 = tpu.memref_slice %arg10[%dma_wait3A_300, %dma_wait3A_301] : memref<10x1000xi32, #tpu.memory_space<vmem>> -> memref<1x1000xi32, #tpu.memory_space<vmem>>
    %dma_wait3A_303 = tpu.memref_squeeze %dma_wait3A_302 : memref<1x1000xi32, #tpu.memory_space<vmem>> -> memref<1000xi32, #tpu.memory_space<vmem>>
    %dma_wait3A_304 = tpu.memref_slice %arg3[%dma_wait3A_299, %add3A_298] : memref<2x320000xi32, #tpu.memory_space<hbm>> -> memref<1x1000xi32, #tpu.memory_space<hbm>>
    %dma_wait3A_305 = tpu.memref_squeeze %dma_wait3A_304 : memref<1x1000xi32, #tpu.memory_space<hbm>> -> memref<1000xi32, #tpu.memory_space<hbm>>
    %dma_wait3A_306 = arith.constant 0 : i32
    %dma_wait3A_307 = tpu.memref_slice %arg10[%dma_wait3A_300, %dma_wait3A_306] : memref<10x1000xi32, #tpu.memory_space<vmem>> -> memref<1x1000xi32, #tpu.memory_space<vmem>>
    %dma_wait3A_308 = tpu.memref_squeeze %dma_wait3A_307 : memref<1x1000xi32, #tpu.memory_space<vmem>> -> memref<1000xi32, #tpu.memory_space<vmem>>
    %dma_wait3A_309 = tpu.memref_slice %arg3[%dma_wait3A_299, %add3A_298] : memref<2x320000xi32, #tpu.memory_space<hbm>> -> memref<1x1000xi32, #tpu.memory_space<hbm>>
    %dma_wait3A_310 = tpu.memref_squeeze %dma_wait3A_309 : memref<1x1000xi32, #tpu.memory_space<hbm>> -> memref<1000xi32, #tpu.memory_space<hbm>>
    tpu.wait_dma2 semaphore(%arg14 : memref<!tpu.dma_semaphore, #tpu.memory_space<semaphore_mem>>) src(%dma_wait3A_310 : memref<1000xi32, #tpu.memory_space<hbm>>) dst(%dma_wait3A_308 : memref<1000xi32, #tpu.memory_space<vmem>>)
    %add3A_311 = arith.constant 1000 : i32
    %add3A_312 = arith.addi %mul3A_2, %add3A_311 : i32
    %dma_wait3A_313 = arith.constant 0 : i32
    %dma_wait3A_314 = arith.constant 1 : i32
    %dma_wait3A_315 = arith.constant 0 : i32
    %dma_wait3A_316 = tpu.memref_slice %arg9[%dma_wait3A_314, %dma_wait3A_315] : memref<10x1000xi32, #tpu.memory_space<vmem>> -> memref<1x1000xi32, #tpu.memory_space<vmem>>
    %dma_wait3A_317 = tpu.memref_squeeze %dma_wait3A_316 : memref<1x1000xi32, #tpu.memory_space<vmem>> -> memref<1000xi32, #tpu.memory_space<vmem>>
    %dma_wait3A_318 = tpu.memref_slice %arg3[%dma_wait3A_313, %add3A_312] : memref<2x320000xi32, #tpu.memory_space<hbm>> -> memref<1x1000xi32, #tpu.memory_space<hbm>>
    %dma_wait3A_319 = tpu.memref_squeeze %dma_wait3A_318 : memref<1x1000xi32, #tpu.memory_space<hbm>> -> memref<1000xi32, #tpu.memory_space<hbm>>
    %dma_wait3A_320 = arith.constant 0 : i32
    %dma_wait3A_321 = tpu.memref_slice %arg9[%dma_wait3A_314, %dma_wait3A_320] : memref<10x1000xi32, #tpu.memory_space<vmem>> -> memref<1x1000xi32, #tpu.memory_space<vmem>>
    %dma_wait3A_322 = tpu.memref_squeeze %dma_wait3A_321 : memref<1x1000xi32, #tpu.memory_space<vmem>> -> memref<1000xi32, #tpu.memory_space<vmem>>
    %dma_wait3A_323 = tpu.memref_slice %arg3[%dma_wait3A_313, %add3A_312] : memref<2x320000xi32, #tpu.memory_space<hbm>> -> memref<1x1000xi32, #tpu.memory_space<hbm>>
    %dma_wait3A_324 = tpu.memref_squeeze %dma_wait3A_323 : memref<1x1000xi32, #tpu.memory_space<hbm>> -> memref<1000xi32, #tpu.memory_space<hbm>>
    tpu.wait_dma2 semaphore(%arg14 : memref<!tpu.dma_semaphore, #tpu.memory_space<semaphore_mem>>) src(%dma_wait3A_324 : memref<1000xi32, #tpu.memory_space<hbm>>) dst(%dma_wait3A_322 : memref<1000xi32, #tpu.memory_space<vmem>>)
    %add3A_325 = arith.constant 1000 : i32
    %add3A_326 = arith.addi %mul3A_2, %add3A_325 : i32
    %dma_wait3A_327 = arith.constant 1 : i32
    %dma_wait3A_328 = arith.constant 1 : i32
    %dma_wait3A_329 = arith.constant 0 : i32
    %dma_wait3A_330 = tpu.memref_slice %arg10[%dma_wait3A_328, %dma_wait3A_329] : memref<10x1000xi32, #tpu.memory_space<vmem>> -> memref<1x1000xi32, #tpu.memory_space<vmem>>
    %dma_wait3A_331 = tpu.memref_squeeze %dma_wait3A_330 : memref<1x1000xi32, #tpu.memory_space<vmem>> -> memref<1000xi32, #tpu.memory_space<vmem>>
    %dma_wait3A_332 = tpu.memref_slice %arg3[%dma_wait3A_327, %add3A_326] : memref<2x320000xi32, #tpu.memory_space<hbm>> -> memref<1x1000xi32, #tpu.memory_space<hbm>>
    %dma_wait3A_333 = tpu.memref_squeeze %dma_wait3A_332 : memref<1x1000xi32, #tpu.memory_space<hbm>> -> memref<1000xi32, #tpu.memory_space<hbm>>
    %dma_wait3A_334 = arith.constant 0 : i32
    %dma_wait3A_335 = tpu.memref_slice %arg10[%dma_wait3A_328, %dma_wait3A_334] : memref<10x1000xi32, #tpu.memory_space<vmem>> -> memref<1x1000xi32, #tpu.memory_space<vmem>>
    %dma_wait3A_336 = tpu.memref_squeeze %dma_wait3A_335 : memref<1x1000xi32, #tpu.memory_space<vmem>> -> memref<1000xi32, #tpu.memory_space<vmem>>
    %dma_wait3A_337 = tpu.memref_slice %arg3[%dma_wait3A_327, %add3A_326] : memref<2x320000xi32, #tpu.memory_space<hbm>> -> memref<1x1000xi32, #tpu.memory_space<hbm>>
    %dma_wait3A_338 = tpu.memref_squeeze %dma_wait3A_337 : memref<1x1000xi32, #tpu.memory_space<hbm>> -> memref<1000xi32, #tpu.memory_space<hbm>>
    tpu.wait_dma2 semaphore(%arg14 : memref<!tpu.dma_semaphore, #tpu.memory_space<semaphore_mem>>) src(%dma_wait3A_338 : memref<1000xi32, #tpu.memory_space<hbm>>) dst(%dma_wait3A_336 : memref<1000xi32, #tpu.memory_space<vmem>>)
    %add3A_339 = arith.constant 2000 : i32
    %add3A_340 = arith.addi %mul3A_2, %add3A_339 : i32
    %dma_wait3A_341 = arith.constant 0 : i32
    %dma_wait3A_342 = arith.constant 2 : i32
    %dma_wait3A_343 = arith.constant 0 : i32
    %dma_wait3A_344 = tpu.memref_slice %arg9[%dma_wait3A_342, %dma_wait3A_343] : memref<10x1000xi32, #tpu.memory_space<vmem>> -> memref<1x1000xi32, #tpu.memory_space<vmem>>
    %dma_wait3A_345 = tpu.memref_squeeze %dma_wait3A_344 : memref<1x1000xi32, #tpu.memory_space<vmem>> -> memref<1000xi32, #tpu.memory_space<vmem>>
    %dma_wait3A_346 = tpu.memref_slice %arg3[%dma_wait3A_341, %add3A_340] : memref<2x320000xi32, #tpu.memory_space<hbm>> -> memref<1x1000xi32, #tpu.memory_space<hbm>>
    %dma_wait3A_347 = tpu.memref_squeeze %dma_wait3A_346 : memref<1x1000xi32, #tpu.memory_space<hbm>> -> memref<1000xi32, #tpu.memory_space<hbm>>
    %dma_wait3A_348 = arith.constant 0 : i32
    %dma_wait3A_349 = tpu.memref_slice %arg9[%dma_wait3A_342, %dma_wait3A_348] : memref<10x1000xi32, #tpu.memory_space<vmem>> -> memref<1x1000xi32, #tpu.memory_space<vmem>>
    %dma_wait3A_350 = tpu.memref_squeeze %dma_wait3A_349 : memref<1x1000xi32, #tpu.memory_space<vmem>> -> memref<1000xi32, #tpu.memory_space<vmem>>
    %dma_wait3A_351 = tpu.memref_slice %arg3[%dma_wait3A_341, %add3A_340] : memref<2x320000xi32, #tpu.memory_space<hbm>> -> memref<1x1000xi32, #tpu.memory_space<hbm>>
    %dma_wait3A_352 = tpu.memref_squeeze %dma_wait3A_351 : memref<1x1000xi32, #tpu.memory_space<hbm>> -> memref<1000xi32, #tpu.memory_space<hbm>>
    tpu.wait_dma2 semaphore(%arg14 : memref<!tpu.dma_semaphore, #tpu.memory_space<semaphore_mem>>) src(%dma_wait3A_352 : memref<1000xi32, #tpu.memory_space<hbm>>) dst(%dma_wait3A_350 : memref<1000xi32, #tpu.memory_space<vmem>>)
    %add3A_353 = arith.constant 2000 : i32
    %add3A_354 = arith.addi %mul3A_2, %add3A_353 : i32
    %dma_wait3A_355 = arith.constant 1 : i32
    %dma_wait3A_356 = arith.constant 2 : i32
    %dma_wait3A_357 = arith.constant 0 : i32
    %dma_wait3A_358 = tpu.memref_slice %arg10[%dma_wait3A_356, %dma_wait3A_357] : memref<10x1000xi32, #tpu.memory_space<vmem>> -> memref<1x1000xi32, #tpu.memory_space<vmem>>
    %dma_wait3A_359 = tpu.memref_squeeze %dma_wait3A_358 : memref<1x1000xi32, #tpu.memory_space<vmem>> -> memref<1000xi32, #tpu.memory_space<vmem>>
    %dma_wait3A_360 = tpu.memref_slice %arg3[%dma_wait3A_355, %add3A_354] : memref<2x320000xi32, #tpu.memory_space<hbm>> -> memref<1x1000xi32, #tpu.memory_space<hbm>>
    %dma_wait3A_361 = tpu.memref_squeeze %dma_wait3A_360 : memref<1x1000xi32, #tpu.memory_space<hbm>> -> memref<1000xi32, #tpu.memory_space<hbm>>
    %dma_wait3A_362 = arith.constant 0 : i32
    %dma_wait3A_363 = tpu.memref_slice %arg10[%dma_wait3A_356, %dma_wait3A_362] : memref<10x1000xi32, #tpu.memory_space<vmem>> -> memref<1x1000xi32, #tpu.memory_space<vmem>>
    %dma_wait3A_364 = tpu.memref_squeeze %dma_wait3A_363 : memref<1x1000xi32, #tpu.memory_space<vmem>> -> memref<1000xi32, #tpu.memory_space<vmem>>
    %dma_wait3A_365 = tpu.memref_slice %arg3[%dma_wait3A_355, %add3A_354] : memref<2x320000xi32, #tpu.memory_space<hbm>> -> memref<1x1000xi32, #tpu.memory_space<hbm>>
    %dma_wait3A_366 = tpu.memref_squeeze %dma_wait3A_365 : memref<1x1000xi32, #tpu.memory_space<hbm>> -> memref<1000xi32, #tpu.memory_space<hbm>>
    tpu.wait_dma2 semaphore(%arg14 : memref<!tpu.dma_semaphore, #tpu.memory_space<semaphore_mem>>) src(%dma_wait3A_366 : memref<1000xi32, #tpu.memory_space<hbm>>) dst(%dma_wait3A_364 : memref<1000xi32, #tpu.memory_space<vmem>>)
    %add3A_367 = arith.constant 3000 : i32
    %add3A_368 = arith.addi %mul3A_2, %add3A_367 : i32
    %dma_wait3A_369 = arith.constant 0 : i32
    %dma_wait3A_370 = arith.constant 3 : i32
    %dma_wait3A_371 = arith.constant 0 : i32
    %dma_wait3A_372 = tpu.memref_slice %arg9[%dma_wait3A_370, %dma_wait3A_371] : memref<10x1000xi32, #tpu.memory_space<vmem>> -> memref<1x1000xi32, #tpu.memory_space<vmem>>
    %dma_wait3A_373 = tpu.memref_squeeze %dma_wait3A_372 : memref<1x1000xi32, #tpu.memory_space<vmem>> -> memref<1000xi32, #tpu.memory_space<vmem>>
    %dma_wait3A_374 = tpu.memref_slice %arg3[%dma_wait3A_369, %add3A_368] : memref<2x320000xi32, #tpu.memory_space<hbm>> -> memref<1x1000xi32, #tpu.memory_space<hbm>>
    %dma_wait3A_375 = tpu.memref_squeeze %dma_wait3A_374 : memref<1x1000xi32, #tpu.memory_space<hbm>> -> memref<1000xi32, #tpu.memory_space<hbm>>
    %dma_wait3A_376 = arith.constant 0 : i32
    %dma_wait3A_377 = tpu.memref_slice %arg9[%dma_wait3A_370, %dma_wait3A_376] : memref<10x1000xi32, #tpu.memory_space<vmem>> -> memref<1x1000xi32, #tpu.memory_space<vmem>>
    %dma_wait3A_378 = tpu.memref_squeeze %dma_wait3A_377 : memref<1x1000xi32, #tpu.memory_space<vmem>> -> memref<1000xi32, #tpu.memory_space<vmem>>
    %dma_wait3A_379 = tpu.memref_slice %arg3[%dma_wait3A_369, %add3A_368] : memref<2x320000xi32, #tpu.memory_space<hbm>> -> memref<1x1000xi32, #tpu.memory_space<hbm>>
    %dma_wait3A_380 = tpu.memref_squeeze %dma_wait3A_379 : memref<1x1000xi32, #tpu.memory_space<hbm>> -> memref<1000xi32, #tpu.memory_space<hbm>>
    tpu.wait_dma2 semaphore(%arg14 : memref<!tpu.dma_semaphore, #tpu.memory_space<semaphore_mem>>) src(%dma_wait3A_380 : memref<1000xi32, #tpu.memory_space<hbm>>) dst(%dma_wait3A_378 : memref<1000xi32, #tpu.memory_space<vmem>>)
    %add3A_381 = arith.constant 3000 : i32
    %add3A_382 = arith.addi %mul3A_2, %add3A_381 : i32
    %dma_wait3A_383 = arith.constant 1 : i32
    %dma_wait3A_384 = arith.constant 3 : i32
    %dma_wait3A_385 = arith.constant 0 : i32
    %dma_wait3A_386 = tpu.memref_slice %arg10[%dma_wait3A_384, %dma_wait3A_385] : memref<10x1000xi32, #tpu.memory_space<vmem>> -> memref<1x1000xi32, #tpu.memory_space<vmem>>
    %dma_wait3A_387 = tpu.memref_squeeze %dma_wait3A_386 : memref<1x1000xi32, #tpu.memory_space<vmem>> -> memref<1000xi32, #tpu.memory_space<vmem>>
    %dma_wait3A_388 = tpu.memref_slice %arg3[%dma_wait3A_383, %add3A_382] : memref<2x320000xi32, #tpu.memory_space<hbm>> -> memref<1x1000xi32, #tpu.memory_space<hbm>>
    %dma_wait3A_389 = tpu.memref_squeeze %dma_wait3A_388 : memref<1x1000xi32, #tpu.memory_space<hbm>> -> memref<1000xi32, #tpu.memory_space<hbm>>
    %dma_wait3A_390 = arith.constant 0 : i32
    %dma_wait3A_391 = tpu.memref_slice %arg10[%dma_wait3A_384, %dma_wait3A_390] : memref<10x1000xi32, #tpu.memory_space<vmem>> -> memref<1x1000xi32, #tpu.memory_space<vmem>>
    %dma_wait3A_392 = tpu.memref_squeeze %dma_wait3A_391 : memref<1x1000xi32, #tpu.memory_space<vmem>> -> memref<1000xi32, #tpu.memory_space<vmem>>
    %dma_wait3A_393 = tpu.memref_slice %arg3[%dma_wait3A_383, %add3A_382] : memref<2x320000xi32, #tpu.memory_space<hbm>> -> memref<1x1000xi32, #tpu.memory_space<hbm>>
    %dma_wait3A_394 = tpu.memref_squeeze %dma_wait3A_393 : memref<1x1000xi32, #tpu.memory_space<hbm>> -> memref<1000xi32, #tpu.memory_space<hbm>>
    tpu.wait_dma2 semaphore(%arg14 : memref<!tpu.dma_semaphore, #tpu.memory_space<semaphore_mem>>) src(%dma_wait3A_394 : memref<1000xi32, #tpu.memory_space<hbm>>) dst(%dma_wait3A_392 : memref<1000xi32, #tpu.memory_space<vmem>>)
    %add3A_395 = arith.constant 4000 : i32
    %add3A_396 = arith.addi %mul3A_2, %add3A_395 : i32
    %dma_wait3A_397 = arith.constant 0 : i32
    %dma_wait3A_398 = arith.constant 4 : i32
    %dma_wait3A_399 = arith.constant 0 : i32
    %dma_wait3A_400 = tpu.memref_slice %arg9[%dma_wait3A_398, %dma_wait3A_399] : memref<10x1000xi32, #tpu.memory_space<vmem>> -> memref<1x1000xi32, #tpu.memory_space<vmem>>
    %dma_wait3A_401 = tpu.memref_squeeze %dma_wait3A_400 : memref<1x1000xi32, #tpu.memory_space<vmem>> -> memref<1000xi32, #tpu.memory_space<vmem>>
    %dma_wait3A_402 = tpu.memref_slice %arg3[%dma_wait3A_397, %add3A_396] : memref<2x320000xi32, #tpu.memory_space<hbm>> -> memref<1x1000xi32, #tpu.memory_space<hbm>>
    %dma_wait3A_403 = tpu.memref_squeeze %dma_wait3A_402 : memref<1x1000xi32, #tpu.memory_space<hbm>> -> memref<1000xi32, #tpu.memory_space<hbm>>
    %dma_wait3A_404 = arith.constant 0 : i32
    %dma_wait3A_405 = tpu.memref_slice %arg9[%dma_wait3A_398, %dma_wait3A_404] : memref<10x1000xi32, #tpu.memory_space<vmem>> -> memref<1x1000xi32, #tpu.memory_space<vmem>>
    %dma_wait3A_406 = tpu.memref_squeeze %dma_wait3A_405 : memref<1x1000xi32, #tpu.memory_space<vmem>> -> memref<1000xi32, #tpu.memory_space<vmem>>
    %dma_wait3A_407 = tpu.memref_slice %arg3[%dma_wait3A_397, %add3A_396] : memref<2x320000xi32, #tpu.memory_space<hbm>> -> memref<1x1000xi32, #tpu.memory_space<hbm>>
    %dma_wait3A_408 = tpu.memref_squeeze %dma_wait3A_407 : memref<1x1000xi32, #tpu.memory_space<hbm>> -> memref<1000xi32, #tpu.memory_space<hbm>>
    tpu.wait_dma2 semaphore(%arg14 : memref<!tpu.dma_semaphore, #tpu.memory_space<semaphore_mem>>) src(%dma_wait3A_408 : memref<1000xi32, #tpu.memory_space<hbm>>) dst(%dma_wait3A_406 : memref<1000xi32, #tpu.memory_space<vmem>>)
    %add3A_409 = arith.constant 4000 : i32
    %add3A_410 = arith.addi %mul3A_2, %add3A_409 : i32
    %dma_wait3A_411 = arith.constant 1 : i32
    %dma_wait3A_412 = arith.constant 4 : i32
    %dma_wait3A_413 = arith.constant 0 : i32
    %dma_wait3A_414 = tpu.memref_slice %arg10[%dma_wait3A_412, %dma_wait3A_413] : memref<10x1000xi32, #tpu.memory_space<vmem>> -> memref<1x1000xi32, #tpu.memory_space<vmem>>
    %dma_wait3A_415 = tpu.memref_squeeze %dma_wait3A_414 : memref<1x1000xi32, #tpu.memory_space<vmem>> -> memref<1000xi32, #tpu.memory_space<vmem>>
    %dma_wait3A_416 = tpu.memref_slice %arg3[%dma_wait3A_411, %add3A_410] : memref<2x320000xi32, #tpu.memory_space<hbm>> -> memref<1x1000xi32, #tpu.memory_space<hbm>>
    %dma_wait3A_417 = tpu.memref_squeeze %dma_wait3A_416 : memref<1x1000xi32, #tpu.memory_space<hbm>> -> memref<1000xi32, #tpu.memory_space<hbm>>
    %dma_wait3A_418 = arith.constant 0 : i32
    %dma_wait3A_419 = tpu.memref_slice %arg10[%dma_wait3A_412, %dma_wait3A_418] : memref<10x1000xi32, #tpu.memory_space<vmem>> -> memref<1x1000xi32, #tpu.memory_space<vmem>>
    %dma_wait3A_420 = tpu.memref_squeeze %dma_wait3A_419 : memref<1x1000xi32, #tpu.memory_space<vmem>> -> memref<1000xi32, #tpu.memory_space<vmem>>
    %dma_wait3A_421 = tpu.memref_slice %arg3[%dma_wait3A_411, %add3A_410] : memref<2x320000xi32, #tpu.memory_space<hbm>> -> memref<1x1000xi32, #tpu.memory_space<hbm>>
    %dma_wait3A_422 = tpu.memref_squeeze %dma_wait3A_421 : memref<1x1000xi32, #tpu.memory_space<hbm>> -> memref<1000xi32, #tpu.memory_space<hbm>>
    tpu.wait_dma2 semaphore(%arg14 : memref<!tpu.dma_semaphore, #tpu.memory_space<semaphore_mem>>) src(%dma_wait3A_422 : memref<1000xi32, #tpu.memory_space<hbm>>) dst(%dma_wait3A_420 : memref<1000xi32, #tpu.memory_space<vmem>>)
    %add3A_423 = arith.constant 5000 : i32
    %add3A_424 = arith.addi %mul3A_2, %add3A_423 : i32
    %dma_wait3A_425 = arith.constant 0 : i32
    %dma_wait3A_426 = arith.constant 5 : i32
    %dma_wait3A_427 = arith.constant 0 : i32
    %dma_wait3A_428 = tpu.memref_slice %arg9[%dma_wait3A_426, %dma_wait3A_427] : memref<10x1000xi32, #tpu.memory_space<vmem>> -> memref<1x1000xi32, #tpu.memory_space<vmem>>
    %dma_wait3A_429 = tpu.memref_squeeze %dma_wait3A_428 : memref<1x1000xi32, #tpu.memory_space<vmem>> -> memref<1000xi32, #tpu.memory_space<vmem>>
    %dma_wait3A_430 = tpu.memref_slice %arg3[%dma_wait3A_425, %add3A_424] : memref<2x320000xi32, #tpu.memory_space<hbm>> -> memref<1x1000xi32, #tpu.memory_space<hbm>>
    %dma_wait3A_431 = tpu.memref_squeeze %dma_wait3A_430 : memref<1x1000xi32, #tpu.memory_space<hbm>> -> memref<1000xi32, #tpu.memory_space<hbm>>
    %dma_wait3A_432 = arith.constant 0 : i32
    %dma_wait3A_433 = tpu.memref_slice %arg9[%dma_wait3A_426, %dma_wait3A_432] : memref<10x1000xi32, #tpu.memory_space<vmem>> -> memref<1x1000xi32, #tpu.memory_space<vmem>>
    %dma_wait3A_434 = tpu.memref_squeeze %dma_wait3A_433 : memref<1x1000xi32, #tpu.memory_space<vmem>> -> memref<1000xi32, #tpu.memory_space<vmem>>
    %dma_wait3A_435 = tpu.memref_slice %arg3[%dma_wait3A_425, %add3A_424] : memref<2x320000xi32, #tpu.memory_space<hbm>> -> memref<1x1000xi32, #tpu.memory_space<hbm>>
    %dma_wait3A_436 = tpu.memref_squeeze %dma_wait3A_435 : memref<1x1000xi32, #tpu.memory_space<hbm>> -> memref<1000xi32, #tpu.memory_space<hbm>>
    tpu.wait_dma2 semaphore(%arg14 : memref<!tpu.dma_semaphore, #tpu.memory_space<semaphore_mem>>) src(%dma_wait3A_436 : memref<1000xi32, #tpu.memory_space<hbm>>) dst(%dma_wait3A_434 : memref<1000xi32, #tpu.memory_space<vmem>>)
    %add3A_437 = arith.constant 5000 : i32
    %add3A_438 = arith.addi %mul3A_2, %add3A_437 : i32
    %dma_wait3A_439 = arith.constant 1 : i32
    %dma_wait3A_440 = arith.constant 5 : i32
    %dma_wait3A_441 = arith.constant 0 : i32
    %dma_wait3A_442 = tpu.memref_slice %arg10[%dma_wait3A_440, %dma_wait3A_441] : memref<10x1000xi32, #tpu.memory_space<vmem>> -> memref<1x1000xi32, #tpu.memory_space<vmem>>
    %dma_wait3A_443 = tpu.memref_squeeze %dma_wait3A_442 : memref<1x1000xi32, #tpu.memory_space<vmem>> -> memref<1000xi32, #tpu.memory_space<vmem>>
    %dma_wait3A_444 = tpu.memref_slice %arg3[%dma_wait3A_439, %add3A_438] : memref<2x320000xi32, #tpu.memory_space<hbm>> -> memref<1x1000xi32, #tpu.memory_space<hbm>>
    %dma_wait3A_445 = tpu.memref_squeeze %dma_wait3A_444 : memref<1x1000xi32, #tpu.memory_space<hbm>> -> memref<1000xi32, #tpu.memory_space<hbm>>
    %dma_wait3A_446 = arith.constant 0 : i32
    %dma_wait3A_447 = tpu.memref_slice %arg10[%dma_wait3A_440, %dma_wait3A_446] : memref<10x1000xi32, #tpu.memory_space<vmem>> -> memref<1x1000xi32, #tpu.memory_space<vmem>>
    %dma_wait3A_448 = tpu.memref_squeeze %dma_wait3A_447 : memref<1x1000xi32, #tpu.memory_space<vmem>> -> memref<1000xi32, #tpu.memory_space<vmem>>
    %dma_wait3A_449 = tpu.memref_slice %arg3[%dma_wait3A_439, %add3A_438] : memref<2x320000xi32, #tpu.memory_space<hbm>> -> memref<1x1000xi32, #tpu.memory_space<hbm>>
    %dma_wait3A_450 = tpu.memref_squeeze %dma_wait3A_449 : memref<1x1000xi32, #tpu.memory_space<hbm>> -> memref<1000xi32, #tpu.memory_space<hbm>>
    tpu.wait_dma2 semaphore(%arg14 : memref<!tpu.dma_semaphore, #tpu.memory_space<semaphore_mem>>) src(%dma_wait3A_450 : memref<1000xi32, #tpu.memory_space<hbm>>) dst(%dma_wait3A_448 : memref<1000xi32, #tpu.memory_space<vmem>>)
    %add3A_451 = arith.constant 6000 : i32
    %add3A_452 = arith.addi %mul3A_2, %add3A_451 : i32
    %dma_wait3A_453 = arith.constant 0 : i32
    %dma_wait3A_454 = arith.constant 6 : i32
    %dma_wait3A_455 = arith.constant 0 : i32
    %dma_wait3A_456 = tpu.memref_slice %arg9[%dma_wait3A_454, %dma_wait3A_455] : memref<10x1000xi32, #tpu.memory_space<vmem>> -> memref<1x1000xi32, #tpu.memory_space<vmem>>
    %dma_wait3A_457 = tpu.memref_squeeze %dma_wait3A_456 : memref<1x1000xi32, #tpu.memory_space<vmem>> -> memref<1000xi32, #tpu.memory_space<vmem>>
    %dma_wait3A_458 = tpu.memref_slice %arg3[%dma_wait3A_453, %add3A_452] : memref<2x320000xi32, #tpu.memory_space<hbm>> -> memref<1x1000xi32, #tpu.memory_space<hbm>>
    %dma_wait3A_459 = tpu.memref_squeeze %dma_wait3A_458 : memref<1x1000xi32, #tpu.memory_space<hbm>> -> memref<1000xi32, #tpu.memory_space<hbm>>
    %dma_wait3A_460 = arith.constant 0 : i32
    %dma_wait3A_461 = tpu.memref_slice %arg9[%dma_wait3A_454, %dma_wait3A_460] : memref<10x1000xi32, #tpu.memory_space<vmem>> -> memref<1x1000xi32, #tpu.memory_space<vmem>>
    %dma_wait3A_462 = tpu.memref_squeeze %dma_wait3A_461 : memref<1x1000xi32, #tpu.memory_space<vmem>> -> memref<1000xi32, #tpu.memory_space<vmem>>
    %dma_wait3A_463 = tpu.memref_slice %arg3[%dma_wait3A_453, %add3A_452] : memref<2x320000xi32, #tpu.memory_space<hbm>> -> memref<1x1000xi32, #tpu.memory_space<hbm>>
    %dma_wait3A_464 = tpu.memref_squeeze %dma_wait3A_463 : memref<1x1000xi32, #tpu.memory_space<hbm>> -> memref<1000xi32, #tpu.memory_space<hbm>>
    tpu.wait_dma2 semaphore(%arg14 : memref<!tpu.dma_semaphore, #tpu.memory_space<semaphore_mem>>) src(%dma_wait3A_464 : memref<1000xi32, #tpu.memory_space<hbm>>) dst(%dma_wait3A_462 : memref<1000xi32, #tpu.memory_space<vmem>>)
    %add3A_465 = arith.constant 6000 : i32
    %add3A_466 = arith.addi %mul3A_2, %add3A_465 : i32
    %dma_wait3A_467 = arith.constant 1 : i32
    %dma_wait3A_468 = arith.constant 6 : i32
    %dma_wait3A_469 = arith.constant 0 : i32
    %dma_wait3A_470 = tpu.memref_slice %arg10[%dma_wait3A_468, %dma_wait3A_469] : memref<10x1000xi32, #tpu.memory_space<vmem>> -> memref<1x1000xi32, #tpu.memory_space<vmem>>
    %dma_wait3A_471 = tpu.memref_squeeze %dma_wait3A_470 : memref<1x1000xi32, #tpu.memory_space<vmem>> -> memref<1000xi32, #tpu.memory_space<vmem>>
    %dma_wait3A_472 = tpu.memref_slice %arg3[%dma_wait3A_467, %add3A_466] : memref<2x320000xi32, #tpu.memory_space<hbm>> -> memref<1x1000xi32, #tpu.memory_space<hbm>>
    %dma_wait3A_473 = tpu.memref_squeeze %dma_wait3A_472 : memref<1x1000xi32, #tpu.memory_space<hbm>> -> memref<1000xi32, #tpu.memory_space<hbm>>
    %dma_wait3A_474 = arith.constant 0 : i32
    %dma_wait3A_475 = tpu.memref_slice %arg10[%dma_wait3A_468, %dma_wait3A_474] : memref<10x1000xi32, #tpu.memory_space<vmem>> -> memref<1x1000xi32, #tpu.memory_space<vmem>>
    %dma_wait3A_476 = tpu.memref_squeeze %dma_wait3A_475 : memref<1x1000xi32, #tpu.memory_space<vmem>> -> memref<1000xi32, #tpu.memory_space<vmem>>
    %dma_wait3A_477 = tpu.memref_slice %arg3[%dma_wait3A_467, %add3A_466] : memref<2x320000xi32, #tpu.memory_space<hbm>> -> memref<1x1000xi32, #tpu.memory_space<hbm>>
    %dma_wait3A_478 = tpu.memref_squeeze %dma_wait3A_477 : memref<1x1000xi32, #tpu.memory_space<hbm>> -> memref<1000xi32, #tpu.memory_space<hbm>>
    tpu.wait_dma2 semaphore(%arg14 : memref<!tpu.dma_semaphore, #tpu.memory_space<semaphore_mem>>) src(%dma_wait3A_478 : memref<1000xi32, #tpu.memory_space<hbm>>) dst(%dma_wait3A_476 : memref<1000xi32, #tpu.memory_space<vmem>>)
    %add3A_479 = arith.constant 7000 : i32
    %add3A_480 = arith.addi %mul3A_2, %add3A_479 : i32
    %dma_wait3A_481 = arith.constant 0 : i32
    %dma_wait3A_482 = arith.constant 7 : i32
    %dma_wait3A_483 = arith.constant 0 : i32
    %dma_wait3A_484 = tpu.memref_slice %arg9[%dma_wait3A_482, %dma_wait3A_483] : memref<10x1000xi32, #tpu.memory_space<vmem>> -> memref<1x1000xi32, #tpu.memory_space<vmem>>
    %dma_wait3A_485 = tpu.memref_squeeze %dma_wait3A_484 : memref<1x1000xi32, #tpu.memory_space<vmem>> -> memref<1000xi32, #tpu.memory_space<vmem>>
    %dma_wait3A_486 = tpu.memref_slice %arg3[%dma_wait3A_481, %add3A_480] : memref<2x320000xi32, #tpu.memory_space<hbm>> -> memref<1x1000xi32, #tpu.memory_space<hbm>>
    %dma_wait3A_487 = tpu.memref_squeeze %dma_wait3A_486 : memref<1x1000xi32, #tpu.memory_space<hbm>> -> memref<1000xi32, #tpu.memory_space<hbm>>
    %dma_wait3A_488 = arith.constant 0 : i32
    %dma_wait3A_489 = tpu.memref_slice %arg9[%dma_wait3A_482, %dma_wait3A_488] : memref<10x1000xi32, #tpu.memory_space<vmem>> -> memref<1x1000xi32, #tpu.memory_space<vmem>>
    %dma_wait3A_490 = tpu.memref_squeeze %dma_wait3A_489 : memref<1x1000xi32, #tpu.memory_space<vmem>> -> memref<1000xi32, #tpu.memory_space<vmem>>
    %dma_wait3A_491 = tpu.memref_slice %arg3[%dma_wait3A_481, %add3A_480] : memref<2x320000xi32, #tpu.memory_space<hbm>> -> memref<1x1000xi32, #tpu.memory_space<hbm>>
    %dma_wait3A_492 = tpu.memref_squeeze %dma_wait3A_491 : memref<1x1000xi32, #tpu.memory_space<hbm>> -> memref<1000xi32, #tpu.memory_space<hbm>>
    tpu.wait_dma2 semaphore(%arg14 : memref<!tpu.dma_semaphore, #tpu.memory_space<semaphore_mem>>) src(%dma_wait3A_492 : memref<1000xi32, #tpu.memory_space<hbm>>) dst(%dma_wait3A_490 : memref<1000xi32, #tpu.memory_space<vmem>>)
    %add3A_493 = arith.constant 7000 : i32
    %add3A_494 = arith.addi %mul3A_2, %add3A_493 : i32
    %dma_wait3A_495 = arith.constant 1 : i32
    %dma_wait3A_496 = arith.constant 7 : i32
    %dma_wait3A_497 = arith.constant 0 : i32
    %dma_wait3A_498 = tpu.memref_slice %arg10[%dma_wait3A_496, %dma_wait3A_497] : memref<10x1000xi32, #tpu.memory_space<vmem>> -> memref<1x1000xi32, #tpu.memory_space<vmem>>
    %dma_wait3A_499 = tpu.memref_squeeze %dma_wait3A_498 : memref<1x1000xi32, #tpu.memory_space<vmem>> -> memref<1000xi32, #tpu.memory_space<vmem>>
    %dma_wait3A_500 = tpu.memref_slice %arg3[%dma_wait3A_495, %add3A_494] : memref<2x320000xi32, #tpu.memory_space<hbm>> -> memref<1x1000xi32, #tpu.memory_space<hbm>>
    %dma_wait3A_501 = tpu.memref_squeeze %dma_wait3A_500 : memref<1x1000xi32, #tpu.memory_space<hbm>> -> memref<1000xi32, #tpu.memory_space<hbm>>
    %dma_wait3A_502 = arith.constant 0 : i32
    %dma_wait3A_503 = tpu.memref_slice %arg10[%dma_wait3A_496, %dma_wait3A_502] : memref<10x1000xi32, #tpu.memory_space<vmem>> -> memref<1x1000xi32, #tpu.memory_space<vmem>>
    %dma_wait3A_504 = tpu.memref_squeeze %dma_wait3A_503 : memref<1x1000xi32, #tpu.memory_space<vmem>> -> memref<1000xi32, #tpu.memory_space<vmem>>
    %dma_wait3A_505 = tpu.memref_slice %arg3[%dma_wait3A_495, %add3A_494] : memref<2x320000xi32, #tpu.memory_space<hbm>> -> memref<1x1000xi32, #tpu.memory_space<hbm>>
    %dma_wait3A_506 = tpu.memref_squeeze %dma_wait3A_505 : memref<1x1000xi32, #tpu.memory_space<hbm>> -> memref<1000xi32, #tpu.memory_space<hbm>>
    tpu.wait_dma2 semaphore(%arg14 : memref<!tpu.dma_semaphore, #tpu.memory_space<semaphore_mem>>) src(%dma_wait3A_506 : memref<1000xi32, #tpu.memory_space<hbm>>) dst(%dma_wait3A_504 : memref<1000xi32, #tpu.memory_space<vmem>>)
    %add3A_507 = arith.constant 8000 : i32
    %add3A_508 = arith.addi %mul3A_2, %add3A_507 : i32
    %dma_wait3A_509 = arith.constant 0 : i32
    %dma_wait3A_510 = arith.constant 8 : i32
    %dma_wait3A_511 = arith.constant 0 : i32
    %dma_wait3A_512 = tpu.memref_slice %arg9[%dma_wait3A_510, %dma_wait3A_511] : memref<10x1000xi32, #tpu.memory_space<vmem>> -> memref<1x1000xi32, #tpu.memory_space<vmem>>
    %dma_wait3A_513 = tpu.memref_squeeze %dma_wait3A_512 : memref<1x1000xi32, #tpu.memory_space<vmem>> -> memref<1000xi32, #tpu.memory_space<vmem>>
    %dma_wait3A_514 = tpu.memref_slice %arg3[%dma_wait3A_509, %add3A_508] : memref<2x320000xi32, #tpu.memory_space<hbm>> -> memref<1x1000xi32, #tpu.memory_space<hbm>>
    %dma_wait3A_515 = tpu.memref_squeeze %dma_wait3A_514 : memref<1x1000xi32, #tpu.memory_space<hbm>> -> memref<1000xi32, #tpu.memory_space<hbm>>
    %dma_wait3A_516 = arith.constant 0 : i32
    %dma_wait3A_517 = tpu.memref_slice %arg9[%dma_wait3A_510, %dma_wait3A_516] : memref<10x1000xi32, #tpu.memory_space<vmem>> -> memref<1x1000xi32, #tpu.memory_space<vmem>>
    %dma_wait3A_518 = tpu.memref_squeeze %dma_wait3A_517 : memref<1x1000xi32, #tpu.memory_space<vmem>> -> memref<1000xi32, #tpu.memory_space<vmem>>
    %dma_wait3A_519 = tpu.memref_slice %arg3[%dma_wait3A_509, %add3A_508] : memref<2x320000xi32, #tpu.memory_space<hbm>> -> memref<1x1000xi32, #tpu.memory_space<hbm>>
    %dma_wait3A_520 = tpu.memref_squeeze %dma_wait3A_519 : memref<1x1000xi32, #tpu.memory_space<hbm>> -> memref<1000xi32, #tpu.memory_space<hbm>>
    tpu.wait_dma2 semaphore(%arg14 : memref<!tpu.dma_semaphore, #tpu.memory_space<semaphore_mem>>) src(%dma_wait3A_520 : memref<1000xi32, #tpu.memory_space<hbm>>) dst(%dma_wait3A_518 : memref<1000xi32, #tpu.memory_space<vmem>>)
    %add3A_521 = arith.constant 8000 : i32
    %add3A_522 = arith.addi %mul3A_2, %add3A_521 : i32
    %dma_wait3A_523 = arith.constant 1 : i32
    %dma_wait3A_524 = arith.constant 8 : i32
    %dma_wait3A_525 = arith.constant 0 : i32
    %dma_wait3A_526 = tpu.memref_slice %arg10[%dma_wait3A_524, %dma_wait3A_525] : memref<10x1000xi32, #tpu.memory_space<vmem>> -> memref<1x1000xi32, #tpu.memory_space<vmem>>
    %dma_wait3A_527 = tpu.memref_squeeze %dma_wait3A_526 : memref<1x1000xi32, #tpu.memory_space<vmem>> -> memref<1000xi32, #tpu.memory_space<vmem>>
    %dma_wait3A_528 = tpu.memref_slice %arg3[%dma_wait3A_523, %add3A_522] : memref<2x320000xi32, #tpu.memory_space<hbm>> -> memref<1x1000xi32, #tpu.memory_space<hbm>>
    %dma_wait3A_529 = tpu.memref_squeeze %dma_wait3A_528 : memref<1x1000xi32, #tpu.memory_space<hbm>> -> memref<1000xi32, #tpu.memory_space<hbm>>
    %dma_wait3A_530 = arith.constant 0 : i32
    %dma_wait3A_531 = tpu.memref_slice %arg10[%dma_wait3A_524, %dma_wait3A_530] : memref<10x1000xi32, #tpu.memory_space<vmem>> -> memref<1x1000xi32, #tpu.memory_space<vmem>>
    %dma_wait3A_532 = tpu.memref_squeeze %dma_wait3A_531 : memref<1x1000xi32, #tpu.memory_space<vmem>> -> memref<1000xi32, #tpu.memory_space<vmem>>
    %dma_wait3A_533 = tpu.memref_slice %arg3[%dma_wait3A_523, %add3A_522] : memref<2x320000xi32, #tpu.memory_space<hbm>> -> memref<1x1000xi32, #tpu.memory_space<hbm>>
    %dma_wait3A_534 = tpu.memref_squeeze %dma_wait3A_533 : memref<1x1000xi32, #tpu.memory_space<hbm>> -> memref<1000xi32, #tpu.memory_space<hbm>>
    tpu.wait_dma2 semaphore(%arg14 : memref<!tpu.dma_semaphore, #tpu.memory_space<semaphore_mem>>) src(%dma_wait3A_534 : memref<1000xi32, #tpu.memory_space<hbm>>) dst(%dma_wait3A_532 : memref<1000xi32, #tpu.memory_space<vmem>>)
    %add3A_535 = arith.constant 9000 : i32
    %add3A_536 = arith.addi %mul3A_2, %add3A_535 : i32
    %dma_wait3A_537 = arith.constant 0 : i32
    %dma_wait3A_538 = arith.constant 9 : i32
    %dma_wait3A_539 = arith.constant 0 : i32
    %dma_wait3A_540 = tpu.memref_slice %arg9[%dma_wait3A_538, %dma_wait3A_539] : memref<10x1000xi32, #tpu.memory_space<vmem>> -> memref<1x1000xi32, #tpu.memory_space<vmem>>
    %dma_wait3A_541 = tpu.memref_squeeze %dma_wait3A_540 : memref<1x1000xi32, #tpu.memory_space<vmem>> -> memref<1000xi32, #tpu.memory_space<vmem>>
    %dma_wait3A_542 = tpu.memref_slice %arg3[%dma_wait3A_537, %add3A_536] : memref<2x320000xi32, #tpu.memory_space<hbm>> -> memref<1x1000xi32, #tpu.memory_space<hbm>>
    %dma_wait3A_543 = tpu.memref_squeeze %dma_wait3A_542 : memref<1x1000xi32, #tpu.memory_space<hbm>> -> memref<1000xi32, #tpu.memory_space<hbm>>
    %dma_wait3A_544 = arith.constant 0 : i32
    %dma_wait3A_545 = tpu.memref_slice %arg9[%dma_wait3A_538, %dma_wait3A_544] : memref<10x1000xi32, #tpu.memory_space<vmem>> -> memref<1x1000xi32, #tpu.memory_space<vmem>>
    %dma_wait3A_546 = tpu.memref_squeeze %dma_wait3A_545 : memref<1x1000xi32, #tpu.memory_space<vmem>> -> memref<1000xi32, #tpu.memory_space<vmem>>
    %dma_wait3A_547 = tpu.memref_slice %arg3[%dma_wait3A_537, %add3A_536] : memref<2x320000xi32, #tpu.memory_space<hbm>> -> memref<1x1000xi32, #tpu.memory_space<hbm>>
    %dma_wait3A_548 = tpu.memref_squeeze %dma_wait3A_547 : memref<1x1000xi32, #tpu.memory_space<hbm>> -> memref<1000xi32, #tpu.memory_space<hbm>>
    tpu.wait_dma2 semaphore(%arg14 : memref<!tpu.dma_semaphore, #tpu.memory_space<semaphore_mem>>) src(%dma_wait3A_548 : memref<1000xi32, #tpu.memory_space<hbm>>) dst(%dma_wait3A_546 : memref<1000xi32, #tpu.memory_space<vmem>>)
    %add3A_549 = arith.constant 9000 : i32
    %add3A_550 = arith.addi %mul3A_2, %add3A_549 : i32
    %dma_wait3A_551 = arith.constant 1 : i32
    %dma_wait3A_552 = arith.constant 9 : i32
    %dma_wait3A_553 = arith.constant 0 : i32
    %dma_wait3A_554 = tpu.memref_slice %arg10[%dma_wait3A_552, %dma_wait3A_553] : memref<10x1000xi32, #tpu.memory_space<vmem>> -> memref<1x1000xi32, #tpu.memory_space<vmem>>
    %dma_wait3A_555 = tpu.memref_squeeze %dma_wait3A_554 : memref<1x1000xi32, #tpu.memory_space<vmem>> -> memref<1000xi32, #tpu.memory_space<vmem>>
    %dma_wait3A_556 = tpu.memref_slice %arg3[%dma_wait3A_551, %add3A_550] : memref<2x320000xi32, #tpu.memory_space<hbm>> -> memref<1x1000xi32, #tpu.memory_space<hbm>>
    %dma_wait3A_557 = tpu.memref_squeeze %dma_wait3A_556 : memref<1x1000xi32, #tpu.memory_space<hbm>> -> memref<1000xi32, #tpu.memory_space<hbm>>
    %dma_wait3A_558 = arith.constant 0 : i32
    %dma_wait3A_559 = tpu.memref_slice %arg10[%dma_wait3A_552, %dma_wait3A_558] : memref<10x1000xi32, #tpu.memory_space<vmem>> -> memref<1x1000xi32, #tpu.memory_space<vmem>>
    %dma_wait3A_560 = tpu.memref_squeeze %dma_wait3A_559 : memref<1x1000xi32, #tpu.memory_space<vmem>> -> memref<1000xi32, #tpu.memory_space<vmem>>
    %dma_wait3A_561 = tpu.memref_slice %arg3[%dma_wait3A_551, %add3A_550] : memref<2x320000xi32, #tpu.memory_space<hbm>> -> memref<1x1000xi32, #tpu.memory_space<hbm>>
    %dma_wait3A_562 = tpu.memref_squeeze %dma_wait3A_561 : memref<1x1000xi32, #tpu.memory_space<hbm>> -> memref<1000xi32, #tpu.memory_space<hbm>>
    tpu.wait_dma2 semaphore(%arg14 : memref<!tpu.dma_semaphore, #tpu.memory_space<semaphore_mem>>) src(%dma_wait3A_562 : memref<1000xi32, #tpu.memory_space<hbm>>) dst(%dma_wait3A_560 : memref<1000xi32, #tpu.memory_space<vmem>>)
    %barrier3A = arith.constant 0 : index
    tpu.barrier barrier_id(%barrier3A)
    %dma_start3A_563 = arith.constant 0 : i32
    %dma_start3A_564 = arith.constant 0 : i32
    %dma_start3A_565 = arith.constant 0 : i32
    %dma_start3A_566 = arith.constant 0 : i32
    %dma_start3A_567 = arith.constant 0 : i32
    %dma_start3A_568 = tpu.memref_slice %arg11[%dma_start3A_564, %dma_start3A_566, %dma_start3A_567] : memref<2x1000x64xbf16, #tpu.memory_space<vmem>> -> memref<1x1000x64xbf16, #tpu.memory_space<vmem>>
    %dma_start3A_569 = tpu.memref_squeeze %dma_start3A_568 : memref<1x1000x64xbf16, #tpu.memory_space<vmem>> -> memref<1000x64xbf16, #tpu.memory_space<vmem>>
    %dma_start3A_570 = arith.constant 0 : i32
    %dma_start3A_571 = tpu.memref_slice %arg9[%dma_start3A_563, %dma_start3A_570] : memref<10x1000xi32, #tpu.memory_space<vmem>> -> memref<1x1000xi32, #tpu.memory_space<vmem>>
    %dma_start3A_572 = tpu.memref_squeeze %dma_start3A_571 : memref<1x1000xi32, #tpu.memory_space<vmem>> -> memref<1000xi32, #tpu.memory_space<vmem>>
    %dma_start3A_573 = arith.constant 0 : i32
    %dma_start3A_574 = arith.constant 0 : i32
    %dma_start3A_575 = tpu.memref_slice %arg2[%dma_start3A_573, %dma_start3A_574] : memref<10000x64xbf16, #tpu.memory_space<hbm>> -> memref<10000x64xbf16, #tpu.memory_space<hbm>>
    %dma_start3A_576 = tpu.memref_slice %arg13[%dma_start3A_565] : memref<2x!tpu.dma_semaphore, #tpu.memory_space<semaphore_mem>> -> memref<1x!tpu.dma_semaphore, #tpu.memory_space<semaphore_mem>>
    %dma_start3A_577 = tpu.memref_squeeze %dma_start3A_576 : memref<1x!tpu.dma_semaphore, #tpu.memory_space<semaphore_mem>> -> memref<!tpu.dma_semaphore, #tpu.memory_space<semaphore_mem>>
    tpu.enqueue_indirect_dma source(%dma_start3A_575 : memref<10000x64xbf16, #tpu.memory_space<hbm>>) target(%dma_start3A_569 : memref<1000x64xbf16, #tpu.memory_space<vmem>>) offsets(%dma_start3A_572 : memref<1000xi32, #tpu.memory_space<vmem>>) semaphore(%dma_start3A_577 : memref<!tpu.dma_semaphore, #tpu.memory_space<semaphore_mem>>)
    %scan3A = arith.constant 0 : i32
    %scan3A_578 = arith.constant 0 : i32
    %scan3A_579 = arith.constant 10 : i32
    %scan3A_580 = arith.addi %scan3A_578, %scan3A_579 : i32
    %scan3A_581 = arith.constant 1 : i32
    scf.for %scan3A_584 = %scan3A_578 to %scan3A_580 step %scan3A_581  : i32 {
      %rem3A = arith.constant 2 : i32
      %rem3A_585 = arith.remsi %scan3A_584, %rem3A : i32
      %dma_wait3A_586 = arith.constant 0 : i32
      %dma_wait3A_587 = arith.constant 0 : i32
      %dma_wait3A_588 = tpu.memref_slice %arg11[%rem3A_585, %dma_wait3A_586, %dma_wait3A_587] : memref<2x1000x64xbf16, #tpu.memory_space<vmem>> -> memref<1x1000x64xbf16, #tpu.memory_space<vmem>>
      %dma_wait3A_589 = tpu.memref_squeeze %dma_wait3A_588 : memref<1x1000x64xbf16, #tpu.memory_space<vmem>> -> memref<1000x64xbf16, #tpu.memory_space<vmem>>
      %dma_wait3A_590 = arith.constant 0 : i32
      %dma_wait3A_591 = tpu.memref_slice %arg9[%scan3A_584, %dma_wait3A_590] : memref<10x1000xi32, #tpu.memory_space<vmem>> -> memref<1x1000xi32, #tpu.memory_space<vmem>>
      %dma_wait3A_592 = tpu.memref_squeeze %dma_wait3A_591 : memref<1x1000xi32, #tpu.memory_space<vmem>> -> memref<1000xi32, #tpu.memory_space<vmem>>
      %dma_wait3A_593 = arith.constant 0 : i32
      %dma_wait3A_594 = arith.constant 0 : i32
      %dma_wait3A_595 = tpu.memref_slice %arg2[%dma_wait3A_593, %dma_wait3A_594] : memref<10000x64xbf16, #tpu.memory_space<hbm>> -> memref<10000x64xbf16, #tpu.memory_space<hbm>>
      %dma_wait3A_596 = tpu.memref_slice %arg13[%rem3A_585] : memref<2x!tpu.dma_semaphore, #tpu.memory_space<semaphore_mem>> -> memref<1x!tpu.dma_semaphore, #tpu.memory_space<semaphore_mem>>
      %dma_wait3A_597 = tpu.memref_squeeze %dma_wait3A_596 : memref<1x!tpu.dma_semaphore, #tpu.memory_space<semaphore_mem>> -> memref<!tpu.dma_semaphore, #tpu.memory_space<semaphore_mem>>
      tpu.wait_indirect_dma semaphore(%dma_wait3A_597 : memref<!tpu.dma_semaphore, #tpu.memory_space<semaphore_mem>>) src(%dma_wait3A_595 : memref<10000x64xbf16, #tpu.memory_space<hbm>>) dst(%dma_wait3A_589 : memref<1000x64xbf16, #tpu.memory_space<vmem>>)
      %add3A_598 = arith.constant 2 : i32
      %add3A_599 = arith.addi %scan3A_584, %add3A_598 : i32
      %sub3A = arith.constant 1 : i32
      %sub3A_600 = arith.subi %add3A_599, %sub3A : i32
      %lt3A = arith.constant 10 : i32
      %lt3A_601 = arith.cmpi slt, %sub3A_600, %lt3A : i32
      %convert_element_type3A = arith.extui %lt3A_601 : i1 to i32
      %cond3A = arith.constant 0 : i32
      %cond3A_602 = arith.cmpi ne, %convert_element_type3A, %cond3A : i32
      scf.if %cond3A_602 {
        %rem3A_603 = arith.constant 2 : i32
        %rem3A_604 = arith.remsi %sub3A_600, %rem3A_603 : i32
        %dma_start3A_605 = arith.constant 0 : i32
        %dma_start3A_606 = arith.constant 0 : i32
        %dma_start3A_607 = tpu.memref_slice %arg11[%rem3A_604, %dma_start3A_605, %dma_start3A_606] : memref<2x1000x64xbf16, #tpu.memory_space<vmem>> -> memref<1x1000x64xbf16, #tpu.memory_space<vmem>>
        %dma_start3A_608 = tpu.memref_squeeze %dma_start3A_607 : memref<1x1000x64xbf16, #tpu.memory_space<vmem>> -> memref<1000x64xbf16, #tpu.memory_space<vmem>>
        %dma_start3A_609 = arith.constant 0 : i32
        %dma_start3A_610 = tpu.memref_slice %arg9[%sub3A_600, %dma_start3A_609] : memref<10x1000xi32, #tpu.memory_space<vmem>> -> memref<1x1000xi32, #tpu.memory_space<vmem>>
        %dma_start3A_611 = tpu.memref_squeeze %dma_start3A_610 : memref<1x1000xi32, #tpu.memory_space<vmem>> -> memref<1000xi32, #tpu.memory_space<vmem>>
        %dma_start3A_612 = arith.constant 0 : i32
        %dma_start3A_613 = arith.constant 0 : i32
        %dma_start3A_614 = tpu.memref_slice %arg2[%dma_start3A_612, %dma_start3A_613] : memref<10000x64xbf16, #tpu.memory_space<hbm>> -> memref<10000x64xbf16, #tpu.memory_space<hbm>>
        %dma_start3A_615 = tpu.memref_slice %arg13[%rem3A_604] : memref<2x!tpu.dma_semaphore, #tpu.memory_space<semaphore_mem>> -> memref<1x!tpu.dma_semaphore, #tpu.memory_space<semaphore_mem>>
        %dma_start3A_616 = tpu.memref_squeeze %dma_start3A_615 : memref<1x!tpu.dma_semaphore, #tpu.memory_space<semaphore_mem>> -> memref<!tpu.dma_semaphore, #tpu.memory_space<semaphore_mem>>
        tpu.enqueue_indirect_dma source(%dma_start3A_614 : memref<10000x64xbf16, #tpu.memory_space<hbm>>) target(%dma_start3A_608 : memref<1000x64xbf16, #tpu.memory_space<vmem>>) offsets(%dma_start3A_611 : memref<1000xi32, #tpu.memory_space<vmem>>) semaphore(%dma_start3A_616 : memref<!tpu.dma_semaphore, #tpu.memory_space<semaphore_mem>>)
      } else {
      }
      "tpu.region"() ({
        %run_scoped3A = tpu.sem_alloc : memref<!tpu.dma_semaphore, #tpu.memory_space<semaphore_mem>>
        %dma_start3A_603 = arith.constant 0 : i32
        %dma_start3A_604 = arith.constant 0 : i32
        %dma_start3A_605 = tpu.memref_slice %arg11[%rem3A_585, %dma_start3A_603, %dma_start3A_604] : memref<2x1000x64xbf16, #tpu.memory_space<vmem>> -> memref<1x1000x64xbf16, #tpu.memory_space<vmem>>
        %dma_start3A_606 = tpu.memref_squeeze %dma_start3A_605 : memref<1x1000x64xbf16, #tpu.memory_space<vmem>> -> memref<1000x64xbf16, #tpu.memory_space<vmem>>
        %dma_start3A_607 = arith.constant 0 : i32
        %dma_start3A_608 = tpu.memref_slice %arg10[%scan3A_584, %dma_start3A_607] : memref<10x1000xi32, #tpu.memory_space<vmem>> -> memref<1x1000xi32, #tpu.memory_space<vmem>>
        %dma_start3A_609 = tpu.memref_squeeze %dma_start3A_608 : memref<1x1000xi32, #tpu.memory_space<vmem>> -> memref<1000xi32, #tpu.memory_space<vmem>>
        %dma_start3A_610 = arith.constant 0 : i32
        %dma_start3A_611 = arith.constant 0 : i32
        %dma_start3A_612 = tpu.memref_slice %arg15[%dma_start3A_610, %dma_start3A_611] : memref<10240x64xbf16, #tpu.memory_space<vmem_shared>> -> memref<10240x64xbf16, #tpu.memory_space<vmem_shared>>
        tpu.enqueue_indirect_dma source(%dma_start3A_606 : memref<1000x64xbf16, #tpu.memory_space<vmem>>) target(%dma_start3A_612 : memref<10240x64xbf16, #tpu.memory_space<vmem_shared>>) offsets(%dma_start3A_609 : memref<1000xi32, #tpu.memory_space<vmem>>) semaphore(%run_scoped3A : memref<!tpu.dma_semaphore, #tpu.memory_space<semaphore_mem>>) {add = true}
        %dma_wait3A_613 = arith.constant 0 : i32
        %dma_wait3A_614 = arith.constant 0 : i32
        %dma_wait3A_615 = tpu.memref_slice %arg11[%rem3A_585, %dma_wait3A_613, %dma_wait3A_614] : memref<2x1000x64xbf16, #tpu.memory_space<vmem>> -> memref<1x1000x64xbf16, #tpu.memory_space<vmem>>
        %dma_wait3A_616 = tpu.memref_squeeze %dma_wait3A_615 : memref<1x1000x64xbf16, #tpu.memory_space<vmem>> -> memref<1000x64xbf16, #tpu.memory_space<vmem>>
        %dma_wait3A_617 = arith.constant 0 : i32
        %dma_wait3A_618 = tpu.memref_slice %arg10[%scan3A_584, %dma_wait3A_617] : memref<10x1000xi32, #tpu.memory_space<vmem>> -> memref<1x1000xi32, #tpu.memory_space<vmem>>
        %dma_wait3A_619 = tpu.memref_squeeze %dma_wait3A_618 : memref<1x1000xi32, #tpu.memory_space<vmem>> -> memref<1000xi32, #tpu.memory_space<vmem>>
        %dma_wait3A_620 = arith.constant 0 : i32
        %dma_wait3A_621 = arith.constant 0 : i32
        %dma_wait3A_622 = tpu.memref_slice %arg15[%dma_wait3A_620, %dma_wait3A_621] : memref<10240x64xbf16, #tpu.memory_space<vmem_shared>> -> memref<10240x64xbf16, #tpu.memory_space<vmem_shared>>
        tpu.wait_indirect_dma semaphore(%run_scoped3A : memref<!tpu.dma_semaphore, #tpu.memory_space<semaphore_mem>>) src(%dma_wait3A_616 : memref<1000x64xbf16, #tpu.memory_space<vmem>>) dst(%dma_wait3A_622 : memref<10240x64xbf16, #tpu.memory_space<vmem_shared>>)
        tpu.yield
      }) : () -> ()
      "tpu.region"() ({
        %run_scoped3A = tpu.sem_alloc : memref<!tpu.dma_semaphore, #tpu.memory_space<semaphore_mem>>
        %dma_start3A_603 = arith.constant 0 : i32
        %dma_start3A_604 = tpu.memref_slice %arg10[%scan3A_584, %dma_start3A_603] : memref<10x1000xi32, #tpu.memory_space<vmem>> -> memref<1x1000xi32, #tpu.memory_space<vmem>>
        %dma_start3A_605 = tpu.memref_squeeze %dma_start3A_604 : memref<1x1000xi32, #tpu.memory_space<vmem>> -> memref<1000xi32, #tpu.memory_space<vmem>>
        %dma_start3A_606 = arith.constant 0 : i32
        %dma_start3A_607 = arith.constant 0 : i32
        %dma_start3A_608 = tpu.memref_slice %arg16[%dma_start3A_606, %dma_start3A_607] : memref<10240x16xbf16, #tpu.memory_space<vmem_shared>> -> memref<10240x16xbf16, #tpu.memory_space<vmem_shared>>
        tpu.enqueue_indirect_dma source(%arg12 : memref<1000x16xbf16, #tpu.memory_space<vmem>>) target(%dma_start3A_608 : memref<10240x16xbf16, #tpu.memory_space<vmem_shared>>) offsets(%dma_start3A_605 : memref<1000xi32, #tpu.memory_space<vmem>>) semaphore(%run_scoped3A : memref<!tpu.dma_semaphore, #tpu.memory_space<semaphore_mem>>) {add = true}
        %dma_wait3A_609 = arith.constant 0 : i32
        %dma_wait3A_610 = tpu.memref_slice %arg10[%scan3A_584, %dma_wait3A_609] : memref<10x1000xi32, #tpu.memory_space<vmem>> -> memref<1x1000xi32, #tpu.memory_space<vmem>>
        %dma_wait3A_611 = tpu.memref_squeeze %dma_wait3A_610 : memref<1x1000xi32, #tpu.memory_space<vmem>> -> memref<1000xi32, #tpu.memory_space<vmem>>
        %dma_wait3A_612 = arith.constant 0 : i32
        %dma_wait3A_613 = arith.constant 0 : i32
        %dma_wait3A_614 = tpu.memref_slice %arg16[%dma_wait3A_612, %dma_wait3A_613] : memref<10240x16xbf16, #tpu.memory_space<vmem_shared>> -> memref<10240x16xbf16, #tpu.memory_space<vmem_shared>>
        tpu.wait_indirect_dma semaphore(%run_scoped3A : memref<!tpu.dma_semaphore, #tpu.memory_space<semaphore_mem>>) src(%arg12 : memref<1000x16xbf16, #tpu.memory_space<vmem>>) dst(%dma_wait3A_614 : memref<10240x16xbf16, #tpu.memory_space<vmem_shared>>)
        tpu.yield
      }) : () -> ()
    }
    %scan3A_582 = arith.constant 10 : i32
    %barrier3A_583 = arith.constant 0 : index
    tpu.barrier barrier_id(%barrier3A_583)
    "tpu.region"() ({
      %run_scoped3A = tpu.sem_alloc : memref<!tpu.dma_semaphore, #tpu.memory_space<semaphore_mem>>
      %dma_start3A_584 = arith.constant 0 : i32
      %dma_start3A_585 = tpu.memref_slice %arg7[%arg0, %mul3A_283, %dma_start3A_584] : memref<2x10240x64xbf16, #tpu.memory_space<hbm>> -> memref<1x640x64xbf16, #tpu.memory_space<hbm>>
      %dma_start3A_586 = tpu.memref_squeeze %dma_start3A_585 : memref<1x640x64xbf16, #tpu.memory_space<hbm>> -> memref<640x64xbf16, #tpu.memory_space<hbm>>
      %dma_start3A_587 = arith.constant 0 : i32
      %dma_start3A_588 = tpu.memref_slice %arg15[%mul3A_283, %dma_start3A_587] : memref<10240x64xbf16, #tpu.memory_space<vmem_shared>> -> memref<640x64xbf16, #tpu.memory_space<vmem_shared>>
      tpu.enqueue_dma source(%dma_start3A_588 : memref<640x64xbf16, #tpu.memory_space<vmem_shared>>) target(%dma_start3A_586 : memref<640x64xbf16, #tpu.memory_space<hbm>>) target_semaphore(%run_scoped3A : memref<!tpu.dma_semaphore, #tpu.memory_space<semaphore_mem>>)
      %dma_wait3A_589 = arith.constant 0 : i32
      %dma_wait3A_590 = tpu.memref_slice %arg7[%arg0, %mul3A_283, %dma_wait3A_589] : memref<2x10240x64xbf16, #tpu.memory_space<hbm>> -> memref<1x640x64xbf16, #tpu.memory_space<hbm>>
      %dma_wait3A_591 = tpu.memref_squeeze %dma_wait3A_590 : memref<1x640x64xbf16, #tpu.memory_space<hbm>> -> memref<640x64xbf16, #tpu.memory_space<hbm>>
      %dma_wait3A_592 = arith.constant 0 : i32
      %dma_wait3A_593 = tpu.memref_slice %arg15[%mul3A_283, %dma_wait3A_592] : memref<10240x64xbf16, #tpu.memory_space<vmem_shared>> -> memref<640x64xbf16, #tpu.memory_space<vmem_shared>>
      tpu.wait_dma2 semaphore(%run_scoped3A : memref<!tpu.dma_semaphore, #tpu.memory_space<semaphore_mem>>) src(%dma_wait3A_593 : memref<640x64xbf16, #tpu.memory_space<vmem_shared>>) dst(%dma_wait3A_591 : memref<640x64xbf16, #tpu.memory_space<hbm>>)
      tpu.yield
    }) : () -> ()
    "tpu.region"() ({
      %run_scoped3A = tpu.sem_alloc : memref<!tpu.dma_semaphore, #tpu.memory_space<semaphore_mem>>
      %dma_start3A_584 = arith.constant 0 : i32
      %dma_start3A_585 = tpu.memref_slice %arg8[%arg0, %mul3A_283, %dma_start3A_584] : memref<2x10240x16xbf16, #tpu.memory_space<hbm>> -> memref<1x640x16xbf16, #tpu.memory_space<hbm>>
      %dma_start3A_586 = tpu.memref_squeeze %dma_start3A_585 : memref<1x640x16xbf16, #tpu.memory_space<hbm>> -> memref<640x16xbf16, #tpu.memory_space<hbm>>
      %dma_start3A_587 = arith.constant 0 : i32
      %dma_start3A_588 = tpu.memref_slice %arg16[%mul3A_283, %dma_start3A_587] : memref<10240x16xbf16, #tpu.memory_space<vmem_shared>> -> memref<640x16xbf16, #tpu.memory_space<vmem_shared>>
      tpu.enqueue_dma source(%dma_start3A_588 : memref<640x16xbf16, #tpu.memory_space<vmem_shared>>) target(%dma_start3A_586 : memref<640x16xbf16, #tpu.memory_space<hbm>>) target_semaphore(%run_scoped3A : memref<!tpu.dma_semaphore, #tpu.memory_space<semaphore_mem>>)
      %dma_wait3A_589 = arith.constant 0 : i32
      %dma_wait3A_590 = tpu.memref_slice %arg8[%arg0, %mul3A_283, %dma_wait3A_589] : memref<2x10240x16xbf16, #tpu.memory_space<hbm>> -> memref<1x640x16xbf16, #tpu.memory_space<hbm>>
      %dma_wait3A_591 = tpu.memref_squeeze %dma_wait3A_590 : memref<1x640x16xbf16, #tpu.memory_space<hbm>> -> memref<640x16xbf16, #tpu.memory_space<hbm>>
      %dma_wait3A_592 = arith.constant 0 : i32
      %dma_wait3A_593 = tpu.memref_slice %arg16[%mul3A_283, %dma_wait3A_592] : memref<10240x16xbf16, #tpu.memory_space<vmem_shared>> -> memref<640x16xbf16, #tpu.memory_space<vmem_shared>>
      tpu.wait_dma2 semaphore(%run_scoped3A : memref<!tpu.dma_semaphore, #tpu.memory_space<semaphore_mem>>) src(%dma_wait3A_593 : memref<640x16xbf16, #tpu.memory_space<vmem_shared>>) dst(%dma_wait3A_591 : memref<640x16xbf16, #tpu.memory_space<hbm>>)
      tpu.yield
    }) : () -> ()
    return
  }
}

#map = affine_map<(d0, d1) -> (0, 0)>
#map1 = affine_map<(d0, d1) -> (0, 0, 0)>
module attributes {stable_mosaic.version = 14 : i64} {
  func.func @_sc_agg_body(%arg0: i32, %arg1: i32, %arg2: memref<10000x32xbf16, #tpu.memory_space<hbm>>, %arg3: memref<2x320000xi32, #tpu.memory_space<hbm>>, %arg4: memref<10240x32xbf16, #tpu.memory_space<hbm>>, %arg5: memref<2x10240x32xbf16, #tpu.memory_space<hbm>>, %arg6: memref<10x1000xi32, #tpu.memory_space<vmem>>, %arg7: memref<10x1000xi32, #tpu.memory_space<vmem>>, %arg8: memref<4x1000x32xbf16, #tpu.memory_space<vmem>>, %arg9: memref<4x!tpu.dma_semaphore, #tpu.memory_space<semaphore_mem>>, %arg10: memref<!tpu.dma_semaphore, #tpu.memory_space<semaphore_mem>>, %arg11: memref<10240x32xbf16, #tpu.memory_space<vmem_shared>>) attributes {dimension_semantics = [#tpu.dimension_semantics<core_parallel>, #tpu.dimension_semantics<subcore_parallel>], iteration_bounds = array<i64: 2, 16>, scalar_prefetch = 0 : i64, scratch_operands = 6 : i64, tpu.core_type = #tpu.core_type<sc_vector_subcore>, window_params = [{transform_indices = #map}, {transform_indices = #map}, {transform_indices = #map}, {transform_indices = #map1}]} {
    %mul3A = arith.constant 16 : i32
    %mul3A_0 = arith.muli %arg0, %mul3A : i32
    %add3A = arith.addi %mul3A_0, %arg1 : i32
    %mul3A_1 = arith.constant 10000 : i32
    %mul3A_2 = arith.muli %add3A, %mul3A_1 : i32
    %add3A_3 = arith.constant 0 : i32
    %add3A_4 = arith.addi %mul3A_2, %add3A_3 : i32
    %dma_start3A = arith.constant 0 : i32
    %dma_start3A_5 = arith.constant 0 : i32
    %dma_start3A_6 = arith.constant 0 : i32
    %dma_start3A_7 = tpu.memref_slice %arg6[%dma_start3A_5, %dma_start3A_6] : memref<10x1000xi32, #tpu.memory_space<vmem>> -> memref<1x1000xi32, #tpu.memory_space<vmem>>
    %dma_start3A_8 = tpu.memref_squeeze %dma_start3A_7 : memref<1x1000xi32, #tpu.memory_space<vmem>> -> memref<1000xi32, #tpu.memory_space<vmem>>
    %dma_start3A_9 = tpu.memref_slice %arg3[%dma_start3A, %add3A_4] : memref<2x320000xi32, #tpu.memory_space<hbm>> -> memref<1x1000xi32, #tpu.memory_space<hbm>>
    %dma_start3A_10 = tpu.memref_squeeze %dma_start3A_9 : memref<1x1000xi32, #tpu.memory_space<hbm>> -> memref<1000xi32, #tpu.memory_space<hbm>>
    %dma_start3A_11 = arith.constant 0 : i32
    %dma_start3A_12 = tpu.memref_slice %arg6[%dma_start3A_5, %dma_start3A_11] : memref<10x1000xi32, #tpu.memory_space<vmem>> -> memref<1x1000xi32, #tpu.memory_space<vmem>>
    %dma_start3A_13 = tpu.memref_squeeze %dma_start3A_12 : memref<1x1000xi32, #tpu.memory_space<vmem>> -> memref<1000xi32, #tpu.memory_space<vmem>>
    %dma_start3A_14 = tpu.memref_slice %arg3[%dma_start3A, %add3A_4] : memref<2x320000xi32, #tpu.memory_space<hbm>> -> memref<1x1000xi32, #tpu.memory_space<hbm>>
    %dma_start3A_15 = tpu.memref_squeeze %dma_start3A_14 : memref<1x1000xi32, #tpu.memory_space<hbm>> -> memref<1000xi32, #tpu.memory_space<hbm>>
    tpu.enqueue_dma source(%dma_start3A_15 : memref<1000xi32, #tpu.memory_space<hbm>>) target(%dma_start3A_13 : memref<1000xi32, #tpu.memory_space<vmem>>) target_semaphore(%arg10 : memref<!tpu.dma_semaphore, #tpu.memory_space<semaphore_mem>>)
    %add3A_16 = arith.constant 0 : i32
    %add3A_17 = arith.addi %mul3A_2, %add3A_16 : i32
    %dma_start3A_18 = arith.constant 1 : i32
    %dma_start3A_19 = arith.constant 0 : i32
    %dma_start3A_20 = arith.constant 0 : i32
    %dma_start3A_21 = tpu.memref_slice %arg7[%dma_start3A_19, %dma_start3A_20] : memref<10x1000xi32, #tpu.memory_space<vmem>> -> memref<1x1000xi32, #tpu.memory_space<vmem>>
    %dma_start3A_22 = tpu.memref_squeeze %dma_start3A_21 : memref<1x1000xi32, #tpu.memory_space<vmem>> -> memref<1000xi32, #tpu.memory_space<vmem>>
    %dma_start3A_23 = tpu.memref_slice %arg3[%dma_start3A_18, %add3A_17] : memref<2x320000xi32, #tpu.memory_space<hbm>> -> memref<1x1000xi32, #tpu.memory_space<hbm>>
    %dma_start3A_24 = tpu.memref_squeeze %dma_start3A_23 : memref<1x1000xi32, #tpu.memory_space<hbm>> -> memref<1000xi32, #tpu.memory_space<hbm>>
    %dma_start3A_25 = arith.constant 0 : i32
    %dma_start3A_26 = tpu.memref_slice %arg7[%dma_start3A_19, %dma_start3A_25] : memref<10x1000xi32, #tpu.memory_space<vmem>> -> memref<1x1000xi32, #tpu.memory_space<vmem>>
    %dma_start3A_27 = tpu.memref_squeeze %dma_start3A_26 : memref<1x1000xi32, #tpu.memory_space<vmem>> -> memref<1000xi32, #tpu.memory_space<vmem>>
    %dma_start3A_28 = tpu.memref_slice %arg3[%dma_start3A_18, %add3A_17] : memref<2x320000xi32, #tpu.memory_space<hbm>> -> memref<1x1000xi32, #tpu.memory_space<hbm>>
    %dma_start3A_29 = tpu.memref_squeeze %dma_start3A_28 : memref<1x1000xi32, #tpu.memory_space<hbm>> -> memref<1000xi32, #tpu.memory_space<hbm>>
    tpu.enqueue_dma source(%dma_start3A_29 : memref<1000xi32, #tpu.memory_space<hbm>>) target(%dma_start3A_27 : memref<1000xi32, #tpu.memory_space<vmem>>) target_semaphore(%arg10 : memref<!tpu.dma_semaphore, #tpu.memory_space<semaphore_mem>>)
    %add3A_30 = arith.constant 1000 : i32
    %add3A_31 = arith.addi %mul3A_2, %add3A_30 : i32
    %dma_start3A_32 = arith.constant 0 : i32
    %dma_start3A_33 = arith.constant 1 : i32
    %dma_start3A_34 = arith.constant 0 : i32
    %dma_start3A_35 = tpu.memref_slice %arg6[%dma_start3A_33, %dma_start3A_34] : memref<10x1000xi32, #tpu.memory_space<vmem>> -> memref<1x1000xi32, #tpu.memory_space<vmem>>
    %dma_start3A_36 = tpu.memref_squeeze %dma_start3A_35 : memref<1x1000xi32, #tpu.memory_space<vmem>> -> memref<1000xi32, #tpu.memory_space<vmem>>
    %dma_start3A_37 = tpu.memref_slice %arg3[%dma_start3A_32, %add3A_31] : memref<2x320000xi32, #tpu.memory_space<hbm>> -> memref<1x1000xi32, #tpu.memory_space<hbm>>
    %dma_start3A_38 = tpu.memref_squeeze %dma_start3A_37 : memref<1x1000xi32, #tpu.memory_space<hbm>> -> memref<1000xi32, #tpu.memory_space<hbm>>
    %dma_start3A_39 = arith.constant 0 : i32
    %dma_start3A_40 = tpu.memref_slice %arg6[%dma_start3A_33, %dma_start3A_39] : memref<10x1000xi32, #tpu.memory_space<vmem>> -> memref<1x1000xi32, #tpu.memory_space<vmem>>
    %dma_start3A_41 = tpu.memref_squeeze %dma_start3A_40 : memref<1x1000xi32, #tpu.memory_space<vmem>> -> memref<1000xi32, #tpu.memory_space<vmem>>
    %dma_start3A_42 = tpu.memref_slice %arg3[%dma_start3A_32, %add3A_31] : memref<2x320000xi32, #tpu.memory_space<hbm>> -> memref<1x1000xi32, #tpu.memory_space<hbm>>
    %dma_start3A_43 = tpu.memref_squeeze %dma_start3A_42 : memref<1x1000xi32, #tpu.memory_space<hbm>> -> memref<1000xi32, #tpu.memory_space<hbm>>
    tpu.enqueue_dma source(%dma_start3A_43 : memref<1000xi32, #tpu.memory_space<hbm>>) target(%dma_start3A_41 : memref<1000xi32, #tpu.memory_space<vmem>>) target_semaphore(%arg10 : memref<!tpu.dma_semaphore, #tpu.memory_space<semaphore_mem>>)
    %add3A_44 = arith.constant 1000 : i32
    %add3A_45 = arith.addi %mul3A_2, %add3A_44 : i32
    %dma_start3A_46 = arith.constant 1 : i32
    %dma_start3A_47 = arith.constant 1 : i32
    %dma_start3A_48 = arith.constant 0 : i32
    %dma_start3A_49 = tpu.memref_slice %arg7[%dma_start3A_47, %dma_start3A_48] : memref<10x1000xi32, #tpu.memory_space<vmem>> -> memref<1x1000xi32, #tpu.memory_space<vmem>>
    %dma_start3A_50 = tpu.memref_squeeze %dma_start3A_49 : memref<1x1000xi32, #tpu.memory_space<vmem>> -> memref<1000xi32, #tpu.memory_space<vmem>>
    %dma_start3A_51 = tpu.memref_slice %arg3[%dma_start3A_46, %add3A_45] : memref<2x320000xi32, #tpu.memory_space<hbm>> -> memref<1x1000xi32, #tpu.memory_space<hbm>>
    %dma_start3A_52 = tpu.memref_squeeze %dma_start3A_51 : memref<1x1000xi32, #tpu.memory_space<hbm>> -> memref<1000xi32, #tpu.memory_space<hbm>>
    %dma_start3A_53 = arith.constant 0 : i32
    %dma_start3A_54 = tpu.memref_slice %arg7[%dma_start3A_47, %dma_start3A_53] : memref<10x1000xi32, #tpu.memory_space<vmem>> -> memref<1x1000xi32, #tpu.memory_space<vmem>>
    %dma_start3A_55 = tpu.memref_squeeze %dma_start3A_54 : memref<1x1000xi32, #tpu.memory_space<vmem>> -> memref<1000xi32, #tpu.memory_space<vmem>>
    %dma_start3A_56 = tpu.memref_slice %arg3[%dma_start3A_46, %add3A_45] : memref<2x320000xi32, #tpu.memory_space<hbm>> -> memref<1x1000xi32, #tpu.memory_space<hbm>>
    %dma_start3A_57 = tpu.memref_squeeze %dma_start3A_56 : memref<1x1000xi32, #tpu.memory_space<hbm>> -> memref<1000xi32, #tpu.memory_space<hbm>>
    tpu.enqueue_dma source(%dma_start3A_57 : memref<1000xi32, #tpu.memory_space<hbm>>) target(%dma_start3A_55 : memref<1000xi32, #tpu.memory_space<vmem>>) target_semaphore(%arg10 : memref<!tpu.dma_semaphore, #tpu.memory_space<semaphore_mem>>)
    %add3A_58 = arith.constant 2000 : i32
    %add3A_59 = arith.addi %mul3A_2, %add3A_58 : i32
    %dma_start3A_60 = arith.constant 0 : i32
    %dma_start3A_61 = arith.constant 2 : i32
    %dma_start3A_62 = arith.constant 0 : i32
    %dma_start3A_63 = tpu.memref_slice %arg6[%dma_start3A_61, %dma_start3A_62] : memref<10x1000xi32, #tpu.memory_space<vmem>> -> memref<1x1000xi32, #tpu.memory_space<vmem>>
    %dma_start3A_64 = tpu.memref_squeeze %dma_start3A_63 : memref<1x1000xi32, #tpu.memory_space<vmem>> -> memref<1000xi32, #tpu.memory_space<vmem>>
    %dma_start3A_65 = tpu.memref_slice %arg3[%dma_start3A_60, %add3A_59] : memref<2x320000xi32, #tpu.memory_space<hbm>> -> memref<1x1000xi32, #tpu.memory_space<hbm>>
    %dma_start3A_66 = tpu.memref_squeeze %dma_start3A_65 : memref<1x1000xi32, #tpu.memory_space<hbm>> -> memref<1000xi32, #tpu.memory_space<hbm>>
    %dma_start3A_67 = arith.constant 0 : i32
    %dma_start3A_68 = tpu.memref_slice %arg6[%dma_start3A_61, %dma_start3A_67] : memref<10x1000xi32, #tpu.memory_space<vmem>> -> memref<1x1000xi32, #tpu.memory_space<vmem>>
    %dma_start3A_69 = tpu.memref_squeeze %dma_start3A_68 : memref<1x1000xi32, #tpu.memory_space<vmem>> -> memref<1000xi32, #tpu.memory_space<vmem>>
    %dma_start3A_70 = tpu.memref_slice %arg3[%dma_start3A_60, %add3A_59] : memref<2x320000xi32, #tpu.memory_space<hbm>> -> memref<1x1000xi32, #tpu.memory_space<hbm>>
    %dma_start3A_71 = tpu.memref_squeeze %dma_start3A_70 : memref<1x1000xi32, #tpu.memory_space<hbm>> -> memref<1000xi32, #tpu.memory_space<hbm>>
    tpu.enqueue_dma source(%dma_start3A_71 : memref<1000xi32, #tpu.memory_space<hbm>>) target(%dma_start3A_69 : memref<1000xi32, #tpu.memory_space<vmem>>) target_semaphore(%arg10 : memref<!tpu.dma_semaphore, #tpu.memory_space<semaphore_mem>>)
    %add3A_72 = arith.constant 2000 : i32
    %add3A_73 = arith.addi %mul3A_2, %add3A_72 : i32
    %dma_start3A_74 = arith.constant 1 : i32
    %dma_start3A_75 = arith.constant 2 : i32
    %dma_start3A_76 = arith.constant 0 : i32
    %dma_start3A_77 = tpu.memref_slice %arg7[%dma_start3A_75, %dma_start3A_76] : memref<10x1000xi32, #tpu.memory_space<vmem>> -> memref<1x1000xi32, #tpu.memory_space<vmem>>
    %dma_start3A_78 = tpu.memref_squeeze %dma_start3A_77 : memref<1x1000xi32, #tpu.memory_space<vmem>> -> memref<1000xi32, #tpu.memory_space<vmem>>
    %dma_start3A_79 = tpu.memref_slice %arg3[%dma_start3A_74, %add3A_73] : memref<2x320000xi32, #tpu.memory_space<hbm>> -> memref<1x1000xi32, #tpu.memory_space<hbm>>
    %dma_start3A_80 = tpu.memref_squeeze %dma_start3A_79 : memref<1x1000xi32, #tpu.memory_space<hbm>> -> memref<1000xi32, #tpu.memory_space<hbm>>
    %dma_start3A_81 = arith.constant 0 : i32
    %dma_start3A_82 = tpu.memref_slice %arg7[%dma_start3A_75, %dma_start3A_81] : memref<10x1000xi32, #tpu.memory_space<vmem>> -> memref<1x1000xi32, #tpu.memory_space<vmem>>
    %dma_start3A_83 = tpu.memref_squeeze %dma_start3A_82 : memref<1x1000xi32, #tpu.memory_space<vmem>> -> memref<1000xi32, #tpu.memory_space<vmem>>
    %dma_start3A_84 = tpu.memref_slice %arg3[%dma_start3A_74, %add3A_73] : memref<2x320000xi32, #tpu.memory_space<hbm>> -> memref<1x1000xi32, #tpu.memory_space<hbm>>
    %dma_start3A_85 = tpu.memref_squeeze %dma_start3A_84 : memref<1x1000xi32, #tpu.memory_space<hbm>> -> memref<1000xi32, #tpu.memory_space<hbm>>
    tpu.enqueue_dma source(%dma_start3A_85 : memref<1000xi32, #tpu.memory_space<hbm>>) target(%dma_start3A_83 : memref<1000xi32, #tpu.memory_space<vmem>>) target_semaphore(%arg10 : memref<!tpu.dma_semaphore, #tpu.memory_space<semaphore_mem>>)
    %add3A_86 = arith.constant 3000 : i32
    %add3A_87 = arith.addi %mul3A_2, %add3A_86 : i32
    %dma_start3A_88 = arith.constant 0 : i32
    %dma_start3A_89 = arith.constant 3 : i32
    %dma_start3A_90 = arith.constant 0 : i32
    %dma_start3A_91 = tpu.memref_slice %arg6[%dma_start3A_89, %dma_start3A_90] : memref<10x1000xi32, #tpu.memory_space<vmem>> -> memref<1x1000xi32, #tpu.memory_space<vmem>>
    %dma_start3A_92 = tpu.memref_squeeze %dma_start3A_91 : memref<1x1000xi32, #tpu.memory_space<vmem>> -> memref<1000xi32, #tpu.memory_space<vmem>>
    %dma_start3A_93 = tpu.memref_slice %arg3[%dma_start3A_88, %add3A_87] : memref<2x320000xi32, #tpu.memory_space<hbm>> -> memref<1x1000xi32, #tpu.memory_space<hbm>>
    %dma_start3A_94 = tpu.memref_squeeze %dma_start3A_93 : memref<1x1000xi32, #tpu.memory_space<hbm>> -> memref<1000xi32, #tpu.memory_space<hbm>>
    %dma_start3A_95 = arith.constant 0 : i32
    %dma_start3A_96 = tpu.memref_slice %arg6[%dma_start3A_89, %dma_start3A_95] : memref<10x1000xi32, #tpu.memory_space<vmem>> -> memref<1x1000xi32, #tpu.memory_space<vmem>>
    %dma_start3A_97 = tpu.memref_squeeze %dma_start3A_96 : memref<1x1000xi32, #tpu.memory_space<vmem>> -> memref<1000xi32, #tpu.memory_space<vmem>>
    %dma_start3A_98 = tpu.memref_slice %arg3[%dma_start3A_88, %add3A_87] : memref<2x320000xi32, #tpu.memory_space<hbm>> -> memref<1x1000xi32, #tpu.memory_space<hbm>>
    %dma_start3A_99 = tpu.memref_squeeze %dma_start3A_98 : memref<1x1000xi32, #tpu.memory_space<hbm>> -> memref<1000xi32, #tpu.memory_space<hbm>>
    tpu.enqueue_dma source(%dma_start3A_99 : memref<1000xi32, #tpu.memory_space<hbm>>) target(%dma_start3A_97 : memref<1000xi32, #tpu.memory_space<vmem>>) target_semaphore(%arg10 : memref<!tpu.dma_semaphore, #tpu.memory_space<semaphore_mem>>)
    %add3A_100 = arith.constant 3000 : i32
    %add3A_101 = arith.addi %mul3A_2, %add3A_100 : i32
    %dma_start3A_102 = arith.constant 1 : i32
    %dma_start3A_103 = arith.constant 3 : i32
    %dma_start3A_104 = arith.constant 0 : i32
    %dma_start3A_105 = tpu.memref_slice %arg7[%dma_start3A_103, %dma_start3A_104] : memref<10x1000xi32, #tpu.memory_space<vmem>> -> memref<1x1000xi32, #tpu.memory_space<vmem>>
    %dma_start3A_106 = tpu.memref_squeeze %dma_start3A_105 : memref<1x1000xi32, #tpu.memory_space<vmem>> -> memref<1000xi32, #tpu.memory_space<vmem>>
    %dma_start3A_107 = tpu.memref_slice %arg3[%dma_start3A_102, %add3A_101] : memref<2x320000xi32, #tpu.memory_space<hbm>> -> memref<1x1000xi32, #tpu.memory_space<hbm>>
    %dma_start3A_108 = tpu.memref_squeeze %dma_start3A_107 : memref<1x1000xi32, #tpu.memory_space<hbm>> -> memref<1000xi32, #tpu.memory_space<hbm>>
    %dma_start3A_109 = arith.constant 0 : i32
    %dma_start3A_110 = tpu.memref_slice %arg7[%dma_start3A_103, %dma_start3A_109] : memref<10x1000xi32, #tpu.memory_space<vmem>> -> memref<1x1000xi32, #tpu.memory_space<vmem>>
    %dma_start3A_111 = tpu.memref_squeeze %dma_start3A_110 : memref<1x1000xi32, #tpu.memory_space<vmem>> -> memref<1000xi32, #tpu.memory_space<vmem>>
    %dma_start3A_112 = tpu.memref_slice %arg3[%dma_start3A_102, %add3A_101] : memref<2x320000xi32, #tpu.memory_space<hbm>> -> memref<1x1000xi32, #tpu.memory_space<hbm>>
    %dma_start3A_113 = tpu.memref_squeeze %dma_start3A_112 : memref<1x1000xi32, #tpu.memory_space<hbm>> -> memref<1000xi32, #tpu.memory_space<hbm>>
    tpu.enqueue_dma source(%dma_start3A_113 : memref<1000xi32, #tpu.memory_space<hbm>>) target(%dma_start3A_111 : memref<1000xi32, #tpu.memory_space<vmem>>) target_semaphore(%arg10 : memref<!tpu.dma_semaphore, #tpu.memory_space<semaphore_mem>>)
    %add3A_114 = arith.constant 4000 : i32
    %add3A_115 = arith.addi %mul3A_2, %add3A_114 : i32
    %dma_start3A_116 = arith.constant 0 : i32
    %dma_start3A_117 = arith.constant 4 : i32
    %dma_start3A_118 = arith.constant 0 : i32
    %dma_start3A_119 = tpu.memref_slice %arg6[%dma_start3A_117, %dma_start3A_118] : memref<10x1000xi32, #tpu.memory_space<vmem>> -> memref<1x1000xi32, #tpu.memory_space<vmem>>
    %dma_start3A_120 = tpu.memref_squeeze %dma_start3A_119 : memref<1x1000xi32, #tpu.memory_space<vmem>> -> memref<1000xi32, #tpu.memory_space<vmem>>
    %dma_start3A_121 = tpu.memref_slice %arg3[%dma_start3A_116, %add3A_115] : memref<2x320000xi32, #tpu.memory_space<hbm>> -> memref<1x1000xi32, #tpu.memory_space<hbm>>
    %dma_start3A_122 = tpu.memref_squeeze %dma_start3A_121 : memref<1x1000xi32, #tpu.memory_space<hbm>> -> memref<1000xi32, #tpu.memory_space<hbm>>
    %dma_start3A_123 = arith.constant 0 : i32
    %dma_start3A_124 = tpu.memref_slice %arg6[%dma_start3A_117, %dma_start3A_123] : memref<10x1000xi32, #tpu.memory_space<vmem>> -> memref<1x1000xi32, #tpu.memory_space<vmem>>
    %dma_start3A_125 = tpu.memref_squeeze %dma_start3A_124 : memref<1x1000xi32, #tpu.memory_space<vmem>> -> memref<1000xi32, #tpu.memory_space<vmem>>
    %dma_start3A_126 = tpu.memref_slice %arg3[%dma_start3A_116, %add3A_115] : memref<2x320000xi32, #tpu.memory_space<hbm>> -> memref<1x1000xi32, #tpu.memory_space<hbm>>
    %dma_start3A_127 = tpu.memref_squeeze %dma_start3A_126 : memref<1x1000xi32, #tpu.memory_space<hbm>> -> memref<1000xi32, #tpu.memory_space<hbm>>
    tpu.enqueue_dma source(%dma_start3A_127 : memref<1000xi32, #tpu.memory_space<hbm>>) target(%dma_start3A_125 : memref<1000xi32, #tpu.memory_space<vmem>>) target_semaphore(%arg10 : memref<!tpu.dma_semaphore, #tpu.memory_space<semaphore_mem>>)
    %add3A_128 = arith.constant 4000 : i32
    %add3A_129 = arith.addi %mul3A_2, %add3A_128 : i32
    %dma_start3A_130 = arith.constant 1 : i32
    %dma_start3A_131 = arith.constant 4 : i32
    %dma_start3A_132 = arith.constant 0 : i32
    %dma_start3A_133 = tpu.memref_slice %arg7[%dma_start3A_131, %dma_start3A_132] : memref<10x1000xi32, #tpu.memory_space<vmem>> -> memref<1x1000xi32, #tpu.memory_space<vmem>>
    %dma_start3A_134 = tpu.memref_squeeze %dma_start3A_133 : memref<1x1000xi32, #tpu.memory_space<vmem>> -> memref<1000xi32, #tpu.memory_space<vmem>>
    %dma_start3A_135 = tpu.memref_slice %arg3[%dma_start3A_130, %add3A_129] : memref<2x320000xi32, #tpu.memory_space<hbm>> -> memref<1x1000xi32, #tpu.memory_space<hbm>>
    %dma_start3A_136 = tpu.memref_squeeze %dma_start3A_135 : memref<1x1000xi32, #tpu.memory_space<hbm>> -> memref<1000xi32, #tpu.memory_space<hbm>>
    %dma_start3A_137 = arith.constant 0 : i32
    %dma_start3A_138 = tpu.memref_slice %arg7[%dma_start3A_131, %dma_start3A_137] : memref<10x1000xi32, #tpu.memory_space<vmem>> -> memref<1x1000xi32, #tpu.memory_space<vmem>>
    %dma_start3A_139 = tpu.memref_squeeze %dma_start3A_138 : memref<1x1000xi32, #tpu.memory_space<vmem>> -> memref<1000xi32, #tpu.memory_space<vmem>>
    %dma_start3A_140 = tpu.memref_slice %arg3[%dma_start3A_130, %add3A_129] : memref<2x320000xi32, #tpu.memory_space<hbm>> -> memref<1x1000xi32, #tpu.memory_space<hbm>>
    %dma_start3A_141 = tpu.memref_squeeze %dma_start3A_140 : memref<1x1000xi32, #tpu.memory_space<hbm>> -> memref<1000xi32, #tpu.memory_space<hbm>>
    tpu.enqueue_dma source(%dma_start3A_141 : memref<1000xi32, #tpu.memory_space<hbm>>) target(%dma_start3A_139 : memref<1000xi32, #tpu.memory_space<vmem>>) target_semaphore(%arg10 : memref<!tpu.dma_semaphore, #tpu.memory_space<semaphore_mem>>)
    %add3A_142 = arith.constant 5000 : i32
    %add3A_143 = arith.addi %mul3A_2, %add3A_142 : i32
    %dma_start3A_144 = arith.constant 0 : i32
    %dma_start3A_145 = arith.constant 5 : i32
    %dma_start3A_146 = arith.constant 0 : i32
    %dma_start3A_147 = tpu.memref_slice %arg6[%dma_start3A_145, %dma_start3A_146] : memref<10x1000xi32, #tpu.memory_space<vmem>> -> memref<1x1000xi32, #tpu.memory_space<vmem>>
    %dma_start3A_148 = tpu.memref_squeeze %dma_start3A_147 : memref<1x1000xi32, #tpu.memory_space<vmem>> -> memref<1000xi32, #tpu.memory_space<vmem>>
    %dma_start3A_149 = tpu.memref_slice %arg3[%dma_start3A_144, %add3A_143] : memref<2x320000xi32, #tpu.memory_space<hbm>> -> memref<1x1000xi32, #tpu.memory_space<hbm>>
    %dma_start3A_150 = tpu.memref_squeeze %dma_start3A_149 : memref<1x1000xi32, #tpu.memory_space<hbm>> -> memref<1000xi32, #tpu.memory_space<hbm>>
    %dma_start3A_151 = arith.constant 0 : i32
    %dma_start3A_152 = tpu.memref_slice %arg6[%dma_start3A_145, %dma_start3A_151] : memref<10x1000xi32, #tpu.memory_space<vmem>> -> memref<1x1000xi32, #tpu.memory_space<vmem>>
    %dma_start3A_153 = tpu.memref_squeeze %dma_start3A_152 : memref<1x1000xi32, #tpu.memory_space<vmem>> -> memref<1000xi32, #tpu.memory_space<vmem>>
    %dma_start3A_154 = tpu.memref_slice %arg3[%dma_start3A_144, %add3A_143] : memref<2x320000xi32, #tpu.memory_space<hbm>> -> memref<1x1000xi32, #tpu.memory_space<hbm>>
    %dma_start3A_155 = tpu.memref_squeeze %dma_start3A_154 : memref<1x1000xi32, #tpu.memory_space<hbm>> -> memref<1000xi32, #tpu.memory_space<hbm>>
    tpu.enqueue_dma source(%dma_start3A_155 : memref<1000xi32, #tpu.memory_space<hbm>>) target(%dma_start3A_153 : memref<1000xi32, #tpu.memory_space<vmem>>) target_semaphore(%arg10 : memref<!tpu.dma_semaphore, #tpu.memory_space<semaphore_mem>>)
    %add3A_156 = arith.constant 5000 : i32
    %add3A_157 = arith.addi %mul3A_2, %add3A_156 : i32
    %dma_start3A_158 = arith.constant 1 : i32
    %dma_start3A_159 = arith.constant 5 : i32
    %dma_start3A_160 = arith.constant 0 : i32
    %dma_start3A_161 = tpu.memref_slice %arg7[%dma_start3A_159, %dma_start3A_160] : memref<10x1000xi32, #tpu.memory_space<vmem>> -> memref<1x1000xi32, #tpu.memory_space<vmem>>
    %dma_start3A_162 = tpu.memref_squeeze %dma_start3A_161 : memref<1x1000xi32, #tpu.memory_space<vmem>> -> memref<1000xi32, #tpu.memory_space<vmem>>
    %dma_start3A_163 = tpu.memref_slice %arg3[%dma_start3A_158, %add3A_157] : memref<2x320000xi32, #tpu.memory_space<hbm>> -> memref<1x1000xi32, #tpu.memory_space<hbm>>
    %dma_start3A_164 = tpu.memref_squeeze %dma_start3A_163 : memref<1x1000xi32, #tpu.memory_space<hbm>> -> memref<1000xi32, #tpu.memory_space<hbm>>
    %dma_start3A_165 = arith.constant 0 : i32
    %dma_start3A_166 = tpu.memref_slice %arg7[%dma_start3A_159, %dma_start3A_165] : memref<10x1000xi32, #tpu.memory_space<vmem>> -> memref<1x1000xi32, #tpu.memory_space<vmem>>
    %dma_start3A_167 = tpu.memref_squeeze %dma_start3A_166 : memref<1x1000xi32, #tpu.memory_space<vmem>> -> memref<1000xi32, #tpu.memory_space<vmem>>
    %dma_start3A_168 = tpu.memref_slice %arg3[%dma_start3A_158, %add3A_157] : memref<2x320000xi32, #tpu.memory_space<hbm>> -> memref<1x1000xi32, #tpu.memory_space<hbm>>
    %dma_start3A_169 = tpu.memref_squeeze %dma_start3A_168 : memref<1x1000xi32, #tpu.memory_space<hbm>> -> memref<1000xi32, #tpu.memory_space<hbm>>
    tpu.enqueue_dma source(%dma_start3A_169 : memref<1000xi32, #tpu.memory_space<hbm>>) target(%dma_start3A_167 : memref<1000xi32, #tpu.memory_space<vmem>>) target_semaphore(%arg10 : memref<!tpu.dma_semaphore, #tpu.memory_space<semaphore_mem>>)
    %add3A_170 = arith.constant 6000 : i32
    %add3A_171 = arith.addi %mul3A_2, %add3A_170 : i32
    %dma_start3A_172 = arith.constant 0 : i32
    %dma_start3A_173 = arith.constant 6 : i32
    %dma_start3A_174 = arith.constant 0 : i32
    %dma_start3A_175 = tpu.memref_slice %arg6[%dma_start3A_173, %dma_start3A_174] : memref<10x1000xi32, #tpu.memory_space<vmem>> -> memref<1x1000xi32, #tpu.memory_space<vmem>>
    %dma_start3A_176 = tpu.memref_squeeze %dma_start3A_175 : memref<1x1000xi32, #tpu.memory_space<vmem>> -> memref<1000xi32, #tpu.memory_space<vmem>>
    %dma_start3A_177 = tpu.memref_slice %arg3[%dma_start3A_172, %add3A_171] : memref<2x320000xi32, #tpu.memory_space<hbm>> -> memref<1x1000xi32, #tpu.memory_space<hbm>>
    %dma_start3A_178 = tpu.memref_squeeze %dma_start3A_177 : memref<1x1000xi32, #tpu.memory_space<hbm>> -> memref<1000xi32, #tpu.memory_space<hbm>>
    %dma_start3A_179 = arith.constant 0 : i32
    %dma_start3A_180 = tpu.memref_slice %arg6[%dma_start3A_173, %dma_start3A_179] : memref<10x1000xi32, #tpu.memory_space<vmem>> -> memref<1x1000xi32, #tpu.memory_space<vmem>>
    %dma_start3A_181 = tpu.memref_squeeze %dma_start3A_180 : memref<1x1000xi32, #tpu.memory_space<vmem>> -> memref<1000xi32, #tpu.memory_space<vmem>>
    %dma_start3A_182 = tpu.memref_slice %arg3[%dma_start3A_172, %add3A_171] : memref<2x320000xi32, #tpu.memory_space<hbm>> -> memref<1x1000xi32, #tpu.memory_space<hbm>>
    %dma_start3A_183 = tpu.memref_squeeze %dma_start3A_182 : memref<1x1000xi32, #tpu.memory_space<hbm>> -> memref<1000xi32, #tpu.memory_space<hbm>>
    tpu.enqueue_dma source(%dma_start3A_183 : memref<1000xi32, #tpu.memory_space<hbm>>) target(%dma_start3A_181 : memref<1000xi32, #tpu.memory_space<vmem>>) target_semaphore(%arg10 : memref<!tpu.dma_semaphore, #tpu.memory_space<semaphore_mem>>)
    %add3A_184 = arith.constant 6000 : i32
    %add3A_185 = arith.addi %mul3A_2, %add3A_184 : i32
    %dma_start3A_186 = arith.constant 1 : i32
    %dma_start3A_187 = arith.constant 6 : i32
    %dma_start3A_188 = arith.constant 0 : i32
    %dma_start3A_189 = tpu.memref_slice %arg7[%dma_start3A_187, %dma_start3A_188] : memref<10x1000xi32, #tpu.memory_space<vmem>> -> memref<1x1000xi32, #tpu.memory_space<vmem>>
    %dma_start3A_190 = tpu.memref_squeeze %dma_start3A_189 : memref<1x1000xi32, #tpu.memory_space<vmem>> -> memref<1000xi32, #tpu.memory_space<vmem>>
    %dma_start3A_191 = tpu.memref_slice %arg3[%dma_start3A_186, %add3A_185] : memref<2x320000xi32, #tpu.memory_space<hbm>> -> memref<1x1000xi32, #tpu.memory_space<hbm>>
    %dma_start3A_192 = tpu.memref_squeeze %dma_start3A_191 : memref<1x1000xi32, #tpu.memory_space<hbm>> -> memref<1000xi32, #tpu.memory_space<hbm>>
    %dma_start3A_193 = arith.constant 0 : i32
    %dma_start3A_194 = tpu.memref_slice %arg7[%dma_start3A_187, %dma_start3A_193] : memref<10x1000xi32, #tpu.memory_space<vmem>> -> memref<1x1000xi32, #tpu.memory_space<vmem>>
    %dma_start3A_195 = tpu.memref_squeeze %dma_start3A_194 : memref<1x1000xi32, #tpu.memory_space<vmem>> -> memref<1000xi32, #tpu.memory_space<vmem>>
    %dma_start3A_196 = tpu.memref_slice %arg3[%dma_start3A_186, %add3A_185] : memref<2x320000xi32, #tpu.memory_space<hbm>> -> memref<1x1000xi32, #tpu.memory_space<hbm>>
    %dma_start3A_197 = tpu.memref_squeeze %dma_start3A_196 : memref<1x1000xi32, #tpu.memory_space<hbm>> -> memref<1000xi32, #tpu.memory_space<hbm>>
    tpu.enqueue_dma source(%dma_start3A_197 : memref<1000xi32, #tpu.memory_space<hbm>>) target(%dma_start3A_195 : memref<1000xi32, #tpu.memory_space<vmem>>) target_semaphore(%arg10 : memref<!tpu.dma_semaphore, #tpu.memory_space<semaphore_mem>>)
    %add3A_198 = arith.constant 7000 : i32
    %add3A_199 = arith.addi %mul3A_2, %add3A_198 : i32
    %dma_start3A_200 = arith.constant 0 : i32
    %dma_start3A_201 = arith.constant 7 : i32
    %dma_start3A_202 = arith.constant 0 : i32
    %dma_start3A_203 = tpu.memref_slice %arg6[%dma_start3A_201, %dma_start3A_202] : memref<10x1000xi32, #tpu.memory_space<vmem>> -> memref<1x1000xi32, #tpu.memory_space<vmem>>
    %dma_start3A_204 = tpu.memref_squeeze %dma_start3A_203 : memref<1x1000xi32, #tpu.memory_space<vmem>> -> memref<1000xi32, #tpu.memory_space<vmem>>
    %dma_start3A_205 = tpu.memref_slice %arg3[%dma_start3A_200, %add3A_199] : memref<2x320000xi32, #tpu.memory_space<hbm>> -> memref<1x1000xi32, #tpu.memory_space<hbm>>
    %dma_start3A_206 = tpu.memref_squeeze %dma_start3A_205 : memref<1x1000xi32, #tpu.memory_space<hbm>> -> memref<1000xi32, #tpu.memory_space<hbm>>
    %dma_start3A_207 = arith.constant 0 : i32
    %dma_start3A_208 = tpu.memref_slice %arg6[%dma_start3A_201, %dma_start3A_207] : memref<10x1000xi32, #tpu.memory_space<vmem>> -> memref<1x1000xi32, #tpu.memory_space<vmem>>
    %dma_start3A_209 = tpu.memref_squeeze %dma_start3A_208 : memref<1x1000xi32, #tpu.memory_space<vmem>> -> memref<1000xi32, #tpu.memory_space<vmem>>
    %dma_start3A_210 = tpu.memref_slice %arg3[%dma_start3A_200, %add3A_199] : memref<2x320000xi32, #tpu.memory_space<hbm>> -> memref<1x1000xi32, #tpu.memory_space<hbm>>
    %dma_start3A_211 = tpu.memref_squeeze %dma_start3A_210 : memref<1x1000xi32, #tpu.memory_space<hbm>> -> memref<1000xi32, #tpu.memory_space<hbm>>
    tpu.enqueue_dma source(%dma_start3A_211 : memref<1000xi32, #tpu.memory_space<hbm>>) target(%dma_start3A_209 : memref<1000xi32, #tpu.memory_space<vmem>>) target_semaphore(%arg10 : memref<!tpu.dma_semaphore, #tpu.memory_space<semaphore_mem>>)
    %add3A_212 = arith.constant 7000 : i32
    %add3A_213 = arith.addi %mul3A_2, %add3A_212 : i32
    %dma_start3A_214 = arith.constant 1 : i32
    %dma_start3A_215 = arith.constant 7 : i32
    %dma_start3A_216 = arith.constant 0 : i32
    %dma_start3A_217 = tpu.memref_slice %arg7[%dma_start3A_215, %dma_start3A_216] : memref<10x1000xi32, #tpu.memory_space<vmem>> -> memref<1x1000xi32, #tpu.memory_space<vmem>>
    %dma_start3A_218 = tpu.memref_squeeze %dma_start3A_217 : memref<1x1000xi32, #tpu.memory_space<vmem>> -> memref<1000xi32, #tpu.memory_space<vmem>>
    %dma_start3A_219 = tpu.memref_slice %arg3[%dma_start3A_214, %add3A_213] : memref<2x320000xi32, #tpu.memory_space<hbm>> -> memref<1x1000xi32, #tpu.memory_space<hbm>>
    %dma_start3A_220 = tpu.memref_squeeze %dma_start3A_219 : memref<1x1000xi32, #tpu.memory_space<hbm>> -> memref<1000xi32, #tpu.memory_space<hbm>>
    %dma_start3A_221 = arith.constant 0 : i32
    %dma_start3A_222 = tpu.memref_slice %arg7[%dma_start3A_215, %dma_start3A_221] : memref<10x1000xi32, #tpu.memory_space<vmem>> -> memref<1x1000xi32, #tpu.memory_space<vmem>>
    %dma_start3A_223 = tpu.memref_squeeze %dma_start3A_222 : memref<1x1000xi32, #tpu.memory_space<vmem>> -> memref<1000xi32, #tpu.memory_space<vmem>>
    %dma_start3A_224 = tpu.memref_slice %arg3[%dma_start3A_214, %add3A_213] : memref<2x320000xi32, #tpu.memory_space<hbm>> -> memref<1x1000xi32, #tpu.memory_space<hbm>>
    %dma_start3A_225 = tpu.memref_squeeze %dma_start3A_224 : memref<1x1000xi32, #tpu.memory_space<hbm>> -> memref<1000xi32, #tpu.memory_space<hbm>>
    tpu.enqueue_dma source(%dma_start3A_225 : memref<1000xi32, #tpu.memory_space<hbm>>) target(%dma_start3A_223 : memref<1000xi32, #tpu.memory_space<vmem>>) target_semaphore(%arg10 : memref<!tpu.dma_semaphore, #tpu.memory_space<semaphore_mem>>)
    %add3A_226 = arith.constant 8000 : i32
    %add3A_227 = arith.addi %mul3A_2, %add3A_226 : i32
    %dma_start3A_228 = arith.constant 0 : i32
    %dma_start3A_229 = arith.constant 8 : i32
    %dma_start3A_230 = arith.constant 0 : i32
    %dma_start3A_231 = tpu.memref_slice %arg6[%dma_start3A_229, %dma_start3A_230] : memref<10x1000xi32, #tpu.memory_space<vmem>> -> memref<1x1000xi32, #tpu.memory_space<vmem>>
    %dma_start3A_232 = tpu.memref_squeeze %dma_start3A_231 : memref<1x1000xi32, #tpu.memory_space<vmem>> -> memref<1000xi32, #tpu.memory_space<vmem>>
    %dma_start3A_233 = tpu.memref_slice %arg3[%dma_start3A_228, %add3A_227] : memref<2x320000xi32, #tpu.memory_space<hbm>> -> memref<1x1000xi32, #tpu.memory_space<hbm>>
    %dma_start3A_234 = tpu.memref_squeeze %dma_start3A_233 : memref<1x1000xi32, #tpu.memory_space<hbm>> -> memref<1000xi32, #tpu.memory_space<hbm>>
    %dma_start3A_235 = arith.constant 0 : i32
    %dma_start3A_236 = tpu.memref_slice %arg6[%dma_start3A_229, %dma_start3A_235] : memref<10x1000xi32, #tpu.memory_space<vmem>> -> memref<1x1000xi32, #tpu.memory_space<vmem>>
    %dma_start3A_237 = tpu.memref_squeeze %dma_start3A_236 : memref<1x1000xi32, #tpu.memory_space<vmem>> -> memref<1000xi32, #tpu.memory_space<vmem>>
    %dma_start3A_238 = tpu.memref_slice %arg3[%dma_start3A_228, %add3A_227] : memref<2x320000xi32, #tpu.memory_space<hbm>> -> memref<1x1000xi32, #tpu.memory_space<hbm>>
    %dma_start3A_239 = tpu.memref_squeeze %dma_start3A_238 : memref<1x1000xi32, #tpu.memory_space<hbm>> -> memref<1000xi32, #tpu.memory_space<hbm>>
    tpu.enqueue_dma source(%dma_start3A_239 : memref<1000xi32, #tpu.memory_space<hbm>>) target(%dma_start3A_237 : memref<1000xi32, #tpu.memory_space<vmem>>) target_semaphore(%arg10 : memref<!tpu.dma_semaphore, #tpu.memory_space<semaphore_mem>>)
    %add3A_240 = arith.constant 8000 : i32
    %add3A_241 = arith.addi %mul3A_2, %add3A_240 : i32
    %dma_start3A_242 = arith.constant 1 : i32
    %dma_start3A_243 = arith.constant 8 : i32
    %dma_start3A_244 = arith.constant 0 : i32
    %dma_start3A_245 = tpu.memref_slice %arg7[%dma_start3A_243, %dma_start3A_244] : memref<10x1000xi32, #tpu.memory_space<vmem>> -> memref<1x1000xi32, #tpu.memory_space<vmem>>
    %dma_start3A_246 = tpu.memref_squeeze %dma_start3A_245 : memref<1x1000xi32, #tpu.memory_space<vmem>> -> memref<1000xi32, #tpu.memory_space<vmem>>
    %dma_start3A_247 = tpu.memref_slice %arg3[%dma_start3A_242, %add3A_241] : memref<2x320000xi32, #tpu.memory_space<hbm>> -> memref<1x1000xi32, #tpu.memory_space<hbm>>
    %dma_start3A_248 = tpu.memref_squeeze %dma_start3A_247 : memref<1x1000xi32, #tpu.memory_space<hbm>> -> memref<1000xi32, #tpu.memory_space<hbm>>
    %dma_start3A_249 = arith.constant 0 : i32
    %dma_start3A_250 = tpu.memref_slice %arg7[%dma_start3A_243, %dma_start3A_249] : memref<10x1000xi32, #tpu.memory_space<vmem>> -> memref<1x1000xi32, #tpu.memory_space<vmem>>
    %dma_start3A_251 = tpu.memref_squeeze %dma_start3A_250 : memref<1x1000xi32, #tpu.memory_space<vmem>> -> memref<1000xi32, #tpu.memory_space<vmem>>
    %dma_start3A_252 = tpu.memref_slice %arg3[%dma_start3A_242, %add3A_241] : memref<2x320000xi32, #tpu.memory_space<hbm>> -> memref<1x1000xi32, #tpu.memory_space<hbm>>
    %dma_start3A_253 = tpu.memref_squeeze %dma_start3A_252 : memref<1x1000xi32, #tpu.memory_space<hbm>> -> memref<1000xi32, #tpu.memory_space<hbm>>
    tpu.enqueue_dma source(%dma_start3A_253 : memref<1000xi32, #tpu.memory_space<hbm>>) target(%dma_start3A_251 : memref<1000xi32, #tpu.memory_space<vmem>>) target_semaphore(%arg10 : memref<!tpu.dma_semaphore, #tpu.memory_space<semaphore_mem>>)
    %add3A_254 = arith.constant 9000 : i32
    %add3A_255 = arith.addi %mul3A_2, %add3A_254 : i32
    %dma_start3A_256 = arith.constant 0 : i32
    %dma_start3A_257 = arith.constant 9 : i32
    %dma_start3A_258 = arith.constant 0 : i32
    %dma_start3A_259 = tpu.memref_slice %arg6[%dma_start3A_257, %dma_start3A_258] : memref<10x1000xi32, #tpu.memory_space<vmem>> -> memref<1x1000xi32, #tpu.memory_space<vmem>>
    %dma_start3A_260 = tpu.memref_squeeze %dma_start3A_259 : memref<1x1000xi32, #tpu.memory_space<vmem>> -> memref<1000xi32, #tpu.memory_space<vmem>>
    %dma_start3A_261 = tpu.memref_slice %arg3[%dma_start3A_256, %add3A_255] : memref<2x320000xi32, #tpu.memory_space<hbm>> -> memref<1x1000xi32, #tpu.memory_space<hbm>>
    %dma_start3A_262 = tpu.memref_squeeze %dma_start3A_261 : memref<1x1000xi32, #tpu.memory_space<hbm>> -> memref<1000xi32, #tpu.memory_space<hbm>>
    %dma_start3A_263 = arith.constant 0 : i32
    %dma_start3A_264 = tpu.memref_slice %arg6[%dma_start3A_257, %dma_start3A_263] : memref<10x1000xi32, #tpu.memory_space<vmem>> -> memref<1x1000xi32, #tpu.memory_space<vmem>>
    %dma_start3A_265 = tpu.memref_squeeze %dma_start3A_264 : memref<1x1000xi32, #tpu.memory_space<vmem>> -> memref<1000xi32, #tpu.memory_space<vmem>>
    %dma_start3A_266 = tpu.memref_slice %arg3[%dma_start3A_256, %add3A_255] : memref<2x320000xi32, #tpu.memory_space<hbm>> -> memref<1x1000xi32, #tpu.memory_space<hbm>>
    %dma_start3A_267 = tpu.memref_squeeze %dma_start3A_266 : memref<1x1000xi32, #tpu.memory_space<hbm>> -> memref<1000xi32, #tpu.memory_space<hbm>>
    tpu.enqueue_dma source(%dma_start3A_267 : memref<1000xi32, #tpu.memory_space<hbm>>) target(%dma_start3A_265 : memref<1000xi32, #tpu.memory_space<vmem>>) target_semaphore(%arg10 : memref<!tpu.dma_semaphore, #tpu.memory_space<semaphore_mem>>)
    %add3A_268 = arith.constant 9000 : i32
    %add3A_269 = arith.addi %mul3A_2, %add3A_268 : i32
    %dma_start3A_270 = arith.constant 1 : i32
    %dma_start3A_271 = arith.constant 9 : i32
    %dma_start3A_272 = arith.constant 0 : i32
    %dma_start3A_273 = tpu.memref_slice %arg7[%dma_start3A_271, %dma_start3A_272] : memref<10x1000xi32, #tpu.memory_space<vmem>> -> memref<1x1000xi32, #tpu.memory_space<vmem>>
    %dma_start3A_274 = tpu.memref_squeeze %dma_start3A_273 : memref<1x1000xi32, #tpu.memory_space<vmem>> -> memref<1000xi32, #tpu.memory_space<vmem>>
    %dma_start3A_275 = tpu.memref_slice %arg3[%dma_start3A_270, %add3A_269] : memref<2x320000xi32, #tpu.memory_space<hbm>> -> memref<1x1000xi32, #tpu.memory_space<hbm>>
    %dma_start3A_276 = tpu.memref_squeeze %dma_start3A_275 : memref<1x1000xi32, #tpu.memory_space<hbm>> -> memref<1000xi32, #tpu.memory_space<hbm>>
    %dma_start3A_277 = arith.constant 0 : i32
    %dma_start3A_278 = tpu.memref_slice %arg7[%dma_start3A_271, %dma_start3A_277] : memref<10x1000xi32, #tpu.memory_space<vmem>> -> memref<1x1000xi32, #tpu.memory_space<vmem>>
    %dma_start3A_279 = tpu.memref_squeeze %dma_start3A_278 : memref<1x1000xi32, #tpu.memory_space<vmem>> -> memref<1000xi32, #tpu.memory_space<vmem>>
    %dma_start3A_280 = tpu.memref_slice %arg3[%dma_start3A_270, %add3A_269] : memref<2x320000xi32, #tpu.memory_space<hbm>> -> memref<1x1000xi32, #tpu.memory_space<hbm>>
    %dma_start3A_281 = tpu.memref_squeeze %dma_start3A_280 : memref<1x1000xi32, #tpu.memory_space<hbm>> -> memref<1000xi32, #tpu.memory_space<hbm>>
    tpu.enqueue_dma source(%dma_start3A_281 : memref<1000xi32, #tpu.memory_space<hbm>>) target(%dma_start3A_279 : memref<1000xi32, #tpu.memory_space<vmem>>) target_semaphore(%arg10 : memref<!tpu.dma_semaphore, #tpu.memory_space<semaphore_mem>>)
    %mul3A_282 = arith.constant 640 : i32
    %mul3A_283 = arith.muli %arg1, %mul3A_282 : i32
    "tpu.region"() ({
      %run_scoped3A = tpu.sem_alloc : memref<!tpu.dma_semaphore, #tpu.memory_space<semaphore_mem>>
      %dma_start3A_614 = arith.constant 0 : i32
      %dma_start3A_615 = tpu.memref_slice %arg11[%mul3A_283, %dma_start3A_614] : memref<10240x32xbf16, #tpu.memory_space<vmem_shared>> -> memref<640x32xbf16, #tpu.memory_space<vmem_shared>>
      %dma_start3A_616 = arith.constant 0 : i32
      %dma_start3A_617 = tpu.memref_slice %arg4[%mul3A_283, %dma_start3A_616] : memref<10240x32xbf16, #tpu.memory_space<hbm>> -> memref<640x32xbf16, #tpu.memory_space<hbm>>
      tpu.enqueue_dma source(%dma_start3A_617 : memref<640x32xbf16, #tpu.memory_space<hbm>>) target(%dma_start3A_615 : memref<640x32xbf16, #tpu.memory_space<vmem_shared>>) target_semaphore(%run_scoped3A : memref<!tpu.dma_semaphore, #tpu.memory_space<semaphore_mem>>)
      %dma_wait3A_618 = arith.constant 0 : i32
      %dma_wait3A_619 = tpu.memref_slice %arg11[%mul3A_283, %dma_wait3A_618] : memref<10240x32xbf16, #tpu.memory_space<vmem_shared>> -> memref<640x32xbf16, #tpu.memory_space<vmem_shared>>
      %dma_wait3A_620 = arith.constant 0 : i32
      %dma_wait3A_621 = tpu.memref_slice %arg4[%mul3A_283, %dma_wait3A_620] : memref<10240x32xbf16, #tpu.memory_space<hbm>> -> memref<640x32xbf16, #tpu.memory_space<hbm>>
      tpu.wait_dma2 semaphore(%run_scoped3A : memref<!tpu.dma_semaphore, #tpu.memory_space<semaphore_mem>>) src(%dma_wait3A_621 : memref<640x32xbf16, #tpu.memory_space<hbm>>) dst(%dma_wait3A_619 : memref<640x32xbf16, #tpu.memory_space<vmem_shared>>)
      tpu.yield
    }) : () -> ()
    %add3A_284 = arith.constant 0 : i32
    %add3A_285 = arith.addi %mul3A_2, %add3A_284 : i32
    %dma_wait3A = arith.constant 0 : i32
    %dma_wait3A_286 = arith.constant 0 : i32
    %dma_wait3A_287 = arith.constant 0 : i32
    %dma_wait3A_288 = tpu.memref_slice %arg6[%dma_wait3A_286, %dma_wait3A_287] : memref<10x1000xi32, #tpu.memory_space<vmem>> -> memref<1x1000xi32, #tpu.memory_space<vmem>>
    %dma_wait3A_289 = tpu.memref_squeeze %dma_wait3A_288 : memref<1x1000xi32, #tpu.memory_space<vmem>> -> memref<1000xi32, #tpu.memory_space<vmem>>
    %dma_wait3A_290 = tpu.memref_slice %arg3[%dma_wait3A, %add3A_285] : memref<2x320000xi32, #tpu.memory_space<hbm>> -> memref<1x1000xi32, #tpu.memory_space<hbm>>
    %dma_wait3A_291 = tpu.memref_squeeze %dma_wait3A_290 : memref<1x1000xi32, #tpu.memory_space<hbm>> -> memref<1000xi32, #tpu.memory_space<hbm>>
    %dma_wait3A_292 = arith.constant 0 : i32
    %dma_wait3A_293 = tpu.memref_slice %arg6[%dma_wait3A_286, %dma_wait3A_292] : memref<10x1000xi32, #tpu.memory_space<vmem>> -> memref<1x1000xi32, #tpu.memory_space<vmem>>
    %dma_wait3A_294 = tpu.memref_squeeze %dma_wait3A_293 : memref<1x1000xi32, #tpu.memory_space<vmem>> -> memref<1000xi32, #tpu.memory_space<vmem>>
    %dma_wait3A_295 = tpu.memref_slice %arg3[%dma_wait3A, %add3A_285] : memref<2x320000xi32, #tpu.memory_space<hbm>> -> memref<1x1000xi32, #tpu.memory_space<hbm>>
    %dma_wait3A_296 = tpu.memref_squeeze %dma_wait3A_295 : memref<1x1000xi32, #tpu.memory_space<hbm>> -> memref<1000xi32, #tpu.memory_space<hbm>>
    tpu.wait_dma2 semaphore(%arg10 : memref<!tpu.dma_semaphore, #tpu.memory_space<semaphore_mem>>) src(%dma_wait3A_296 : memref<1000xi32, #tpu.memory_space<hbm>>) dst(%dma_wait3A_294 : memref<1000xi32, #tpu.memory_space<vmem>>)
    %add3A_297 = arith.constant 0 : i32
    %add3A_298 = arith.addi %mul3A_2, %add3A_297 : i32
    %dma_wait3A_299 = arith.constant 1 : i32
    %dma_wait3A_300 = arith.constant 0 : i32
    %dma_wait3A_301 = arith.constant 0 : i32
    %dma_wait3A_302 = tpu.memref_slice %arg7[%dma_wait3A_300, %dma_wait3A_301] : memref<10x1000xi32, #tpu.memory_space<vmem>> -> memref<1x1000xi32, #tpu.memory_space<vmem>>
    %dma_wait3A_303 = tpu.memref_squeeze %dma_wait3A_302 : memref<1x1000xi32, #tpu.memory_space<vmem>> -> memref<1000xi32, #tpu.memory_space<vmem>>
    %dma_wait3A_304 = tpu.memref_slice %arg3[%dma_wait3A_299, %add3A_298] : memref<2x320000xi32, #tpu.memory_space<hbm>> -> memref<1x1000xi32, #tpu.memory_space<hbm>>
    %dma_wait3A_305 = tpu.memref_squeeze %dma_wait3A_304 : memref<1x1000xi32, #tpu.memory_space<hbm>> -> memref<1000xi32, #tpu.memory_space<hbm>>
    %dma_wait3A_306 = arith.constant 0 : i32
    %dma_wait3A_307 = tpu.memref_slice %arg7[%dma_wait3A_300, %dma_wait3A_306] : memref<10x1000xi32, #tpu.memory_space<vmem>> -> memref<1x1000xi32, #tpu.memory_space<vmem>>
    %dma_wait3A_308 = tpu.memref_squeeze %dma_wait3A_307 : memref<1x1000xi32, #tpu.memory_space<vmem>> -> memref<1000xi32, #tpu.memory_space<vmem>>
    %dma_wait3A_309 = tpu.memref_slice %arg3[%dma_wait3A_299, %add3A_298] : memref<2x320000xi32, #tpu.memory_space<hbm>> -> memref<1x1000xi32, #tpu.memory_space<hbm>>
    %dma_wait3A_310 = tpu.memref_squeeze %dma_wait3A_309 : memref<1x1000xi32, #tpu.memory_space<hbm>> -> memref<1000xi32, #tpu.memory_space<hbm>>
    tpu.wait_dma2 semaphore(%arg10 : memref<!tpu.dma_semaphore, #tpu.memory_space<semaphore_mem>>) src(%dma_wait3A_310 : memref<1000xi32, #tpu.memory_space<hbm>>) dst(%dma_wait3A_308 : memref<1000xi32, #tpu.memory_space<vmem>>)
    %add3A_311 = arith.constant 1000 : i32
    %add3A_312 = arith.addi %mul3A_2, %add3A_311 : i32
    %dma_wait3A_313 = arith.constant 0 : i32
    %dma_wait3A_314 = arith.constant 1 : i32
    %dma_wait3A_315 = arith.constant 0 : i32
    %dma_wait3A_316 = tpu.memref_slice %arg6[%dma_wait3A_314, %dma_wait3A_315] : memref<10x1000xi32, #tpu.memory_space<vmem>> -> memref<1x1000xi32, #tpu.memory_space<vmem>>
    %dma_wait3A_317 = tpu.memref_squeeze %dma_wait3A_316 : memref<1x1000xi32, #tpu.memory_space<vmem>> -> memref<1000xi32, #tpu.memory_space<vmem>>
    %dma_wait3A_318 = tpu.memref_slice %arg3[%dma_wait3A_313, %add3A_312] : memref<2x320000xi32, #tpu.memory_space<hbm>> -> memref<1x1000xi32, #tpu.memory_space<hbm>>
    %dma_wait3A_319 = tpu.memref_squeeze %dma_wait3A_318 : memref<1x1000xi32, #tpu.memory_space<hbm>> -> memref<1000xi32, #tpu.memory_space<hbm>>
    %dma_wait3A_320 = arith.constant 0 : i32
    %dma_wait3A_321 = tpu.memref_slice %arg6[%dma_wait3A_314, %dma_wait3A_320] : memref<10x1000xi32, #tpu.memory_space<vmem>> -> memref<1x1000xi32, #tpu.memory_space<vmem>>
    %dma_wait3A_322 = tpu.memref_squeeze %dma_wait3A_321 : memref<1x1000xi32, #tpu.memory_space<vmem>> -> memref<1000xi32, #tpu.memory_space<vmem>>
    %dma_wait3A_323 = tpu.memref_slice %arg3[%dma_wait3A_313, %add3A_312] : memref<2x320000xi32, #tpu.memory_space<hbm>> -> memref<1x1000xi32, #tpu.memory_space<hbm>>
    %dma_wait3A_324 = tpu.memref_squeeze %dma_wait3A_323 : memref<1x1000xi32, #tpu.memory_space<hbm>> -> memref<1000xi32, #tpu.memory_space<hbm>>
    tpu.wait_dma2 semaphore(%arg10 : memref<!tpu.dma_semaphore, #tpu.memory_space<semaphore_mem>>) src(%dma_wait3A_324 : memref<1000xi32, #tpu.memory_space<hbm>>) dst(%dma_wait3A_322 : memref<1000xi32, #tpu.memory_space<vmem>>)
    %add3A_325 = arith.constant 1000 : i32
    %add3A_326 = arith.addi %mul3A_2, %add3A_325 : i32
    %dma_wait3A_327 = arith.constant 1 : i32
    %dma_wait3A_328 = arith.constant 1 : i32
    %dma_wait3A_329 = arith.constant 0 : i32
    %dma_wait3A_330 = tpu.memref_slice %arg7[%dma_wait3A_328, %dma_wait3A_329] : memref<10x1000xi32, #tpu.memory_space<vmem>> -> memref<1x1000xi32, #tpu.memory_space<vmem>>
    %dma_wait3A_331 = tpu.memref_squeeze %dma_wait3A_330 : memref<1x1000xi32, #tpu.memory_space<vmem>> -> memref<1000xi32, #tpu.memory_space<vmem>>
    %dma_wait3A_332 = tpu.memref_slice %arg3[%dma_wait3A_327, %add3A_326] : memref<2x320000xi32, #tpu.memory_space<hbm>> -> memref<1x1000xi32, #tpu.memory_space<hbm>>
    %dma_wait3A_333 = tpu.memref_squeeze %dma_wait3A_332 : memref<1x1000xi32, #tpu.memory_space<hbm>> -> memref<1000xi32, #tpu.memory_space<hbm>>
    %dma_wait3A_334 = arith.constant 0 : i32
    %dma_wait3A_335 = tpu.memref_slice %arg7[%dma_wait3A_328, %dma_wait3A_334] : memref<10x1000xi32, #tpu.memory_space<vmem>> -> memref<1x1000xi32, #tpu.memory_space<vmem>>
    %dma_wait3A_336 = tpu.memref_squeeze %dma_wait3A_335 : memref<1x1000xi32, #tpu.memory_space<vmem>> -> memref<1000xi32, #tpu.memory_space<vmem>>
    %dma_wait3A_337 = tpu.memref_slice %arg3[%dma_wait3A_327, %add3A_326] : memref<2x320000xi32, #tpu.memory_space<hbm>> -> memref<1x1000xi32, #tpu.memory_space<hbm>>
    %dma_wait3A_338 = tpu.memref_squeeze %dma_wait3A_337 : memref<1x1000xi32, #tpu.memory_space<hbm>> -> memref<1000xi32, #tpu.memory_space<hbm>>
    tpu.wait_dma2 semaphore(%arg10 : memref<!tpu.dma_semaphore, #tpu.memory_space<semaphore_mem>>) src(%dma_wait3A_338 : memref<1000xi32, #tpu.memory_space<hbm>>) dst(%dma_wait3A_336 : memref<1000xi32, #tpu.memory_space<vmem>>)
    %add3A_339 = arith.constant 2000 : i32
    %add3A_340 = arith.addi %mul3A_2, %add3A_339 : i32
    %dma_wait3A_341 = arith.constant 0 : i32
    %dma_wait3A_342 = arith.constant 2 : i32
    %dma_wait3A_343 = arith.constant 0 : i32
    %dma_wait3A_344 = tpu.memref_slice %arg6[%dma_wait3A_342, %dma_wait3A_343] : memref<10x1000xi32, #tpu.memory_space<vmem>> -> memref<1x1000xi32, #tpu.memory_space<vmem>>
    %dma_wait3A_345 = tpu.memref_squeeze %dma_wait3A_344 : memref<1x1000xi32, #tpu.memory_space<vmem>> -> memref<1000xi32, #tpu.memory_space<vmem>>
    %dma_wait3A_346 = tpu.memref_slice %arg3[%dma_wait3A_341, %add3A_340] : memref<2x320000xi32, #tpu.memory_space<hbm>> -> memref<1x1000xi32, #tpu.memory_space<hbm>>
    %dma_wait3A_347 = tpu.memref_squeeze %dma_wait3A_346 : memref<1x1000xi32, #tpu.memory_space<hbm>> -> memref<1000xi32, #tpu.memory_space<hbm>>
    %dma_wait3A_348 = arith.constant 0 : i32
    %dma_wait3A_349 = tpu.memref_slice %arg6[%dma_wait3A_342, %dma_wait3A_348] : memref<10x1000xi32, #tpu.memory_space<vmem>> -> memref<1x1000xi32, #tpu.memory_space<vmem>>
    %dma_wait3A_350 = tpu.memref_squeeze %dma_wait3A_349 : memref<1x1000xi32, #tpu.memory_space<vmem>> -> memref<1000xi32, #tpu.memory_space<vmem>>
    %dma_wait3A_351 = tpu.memref_slice %arg3[%dma_wait3A_341, %add3A_340] : memref<2x320000xi32, #tpu.memory_space<hbm>> -> memref<1x1000xi32, #tpu.memory_space<hbm>>
    %dma_wait3A_352 = tpu.memref_squeeze %dma_wait3A_351 : memref<1x1000xi32, #tpu.memory_space<hbm>> -> memref<1000xi32, #tpu.memory_space<hbm>>
    tpu.wait_dma2 semaphore(%arg10 : memref<!tpu.dma_semaphore, #tpu.memory_space<semaphore_mem>>) src(%dma_wait3A_352 : memref<1000xi32, #tpu.memory_space<hbm>>) dst(%dma_wait3A_350 : memref<1000xi32, #tpu.memory_space<vmem>>)
    %add3A_353 = arith.constant 2000 : i32
    %add3A_354 = arith.addi %mul3A_2, %add3A_353 : i32
    %dma_wait3A_355 = arith.constant 1 : i32
    %dma_wait3A_356 = arith.constant 2 : i32
    %dma_wait3A_357 = arith.constant 0 : i32
    %dma_wait3A_358 = tpu.memref_slice %arg7[%dma_wait3A_356, %dma_wait3A_357] : memref<10x1000xi32, #tpu.memory_space<vmem>> -> memref<1x1000xi32, #tpu.memory_space<vmem>>
    %dma_wait3A_359 = tpu.memref_squeeze %dma_wait3A_358 : memref<1x1000xi32, #tpu.memory_space<vmem>> -> memref<1000xi32, #tpu.memory_space<vmem>>
    %dma_wait3A_360 = tpu.memref_slice %arg3[%dma_wait3A_355, %add3A_354] : memref<2x320000xi32, #tpu.memory_space<hbm>> -> memref<1x1000xi32, #tpu.memory_space<hbm>>
    %dma_wait3A_361 = tpu.memref_squeeze %dma_wait3A_360 : memref<1x1000xi32, #tpu.memory_space<hbm>> -> memref<1000xi32, #tpu.memory_space<hbm>>
    %dma_wait3A_362 = arith.constant 0 : i32
    %dma_wait3A_363 = tpu.memref_slice %arg7[%dma_wait3A_356, %dma_wait3A_362] : memref<10x1000xi32, #tpu.memory_space<vmem>> -> memref<1x1000xi32, #tpu.memory_space<vmem>>
    %dma_wait3A_364 = tpu.memref_squeeze %dma_wait3A_363 : memref<1x1000xi32, #tpu.memory_space<vmem>> -> memref<1000xi32, #tpu.memory_space<vmem>>
    %dma_wait3A_365 = tpu.memref_slice %arg3[%dma_wait3A_355, %add3A_354] : memref<2x320000xi32, #tpu.memory_space<hbm>> -> memref<1x1000xi32, #tpu.memory_space<hbm>>
    %dma_wait3A_366 = tpu.memref_squeeze %dma_wait3A_365 : memref<1x1000xi32, #tpu.memory_space<hbm>> -> memref<1000xi32, #tpu.memory_space<hbm>>
    tpu.wait_dma2 semaphore(%arg10 : memref<!tpu.dma_semaphore, #tpu.memory_space<semaphore_mem>>) src(%dma_wait3A_366 : memref<1000xi32, #tpu.memory_space<hbm>>) dst(%dma_wait3A_364 : memref<1000xi32, #tpu.memory_space<vmem>>)
    %add3A_367 = arith.constant 3000 : i32
    %add3A_368 = arith.addi %mul3A_2, %add3A_367 : i32
    %dma_wait3A_369 = arith.constant 0 : i32
    %dma_wait3A_370 = arith.constant 3 : i32
    %dma_wait3A_371 = arith.constant 0 : i32
    %dma_wait3A_372 = tpu.memref_slice %arg6[%dma_wait3A_370, %dma_wait3A_371] : memref<10x1000xi32, #tpu.memory_space<vmem>> -> memref<1x1000xi32, #tpu.memory_space<vmem>>
    %dma_wait3A_373 = tpu.memref_squeeze %dma_wait3A_372 : memref<1x1000xi32, #tpu.memory_space<vmem>> -> memref<1000xi32, #tpu.memory_space<vmem>>
    %dma_wait3A_374 = tpu.memref_slice %arg3[%dma_wait3A_369, %add3A_368] : memref<2x320000xi32, #tpu.memory_space<hbm>> -> memref<1x1000xi32, #tpu.memory_space<hbm>>
    %dma_wait3A_375 = tpu.memref_squeeze %dma_wait3A_374 : memref<1x1000xi32, #tpu.memory_space<hbm>> -> memref<1000xi32, #tpu.memory_space<hbm>>
    %dma_wait3A_376 = arith.constant 0 : i32
    %dma_wait3A_377 = tpu.memref_slice %arg6[%dma_wait3A_370, %dma_wait3A_376] : memref<10x1000xi32, #tpu.memory_space<vmem>> -> memref<1x1000xi32, #tpu.memory_space<vmem>>
    %dma_wait3A_378 = tpu.memref_squeeze %dma_wait3A_377 : memref<1x1000xi32, #tpu.memory_space<vmem>> -> memref<1000xi32, #tpu.memory_space<vmem>>
    %dma_wait3A_379 = tpu.memref_slice %arg3[%dma_wait3A_369, %add3A_368] : memref<2x320000xi32, #tpu.memory_space<hbm>> -> memref<1x1000xi32, #tpu.memory_space<hbm>>
    %dma_wait3A_380 = tpu.memref_squeeze %dma_wait3A_379 : memref<1x1000xi32, #tpu.memory_space<hbm>> -> memref<1000xi32, #tpu.memory_space<hbm>>
    tpu.wait_dma2 semaphore(%arg10 : memref<!tpu.dma_semaphore, #tpu.memory_space<semaphore_mem>>) src(%dma_wait3A_380 : memref<1000xi32, #tpu.memory_space<hbm>>) dst(%dma_wait3A_378 : memref<1000xi32, #tpu.memory_space<vmem>>)
    %add3A_381 = arith.constant 3000 : i32
    %add3A_382 = arith.addi %mul3A_2, %add3A_381 : i32
    %dma_wait3A_383 = arith.constant 1 : i32
    %dma_wait3A_384 = arith.constant 3 : i32
    %dma_wait3A_385 = arith.constant 0 : i32
    %dma_wait3A_386 = tpu.memref_slice %arg7[%dma_wait3A_384, %dma_wait3A_385] : memref<10x1000xi32, #tpu.memory_space<vmem>> -> memref<1x1000xi32, #tpu.memory_space<vmem>>
    %dma_wait3A_387 = tpu.memref_squeeze %dma_wait3A_386 : memref<1x1000xi32, #tpu.memory_space<vmem>> -> memref<1000xi32, #tpu.memory_space<vmem>>
    %dma_wait3A_388 = tpu.memref_slice %arg3[%dma_wait3A_383, %add3A_382] : memref<2x320000xi32, #tpu.memory_space<hbm>> -> memref<1x1000xi32, #tpu.memory_space<hbm>>
    %dma_wait3A_389 = tpu.memref_squeeze %dma_wait3A_388 : memref<1x1000xi32, #tpu.memory_space<hbm>> -> memref<1000xi32, #tpu.memory_space<hbm>>
    %dma_wait3A_390 = arith.constant 0 : i32
    %dma_wait3A_391 = tpu.memref_slice %arg7[%dma_wait3A_384, %dma_wait3A_390] : memref<10x1000xi32, #tpu.memory_space<vmem>> -> memref<1x1000xi32, #tpu.memory_space<vmem>>
    %dma_wait3A_392 = tpu.memref_squeeze %dma_wait3A_391 : memref<1x1000xi32, #tpu.memory_space<vmem>> -> memref<1000xi32, #tpu.memory_space<vmem>>
    %dma_wait3A_393 = tpu.memref_slice %arg3[%dma_wait3A_383, %add3A_382] : memref<2x320000xi32, #tpu.memory_space<hbm>> -> memref<1x1000xi32, #tpu.memory_space<hbm>>
    %dma_wait3A_394 = tpu.memref_squeeze %dma_wait3A_393 : memref<1x1000xi32, #tpu.memory_space<hbm>> -> memref<1000xi32, #tpu.memory_space<hbm>>
    tpu.wait_dma2 semaphore(%arg10 : memref<!tpu.dma_semaphore, #tpu.memory_space<semaphore_mem>>) src(%dma_wait3A_394 : memref<1000xi32, #tpu.memory_space<hbm>>) dst(%dma_wait3A_392 : memref<1000xi32, #tpu.memory_space<vmem>>)
    %add3A_395 = arith.constant 4000 : i32
    %add3A_396 = arith.addi %mul3A_2, %add3A_395 : i32
    %dma_wait3A_397 = arith.constant 0 : i32
    %dma_wait3A_398 = arith.constant 4 : i32
    %dma_wait3A_399 = arith.constant 0 : i32
    %dma_wait3A_400 = tpu.memref_slice %arg6[%dma_wait3A_398, %dma_wait3A_399] : memref<10x1000xi32, #tpu.memory_space<vmem>> -> memref<1x1000xi32, #tpu.memory_space<vmem>>
    %dma_wait3A_401 = tpu.memref_squeeze %dma_wait3A_400 : memref<1x1000xi32, #tpu.memory_space<vmem>> -> memref<1000xi32, #tpu.memory_space<vmem>>
    %dma_wait3A_402 = tpu.memref_slice %arg3[%dma_wait3A_397, %add3A_396] : memref<2x320000xi32, #tpu.memory_space<hbm>> -> memref<1x1000xi32, #tpu.memory_space<hbm>>
    %dma_wait3A_403 = tpu.memref_squeeze %dma_wait3A_402 : memref<1x1000xi32, #tpu.memory_space<hbm>> -> memref<1000xi32, #tpu.memory_space<hbm>>
    %dma_wait3A_404 = arith.constant 0 : i32
    %dma_wait3A_405 = tpu.memref_slice %arg6[%dma_wait3A_398, %dma_wait3A_404] : memref<10x1000xi32, #tpu.memory_space<vmem>> -> memref<1x1000xi32, #tpu.memory_space<vmem>>
    %dma_wait3A_406 = tpu.memref_squeeze %dma_wait3A_405 : memref<1x1000xi32, #tpu.memory_space<vmem>> -> memref<1000xi32, #tpu.memory_space<vmem>>
    %dma_wait3A_407 = tpu.memref_slice %arg3[%dma_wait3A_397, %add3A_396] : memref<2x320000xi32, #tpu.memory_space<hbm>> -> memref<1x1000xi32, #tpu.memory_space<hbm>>
    %dma_wait3A_408 = tpu.memref_squeeze %dma_wait3A_407 : memref<1x1000xi32, #tpu.memory_space<hbm>> -> memref<1000xi32, #tpu.memory_space<hbm>>
    tpu.wait_dma2 semaphore(%arg10 : memref<!tpu.dma_semaphore, #tpu.memory_space<semaphore_mem>>) src(%dma_wait3A_408 : memref<1000xi32, #tpu.memory_space<hbm>>) dst(%dma_wait3A_406 : memref<1000xi32, #tpu.memory_space<vmem>>)
    %add3A_409 = arith.constant 4000 : i32
    %add3A_410 = arith.addi %mul3A_2, %add3A_409 : i32
    %dma_wait3A_411 = arith.constant 1 : i32
    %dma_wait3A_412 = arith.constant 4 : i32
    %dma_wait3A_413 = arith.constant 0 : i32
    %dma_wait3A_414 = tpu.memref_slice %arg7[%dma_wait3A_412, %dma_wait3A_413] : memref<10x1000xi32, #tpu.memory_space<vmem>> -> memref<1x1000xi32, #tpu.memory_space<vmem>>
    %dma_wait3A_415 = tpu.memref_squeeze %dma_wait3A_414 : memref<1x1000xi32, #tpu.memory_space<vmem>> -> memref<1000xi32, #tpu.memory_space<vmem>>
    %dma_wait3A_416 = tpu.memref_slice %arg3[%dma_wait3A_411, %add3A_410] : memref<2x320000xi32, #tpu.memory_space<hbm>> -> memref<1x1000xi32, #tpu.memory_space<hbm>>
    %dma_wait3A_417 = tpu.memref_squeeze %dma_wait3A_416 : memref<1x1000xi32, #tpu.memory_space<hbm>> -> memref<1000xi32, #tpu.memory_space<hbm>>
    %dma_wait3A_418 = arith.constant 0 : i32
    %dma_wait3A_419 = tpu.memref_slice %arg7[%dma_wait3A_412, %dma_wait3A_418] : memref<10x1000xi32, #tpu.memory_space<vmem>> -> memref<1x1000xi32, #tpu.memory_space<vmem>>
    %dma_wait3A_420 = tpu.memref_squeeze %dma_wait3A_419 : memref<1x1000xi32, #tpu.memory_space<vmem>> -> memref<1000xi32, #tpu.memory_space<vmem>>
    %dma_wait3A_421 = tpu.memref_slice %arg3[%dma_wait3A_411, %add3A_410] : memref<2x320000xi32, #tpu.memory_space<hbm>> -> memref<1x1000xi32, #tpu.memory_space<hbm>>
    %dma_wait3A_422 = tpu.memref_squeeze %dma_wait3A_421 : memref<1x1000xi32, #tpu.memory_space<hbm>> -> memref<1000xi32, #tpu.memory_space<hbm>>
    tpu.wait_dma2 semaphore(%arg10 : memref<!tpu.dma_semaphore, #tpu.memory_space<semaphore_mem>>) src(%dma_wait3A_422 : memref<1000xi32, #tpu.memory_space<hbm>>) dst(%dma_wait3A_420 : memref<1000xi32, #tpu.memory_space<vmem>>)
    %add3A_423 = arith.constant 5000 : i32
    %add3A_424 = arith.addi %mul3A_2, %add3A_423 : i32
    %dma_wait3A_425 = arith.constant 0 : i32
    %dma_wait3A_426 = arith.constant 5 : i32
    %dma_wait3A_427 = arith.constant 0 : i32
    %dma_wait3A_428 = tpu.memref_slice %arg6[%dma_wait3A_426, %dma_wait3A_427] : memref<10x1000xi32, #tpu.memory_space<vmem>> -> memref<1x1000xi32, #tpu.memory_space<vmem>>
    %dma_wait3A_429 = tpu.memref_squeeze %dma_wait3A_428 : memref<1x1000xi32, #tpu.memory_space<vmem>> -> memref<1000xi32, #tpu.memory_space<vmem>>
    %dma_wait3A_430 = tpu.memref_slice %arg3[%dma_wait3A_425, %add3A_424] : memref<2x320000xi32, #tpu.memory_space<hbm>> -> memref<1x1000xi32, #tpu.memory_space<hbm>>
    %dma_wait3A_431 = tpu.memref_squeeze %dma_wait3A_430 : memref<1x1000xi32, #tpu.memory_space<hbm>> -> memref<1000xi32, #tpu.memory_space<hbm>>
    %dma_wait3A_432 = arith.constant 0 : i32
    %dma_wait3A_433 = tpu.memref_slice %arg6[%dma_wait3A_426, %dma_wait3A_432] : memref<10x1000xi32, #tpu.memory_space<vmem>> -> memref<1x1000xi32, #tpu.memory_space<vmem>>
    %dma_wait3A_434 = tpu.memref_squeeze %dma_wait3A_433 : memref<1x1000xi32, #tpu.memory_space<vmem>> -> memref<1000xi32, #tpu.memory_space<vmem>>
    %dma_wait3A_435 = tpu.memref_slice %arg3[%dma_wait3A_425, %add3A_424] : memref<2x320000xi32, #tpu.memory_space<hbm>> -> memref<1x1000xi32, #tpu.memory_space<hbm>>
    %dma_wait3A_436 = tpu.memref_squeeze %dma_wait3A_435 : memref<1x1000xi32, #tpu.memory_space<hbm>> -> memref<1000xi32, #tpu.memory_space<hbm>>
    tpu.wait_dma2 semaphore(%arg10 : memref<!tpu.dma_semaphore, #tpu.memory_space<semaphore_mem>>) src(%dma_wait3A_436 : memref<1000xi32, #tpu.memory_space<hbm>>) dst(%dma_wait3A_434 : memref<1000xi32, #tpu.memory_space<vmem>>)
    %add3A_437 = arith.constant 5000 : i32
    %add3A_438 = arith.addi %mul3A_2, %add3A_437 : i32
    %dma_wait3A_439 = arith.constant 1 : i32
    %dma_wait3A_440 = arith.constant 5 : i32
    %dma_wait3A_441 = arith.constant 0 : i32
    %dma_wait3A_442 = tpu.memref_slice %arg7[%dma_wait3A_440, %dma_wait3A_441] : memref<10x1000xi32, #tpu.memory_space<vmem>> -> memref<1x1000xi32, #tpu.memory_space<vmem>>
    %dma_wait3A_443 = tpu.memref_squeeze %dma_wait3A_442 : memref<1x1000xi32, #tpu.memory_space<vmem>> -> memref<1000xi32, #tpu.memory_space<vmem>>
    %dma_wait3A_444 = tpu.memref_slice %arg3[%dma_wait3A_439, %add3A_438] : memref<2x320000xi32, #tpu.memory_space<hbm>> -> memref<1x1000xi32, #tpu.memory_space<hbm>>
    %dma_wait3A_445 = tpu.memref_squeeze %dma_wait3A_444 : memref<1x1000xi32, #tpu.memory_space<hbm>> -> memref<1000xi32, #tpu.memory_space<hbm>>
    %dma_wait3A_446 = arith.constant 0 : i32
    %dma_wait3A_447 = tpu.memref_slice %arg7[%dma_wait3A_440, %dma_wait3A_446] : memref<10x1000xi32, #tpu.memory_space<vmem>> -> memref<1x1000xi32, #tpu.memory_space<vmem>>
    %dma_wait3A_448 = tpu.memref_squeeze %dma_wait3A_447 : memref<1x1000xi32, #tpu.memory_space<vmem>> -> memref<1000xi32, #tpu.memory_space<vmem>>
    %dma_wait3A_449 = tpu.memref_slice %arg3[%dma_wait3A_439, %add3A_438] : memref<2x320000xi32, #tpu.memory_space<hbm>> -> memref<1x1000xi32, #tpu.memory_space<hbm>>
    %dma_wait3A_450 = tpu.memref_squeeze %dma_wait3A_449 : memref<1x1000xi32, #tpu.memory_space<hbm>> -> memref<1000xi32, #tpu.memory_space<hbm>>
    tpu.wait_dma2 semaphore(%arg10 : memref<!tpu.dma_semaphore, #tpu.memory_space<semaphore_mem>>) src(%dma_wait3A_450 : memref<1000xi32, #tpu.memory_space<hbm>>) dst(%dma_wait3A_448 : memref<1000xi32, #tpu.memory_space<vmem>>)
    %add3A_451 = arith.constant 6000 : i32
    %add3A_452 = arith.addi %mul3A_2, %add3A_451 : i32
    %dma_wait3A_453 = arith.constant 0 : i32
    %dma_wait3A_454 = arith.constant 6 : i32
    %dma_wait3A_455 = arith.constant 0 : i32
    %dma_wait3A_456 = tpu.memref_slice %arg6[%dma_wait3A_454, %dma_wait3A_455] : memref<10x1000xi32, #tpu.memory_space<vmem>> -> memref<1x1000xi32, #tpu.memory_space<vmem>>
    %dma_wait3A_457 = tpu.memref_squeeze %dma_wait3A_456 : memref<1x1000xi32, #tpu.memory_space<vmem>> -> memref<1000xi32, #tpu.memory_space<vmem>>
    %dma_wait3A_458 = tpu.memref_slice %arg3[%dma_wait3A_453, %add3A_452] : memref<2x320000xi32, #tpu.memory_space<hbm>> -> memref<1x1000xi32, #tpu.memory_space<hbm>>
    %dma_wait3A_459 = tpu.memref_squeeze %dma_wait3A_458 : memref<1x1000xi32, #tpu.memory_space<hbm>> -> memref<1000xi32, #tpu.memory_space<hbm>>
    %dma_wait3A_460 = arith.constant 0 : i32
    %dma_wait3A_461 = tpu.memref_slice %arg6[%dma_wait3A_454, %dma_wait3A_460] : memref<10x1000xi32, #tpu.memory_space<vmem>> -> memref<1x1000xi32, #tpu.memory_space<vmem>>
    %dma_wait3A_462 = tpu.memref_squeeze %dma_wait3A_461 : memref<1x1000xi32, #tpu.memory_space<vmem>> -> memref<1000xi32, #tpu.memory_space<vmem>>
    %dma_wait3A_463 = tpu.memref_slice %arg3[%dma_wait3A_453, %add3A_452] : memref<2x320000xi32, #tpu.memory_space<hbm>> -> memref<1x1000xi32, #tpu.memory_space<hbm>>
    %dma_wait3A_464 = tpu.memref_squeeze %dma_wait3A_463 : memref<1x1000xi32, #tpu.memory_space<hbm>> -> memref<1000xi32, #tpu.memory_space<hbm>>
    tpu.wait_dma2 semaphore(%arg10 : memref<!tpu.dma_semaphore, #tpu.memory_space<semaphore_mem>>) src(%dma_wait3A_464 : memref<1000xi32, #tpu.memory_space<hbm>>) dst(%dma_wait3A_462 : memref<1000xi32, #tpu.memory_space<vmem>>)
    %add3A_465 = arith.constant 6000 : i32
    %add3A_466 = arith.addi %mul3A_2, %add3A_465 : i32
    %dma_wait3A_467 = arith.constant 1 : i32
    %dma_wait3A_468 = arith.constant 6 : i32
    %dma_wait3A_469 = arith.constant 0 : i32
    %dma_wait3A_470 = tpu.memref_slice %arg7[%dma_wait3A_468, %dma_wait3A_469] : memref<10x1000xi32, #tpu.memory_space<vmem>> -> memref<1x1000xi32, #tpu.memory_space<vmem>>
    %dma_wait3A_471 = tpu.memref_squeeze %dma_wait3A_470 : memref<1x1000xi32, #tpu.memory_space<vmem>> -> memref<1000xi32, #tpu.memory_space<vmem>>
    %dma_wait3A_472 = tpu.memref_slice %arg3[%dma_wait3A_467, %add3A_466] : memref<2x320000xi32, #tpu.memory_space<hbm>> -> memref<1x1000xi32, #tpu.memory_space<hbm>>
    %dma_wait3A_473 = tpu.memref_squeeze %dma_wait3A_472 : memref<1x1000xi32, #tpu.memory_space<hbm>> -> memref<1000xi32, #tpu.memory_space<hbm>>
    %dma_wait3A_474 = arith.constant 0 : i32
    %dma_wait3A_475 = tpu.memref_slice %arg7[%dma_wait3A_468, %dma_wait3A_474] : memref<10x1000xi32, #tpu.memory_space<vmem>> -> memref<1x1000xi32, #tpu.memory_space<vmem>>
    %dma_wait3A_476 = tpu.memref_squeeze %dma_wait3A_475 : memref<1x1000xi32, #tpu.memory_space<vmem>> -> memref<1000xi32, #tpu.memory_space<vmem>>
    %dma_wait3A_477 = tpu.memref_slice %arg3[%dma_wait3A_467, %add3A_466] : memref<2x320000xi32, #tpu.memory_space<hbm>> -> memref<1x1000xi32, #tpu.memory_space<hbm>>
    %dma_wait3A_478 = tpu.memref_squeeze %dma_wait3A_477 : memref<1x1000xi32, #tpu.memory_space<hbm>> -> memref<1000xi32, #tpu.memory_space<hbm>>
    tpu.wait_dma2 semaphore(%arg10 : memref<!tpu.dma_semaphore, #tpu.memory_space<semaphore_mem>>) src(%dma_wait3A_478 : memref<1000xi32, #tpu.memory_space<hbm>>) dst(%dma_wait3A_476 : memref<1000xi32, #tpu.memory_space<vmem>>)
    %add3A_479 = arith.constant 7000 : i32
    %add3A_480 = arith.addi %mul3A_2, %add3A_479 : i32
    %dma_wait3A_481 = arith.constant 0 : i32
    %dma_wait3A_482 = arith.constant 7 : i32
    %dma_wait3A_483 = arith.constant 0 : i32
    %dma_wait3A_484 = tpu.memref_slice %arg6[%dma_wait3A_482, %dma_wait3A_483] : memref<10x1000xi32, #tpu.memory_space<vmem>> -> memref<1x1000xi32, #tpu.memory_space<vmem>>
    %dma_wait3A_485 = tpu.memref_squeeze %dma_wait3A_484 : memref<1x1000xi32, #tpu.memory_space<vmem>> -> memref<1000xi32, #tpu.memory_space<vmem>>
    %dma_wait3A_486 = tpu.memref_slice %arg3[%dma_wait3A_481, %add3A_480] : memref<2x320000xi32, #tpu.memory_space<hbm>> -> memref<1x1000xi32, #tpu.memory_space<hbm>>
    %dma_wait3A_487 = tpu.memref_squeeze %dma_wait3A_486 : memref<1x1000xi32, #tpu.memory_space<hbm>> -> memref<1000xi32, #tpu.memory_space<hbm>>
    %dma_wait3A_488 = arith.constant 0 : i32
    %dma_wait3A_489 = tpu.memref_slice %arg6[%dma_wait3A_482, %dma_wait3A_488] : memref<10x1000xi32, #tpu.memory_space<vmem>> -> memref<1x1000xi32, #tpu.memory_space<vmem>>
    %dma_wait3A_490 = tpu.memref_squeeze %dma_wait3A_489 : memref<1x1000xi32, #tpu.memory_space<vmem>> -> memref<1000xi32, #tpu.memory_space<vmem>>
    %dma_wait3A_491 = tpu.memref_slice %arg3[%dma_wait3A_481, %add3A_480] : memref<2x320000xi32, #tpu.memory_space<hbm>> -> memref<1x1000xi32, #tpu.memory_space<hbm>>
    %dma_wait3A_492 = tpu.memref_squeeze %dma_wait3A_491 : memref<1x1000xi32, #tpu.memory_space<hbm>> -> memref<1000xi32, #tpu.memory_space<hbm>>
    tpu.wait_dma2 semaphore(%arg10 : memref<!tpu.dma_semaphore, #tpu.memory_space<semaphore_mem>>) src(%dma_wait3A_492 : memref<1000xi32, #tpu.memory_space<hbm>>) dst(%dma_wait3A_490 : memref<1000xi32, #tpu.memory_space<vmem>>)
    %add3A_493 = arith.constant 7000 : i32
    %add3A_494 = arith.addi %mul3A_2, %add3A_493 : i32
    %dma_wait3A_495 = arith.constant 1 : i32
    %dma_wait3A_496 = arith.constant 7 : i32
    %dma_wait3A_497 = arith.constant 0 : i32
    %dma_wait3A_498 = tpu.memref_slice %arg7[%dma_wait3A_496, %dma_wait3A_497] : memref<10x1000xi32, #tpu.memory_space<vmem>> -> memref<1x1000xi32, #tpu.memory_space<vmem>>
    %dma_wait3A_499 = tpu.memref_squeeze %dma_wait3A_498 : memref<1x1000xi32, #tpu.memory_space<vmem>> -> memref<1000xi32, #tpu.memory_space<vmem>>
    %dma_wait3A_500 = tpu.memref_slice %arg3[%dma_wait3A_495, %add3A_494] : memref<2x320000xi32, #tpu.memory_space<hbm>> -> memref<1x1000xi32, #tpu.memory_space<hbm>>
    %dma_wait3A_501 = tpu.memref_squeeze %dma_wait3A_500 : memref<1x1000xi32, #tpu.memory_space<hbm>> -> memref<1000xi32, #tpu.memory_space<hbm>>
    %dma_wait3A_502 = arith.constant 0 : i32
    %dma_wait3A_503 = tpu.memref_slice %arg7[%dma_wait3A_496, %dma_wait3A_502] : memref<10x1000xi32, #tpu.memory_space<vmem>> -> memref<1x1000xi32, #tpu.memory_space<vmem>>
    %dma_wait3A_504 = tpu.memref_squeeze %dma_wait3A_503 : memref<1x1000xi32, #tpu.memory_space<vmem>> -> memref<1000xi32, #tpu.memory_space<vmem>>
    %dma_wait3A_505 = tpu.memref_slice %arg3[%dma_wait3A_495, %add3A_494] : memref<2x320000xi32, #tpu.memory_space<hbm>> -> memref<1x1000xi32, #tpu.memory_space<hbm>>
    %dma_wait3A_506 = tpu.memref_squeeze %dma_wait3A_505 : memref<1x1000xi32, #tpu.memory_space<hbm>> -> memref<1000xi32, #tpu.memory_space<hbm>>
    tpu.wait_dma2 semaphore(%arg10 : memref<!tpu.dma_semaphore, #tpu.memory_space<semaphore_mem>>) src(%dma_wait3A_506 : memref<1000xi32, #tpu.memory_space<hbm>>) dst(%dma_wait3A_504 : memref<1000xi32, #tpu.memory_space<vmem>>)
    %add3A_507 = arith.constant 8000 : i32
    %add3A_508 = arith.addi %mul3A_2, %add3A_507 : i32
    %dma_wait3A_509 = arith.constant 0 : i32
    %dma_wait3A_510 = arith.constant 8 : i32
    %dma_wait3A_511 = arith.constant 0 : i32
    %dma_wait3A_512 = tpu.memref_slice %arg6[%dma_wait3A_510, %dma_wait3A_511] : memref<10x1000xi32, #tpu.memory_space<vmem>> -> memref<1x1000xi32, #tpu.memory_space<vmem>>
    %dma_wait3A_513 = tpu.memref_squeeze %dma_wait3A_512 : memref<1x1000xi32, #tpu.memory_space<vmem>> -> memref<1000xi32, #tpu.memory_space<vmem>>
    %dma_wait3A_514 = tpu.memref_slice %arg3[%dma_wait3A_509, %add3A_508] : memref<2x320000xi32, #tpu.memory_space<hbm>> -> memref<1x1000xi32, #tpu.memory_space<hbm>>
    %dma_wait3A_515 = tpu.memref_squeeze %dma_wait3A_514 : memref<1x1000xi32, #tpu.memory_space<hbm>> -> memref<1000xi32, #tpu.memory_space<hbm>>
    %dma_wait3A_516 = arith.constant 0 : i32
    %dma_wait3A_517 = tpu.memref_slice %arg6[%dma_wait3A_510, %dma_wait3A_516] : memref<10x1000xi32, #tpu.memory_space<vmem>> -> memref<1x1000xi32, #tpu.memory_space<vmem>>
    %dma_wait3A_518 = tpu.memref_squeeze %dma_wait3A_517 : memref<1x1000xi32, #tpu.memory_space<vmem>> -> memref<1000xi32, #tpu.memory_space<vmem>>
    %dma_wait3A_519 = tpu.memref_slice %arg3[%dma_wait3A_509, %add3A_508] : memref<2x320000xi32, #tpu.memory_space<hbm>> -> memref<1x1000xi32, #tpu.memory_space<hbm>>
    %dma_wait3A_520 = tpu.memref_squeeze %dma_wait3A_519 : memref<1x1000xi32, #tpu.memory_space<hbm>> -> memref<1000xi32, #tpu.memory_space<hbm>>
    tpu.wait_dma2 semaphore(%arg10 : memref<!tpu.dma_semaphore, #tpu.memory_space<semaphore_mem>>) src(%dma_wait3A_520 : memref<1000xi32, #tpu.memory_space<hbm>>) dst(%dma_wait3A_518 : memref<1000xi32, #tpu.memory_space<vmem>>)
    %add3A_521 = arith.constant 8000 : i32
    %add3A_522 = arith.addi %mul3A_2, %add3A_521 : i32
    %dma_wait3A_523 = arith.constant 1 : i32
    %dma_wait3A_524 = arith.constant 8 : i32
    %dma_wait3A_525 = arith.constant 0 : i32
    %dma_wait3A_526 = tpu.memref_slice %arg7[%dma_wait3A_524, %dma_wait3A_525] : memref<10x1000xi32, #tpu.memory_space<vmem>> -> memref<1x1000xi32, #tpu.memory_space<vmem>>
    %dma_wait3A_527 = tpu.memref_squeeze %dma_wait3A_526 : memref<1x1000xi32, #tpu.memory_space<vmem>> -> memref<1000xi32, #tpu.memory_space<vmem>>
    %dma_wait3A_528 = tpu.memref_slice %arg3[%dma_wait3A_523, %add3A_522] : memref<2x320000xi32, #tpu.memory_space<hbm>> -> memref<1x1000xi32, #tpu.memory_space<hbm>>
    %dma_wait3A_529 = tpu.memref_squeeze %dma_wait3A_528 : memref<1x1000xi32, #tpu.memory_space<hbm>> -> memref<1000xi32, #tpu.memory_space<hbm>>
    %dma_wait3A_530 = arith.constant 0 : i32
    %dma_wait3A_531 = tpu.memref_slice %arg7[%dma_wait3A_524, %dma_wait3A_530] : memref<10x1000xi32, #tpu.memory_space<vmem>> -> memref<1x1000xi32, #tpu.memory_space<vmem>>
    %dma_wait3A_532 = tpu.memref_squeeze %dma_wait3A_531 : memref<1x1000xi32, #tpu.memory_space<vmem>> -> memref<1000xi32, #tpu.memory_space<vmem>>
    %dma_wait3A_533 = tpu.memref_slice %arg3[%dma_wait3A_523, %add3A_522] : memref<2x320000xi32, #tpu.memory_space<hbm>> -> memref<1x1000xi32, #tpu.memory_space<hbm>>
    %dma_wait3A_534 = tpu.memref_squeeze %dma_wait3A_533 : memref<1x1000xi32, #tpu.memory_space<hbm>> -> memref<1000xi32, #tpu.memory_space<hbm>>
    tpu.wait_dma2 semaphore(%arg10 : memref<!tpu.dma_semaphore, #tpu.memory_space<semaphore_mem>>) src(%dma_wait3A_534 : memref<1000xi32, #tpu.memory_space<hbm>>) dst(%dma_wait3A_532 : memref<1000xi32, #tpu.memory_space<vmem>>)
    %add3A_535 = arith.constant 9000 : i32
    %add3A_536 = arith.addi %mul3A_2, %add3A_535 : i32
    %dma_wait3A_537 = arith.constant 0 : i32
    %dma_wait3A_538 = arith.constant 9 : i32
    %dma_wait3A_539 = arith.constant 0 : i32
    %dma_wait3A_540 = tpu.memref_slice %arg6[%dma_wait3A_538, %dma_wait3A_539] : memref<10x1000xi32, #tpu.memory_space<vmem>> -> memref<1x1000xi32, #tpu.memory_space<vmem>>
    %dma_wait3A_541 = tpu.memref_squeeze %dma_wait3A_540 : memref<1x1000xi32, #tpu.memory_space<vmem>> -> memref<1000xi32, #tpu.memory_space<vmem>>
    %dma_wait3A_542 = tpu.memref_slice %arg3[%dma_wait3A_537, %add3A_536] : memref<2x320000xi32, #tpu.memory_space<hbm>> -> memref<1x1000xi32, #tpu.memory_space<hbm>>
    %dma_wait3A_543 = tpu.memref_squeeze %dma_wait3A_542 : memref<1x1000xi32, #tpu.memory_space<hbm>> -> memref<1000xi32, #tpu.memory_space<hbm>>
    %dma_wait3A_544 = arith.constant 0 : i32
    %dma_wait3A_545 = tpu.memref_slice %arg6[%dma_wait3A_538, %dma_wait3A_544] : memref<10x1000xi32, #tpu.memory_space<vmem>> -> memref<1x1000xi32, #tpu.memory_space<vmem>>
    %dma_wait3A_546 = tpu.memref_squeeze %dma_wait3A_545 : memref<1x1000xi32, #tpu.memory_space<vmem>> -> memref<1000xi32, #tpu.memory_space<vmem>>
    %dma_wait3A_547 = tpu.memref_slice %arg3[%dma_wait3A_537, %add3A_536] : memref<2x320000xi32, #tpu.memory_space<hbm>> -> memref<1x1000xi32, #tpu.memory_space<hbm>>
    %dma_wait3A_548 = tpu.memref_squeeze %dma_wait3A_547 : memref<1x1000xi32, #tpu.memory_space<hbm>> -> memref<1000xi32, #tpu.memory_space<hbm>>
    tpu.wait_dma2 semaphore(%arg10 : memref<!tpu.dma_semaphore, #tpu.memory_space<semaphore_mem>>) src(%dma_wait3A_548 : memref<1000xi32, #tpu.memory_space<hbm>>) dst(%dma_wait3A_546 : memref<1000xi32, #tpu.memory_space<vmem>>)
    %add3A_549 = arith.constant 9000 : i32
    %add3A_550 = arith.addi %mul3A_2, %add3A_549 : i32
    %dma_wait3A_551 = arith.constant 1 : i32
    %dma_wait3A_552 = arith.constant 9 : i32
    %dma_wait3A_553 = arith.constant 0 : i32
    %dma_wait3A_554 = tpu.memref_slice %arg7[%dma_wait3A_552, %dma_wait3A_553] : memref<10x1000xi32, #tpu.memory_space<vmem>> -> memref<1x1000xi32, #tpu.memory_space<vmem>>
    %dma_wait3A_555 = tpu.memref_squeeze %dma_wait3A_554 : memref<1x1000xi32, #tpu.memory_space<vmem>> -> memref<1000xi32, #tpu.memory_space<vmem>>
    %dma_wait3A_556 = tpu.memref_slice %arg3[%dma_wait3A_551, %add3A_550] : memref<2x320000xi32, #tpu.memory_space<hbm>> -> memref<1x1000xi32, #tpu.memory_space<hbm>>
    %dma_wait3A_557 = tpu.memref_squeeze %dma_wait3A_556 : memref<1x1000xi32, #tpu.memory_space<hbm>> -> memref<1000xi32, #tpu.memory_space<hbm>>
    %dma_wait3A_558 = arith.constant 0 : i32
    %dma_wait3A_559 = tpu.memref_slice %arg7[%dma_wait3A_552, %dma_wait3A_558] : memref<10x1000xi32, #tpu.memory_space<vmem>> -> memref<1x1000xi32, #tpu.memory_space<vmem>>
    %dma_wait3A_560 = tpu.memref_squeeze %dma_wait3A_559 : memref<1x1000xi32, #tpu.memory_space<vmem>> -> memref<1000xi32, #tpu.memory_space<vmem>>
    %dma_wait3A_561 = tpu.memref_slice %arg3[%dma_wait3A_551, %add3A_550] : memref<2x320000xi32, #tpu.memory_space<hbm>> -> memref<1x1000xi32, #tpu.memory_space<hbm>>
    %dma_wait3A_562 = tpu.memref_squeeze %dma_wait3A_561 : memref<1x1000xi32, #tpu.memory_space<hbm>> -> memref<1000xi32, #tpu.memory_space<hbm>>
    tpu.wait_dma2 semaphore(%arg10 : memref<!tpu.dma_semaphore, #tpu.memory_space<semaphore_mem>>) src(%dma_wait3A_562 : memref<1000xi32, #tpu.memory_space<hbm>>) dst(%dma_wait3A_560 : memref<1000xi32, #tpu.memory_space<vmem>>)
    %barrier3A = arith.constant 0 : index
    tpu.barrier barrier_id(%barrier3A)
    %dma_start3A_563 = arith.constant 0 : i32
    %dma_start3A_564 = arith.constant 0 : i32
    %dma_start3A_565 = arith.constant 0 : i32
    %dma_start3A_566 = arith.constant 0 : i32
    %dma_start3A_567 = arith.constant 0 : i32
    %dma_start3A_568 = tpu.memref_slice %arg8[%dma_start3A_564, %dma_start3A_566, %dma_start3A_567] : memref<4x1000x32xbf16, #tpu.memory_space<vmem>> -> memref<1x1000x32xbf16, #tpu.memory_space<vmem>>
    %dma_start3A_569 = tpu.memref_squeeze %dma_start3A_568 : memref<1x1000x32xbf16, #tpu.memory_space<vmem>> -> memref<1000x32xbf16, #tpu.memory_space<vmem>>
    %dma_start3A_570 = arith.constant 0 : i32
    %dma_start3A_571 = tpu.memref_slice %arg6[%dma_start3A_563, %dma_start3A_570] : memref<10x1000xi32, #tpu.memory_space<vmem>> -> memref<1x1000xi32, #tpu.memory_space<vmem>>
    %dma_start3A_572 = tpu.memref_squeeze %dma_start3A_571 : memref<1x1000xi32, #tpu.memory_space<vmem>> -> memref<1000xi32, #tpu.memory_space<vmem>>
    %dma_start3A_573 = arith.constant 0 : i32
    %dma_start3A_574 = arith.constant 0 : i32
    %dma_start3A_575 = tpu.memref_slice %arg2[%dma_start3A_573, %dma_start3A_574] : memref<10000x32xbf16, #tpu.memory_space<hbm>> -> memref<10000x32xbf16, #tpu.memory_space<hbm>>
    %dma_start3A_576 = tpu.memref_slice %arg9[%dma_start3A_565] : memref<4x!tpu.dma_semaphore, #tpu.memory_space<semaphore_mem>> -> memref<1x!tpu.dma_semaphore, #tpu.memory_space<semaphore_mem>>
    %dma_start3A_577 = tpu.memref_squeeze %dma_start3A_576 : memref<1x!tpu.dma_semaphore, #tpu.memory_space<semaphore_mem>> -> memref<!tpu.dma_semaphore, #tpu.memory_space<semaphore_mem>>
    tpu.enqueue_indirect_dma source(%dma_start3A_575 : memref<10000x32xbf16, #tpu.memory_space<hbm>>) target(%dma_start3A_569 : memref<1000x32xbf16, #tpu.memory_space<vmem>>) offsets(%dma_start3A_572 : memref<1000xi32, #tpu.memory_space<vmem>>) semaphore(%dma_start3A_577 : memref<!tpu.dma_semaphore, #tpu.memory_space<semaphore_mem>>)
    %dma_start3A_578 = arith.constant 1 : i32
    %dma_start3A_579 = arith.constant 1 : i32
    %dma_start3A_580 = arith.constant 1 : i32
    %dma_start3A_581 = arith.constant 0 : i32
    %dma_start3A_582 = arith.constant 0 : i32
    %dma_start3A_583 = tpu.memref_slice %arg8[%dma_start3A_579, %dma_start3A_581, %dma_start3A_582] : memref<4x1000x32xbf16, #tpu.memory_space<vmem>> -> memref<1x1000x32xbf16, #tpu.memory_space<vmem>>
    %dma_start3A_584 = tpu.memref_squeeze %dma_start3A_583 : memref<1x1000x32xbf16, #tpu.memory_space<vmem>> -> memref<1000x32xbf16, #tpu.memory_space<vmem>>
    %dma_start3A_585 = arith.constant 0 : i32
    %dma_start3A_586 = tpu.memref_slice %arg6[%dma_start3A_578, %dma_start3A_585] : memref<10x1000xi32, #tpu.memory_space<vmem>> -> memref<1x1000xi32, #tpu.memory_space<vmem>>
    %dma_start3A_587 = tpu.memref_squeeze %dma_start3A_586 : memref<1x1000xi32, #tpu.memory_space<vmem>> -> memref<1000xi32, #tpu.memory_space<vmem>>
    %dma_start3A_588 = arith.constant 0 : i32
    %dma_start3A_589 = arith.constant 0 : i32
    %dma_start3A_590 = tpu.memref_slice %arg2[%dma_start3A_588, %dma_start3A_589] : memref<10000x32xbf16, #tpu.memory_space<hbm>> -> memref<10000x32xbf16, #tpu.memory_space<hbm>>
    %dma_start3A_591 = tpu.memref_slice %arg9[%dma_start3A_580] : memref<4x!tpu.dma_semaphore, #tpu.memory_space<semaphore_mem>> -> memref<1x!tpu.dma_semaphore, #tpu.memory_space<semaphore_mem>>
    %dma_start3A_592 = tpu.memref_squeeze %dma_start3A_591 : memref<1x!tpu.dma_semaphore, #tpu.memory_space<semaphore_mem>> -> memref<!tpu.dma_semaphore, #tpu.memory_space<semaphore_mem>>
    tpu.enqueue_indirect_dma source(%dma_start3A_590 : memref<10000x32xbf16, #tpu.memory_space<hbm>>) target(%dma_start3A_584 : memref<1000x32xbf16, #tpu.memory_space<vmem>>) offsets(%dma_start3A_587 : memref<1000xi32, #tpu.memory_space<vmem>>) semaphore(%dma_start3A_592 : memref<!tpu.dma_semaphore, #tpu.memory_space<semaphore_mem>>)
    %dma_start3A_593 = arith.constant 2 : i32
    %dma_start3A_594 = arith.constant 2 : i32
    %dma_start3A_595 = arith.constant 2 : i32
    %dma_start3A_596 = arith.constant 0 : i32
    %dma_start3A_597 = arith.constant 0 : i32
    %dma_start3A_598 = tpu.memref_slice %arg8[%dma_start3A_594, %dma_start3A_596, %dma_start3A_597] : memref<4x1000x32xbf16, #tpu.memory_space<vmem>> -> memref<1x1000x32xbf16, #tpu.memory_space<vmem>>
    %dma_start3A_599 = tpu.memref_squeeze %dma_start3A_598 : memref<1x1000x32xbf16, #tpu.memory_space<vmem>> -> memref<1000x32xbf16, #tpu.memory_space<vmem>>
    %dma_start3A_600 = arith.constant 0 : i32
    %dma_start3A_601 = tpu.memref_slice %arg6[%dma_start3A_593, %dma_start3A_600] : memref<10x1000xi32, #tpu.memory_space<vmem>> -> memref<1x1000xi32, #tpu.memory_space<vmem>>
    %dma_start3A_602 = tpu.memref_squeeze %dma_start3A_601 : memref<1x1000xi32, #tpu.memory_space<vmem>> -> memref<1000xi32, #tpu.memory_space<vmem>>
    %dma_start3A_603 = arith.constant 0 : i32
    %dma_start3A_604 = arith.constant 0 : i32
    %dma_start3A_605 = tpu.memref_slice %arg2[%dma_start3A_603, %dma_start3A_604] : memref<10000x32xbf16, #tpu.memory_space<hbm>> -> memref<10000x32xbf16, #tpu.memory_space<hbm>>
    %dma_start3A_606 = tpu.memref_slice %arg9[%dma_start3A_595] : memref<4x!tpu.dma_semaphore, #tpu.memory_space<semaphore_mem>> -> memref<1x!tpu.dma_semaphore, #tpu.memory_space<semaphore_mem>>
    %dma_start3A_607 = tpu.memref_squeeze %dma_start3A_606 : memref<1x!tpu.dma_semaphore, #tpu.memory_space<semaphore_mem>> -> memref<!tpu.dma_semaphore, #tpu.memory_space<semaphore_mem>>
    tpu.enqueue_indirect_dma source(%dma_start3A_605 : memref<10000x32xbf16, #tpu.memory_space<hbm>>) target(%dma_start3A_599 : memref<1000x32xbf16, #tpu.memory_space<vmem>>) offsets(%dma_start3A_602 : memref<1000xi32, #tpu.memory_space<vmem>>) semaphore(%dma_start3A_607 : memref<!tpu.dma_semaphore, #tpu.memory_space<semaphore_mem>>)
    %scan3A = arith.constant 0 : i32
    %scan3A_608 = arith.constant 0 : i32
    %scan3A_609 = arith.constant 10 : i32
    %scan3A_610 = arith.addi %scan3A_608, %scan3A_609 : i32
    %scan3A_611 = arith.constant 1 : i32
    scf.for %scan3A_614 = %scan3A_608 to %scan3A_610 step %scan3A_611  : i32 {
      %rem3A = arith.constant 4 : i32
      %rem3A_615 = arith.remsi %scan3A_614, %rem3A : i32
      %dma_wait3A_616 = arith.constant 0 : i32
      %dma_wait3A_617 = arith.constant 0 : i32
      %dma_wait3A_618 = tpu.memref_slice %arg8[%rem3A_615, %dma_wait3A_616, %dma_wait3A_617] : memref<4x1000x32xbf16, #tpu.memory_space<vmem>> -> memref<1x1000x32xbf16, #tpu.memory_space<vmem>>
      %dma_wait3A_619 = tpu.memref_squeeze %dma_wait3A_618 : memref<1x1000x32xbf16, #tpu.memory_space<vmem>> -> memref<1000x32xbf16, #tpu.memory_space<vmem>>
      %dma_wait3A_620 = arith.constant 0 : i32
      %dma_wait3A_621 = tpu.memref_slice %arg6[%scan3A_614, %dma_wait3A_620] : memref<10x1000xi32, #tpu.memory_space<vmem>> -> memref<1x1000xi32, #tpu.memory_space<vmem>>
      %dma_wait3A_622 = tpu.memref_squeeze %dma_wait3A_621 : memref<1x1000xi32, #tpu.memory_space<vmem>> -> memref<1000xi32, #tpu.memory_space<vmem>>
      %dma_wait3A_623 = arith.constant 0 : i32
      %dma_wait3A_624 = arith.constant 0 : i32
      %dma_wait3A_625 = tpu.memref_slice %arg2[%dma_wait3A_623, %dma_wait3A_624] : memref<10000x32xbf16, #tpu.memory_space<hbm>> -> memref<10000x32xbf16, #tpu.memory_space<hbm>>
      %dma_wait3A_626 = tpu.memref_slice %arg9[%rem3A_615] : memref<4x!tpu.dma_semaphore, #tpu.memory_space<semaphore_mem>> -> memref<1x!tpu.dma_semaphore, #tpu.memory_space<semaphore_mem>>
      %dma_wait3A_627 = tpu.memref_squeeze %dma_wait3A_626 : memref<1x!tpu.dma_semaphore, #tpu.memory_space<semaphore_mem>> -> memref<!tpu.dma_semaphore, #tpu.memory_space<semaphore_mem>>
      tpu.wait_indirect_dma semaphore(%dma_wait3A_627 : memref<!tpu.dma_semaphore, #tpu.memory_space<semaphore_mem>>) src(%dma_wait3A_625 : memref<10000x32xbf16, #tpu.memory_space<hbm>>) dst(%dma_wait3A_619 : memref<1000x32xbf16, #tpu.memory_space<vmem>>)
      %add3A_628 = arith.constant 4 : i32
      %add3A_629 = arith.addi %scan3A_614, %add3A_628 : i32
      %sub3A = arith.constant 1 : i32
      %sub3A_630 = arith.subi %add3A_629, %sub3A : i32
      %lt3A = arith.constant 10 : i32
      %lt3A_631 = arith.cmpi slt, %sub3A_630, %lt3A : i32
      %convert_element_type3A = arith.extui %lt3A_631 : i1 to i32
      %cond3A = arith.constant 0 : i32
      %cond3A_632 = arith.cmpi ne, %convert_element_type3A, %cond3A : i32
      scf.if %cond3A_632 {
        %rem3A_633 = arith.constant 4 : i32
        %rem3A_634 = arith.remsi %sub3A_630, %rem3A_633 : i32
        %dma_start3A_635 = arith.constant 0 : i32
        %dma_start3A_636 = arith.constant 0 : i32
        %dma_start3A_637 = tpu.memref_slice %arg8[%rem3A_634, %dma_start3A_635, %dma_start3A_636] : memref<4x1000x32xbf16, #tpu.memory_space<vmem>> -> memref<1x1000x32xbf16, #tpu.memory_space<vmem>>
        %dma_start3A_638 = tpu.memref_squeeze %dma_start3A_637 : memref<1x1000x32xbf16, #tpu.memory_space<vmem>> -> memref<1000x32xbf16, #tpu.memory_space<vmem>>
        %dma_start3A_639 = arith.constant 0 : i32
        %dma_start3A_640 = tpu.memref_slice %arg6[%sub3A_630, %dma_start3A_639] : memref<10x1000xi32, #tpu.memory_space<vmem>> -> memref<1x1000xi32, #tpu.memory_space<vmem>>
        %dma_start3A_641 = tpu.memref_squeeze %dma_start3A_640 : memref<1x1000xi32, #tpu.memory_space<vmem>> -> memref<1000xi32, #tpu.memory_space<vmem>>
        %dma_start3A_642 = arith.constant 0 : i32
        %dma_start3A_643 = arith.constant 0 : i32
        %dma_start3A_644 = tpu.memref_slice %arg2[%dma_start3A_642, %dma_start3A_643] : memref<10000x32xbf16, #tpu.memory_space<hbm>> -> memref<10000x32xbf16, #tpu.memory_space<hbm>>
        %dma_start3A_645 = tpu.memref_slice %arg9[%rem3A_634] : memref<4x!tpu.dma_semaphore, #tpu.memory_space<semaphore_mem>> -> memref<1x!tpu.dma_semaphore, #tpu.memory_space<semaphore_mem>>
        %dma_start3A_646 = tpu.memref_squeeze %dma_start3A_645 : memref<1x!tpu.dma_semaphore, #tpu.memory_space<semaphore_mem>> -> memref<!tpu.dma_semaphore, #tpu.memory_space<semaphore_mem>>
        tpu.enqueue_indirect_dma source(%dma_start3A_644 : memref<10000x32xbf16, #tpu.memory_space<hbm>>) target(%dma_start3A_638 : memref<1000x32xbf16, #tpu.memory_space<vmem>>) offsets(%dma_start3A_641 : memref<1000xi32, #tpu.memory_space<vmem>>) semaphore(%dma_start3A_646 : memref<!tpu.dma_semaphore, #tpu.memory_space<semaphore_mem>>)
      } else {
      }
      "tpu.region"() ({
        %run_scoped3A = tpu.sem_alloc : memref<!tpu.dma_semaphore, #tpu.memory_space<semaphore_mem>>
        %dma_start3A_633 = arith.constant 0 : i32
        %dma_start3A_634 = arith.constant 0 : i32
        %dma_start3A_635 = tpu.memref_slice %arg8[%rem3A_615, %dma_start3A_633, %dma_start3A_634] : memref<4x1000x32xbf16, #tpu.memory_space<vmem>> -> memref<1x1000x32xbf16, #tpu.memory_space<vmem>>
        %dma_start3A_636 = tpu.memref_squeeze %dma_start3A_635 : memref<1x1000x32xbf16, #tpu.memory_space<vmem>> -> memref<1000x32xbf16, #tpu.memory_space<vmem>>
        %dma_start3A_637 = arith.constant 0 : i32
        %dma_start3A_638 = tpu.memref_slice %arg7[%scan3A_614, %dma_start3A_637] : memref<10x1000xi32, #tpu.memory_space<vmem>> -> memref<1x1000xi32, #tpu.memory_space<vmem>>
        %dma_start3A_639 = tpu.memref_squeeze %dma_start3A_638 : memref<1x1000xi32, #tpu.memory_space<vmem>> -> memref<1000xi32, #tpu.memory_space<vmem>>
        %dma_start3A_640 = arith.constant 0 : i32
        %dma_start3A_641 = arith.constant 0 : i32
        %dma_start3A_642 = tpu.memref_slice %arg11[%dma_start3A_640, %dma_start3A_641] : memref<10240x32xbf16, #tpu.memory_space<vmem_shared>> -> memref<10240x32xbf16, #tpu.memory_space<vmem_shared>>
        tpu.enqueue_indirect_dma source(%dma_start3A_636 : memref<1000x32xbf16, #tpu.memory_space<vmem>>) target(%dma_start3A_642 : memref<10240x32xbf16, #tpu.memory_space<vmem_shared>>) offsets(%dma_start3A_639 : memref<1000xi32, #tpu.memory_space<vmem>>) semaphore(%run_scoped3A : memref<!tpu.dma_semaphore, #tpu.memory_space<semaphore_mem>>) {add = true}
        %dma_wait3A_643 = arith.constant 0 : i32
        %dma_wait3A_644 = arith.constant 0 : i32
        %dma_wait3A_645 = tpu.memref_slice %arg8[%rem3A_615, %dma_wait3A_643, %dma_wait3A_644] : memref<4x1000x32xbf16, #tpu.memory_space<vmem>> -> memref<1x1000x32xbf16, #tpu.memory_space<vmem>>
        %dma_wait3A_646 = tpu.memref_squeeze %dma_wait3A_645 : memref<1x1000x32xbf16, #tpu.memory_space<vmem>> -> memref<1000x32xbf16, #tpu.memory_space<vmem>>
        %dma_wait3A_647 = arith.constant 0 : i32
        %dma_wait3A_648 = tpu.memref_slice %arg7[%scan3A_614, %dma_wait3A_647] : memref<10x1000xi32, #tpu.memory_space<vmem>> -> memref<1x1000xi32, #tpu.memory_space<vmem>>
        %dma_wait3A_649 = tpu.memref_squeeze %dma_wait3A_648 : memref<1x1000xi32, #tpu.memory_space<vmem>> -> memref<1000xi32, #tpu.memory_space<vmem>>
        %dma_wait3A_650 = arith.constant 0 : i32
        %dma_wait3A_651 = arith.constant 0 : i32
        %dma_wait3A_652 = tpu.memref_slice %arg11[%dma_wait3A_650, %dma_wait3A_651] : memref<10240x32xbf16, #tpu.memory_space<vmem_shared>> -> memref<10240x32xbf16, #tpu.memory_space<vmem_shared>>
        tpu.wait_indirect_dma semaphore(%run_scoped3A : memref<!tpu.dma_semaphore, #tpu.memory_space<semaphore_mem>>) src(%dma_wait3A_646 : memref<1000x32xbf16, #tpu.memory_space<vmem>>) dst(%dma_wait3A_652 : memref<10240x32xbf16, #tpu.memory_space<vmem_shared>>)
        tpu.yield
      }) : () -> ()
    }
    %scan3A_612 = arith.constant 10 : i32
    %barrier3A_613 = arith.constant 0 : index
    tpu.barrier barrier_id(%barrier3A_613)
    "tpu.region"() ({
      %run_scoped3A = tpu.sem_alloc : memref<!tpu.dma_semaphore, #tpu.memory_space<semaphore_mem>>
      %dma_start3A_614 = arith.constant 0 : i32
      %dma_start3A_615 = tpu.memref_slice %arg5[%arg0, %mul3A_283, %dma_start3A_614] : memref<2x10240x32xbf16, #tpu.memory_space<hbm>> -> memref<1x640x32xbf16, #tpu.memory_space<hbm>>
      %dma_start3A_616 = tpu.memref_squeeze %dma_start3A_615 : memref<1x640x32xbf16, #tpu.memory_space<hbm>> -> memref<640x32xbf16, #tpu.memory_space<hbm>>
      %dma_start3A_617 = arith.constant 0 : i32
      %dma_start3A_618 = tpu.memref_slice %arg11[%mul3A_283, %dma_start3A_617] : memref<10240x32xbf16, #tpu.memory_space<vmem_shared>> -> memref<640x32xbf16, #tpu.memory_space<vmem_shared>>
      tpu.enqueue_dma source(%dma_start3A_618 : memref<640x32xbf16, #tpu.memory_space<vmem_shared>>) target(%dma_start3A_616 : memref<640x32xbf16, #tpu.memory_space<hbm>>) target_semaphore(%run_scoped3A : memref<!tpu.dma_semaphore, #tpu.memory_space<semaphore_mem>>)
      %dma_wait3A_619 = arith.constant 0 : i32
      %dma_wait3A_620 = tpu.memref_slice %arg5[%arg0, %mul3A_283, %dma_wait3A_619] : memref<2x10240x32xbf16, #tpu.memory_space<hbm>> -> memref<1x640x32xbf16, #tpu.memory_space<hbm>>
      %dma_wait3A_621 = tpu.memref_squeeze %dma_wait3A_620 : memref<1x640x32xbf16, #tpu.memory_space<hbm>> -> memref<640x32xbf16, #tpu.memory_space<hbm>>
      %dma_wait3A_622 = arith.constant 0 : i32
      %dma_wait3A_623 = tpu.memref_slice %arg11[%mul3A_283, %dma_wait3A_622] : memref<10240x32xbf16, #tpu.memory_space<vmem_shared>> -> memref<640x32xbf16, #tpu.memory_space<vmem_shared>>
      tpu.wait_dma2 semaphore(%run_scoped3A : memref<!tpu.dma_semaphore, #tpu.memory_space<semaphore_mem>>) src(%dma_wait3A_623 : memref<640x32xbf16, #tpu.memory_space<vmem_shared>>) dst(%dma_wait3A_621 : memref<640x32xbf16, #tpu.memory_space<hbm>>)
      tpu.yield
    }) : () -> ()
    return
  }
}

module attributes {stable_mosaic.version = 14 : i64} {
  func.func @_tc1_body(%arg0: memref<10000x128xf32, #tpu.memory_space<vmem>>, %arg1: memref<128x64xf32, #tpu.memory_space<vmem>>, %arg2: memref<128x64xf32, #tpu.memory_space<vmem>>, %arg3: memref<10000x64xbf16, #tpu.memory_space<vmem>>, %arg4: memref<10000x64xf32, #tpu.memory_space<vmem>>) attributes {dimension_semantics = [], scalar_prefetch = 0 : i64, scratch_operands = 0 : i64, tpu.core_type = #tpu.core_type<tc>} {
    %get3A = arith.constant 0 : index
    %get3A_0 = arith.constant 0 : index
    %get3A_1 = vector.load %arg0[%get3A, %get3A_0] : memref<10000x128xf32, #tpu.memory_space<vmem>>, vector<10000x128xf32>
    %get3A_2 = arith.constant 0 : index
    %get3A_3 = arith.constant 0 : index
    %get3A_4 = vector.load %arg1[%get3A_2, %get3A_3] : memref<128x64xf32, #tpu.memory_space<vmem>>, vector<128x64xf32>
    %dot_general3A = arith.constant dense<0.000000e+00> : vector<10000x64xf32>
    %dot_general3A_5 = tpu.matmul %get3A_1, %get3A_4, %dot_general3A {dimension_numbers = #tpu.dot_dimension_numbers<[1], [0], [0], [1], [0, 0, 1, 1], [], []>, transpose_lhs_hint = false} : vector<10000x128xf32>, vector<128x64xf32>, vector<10000x64xf32> -> vector<10000x64xf32>
    %convert_element_type3A = arith.truncf %dot_general3A_5 : vector<10000x64xf32> to vector<10000x64xbf16>
    %swap3A = arith.constant 0 : index
    %swap3A_6 = arith.constant 0 : index
    %swap3A_7 = vector.load %arg3[%swap3A, %swap3A_6] : memref<10000x64xbf16, #tpu.memory_space<vmem>>, vector<10000x64xbf16>
    tpu.vector_store %arg3[%swap3A, %swap3A_6], %convert_element_type3A {strides = array<i32>} : memref<10000x64xbf16, #tpu.memory_space<vmem>>, vector<10000x64xbf16>,
    %get3A_8 = arith.constant 0 : index
    %get3A_9 = arith.constant 0 : index
    %get3A_10 = vector.load %arg2[%get3A_8, %get3A_9] : memref<128x64xf32, #tpu.memory_space<vmem>>, vector<128x64xf32>
    %dot_general3A_11 = arith.constant dense<0.000000e+00> : vector<10000x64xf32>
    %dot_general3A_12 = tpu.matmul %get3A_1, %get3A_10, %dot_general3A_11 {dimension_numbers = #tpu.dot_dimension_numbers<[1], [0], [0], [1], [0, 0, 1, 1], [], []>, transpose_lhs_hint = false} : vector<10000x128xf32>, vector<128x64xf32>, vector<10000x64xf32> -> vector<10000x64xf32>
    %swap3A_13 = arith.constant 0 : index
    %swap3A_14 = arith.constant 0 : index
    %swap3A_15 = vector.load %arg4[%swap3A_13, %swap3A_14] : memref<10000x64xf32, #tpu.memory_space<vmem>>, vector<10000x64xf32>
    tpu.vector_store %arg4[%swap3A_13, %swap3A_14], %dot_general3A_12 {strides = array<i32>} : memref<10000x64xf32, #tpu.memory_space<vmem>>, vector<10000x64xf32>,
    return
  }
}

module attributes {stable_mosaic.version = 14 : i64} {
  func.func @_tc2_body(%arg0: memref<10000x64xf32, #tpu.memory_space<vmem>>, %arg1: memref<2x10240x64xbf16, #tpu.memory_space<vmem>>, %arg2: memref<2x10240x16xbf16, #tpu.memory_space<vmem>>, %arg3: memref<64xf32, #tpu.memory_space<vmem>>, %arg4: memref<64x32xf32, #tpu.memory_space<vmem>>, %arg5: memref<64x32xf32, #tpu.memory_space<vmem>>, %arg6: memref<10000x32xbf16, #tpu.memory_space<vmem>>, %arg7: memref<10000x32xf32, #tpu.memory_space<vmem>>) attributes {dimension_semantics = [], scalar_prefetch = 0 : i64, scratch_operands = 0 : i64, tpu.core_type = #tpu.core_type<tc>} {
    %get3A = arith.constant 0 : index
    %get3A_0 = arith.constant 0 : index
    %get3A_1 = arith.constant 0 : index
    %get3A_2 = vector.load %arg1[%get3A, %get3A_0, %get3A_1] : memref<2x10240x64xbf16, #tpu.memory_space<vmem>>, vector<1x10000x64xbf16>
    %get3A_3 = vector.shape_cast %get3A_2 : vector<1x10000x64xbf16> to vector<10000x64xbf16>
    %convert_element_type3A = arith.extf %get3A_3 : vector<10000x64xbf16> to vector<10000x64xf32>
    %get3A_4 = arith.constant 1 : index
    %get3A_5 = arith.constant 0 : index
    %get3A_6 = arith.constant 0 : index
    %get3A_7 = vector.load %arg1[%get3A_4, %get3A_5, %get3A_6] : memref<2x10240x64xbf16, #tpu.memory_space<vmem>>, vector<1x10000x64xbf16>
    %get3A_8 = vector.shape_cast %get3A_7 : vector<1x10000x64xbf16> to vector<10000x64xbf16>
    %convert_element_type3A_9 = arith.extf %get3A_8 : vector<10000x64xbf16> to vector<10000x64xf32>
    %add3A = arith.addf %convert_element_type3A, %convert_element_type3A_9 : vector<10000x64xf32>
    %get3A_10 = arith.constant 0 : index
    %get3A_11 = arith.constant 0 : index
    %get3A_12 = arith.constant 0 : index
    %get3A_13 = vector.load %arg2[%get3A_10, %get3A_11, %get3A_12] : memref<2x10240x16xbf16, #tpu.memory_space<vmem>>, vector<1x10000x1xbf16>
    %get3A_14 = vector.shape_cast %get3A_13 : vector<1x10000x1xbf16> to vector<10000x1xbf16>
    %convert_element_type3A_15 = arith.extf %get3A_14 : vector<10000x1xbf16> to vector<10000x1xf32>
    %get3A_16 = arith.constant 1 : index
    %get3A_17 = arith.constant 0 : index
    %get3A_18 = arith.constant 0 : index
    %get3A_19 = vector.load %arg2[%get3A_16, %get3A_17, %get3A_18] : memref<2x10240x16xbf16, #tpu.memory_space<vmem>>, vector<1x10000x1xbf16>
    %get3A_20 = vector.shape_cast %get3A_19 : vector<1x10000x1xbf16> to vector<10000x1xbf16>
    %convert_element_type3A_21 = arith.extf %get3A_20 : vector<10000x1xbf16> to vector<10000x1xf32>
    %add3A_22 = arith.addf %convert_element_type3A_15, %convert_element_type3A_21 : vector<10000x1xf32>
    %max3A = arith.constant 1.000000e+00 : f32
    %max3A_23 = vector.broadcast %max3A : f32 to vector<10000x1xf32>
    %max3A_24 = arith.maximumf %add3A_22, %max3A_23 : vector<10000x1xf32>
    %div3A = vector.broadcast %max3A_24 : vector<10000x1xf32> to vector<10000x64xf32>
    %div3A_25 = arith.divf %add3A, %div3A : vector<10000x64xf32>
    %get3A_26 = arith.constant 0 : index
    %get3A_27 = arith.constant 0 : index
    %get3A_28 = vector.load %arg0[%get3A_26, %get3A_27] : memref<10000x64xf32, #tpu.memory_space<vmem>>, vector<10000x64xf32>
    %add3A_29 = arith.addf %get3A_28, %div3A_25 : vector<10000x64xf32>
    %get3A_30 = arith.constant 0 : index
    %get3A_31 = vector.load %arg3[%get3A_30] : memref<64xf32, #tpu.memory_space<vmem>>, vector<64xf32>
    %broadcast_in_dim3A = vector.shape_cast %get3A_31 : vector<64xf32> to vector<1x64xf32>
    %add3A_32 = vector.broadcast %broadcast_in_dim3A : vector<1x64xf32> to vector<10000x64xf32>
    %add3A_33 = arith.addf %add3A_29, %add3A_32 : vector<10000x64xf32>
    %max3A_34 = arith.constant 0.000000e+00 : f32
    %max3A_35 = vector.broadcast %max3A_34 : f32 to vector<10000x64xf32>
    %max3A_36 = arith.maximumf %add3A_33, %max3A_35 : vector<10000x64xf32>
    %get3A_37 = arith.constant 0 : index
    %get3A_38 = arith.constant 0 : index
    %get3A_39 = vector.load %arg4[%get3A_37, %get3A_38] : memref<64x32xf32, #tpu.memory_space<vmem>>, vector<64x32xf32>
    %dot_general3A = arith.constant dense<0.000000e+00> : vector<10000x32xf32>
    %dot_general3A_40 = tpu.matmul %max3A_36, %get3A_39, %dot_general3A {dimension_numbers = #tpu.dot_dimension_numbers<[1], [0], [0], [1], [0, 0, 1, 1], [], []>, transpose_lhs_hint = false} : vector<10000x64xf32>, vector<64x32xf32>, vector<10000x32xf32> -> vector<10000x32xf32>
    %convert_element_type3A_41 = arith.truncf %dot_general3A_40 : vector<10000x32xf32> to vector<10000x32xbf16>
    %swap3A = arith.constant 0 : index
    %swap3A_42 = arith.constant 0 : index
    %swap3A_43 = vector.load %arg6[%swap3A, %swap3A_42] : memref<10000x32xbf16, #tpu.memory_space<vmem>>, vector<10000x32xbf16>
    tpu.vector_store %arg6[%swap3A, %swap3A_42], %convert_element_type3A_41 {strides = array<i32>} : memref<10000x32xbf16, #tpu.memory_space<vmem>>, vector<10000x32xbf16>,
    %get3A_44 = arith.constant 0 : index
    %get3A_45 = arith.constant 0 : index
    %get3A_46 = vector.load %arg5[%get3A_44, %get3A_45] : memref<64x32xf32, #tpu.memory_space<vmem>>, vector<64x32xf32>
    %dot_general3A_47 = arith.constant dense<0.000000e+00> : vector<10000x32xf32>
    %dot_general3A_48 = tpu.matmul %max3A_36, %get3A_46, %dot_general3A_47 {dimension_numbers = #tpu.dot_dimension_numbers<[1], [0], [0], [1], [0, 0, 1, 1], [], []>, transpose_lhs_hint = false} : vector<10000x64xf32>, vector<64x32xf32>, vector<10000x32xf32> -> vector<10000x32xf32>
    %swap3A_49 = arith.constant 0 : index
    %swap3A_50 = arith.constant 0 : index
    %swap3A_51 = vector.load %arg7[%swap3A_49, %swap3A_50] : memref<10000x32xf32, #tpu.memory_space<vmem>>, vector<10000x32xf32>
    tpu.vector_store %arg7[%swap3A_49, %swap3A_50], %dot_general3A_48 {strides = array<i32>} : memref<10000x32xf32, #tpu.memory_space<vmem>>, vector<10000x32xf32>,
    return
  }
}

module attributes {stable_mosaic.version = 14 : i64} {
  func.func @_tc3_body(%arg0: memref<10000x32xf32, #tpu.memory_space<vmem>>, %arg1: memref<2x10240x32xbf16, #tpu.memory_space<vmem>>, %arg2: memref<2x10240x16xbf16, #tpu.memory_space<vmem>>, %arg3: memref<32xf32, #tpu.memory_space<vmem>>, %arg4: memref<1x10000xi32, #tpu.memory_space<vmem>>, %arg5: memref<32x2xf32, #tpu.memory_space<vmem>>, %arg6: memref<2xf32, #tpu.memory_space<vmem>>, %arg7: memref<64x2xf32, #tpu.memory_space<vmem>>) attributes {dimension_semantics = [], scalar_prefetch = 0 : i64, scratch_operands = 0 : i64, tpu.core_type = #tpu.core_type<tc>} {
    %get3A = arith.constant 0 : index
    %get3A_0 = arith.constant 0 : index
    %get3A_1 = arith.constant 0 : index
    %get3A_2 = vector.load %arg1[%get3A, %get3A_0, %get3A_1] : memref<2x10240x32xbf16, #tpu.memory_space<vmem>>, vector<1x10000x32xbf16>
    %get3A_3 = vector.shape_cast %get3A_2 : vector<1x10000x32xbf16> to vector<10000x32xbf16>
    %convert_element_type3A = arith.extf %get3A_3 : vector<10000x32xbf16> to vector<10000x32xf32>
    %get3A_4 = arith.constant 1 : index
    %get3A_5 = arith.constant 0 : index
    %get3A_6 = arith.constant 0 : index
    %get3A_7 = vector.load %arg1[%get3A_4, %get3A_5, %get3A_6] : memref<2x10240x32xbf16, #tpu.memory_space<vmem>>, vector<1x10000x32xbf16>
    %get3A_8 = vector.shape_cast %get3A_7 : vector<1x10000x32xbf16> to vector<10000x32xbf16>
    %convert_element_type3A_9 = arith.extf %get3A_8 : vector<10000x32xbf16> to vector<10000x32xf32>
    %add3A = arith.addf %convert_element_type3A, %convert_element_type3A_9 : vector<10000x32xf32>
    %get3A_10 = arith.constant 0 : index
    %get3A_11 = arith.constant 0 : index
    %get3A_12 = arith.constant 0 : index
    %get3A_13 = vector.load %arg2[%get3A_10, %get3A_11, %get3A_12] : memref<2x10240x16xbf16, #tpu.memory_space<vmem>>, vector<1x10000x1xbf16>
    %get3A_14 = vector.shape_cast %get3A_13 : vector<1x10000x1xbf16> to vector<10000x1xbf16>
    %convert_element_type3A_15 = arith.extf %get3A_14 : vector<10000x1xbf16> to vector<10000x1xf32>
    %get3A_16 = arith.constant 1 : index
    %get3A_17 = arith.constant 0 : index
    %get3A_18 = arith.constant 0 : index
    %get3A_19 = vector.load %arg2[%get3A_16, %get3A_17, %get3A_18] : memref<2x10240x16xbf16, #tpu.memory_space<vmem>>, vector<1x10000x1xbf16>
    %get3A_20 = vector.shape_cast %get3A_19 : vector<1x10000x1xbf16> to vector<10000x1xbf16>
    %convert_element_type3A_21 = arith.extf %get3A_20 : vector<10000x1xbf16> to vector<10000x1xf32>
    %add3A_22 = arith.addf %convert_element_type3A_15, %convert_element_type3A_21 : vector<10000x1xf32>
    %max3A = arith.constant 1.000000e+00 : f32
    %max3A_23 = vector.broadcast %max3A : f32 to vector<10000x1xf32>
    %max3A_24 = arith.maximumf %add3A_22, %max3A_23 : vector<10000x1xf32>
    %div3A = vector.broadcast %max3A_24 : vector<10000x1xf32> to vector<10000x32xf32>
    %div3A_25 = arith.divf %add3A, %div3A : vector<10000x32xf32>
    %get3A_26 = arith.constant 0 : index
    %get3A_27 = arith.constant 0 : index
    %get3A_28 = vector.load %arg0[%get3A_26, %get3A_27] : memref<10000x32xf32, #tpu.memory_space<vmem>>, vector<10000x32xf32>
    %add3A_29 = arith.addf %get3A_28, %div3A_25 : vector<10000x32xf32>
    %get3A_30 = arith.constant 0 : index
    %get3A_31 = vector.load %arg3[%get3A_30] : memref<32xf32, #tpu.memory_space<vmem>>, vector<32xf32>
    %broadcast_in_dim3A = vector.shape_cast %get3A_31 : vector<32xf32> to vector<1x32xf32>
    %add3A_32 = vector.broadcast %broadcast_in_dim3A : vector<1x32xf32> to vector<10000x32xf32>
    %add3A_33 = arith.addf %add3A_29, %add3A_32 : vector<10000x32xf32>
    %max3A_34 = arith.constant 0.000000e+00 : f32
    %max3A_35 = vector.broadcast %max3A_34 : f32 to vector<10000x32xf32>
    %max3A_36 = arith.maximumf %add3A_33, %max3A_35 : vector<10000x32xf32>
    %iota3A = tpu.iota {dimensions = array<i32: 0>} : vector<64x10000xi32>
    %get3A_37 = arith.constant 0 : index
    %get3A_38 = arith.constant 0 : index
    %get3A_39 = vector.load %arg4[%get3A_37, %get3A_38] : memref<1x10000xi32, #tpu.memory_space<vmem>>, vector<1x10000xi32>
    %eq3A = vector.broadcast %get3A_39 : vector<1x10000xi32> to vector<64x10000xi32>
    %eq3A_40 = arith.cmpi eq, %eq3A, %iota3A : vector<64x10000xi32>
    %convert_element_type3A_41 = arith.extui %eq3A_40 : vector<64x10000xi1> to vector<64x10000xi32>
    %convert_element_type3A_42 = arith.sitofp %convert_element_type3A_41 : vector<64x10000xi32> to vector<64x10000xf32>
    %dot_general3A = arith.constant dense<0.000000e+00> : vector<64x32xf32>
    %dot_general3A_43 = tpu.matmul %convert_element_type3A_42, %max3A_36, %dot_general3A {dimension_numbers = #tpu.dot_dimension_numbers<[1], [0], [0], [1], [0, 0, 1, 1], [], []>, transpose_lhs_hint = false} : vector<64x10000xf32>, vector<10000x32xf32>, vector<64x32xf32> -> vector<64x32xf32>
    %reduce_sum3A = arith.constant dense<0.000000e+00> : vector<64xf32>
    %reduce_sum3A_44 = vector.multi_reduction <add>, %convert_element_type3A_42, %reduce_sum3A [1] : vector<64x10000xf32> to vector<64xf32>
    %broadcast_in_dim3A_45 = vector.shape_cast %reduce_sum3A_44 : vector<64xf32> to vector<64x1xf32>
    %max3A_46 = arith.constant 1.000000e+00 : f32
    %max3A_47 = vector.broadcast %max3A_46 : f32 to vector<64x1xf32>
    %max3A_48 = arith.maximumf %broadcast_in_dim3A_45, %max3A_47 : vector<64x1xf32>
    %div3A_49 = vector.broadcast %max3A_48 : vector<64x1xf32> to vector<64x32xf32>
    %div3A_50 = arith.divf %dot_general3A_43, %div3A_49 : vector<64x32xf32>
    %get3A_51 = arith.constant 0 : index
    %get3A_52 = arith.constant 0 : index
    %get3A_53 = vector.load %arg5[%get3A_51, %get3A_52] : memref<32x2xf32, #tpu.memory_space<vmem>>, vector<32x2xf32>
    %dot_general3A_54 = arith.constant dense<0.000000e+00> : vector<64x2xf32>
    %dot_general3A_55 = tpu.matmul %div3A_50, %get3A_53, %dot_general3A_54 {dimension_numbers = #tpu.dot_dimension_numbers<[1], [0], [0], [1], [0, 0, 1, 1], [], []>, transpose_lhs_hint = false} : vector<64x32xf32>, vector<32x2xf32>, vector<64x2xf32> -> vector<64x2xf32>
    %get3A_56 = arith.constant 0 : index
    %get3A_57 = vector.load %arg6[%get3A_56] : memref<2xf32, #tpu.memory_space<vmem>>, vector<2xf32>
    %broadcast_in_dim3A_58 = vector.shape_cast %get3A_57 : vector<2xf32> to vector<1x2xf32>
    %add3A_59 = vector.broadcast %broadcast_in_dim3A_58 : vector<1x2xf32> to vector<64x2xf32>
    %add3A_60 = arith.addf %dot_general3A_55, %add3A_59 : vector<64x2xf32>
    %reduce_max3A = arith.constant dense<0xFF800000> : vector<64xf32>
    %reduce_max3A_61 = vector.multi_reduction <maximumf>, %add3A_60, %reduce_max3A [1] : vector<64x2xf32> to vector<64xf32>
    %broadcast_in_dim3A_62 = vector.shape_cast %reduce_max3A_61 : vector<64xf32> to vector<64x1xf32>
    %sub3A = vector.broadcast %broadcast_in_dim3A_62 : vector<64x1xf32> to vector<64x2xf32>
    %sub3A_63 = arith.subf %add3A_60, %sub3A : vector<64x2xf32>
    %exp3A = math.exp %sub3A_63 : vector<64x2xf32>
    %reduce_sum3A_64 = arith.constant dense<0.000000e+00> : vector<64xf32>
    %reduce_sum3A_65 = vector.multi_reduction <add>, %exp3A, %reduce_sum3A_64 [1] : vector<64x2xf32> to vector<64xf32>
    %broadcast_in_dim3A_66 = vector.shape_cast %reduce_sum3A_65 : vector<64xf32> to vector<64x1xf32>
    %log3A = math.log %broadcast_in_dim3A_66 : vector<64x1xf32>
    %add3A_67 = arith.addf %broadcast_in_dim3A_62, %log3A : vector<64x1xf32>
    %sub3A_68 = vector.broadcast %add3A_67 : vector<64x1xf32> to vector<64x2xf32>
    %sub3A_69 = arith.subf %add3A_60, %sub3A_68 : vector<64x2xf32>
    %swap3A = arith.constant 0 : index
    %swap3A_70 = arith.constant 0 : index
    %swap3A_71 = vector.load %arg7[%swap3A, %swap3A_70] : memref<64x2xf32, #tpu.memory_space<vmem>>, vector<64x2xf32>
    tpu.vector_store %arg7[%swap3A, %swap3A_70], %sub3A_69 {strides = array<i32>} : memref<64x2xf32, #tpu.memory_space<vmem>>, vector<64x2xf32>,
    return
  }
}

</mosaic_0001>

<sc_bundles>
// kernel: kernel.10.cloned.1.call-start
scs
__scs_entry_jumppad:
0x0: {  	(pc) =	sbr.rel $0x88, $3  }
0x1: {  	(tag) =	ssettag $0x0;
	lr =	simm.s32 $0x1  }
0x2: {  	[smem:$0x3F96] =	sst lr;
	_ =	strace $0xD0000000  }
0x3: {  	_ = 	snop  }
0x4: {  	_ = 	snop  }
0x5: {  	_ = 	snop  }
0x6: {  	_ = 	snop  }
0x7: {  	_ = 	snop  }
__scs_overlays_trampoline_lowered:
0x8: {  	[smem:$0x3FA5] =	sst s0  }
0x9: {  	[smem:$0x3FA6] =	sst s1  }
0xa: {  	[smem:$0x3FA7] =	sst s2  }
0xb: {  	[smem:$0x3FA8] =	sst s3  }
0xc: {  	[smem:$0x3FA9] =	sst s4  }
0xd: {  	[smem:$0x3FAA] =	sst s5  }
0xe: {  	[smem:$0x3FAB] =	sst s6  }
0xf: {  	[smem:$0x3FAC] =	sst s7  }
0x10: {  	[smem:$0x3FAD] =	sst s8  }
0x11: {  	[smem:$0x3FAE] =	sst s9;
	s0 =	simm.s32 @!p0 $0x0  }
0x12: {  	s1 =	sld [smem:$0x3F94];
	s0 =	simm.s32 @p0 $0x1  }
0x13: {  	[smem:$0x3FAF] =	sst s0;
	s0 =	simm.s32 @!p1 $0x0  }
0x14: {  	s2 =	sld [smem:$0x3F93];
	s0 =	simm.s32 @p1 $0x1  }
0x15: {  	[smem:$0x3FB0] =	sst s0;
	s0 =	simm.s32 @!p2 $0x0  }
0x16: {  	s3 =	sld [smem:$0x3FDB];
	s0 =	simm.s32 @p2 $0x1  }
0x17: {  	s4 =	simm.s32 $0x1BF5;
	[smem:$0x3FB2] =	sst s0  }
0x18: {  	s0 =	sld [smem:$0x3F95];
	_ =	swait.ge [sflag:s4], $0x0  }
0x19: {  	s7 =	sld [smem:$0x3F96]  }
0x1a: {  	s8 =	sadd.s32 $0xFFFFE003, lr  }
0x1b: {  	s9 =	sadd.s32 $0xFFFFFEF7, lr;
	s5 =	simm.s32 $0xFFFFFFFF;
	p2 =	slt.u32 s8, $0xFFFFF086  }
0x1c: {  	p1 =	slt.u32 s9, $0xF7A;
	s5 =	simm.s32 @!p2 $0x0  }
0x1d: {  	s5 =	simm.s32 @p1 $0x1;
	p0 =	seq.s32 s7, s2  }
0x1e: {  	s7 =	smul.u32 @!p0 $0xF7A, s2;
	p2 =	seq.s32 @!p0 s5, $0x0  }
0x1f: {  	s9 =	smul.u32 $0xF7A, s1;
	s8 =	simm.s32 @!p0 $0x1BF5;
	p2 =	por !p2, p0  }
0x20: {  	[sflag:s8] =	ssyncset.s32 @!p0 $0xFFFFF086;
	s6 =	sadd.s32 @!p0 s3, s7;
	s7 =	simm.s32 @!p0 $0x108  }
0x21: {  	s3 =	sadd.s32 s3, s9;
	s6 =	sadd.s32 @!p0 $0x88, s6;
	s7 =	simm.s32 @p2 $0x1082  }
0x22: {  	[simem:s7], [sflag:s8] =	dma.local @!p0 [hbm:s6], $0xF7A  }
0x23: {  	s9 =	sor.u32 $0xD0000000, s2;
	s6 =	simm.s32 $0x108;
	_ =	swait.ge @!p0 [sflag:s8], $0x0  }
0x24: {  	s3 =	sadd.s32 $0x88, s3;
	s6 =	simm.s32 @!p1 $0x1082;
	[sflag:s4] =	ssyncset.s32 $0xFFFFF086  }
0x25: {  	[simem:s6], [sflag:s4] =	dma.local [hbm:s3], $0xF7A  }
0x26: {  	[smem:$0x3F96] =	sst s1;
	(tag) =	ssettag s2;
	_ =	strace s9  }
0x27: {  	s1 =	sld [smem:$0x3FA6]  }
0x28: {  	s2 =	sld [smem:$0x3FA7]  }
0x29: {  	s4 =	sld [smem:$0x3FA9]  }
0x2a: {  	p0 =	seq.s32 s5, $0x0;
	s5 =	sld [smem:$0x3FAA]  }
0x2b: {  	s6 =	sld [smem:$0x3FAB]  }
0x2c: {  	s7 =	sld [smem:$0x3FAC]  }
0x2d: {  	s3 =	simm.s32 $0x108;
	s8 =	sld [smem:$0x3FAD]  }
0x2e: {  	s3 =	simm.s32 @!p0 $0x1082;
	s9 =	sld [smem:$0x3FAE]  }
0x2f: {  	lr =	sadd.s32 s0, s3;
	s0 =	sld [smem:$0x3FA5]  }
0x30: {  	s3 =	sld [smem:$0x3FA8]  }
0x31: {  	[smem:$0x3FB1] =	sst s10  }
0x32: {  	s10 =	sld [smem:$0x3FAF];
	_ =	sdelay $0x3  }
0x33: {  	p0 =	seq.s32 s10, $0x1;
	s10 =	sld [smem:$0x3FB1];
	_ =	sdelay $0x3  }
0x34: {  	[smem:$0x3FB1] =	sst s10  }
0x35: {  	s10 =	sld [smem:$0x3FB0];
	_ =	sdelay $0x3  }
0x36: {  	p1 =	seq.s32 s10, $0x1;
	s10 =	sld [smem:$0x3FB1];
	_ =	sdelay $0x3  }
0x37: {  	[smem:$0x3FB1] =	sst s10  }
0x38: {  	s10 =	sld [smem:$0x3FB2]  }
0x39: {  	_ = 	snop;
	(pc) =	sbr.ind lr, $3  }
0x3a: {  	_ = 	snop  }
0x3b: {  	_ = 	snop  }
0x3c: {  	p2 =	seq.s32 s10, $0x1;
	s10 =	sld [smem:$0x3FB1]  }
0x3d: {  	_ =	shalt  }
0x3e: {  	_ =	shalt  }
0x3f: {  	_ =	shalt  }
0x40: {  	_ =	shalt  }
0x41: {  	_ =	shalt  }
0x42: {  	_ =	shalt  }
0x43: {  	_ =	shalt  }
0x44: {  	_ =	shalt  }
0x45: {  	_ =	shalt  }
0x46: {  	_ =	shalt  }
0x47: {  	_ =	shalt  }
0x48: {  	_ =	shalt  }
0x49: {  	_ =	shalt  }
0x4a: {  	_ =	shalt  }
0x4b: {  	_ =	shalt  }
0x4c: {  	_ =	shalt  }
0x4d: {  	_ =	shalt  }
0x4e: {  	_ =	shalt  }
0x4f: {  	_ =	shalt  }
0x50: {  	_ =	shalt  }
0x51: {  	_ =	shalt  }
0x52: {  	_ =	shalt  }
0x53: {  	_ =	shalt  }
0x54: {  	_ =	shalt  }
0x55: {  	_ =	shalt  }
0x56: {  	_ =	shalt  }
0x57: {  	_ =	shalt  }
0x58: {  	_ =	shalt  }
0x59: {  	_ =	shalt  }
0x5a: {  	_ =	shalt  }
0x5b: {  	_ =	shalt  }
0x5c: {  	_ =	shalt  }
0x5d: {  	_ =	shalt  }
0x5e: {  	_ =	shalt  }
0x5f: {  	_ =	shalt  }
0x60: {  	_ =	shalt  }
0x61: {  	_ =	shalt  }
0x62: {  	_ =	shalt  }
0x63: {  	_ =	shalt  }
0x64: {  	_ =	shalt  }
0x65: {  	_ =	shalt  }
0x66: {  	_ =	shalt  }
0x67: {  	_ =	shalt  }
0x68: {  	_ =	shalt  }
0x69: {  	_ =	shalt  }
0x6a: {  	_ =	shalt  }
0x6b: {  	_ =	shalt  }
0x6c: {  	_ =	shalt  }
0x6d: {  	_ =	shalt  }
0x6e: {  	_ =	shalt  }
0x6f: {  	_ =	shalt  }
0x70: {  	_ =	shalt  }
0x71: {  	_ =	shalt  }
0x72: {  	_ =	shalt  }
0x73: {  	_ =	shalt  }
0x74: {  	_ =	shalt  }
0x75: {  	_ =	shalt  }
0x76: {  	_ =	shalt  }
0x77: {  	_ =	shalt  }
0x78: {  	_ =	shalt  }
0x79: {  	_ =	shalt  }
0x7a: {  	_ =	shalt  }
0x7b: {  	_ =	shalt  }
0x7c: {  	_ =	shalt  }
0x7d: {  	_ =	shalt  }
0x7e: {  	_ =	shalt  }
0x7f: {  	_ =	shalt  }
0x80: {  	_ =	shalt  }
0x81: {  	_ =	shalt  }
0x82: {  	_ =	shalt  }
0x83: {  	_ =	shalt  }
0x84: {  	_ =	shalt  }
0x85: {  	_ =	shalt  }
0x86: {  	_ =	shalt  }
0x87: {  	_ =	shalt  }
.Lfunc_end0:
.L_simem_size_0:
called_computation.1_lowered:
.L_overlay_start_0:
0x88: {  	s2 =	sld [smem:$0x3FD9]  }
0x89: {  	s3 =	sld [smem:$0x3FFE];
	_ =	sdelay $0x1  }
0x8a: {  	s1 =	srdreg.scid  }
0x8b: {  	s0 =	sand.u32 $0x1, s1  }
0x8c: {  	s16 =	sshll.u32 s0, $0xA;
	s2 =	sadd.s32 s3, s2  }
0x8d: {  	s2 =	sadd.s32 s2, s16  }
0x8e: {  	[smem:$0x3FBD] =	sst s2  }
0x8f: {  	_ = 	snop  }
0x90: {  	(tm) =	ssettm $0x1  }
0x91: {  	s17 =	sld [smem:$0x3FFB];
	_ =	sdelay $0x3  }
0x92: {  	_ =	strace s17  }
0x93: {  	s2 =	sld [smem:$0x3FFC];
	_ =	sdelay $0x3  }
0x94: {  	_ =	strace s2  }
0x95: {  	s2 =	sld [smem:$0x3FFD];
	_ =	sdelay $0x3  }
0x96: {  	_ =	strace s2  }
0x97: {  	_ =	strace $0x8FFFFFFF  }
0x98: {  	s18 =	sld [smem:$0x3FDB];
	_ =	sdelay $0x1  }
0x99: {  	s19 =	simm.s32 $_scs_section_size  }
0x9a: {  	s4 =	simm.s32 $_size__tile_overlayer_lowered;
	s5 =	simm.s32 $_tile_overlayer_lowered  }
0x9b: {  	s22 =	simm.s32 $0x1BFF;
	s21 =	sshll.u32 s5, $0x1;
	s2 =	sadd.s32 s19, s18  }
0x9c: {  	s6 =	simm.s32 $0x0;
	s20 =	sshll.u32 s4, $0x1;
	s4 =	sadd.s32 s21, s2  }
0x9d: {  	[timem:s6], [sflag:s22] =	dma.local [hbm:s4], s20  }
0x9e: {  	_ =	swait.ge [sflag:s22], s20  }
0x9f: {  	s3 =	ssub.s32 $0x0, s20;
	[sflag:s22] =	ssyncset.done $0x0  }
0xa0: {  	[sflag:s22] =	ssyncadd.s32 s3;
	_ =	sdelay $0x1  }
0xa1: {  	s23 =	simm.s32 $0x1B8B  }
0xa2: {  	_ =	swait.ge [sflag:s23], $0x1  }
0xa3: {  	[sflag:s23] =	ssyncset.done $0x0  }
0xa4: {  	s25 =	simm.s32 $0x1B8E;
	s24 =	sld [smem:$0x3FFE];
	[sflag:s23] =	ssyncadd.s32 $0xFFFFFFFF  }
0xa5: {  	s26 =	simm.s32 $execute0_lowered;
	[smem:$0x3FD2] =	sst s25  }
0xa6: {  	s4 =	sshll.u32 s26, $0x1;
	_ =	strace $0x80000049;
	[dreg:$0x1] =	wrdreg $0xFFFFFFFF  }
0xa7: {  	s28 =	simm.s32 $_size_execute0_lowered;
	s2 =	sadd.s32 s2, s4;
	[dreg:$0x0] =	wrdreg $0x0  }
0xa8: {  	s4 =	sshll.u32 s28, $0x1;
	[dreg:$0x2] =	wrdreg s2  }
0xa9: {  	[dreg:$0x3] =	wrdreg s4  }
0xaa: {  	[dreg:$0x4] =	wrdreg $0xC0  }
0xab: {  	_ =	task [dreg:s6], $0x5FFFF  }
0xac: {  	[dreg:$0x1] =	wrdreg $0xFFFFFFFF  }
0xad: {  	[dreg:$0x0] =	wrdreg $0x60  }
0xae: {  	[dreg:$0x2] =	wrdreg s24  }
0xaf: {  	[dreg:$0x3] =	wrdreg $0x148200  }
0xb0: {  	[dreg:$0x4] =	wrdreg $0x9  }
0xb1: {  	_ =	task.clear_ibuf [dreg:s6], $0x5FFFF;
	_ =	strace $0x90000049  }
0xb2: {  	s29 =	simm.s32 $0x9;
	_ =	strace $0x8000004B  }
0xb3: {  	_ =	swait.ge [sflag:s29], $0x1  }
0xb4: {  	[sflag:s29] =	ssyncadd.s32 $0xFFFFFFFF  }
0xb5: {  	_ =	strace $0x9000004B  }
0xb6: {  	_ =	sfence  }
0xb7: {  	s30 =	sld [smem:$0x0];
	_ =	sdelay $0x2  }
0xb8: {  	s31 =	sshll.u32 s1, $0xD;
	s1 =	sshrl.u32 s1, $0x2  }
0xb9: {  	s3 =	sand.u32 $0x4000, s31;
	s1 =	sadd.s32 s1, s30  }
0xba: {  	s0 =	sor.u32 s3, s0;
	s1 =	sshll.u32 s1, $0x11  }
0xbb: {  	s0 =	sor.u32 s1, s0  }
0xbc: {  	s0 =	sadd.s32 $0x8F2B, s0  }
0xbd: {  	[sflag:s0] =	ssyncadd.remote.s32 $0x1  }
0xbe: {  	_ =	sfence.sel $0xFFFF  }
0xbf: {  	[dreg:$0x0] =	wrdreg $0xFFFFFFFF;
	(pc) =	sbr.abs _section_cstart, $3  }
0xc0: {  	[dreg:$0x1] =	wrdreg $0xFFFFFFFF  }
0xc1: {  	_ =	task.clear_ibuf [dreg:s6], $0x2FFFF;
	_ =	strace $0x9FFFFFFF  }
0xc2: {  	(tm) =	ssettm $0x7FFFFFFF  }
0xc3: {  	_ =	shalt  }
tec
execute0_lowered:
.L_overlay_start_1:
0x0: {  	(tag) =	ssettag $0x1  }
0x1: {  	s0 =	srdreg.scid  }
0x2: {  	s6 =	rddreg [dreg:$0x0];
	s1 =	sand.u32 $0x1, s0  }
0x3: {  	s20 =	stileid.u32;
	s19 =	rddreg [dreg:$0x1];
	s0 =	sshll.u32 s1, $0x4  }
0x4: {  	s22 =	rddreg [dreg:$0x2];
	s5 =	simm.s32 $0x0;
	s0 =	sor.u32 s20, s0  }
0x5: {  	s29 =	simm.s32 $0x7D0;
	[smem:$0x7FF] =	sst s5;
	s4 =	smul.u32 $0x2710, s0  }
0x6: {  	p0 =	por $0x0, $0x0;
	_ =	strace $0x8000004A;
	s25 =	smul.u32 $0x50000, s1  }
0x7: {  	s1 =	ssub.s32 $0x2, s1;
	s0 =	sadd.s32 $0x19600, s6;
	s3 =	sshrl.u32 s4, $0x3  }
0x8: {  	s11 =	sadd.s32 $0x3E8, s4;
	s8 =	sadd.s32 $0x4E5E8, s4;
	s15 =	sadd.s32 $0xBB8, s4  }
0x9: {  	s17 =	sadd.s32 $0x4EDB8, s4;
	s23 =	sadd.s32 $0x1388, s4;
	s28 =	sadd.s32 s0, s3  }
0xa: {  	s3 =	sshrl.u32 s11, $0x3;
	s12 =	sshrl.u32 s8, $0x3;
	s18 =	sshrl.u32 s17, $0x3  }
0xb: {  	s8 =	smul.u32 $0x5000, s20;
	s11 =	sadd.s32 $0x4F588, s4;
	s7 =	sadd.s32 $0x9C40, s28  }
0xc: {  	s3 =	sadd.s32 s0, s3;
	s13 =	sadd.s32 s0, s12;
	[dreg:$0x3] =	wrdreg s7  }
0xd: {  	s14 =	sadd.s32 $0xFA, s28;
	s16 =	sadd.s32 $0x9D3A, s28;
	[dreg:$0x4] =	wrdreg s3  }
0xe: {  	s21 =	sadd.s32 $0x1F4, s28;
	s10 =	sadd.s32 $0x9E34, s28;
	[dreg:$0x5] =	wrdreg s13  }
0xf: {  	s24 =	sshrl.u32 s11, $0x3;
	s30 =	sadd.s32 $0x2EE, s28;
	[dreg:$0x6] =	wrdreg s14  }
0x10: {  	s11 =	sadd.s32 $0x1B58, s4;
	s12 =	sadd.s32 $0x9F2E, s28;
	[dreg:$0x7] =	wrdreg s16  }
0x11: {  	s17 =	sadd.s32 $0xA028, s28;
	s3 =	sshrl.u32 s15, $0x3;
	[dreg:$0xa] =	wrdreg s21  }
0x12: {  	s7 =	sadd.s32 s0, s18;
	s9 =	sshrl.u32 s8, $0x4;
	[dreg:$0xb] =	wrdreg s10  }
0x13: {  	s26 =	sadd.s32 s0, s24;
	s2 =	sadd.s32 s8, s25;
	[dreg:$0xe] =	wrdreg s30  }
0x14: {  	s13 =	sadd.s32 $0x4FD58, s4;
	[dreg:$0xf] =	wrdreg s12;
	s15 =	sadd.s32 $0x3E8, s28  }
0x15: {  	s16 =	sadd.s32 $0x2328, s4;
	s4 =	sadd.s32 $0x50528, s4;
	[dreg:$0x13] =	wrdreg s17  }
0x16: {  	s18 =	sshrl.u32 s1, $0x1;
	s21 =	sshrl.u32 s8, $0x1;
	s25 =	sshll.u32 s20, $0x6  }
0x17: {  	s8 =	simm.s32 $0x6;
	s3 =	sadd.s32 s0, s3;
	[dreg:$0x9] =	wrdreg s7  }
0x18: {  	s7 =	sshrl.u32 s23, $0x3;
	s9 =	sadd.s32 s9, s6;
	[dreg:$0xd] =	wrdreg s26  }
0x19: {  	s13 =	sshrl.u32 s13, $0x3;
	s10 =	sshrl.u32 s2, $0x4;
	[dreg:$0x12] =	wrdreg s15  }
0x1a: {  	s4 =	sshrl.u32 s4, $0x3;
	s1 =	ssub.s32 s1, s18;
	s23 =	sadd.s32 s21, s19  }
0x1b: {  	s31 =	sor.u32 $0x1C06, s25;
	s21 =	simm.s32 $0xBB8;
	s15 =	simm.s32 $0x5  }
0x1c: {  	s2 =	simm.s32 $0x109A0;
	[dreg:$0x8] =	wrdreg s3;
	s3 =	sadd.s32 $0x3000, s6  }
0x1d: {  	s7 =	sadd.s32 s0, s7;
	s14 =	sadd.s32 s0, s13;
	s6 =	sadd.s32 s10, s6  }
0x1e: {  	s24 =	sadd.s32 $0x46400, s9;
	s30 =	smax.u32 s1, $0x1;
	[dreg:$0xc] =	wrdreg s7  }
0x1f: {  	s13 =	simm.s32 $0x2;
	s7 =	sshrl.u32 s11, $0x3;
	[dreg:$0x11] =	wrdreg s14  }
0x20: {  	[dreg:$0x16] =	wrdreg s24;
	s26 =	sadd.s32 $0x8000, s6;
	s6 =	simm.s32 $0x3E8  }
0x21: {  	p1 =	sne.s32 s30, $0x1;
	s7 =	sadd.s32 s0, s7;
	[dreg:$0x17] =	wrdreg s26  }
.Ltmp0:
0x22: {  	[dreg:$0x10] =	wrdreg s7;
	s7 =	sshrl.u32 s16, $0x3;
	(pc) =	sbr.rel @!p1 .LBB2_1-.Ltmp0, $4  }
0x23: {  	s14 =	simm.s32 $0x4E20;
	s18 =	rddreg [dreg:$0x16];
	s7 =	sadd.s32 s0, s7  }
0x24: {  	s11 =	simm.s32 $0x8CA0;
	s0 =	sadd.s32 s0, s4;
	[dreg:$0x14] =	wrdreg s7  }
0x25: {  	s26 =	simm.s32 $0x3;
	s16 =	simm.s32 $0x1;
	[dreg:$0x15] =	wrdreg s0  }
0x26: {  	s7 =	sshrl.u32 s23, $0x3;
	s0 =	sadd.s32 $0xFFFFFFFF, s30;
	s23 =	simm.s32 $0xCB20  }
0x27: {  	s17 =	rddreg [dreg:$0x3]  }
0x28: {  	[tilespmem:s5], [sflag:$0x5] =	stream.linear.gather [hbm4b:s28+s5], $0x3E8, $0x38;
	[tilespmem:$0x17020] =	vst v63  }
0x29: {  	s1 =	rddreg [dreg:$0x4];
	s2 =	smov.u32 s0;
	s0 =	simm.s32 $0x2710  }
0x2a: {  	[tilespmem:s0], [sflag:$0x5] =	stream.linear.gather [hbm4b:s17+s5], $0x3E8, $0x38;
	[tilespmem:$0x17020] =	vst v63  }
0x2b: {  	s25 =	rddreg [dreg:$0x5]  }
0x2c: {  	[tilespmem:s6], [sflag:$0x5] =	stream.linear.gather [hbm4b:s1+s5], $0x3E8, $0x38;
	[tilespmem:$0x17020] =	vst v63  }
0x2d: {  	s30 =	rddreg [dreg:$0x6];
	s20 =	simm.s32 $0x2AF8  }
0x2e: {  	[tilespmem:s20], [sflag:$0x5] =	stream.linear.gather [hbm4b:s25+s5], $0x3E8, $0x38;
	[tilespmem:$0x17020] =	vst v63  }
0x2f: {  	s4 =	rddreg [dreg:$0x7]  }
0x30: {  	[tilespmem:s29], [sflag:$0x5] =	stream.linear.gather [hbm4b:s30+s5], $0x3E8, $0x38;
	[tilespmem:$0x17020] =	vst v63  }
0x31: {  	s9 =	rddreg [dreg:$0x8];
	s11 =	simm.s32 $0x2EE0  }
0x32: {  	[tilespmem:s11], [sflag:$0x5] =	stream.linear.gather [hbm4b:s4+s5], $0x3E8, $0x38;
	[tilespmem:$0x17020] =	vst v63  }
0x33: {  	s10 =	rddreg [dreg:$0x9]  }
0x34: {  	[tilespmem:s21], [sflag:$0x5] =	stream.linear.gather [hbm4b:s9+s5], $0x3E8, $0x38;
	[tilespmem:$0x17020] =	vst v63  }
0x35: {  	s12 =	rddreg [dreg:$0xa];
	s25 =	simm.s32 $0x32C8  }
0x36: {  	[tilespmem:s25], [sflag:$0x5] =	stream.linear.gather [hbm4b:s10+s5], $0x3E8, $0x38;
	[tilespmem:$0x17020] =	vst v63  }
0x37: {  	s14 =	rddreg [dreg:$0xb];
	s24 =	simm.s32 $0xFA0  }
0x38: {  	[tilespmem:s24], [sflag:$0x5] =	stream.linear.gather [hbm4b:s12+s5], $0x3E8, $0x38;
	[tilespmem:$0x17020] =	vst v63  }
0x39: {  	s22 =	simm.s32 $0x36B0;
	s23 =	rddreg [dreg:$0xd]  }
0x3a: {  	[tilespmem:s22], [sflag:$0x5] =	stream.linear.gather [hbm4b:s14+s5], $0x3E8, $0x38;
	[tilespmem:$0x17020] =	vst v63  }
0x3b: {  	s4 =	rddreg [dreg:$0xc];
	s12 =	simm.s32 $0x1388  }
0x3c: {  	[tilespmem:s12], [sflag:$0x5] =	stream.linear.gather [hbm4b:s4+s5], $0x3E8, $0x38;
	[tilespmem:$0x17020] =	vst v63  }
0x3d: {  	[dreg:$0x18] =	wrdreg s7;
	s9 =	simm.s32 $0x3A98  }
0x3e: {  	[tilespmem:s9], [sflag:$0x5] =	stream.linear.gather [hbm4b:s23+s5], $0x3E8, $0x38;
	[tilespmem:$0x17020] =	vst v63  }
0x3f: {  	s30 =	rddreg [dreg:$0xe];
	s9 =	simm.s32 $0x1770  }
0x40: {  	[tilespmem:s9], [sflag:$0x5] =	stream.linear.gather [hbm4b:s30+s5], $0x3E8, $0x38;
	[tilespmem:$0x17020] =	vst v63  }
0x41: {  	s10 =	rddreg [dreg:$0xf];
	s22 =	simm.s32 $0x3E80  }
0x42: {  	[tilespmem:s22], [sflag:$0x5] =	stream.linear.gather [hbm4b:s10+s5], $0x3E8, $0x38;
	[tilespmem:$0x17020] =	vst v63  }
0x43: {  	s14 =	rddreg [dreg:$0x10];
	s10 =	simm.s32 $0x1B58  }
0x44: {  	[tilespmem:s10], [sflag:$0x5] =	stream.linear.gather [hbm4b:s14+s5], $0x3E8, $0x38;
	[tilespmem:$0x17020] =	vst v63  }
0x45: {  	s23 =	rddreg [dreg:$0x11];
	s30 =	simm.s32 $0x4268  }
0x46: {  	[tilespmem:s30], [sflag:$0x5] =	stream.linear.gather [hbm4b:s23+s5], $0x3E8, $0x38;
	[tilespmem:$0x17020] =	vst v63  }
0x47: {  	s14 =	rddreg [dreg:$0x12];
	s23 =	simm.s32 $0x1F40  }
0x48: {  	[tilespmem:s23], [sflag:$0x5] =	stream.linear.gather [hbm4b:s14+s5], $0x3E8, $0x38;
	[tilespmem:$0x17020] =	vst v63  }
0x49: {  	s7 =	rddreg [dreg:$0x13];
	s14 =	simm.s32 $0x4650  }
0x4a: {  	[tilespmem:s14], [sflag:$0x5] =	stream.linear.gather [hbm4b:s7+s5], $0x3E8, $0x38;
	[tilespmem:$0x17020] =	vst v63  }
0x4b: {  	s30 =	rddreg [dreg:$0x14];
	s7 =	simm.s32 $0x2328  }
0x4c: {  	[tilespmem:s7], [sflag:$0x5] =	stream.linear.gather [hbm4b:s30+s5], $0x3E8, $0x38;
	[tilespmem:$0x17020] =	vst v63  }
0x4d: {  	s17 =	rddreg [dreg:$0x15];
	s30 =	simm.s32 $0x4A38  }
0x4e: {  	[tilespmem:s30], [sflag:$0x5] =	stream.linear.gather [hbm4b:s17+s5], $0x3E8, $0x38;
	[tilespmem:$0x17020] =	vst v63  }
0x4f: {  	s17 =	rddreg [dreg:$0x18]  }
0x50: {  	[spmem:s17], [sflag:s31] =	dma.local [hbm:s18], $0x500  }
0x51: {  	_ =	swait.ge [sflag:s8], $0x500  }
0x52: {  	[sflag:s8] =	ssyncset.done $0x0  }
0x53: {  	[sflag:s8] =	ssyncadd.s32 $0xFFFFFB00  }
0x54: {  	_ =	swait.ge [sflag:s15], $0x3E8  }
0x55: {  	[sflag:s15] =	ssyncset.done $0x0  }
0x56: {  	[sflag:s15] =	ssyncadd.s32 $0xFFFFFC18  }
0x57: {  	_ =	swait.ge [sflag:s15], $0x3E8  }
0x58: {  	[sflag:s15] =	ssyncset.done $0x0  }
0x59: {  	[sflag:s15] =	ssyncadd.s32 $0xFFFFFC18  }
0x5a: {  	_ =	swait.ge [sflag:s15], $0x3E8  }
0x5b: {  	[sflag:s15] =	ssyncset.done $0x0  }
0x5c: {  	[sflag:s15] =	ssyncadd.s32 $0xFFFFFC18  }
0x5d: {  	_ =	swait.ge [sflag:s15], $0x3E8  }
0x5e: {  	[sflag:s15] =	ssyncset.done $0x0  }
0x5f: {  	[sflag:s15] =	ssyncadd.s32 $0xFFFFFC18  }
0x60: {  	_ =	swait.ge [sflag:s15], $0x3E8  }
0x61: {  	[sflag:s15] =	ssyncset.done $0x0  }
0x62: {  	[sflag:s15] =	ssyncadd.s32 $0xFFFFFC18  }
0x63: {  	_ =	swait.ge [sflag:s15], $0x3E8  }
0x64: {  	[sflag:s15] =	ssyncset.done $0x0  }
0x65: {  	[sflag:s15] =	ssyncadd.s32 $0xFFFFFC18  }
0x66: {  	_ =	swait.ge [sflag:s15], $0x3E8  }
0x67: {  	[sflag:s15] =	ssyncset.done $0x0  }
0x68: {  	[sflag:s15] =	ssyncadd.s32 $0xFFFFFC18  }
0x69: {  	_ =	swait.ge [sflag:s15], $0x3E8  }
0x6a: {  	[sflag:s15] =	ssyncset.done $0x0  }
0x6b: {  	[sflag:s15] =	ssyncadd.s32 $0xFFFFFC18  }
0x6c: {  	_ =	swait.ge [sflag:s15], $0x3E8  }
0x6d: {  	[sflag:s15] =	ssyncset.done $0x0  }
0x6e: {  	[sflag:s15] =	ssyncadd.s32 $0xFFFFFC18  }
0x6f: {  	_ =	swait.ge [sflag:s15], $0x3E8  }
0x70: {  	[sflag:s15] =	ssyncset.done $0x0  }
0x71: {  	[sflag:s15] =	ssyncadd.s32 $0xFFFFFC18  }
0x72: {  	_ =	swait.ge [sflag:s15], $0x3E8  }
0x73: {  	[sflag:s15] =	ssyncset.done $0x0  }
0x74: {  	[sflag:s15] =	ssyncadd.s32 $0xFFFFFC18  }
0x75: {  	_ =	swait.ge [sflag:s15], $0x3E8  }
0x76: {  	[sflag:s15] =	ssyncset.done $0x0  }
0x77: {  	[sflag:s15] =	ssyncadd.s32 $0xFFFFFC18  }
0x78: {  	_ =	swait.ge [sflag:s15], $0x3E8  }
0x79: {  	[sflag:s15] =	ssyncset.done $0x0  }
0x7a: {  	[sflag:s15] =	ssyncadd.s32 $0xFFFFFC18  }
0x7b: {  	_ =	swait.ge [sflag:s15], $0x3E8  }
0x7c: {  	[sflag:s15] =	ssyncset.done $0x0  }
0x7d: {  	[sflag:s15] =	ssyncadd.s32 $0xFFFFFC18  }
0x7e: {  	_ =	swait.ge [sflag:s15], $0x3E8  }
0x7f: {  	[sflag:s15] =	ssyncset.done $0x0  }
0x80: {  	[sflag:s15] =	ssyncadd.s32 $0xFFFFFC18  }
0x81: {  	_ =	swait.ge [sflag:s15], $0x3E8  }
0x82: {  	[sflag:s15] =	ssyncset.done $0x0  }
0x83: {  	[sflag:s15] =	ssyncadd.s32 $0xFFFFFC18  }
0x84: {  	_ =	swait.ge [sflag:s15], $0x3E8  }
0x85: {  	[sflag:s15] =	ssyncset.done $0x0  }
0x86: {  	[sflag:s15] =	ssyncadd.s32 $0xFFFFFC18  }
0x87: {  	_ =	swait.ge [sflag:s15], $0x3E8  }
0x88: {  	[sflag:s15] =	ssyncset.done $0x0  }
0x89: {  	[sflag:s15] =	ssyncadd.s32 $0xFFFFFC18  }
0x8a: {  	_ =	swait.ge [sflag:s15], $0x3E8  }
0x8b: {  	[sflag:s15] =	ssyncset.done $0x0  }
0x8c: {  	[sflag:s15] =	ssyncadd.s32 $0xFFFFFC18  }
0x8d: {  	_ =	swait.ge [sflag:s15], $0x3E8  }
0x8e: {  	[sflag:s15] =	ssyncset.done $0x0  }
0x8f: {  	[sflag:s15] =	ssyncadd.s32 $0xFFFFFC18  }
0x90: {  	s22 =	simm.s32 $0x4E20;
	[bflag:$0x0] =	sbarrier.arrive $0xFFFF  }
0x91: {  	[tilespmem:s22], [sflag:$0x1] =	stream.indirect.gather [hbm4b:s3+s6], $0x10, s5, s6, $0xb8;
	[tilespmem:$0x17020] =	vst v63  }
0x92: {  	s14 =	simm.s32 $0x8CA0  }
0x93: {  	[tilespmem:s14], [sflag:$0x2] =	stream.indirect.gather [hbm4b:s3+s6], $0x10, s6, s6, $0xb8;
	[tilespmem:$0x17020] =	vst v63  }
0x94: {  	s1 =	simm.s32 $0xCB20  }
0x95: {  	[tilespmem:s1], [sflag:$0x3] =	stream.indirect.gather [hbm4b:s3+s6], $0x10, s29, s6, $0xb8;
	[tilespmem:$0x17020] =	vst v63  }
0x96: {  	_ =	swait.ge [sflag:s16], $0x3E80  }
0x97: {  	[sflag:s16] =	ssyncset.done $0x0  }
0x98: {  	s4 =	simm.s32 $0x109A0;
	[sflag:s16] =	ssyncadd.s32 $0xFFFFC180  }
0x99: {  	[tilespmem:s4], [sflag:$0x4] =	stream.indirect.gather [hbm4b:s3+s6], $0x10, s21, s6, $0xb8;
	[tilespmem:$0x17020] =	vst v63  }
0x9a: {  	_ = 	snop  }
0x9b: {  	[spmem:s19] =	stream.indirect.scatter.add.bf16 [tilespmem:s22], [sflag:$0x6], $0x10, s0, s6, $0xb8;
	[tilespmem:$0x17020] =	vst v63  }
0x9c: {  	_ =	swait.ge [sflag:s8], $0x3E80  }
0x9d: {  	[sflag:s8] =	ssyncset.done $0x0  }
0x9e: {  	[sflag:s8] =	ssyncadd.s32 $0xFFFFC180  }
0x9f: {  	_ =	swait.ge [sflag:s13], $0x3E80  }
0xa0: {  	[sflag:s13] =	ssyncset.done $0x0  }
0xa1: {  	[sflag:s13] =	ssyncadd.s32 $0xFFFFC180  }
0xa2: {  	[tilespmem:s22], [sflag:$0x1] =	stream.indirect.gather [hbm4b:s3+s6], $0x10, s24, s6, $0xb8;
	[tilespmem:$0x17020] =	vst v63  }
0xa3: {  	_ = 	snop  }
0xa4: {  	[spmem:s19] =	stream.indirect.scatter.add.bf16 [tilespmem:s14], [sflag:$0x6], $0x10, s20, s6, $0xb8;
	[tilespmem:$0x17020] =	vst v63  }
0xa5: {  	_ =	swait.ge [sflag:s8], $0x3E80  }
0xa6: {  	[sflag:s8] =	ssyncset.done $0x0  }
0xa7: {  	[sflag:s8] =	ssyncadd.s32 $0xFFFFC180  }
0xa8: {  	_ =	swait.ge [sflag:s26], $0x3E80  }
0xa9: {  	[sflag:s26] =	ssyncset.done $0x0  }
0xaa: {  	[sflag:s26] =	ssyncadd.s32 $0xFFFFC180  }
0xab: {  	[tilespmem:s14], [sflag:$0x2] =	stream.indirect.gather [hbm4b:s3+s6], $0x10, s12, s6, $0xb8;
	[tilespmem:$0x17020] =	vst v63  }
0xac: {  	_ = 	snop  }
0xad: {  	[spmem:s19] =	stream.indirect.scatter.add.bf16 [tilespmem:s1], [sflag:$0x6], $0x10, s11, s6, $0xb8;
	[tilespmem:$0x17020] =	vst v63  }
0xae: {  	_ =	swait.ge [sflag:s8], $0x3E80  }
0xaf: {  	[sflag:s8] =	ssyncset.done $0x0  }
0xb0: {  	s18 =	simm.s32 $0x4;
	[sflag:s8] =	ssyncadd.s32 $0xFFFFC180  }
0xb1: {  	_ =	swait.ge [sflag:s18], $0x3E80  }
0xb2: {  	[sflag:s18] =	ssyncset.done $0x0  }
0xb3: {  	[sflag:s18] =	ssyncadd.s32 $0xFFFFC180  }
0xb4: {  	[tilespmem:s1], [sflag:$0x3] =	stream.indirect.gather [hbm4b:s3+s6], $0x10, s9, s6, $0xb8;
	[tilespmem:$0x17020] =	vst v63  }
0xb5: {  	_ = 	snop  }
0xb6: {  	[spmem:s19] =	stream.indirect.scatter.add.bf16 [tilespmem:s4], [sflag:$0x6], $0x10, s25, s6, $0xb8;
	[tilespmem:$0x17020] =	vst v63  }
0xb7: {  	_ =	swait.ge [sflag:s8], $0x3E80  }
0xb8: {  	[sflag:s8] =	ssyncset.done $0x0  }
0xb9: {  	[sflag:s8] =	ssyncadd.s32 $0xFFFFC180  }
0xba: {  	_ =	swait.ge [sflag:s16], $0x3E80  }
0xbb: {  	[sflag:s16] =	ssyncset.done $0x0  }
0xbc: {  	[sflag:s16] =	ssyncadd.s32 $0xFFFFC180  }
0xbd: {  	[tilespmem:s4], [sflag:$0x4] =	stream.indirect.gather [hbm4b:s3+s6], $0x10, s10, s6, $0xb8;
	[tilespmem:$0x17020] =	vst v63  }
0xbe: {  	s21 =	simm.s32 $0x36B0  }
0xbf: {  	[spmem:s19] =	stream.indirect.scatter.add.bf16 [tilespmem:s22], [sflag:$0x6], $0x10, s21, s6, $0xb8;
	[tilespmem:$0x17020] =	vst v63  }
0xc0: {  	_ =	swait.ge [sflag:s8], $0x3E80  }
0xc1: {  	[sflag:s8] =	ssyncset.done $0x0  }
0xc2: {  	[sflag:s8] =	ssyncadd.s32 $0xFFFFC180  }
0xc3: {  	_ =	swait.ge [sflag:s13], $0x3E80  }
0xc4: {  	[sflag:s13] =	ssyncset.done $0x0  }
0xc5: {  	[sflag:s13] =	ssyncadd.s32 $0xFFFFC180  }
0xc6: {  	[tilespmem:s22], [sflag:$0x1] =	stream.indirect.gather [hbm4b:s3+s6], $0x10, s23, s6, $0xb8;
	[tilespmem:$0x17020] =	vst v63  }
0xc7: {  	s23 =	simm.s32 $0x3A98  }
0xc8: {  	[spmem:s19] =	stream.indirect.scatter.add.bf16 [tilespmem:s14], [sflag:$0x6], $0x10, s23, s6, $0xb8;
	[tilespmem:$0x17020] =	vst v63  }
0xc9: {  	_ =	swait.ge [sflag:s8], $0x3E80  }
0xca: {  	[sflag:s8] =	ssyncset.done $0x0  }
0xcb: {  	[sflag:s8] =	ssyncadd.s32 $0xFFFFC180  }
0xcc: {  	_ =	swait.ge [sflag:s26], $0x3E80  }
0xcd: {  	[sflag:s26] =	ssyncset.done $0x0  }
0xce: {  	[sflag:s26] =	ssyncadd.s32 $0xFFFFC180  }
0xcf: {  	[tilespmem:s14], [sflag:$0x2] =	stream.indirect.gather [hbm4b:s3+s6], $0x10, s7, s6, $0xb8;
	[tilespmem:$0x17020] =	vst v63  }
0xd0: {  	s24 =	simm.s32 $0x3E80  }
0xd1: {  	[spmem:s19] =	stream.indirect.scatter.add.bf16 [tilespmem:s1], [sflag:$0x6], $0x10, s24, s6, $0xb8;
	[tilespmem:$0x17020] =	vst v63  }
0xd2: {  	_ =	swait.ge [sflag:s8], $0x3E80  }
0xd3: {  	[sflag:s8] =	ssyncset.done $0x0  }
0xd4: {  	[sflag:s8] =	ssyncadd.s32 $0xFFFFC180  }
0xd5: {  	_ =	swait.ge [sflag:s18], $0x3E80  }
0xd6: {  	[sflag:s18] =	ssyncset.done $0x0  }
0xd7: {  	s25 =	simm.s32 $0x4268;
	[sflag:s18] =	ssyncadd.s32 $0xFFFFC180  }
0xd8: {  	[spmem:s19] =	stream.indirect.scatter.add.bf16 [tilespmem:s4], [sflag:$0x6], $0x10, s25, s6, $0xb8;
	[tilespmem:$0x17020] =	vst v63  }
0xd9: {  	s7 =	rddreg [dreg:$0x18];
	_ =	swait.ge [sflag:s8], $0x3E80  }
0xda: {  	[sflag:s8] =	ssyncset.done $0x0  }
0xdb: {  	[sflag:s8] =	ssyncadd.s32 $0xFFFFC180  }
0xdc: {  	_ =	swait.ge [sflag:s16], $0x3E80  }
0xdd: {  	[sflag:s16] =	ssyncset.done $0x0  }
0xde: {  	s29 =	simm.s32 $0x4650;
	s14 =	simm.s32 $0x4E20;
	[sflag:s16] =	ssyncadd.s32 $0xFFFFC180  }
0xdf: {  	[spmem:s19] =	stream.indirect.scatter.add.bf16 [tilespmem:s14], [sflag:$0x6], $0x10, s29, s6, $0xb8;
	[tilespmem:$0x17020] =	vst v63  }
0xe0: {  	_ =	swait.ge [sflag:s8], $0x3E80  }
0xe1: {  	[sflag:s8] =	ssyncset.done $0x0  }
0xe2: {  	[sflag:s8] =	ssyncadd.s32 $0xFFFFC180  }
0xe3: {  	_ =	swait.ge [sflag:s13], $0x3E80  }
0xe4: {  	[sflag:s13] =	ssyncset.done $0x0  }
0xe5: {  	s30 =	simm.s32 $0x4A38;
	s11 =	simm.s32 $0x8CA0;
	[sflag:s13] =	ssyncadd.s32 $0xFFFFC180  }
0xe6: {  	[spmem:s19] =	stream.indirect.scatter.add.bf16 [tilespmem:s11], [sflag:$0x6], $0x10, s30, s6, $0xb8;
	[tilespmem:$0x17020] =	vst v63  }
0xe7: {  	_ =	swait.ge [sflag:s8], $0x3E80  }
0xe8: {  	[sflag:s8] =	ssyncset.done $0x0  }
0xe9: {  	p1 =	sne.s32 s2, $0x1;
	[sflag:s8] =	ssyncadd.s32 $0xFFFFC180  }
.Ltmp1:
0xea: {  	[bflag:$0x0] =	sbarrier.arrive $0xFFFF;
	(pc) =	sbr.rel @!p1 .LBB2_7-.Ltmp1, $4  }
0xeb: {  	s30 =	rddreg [dreg:$0x17]  }
0xec: {  	[hbm:s30], [sflag:s31] =	dma.local [spmem:s7], $0x500  }
0xed: {  	p0 =	por $0x1, $0x1;
	_ =	swait.ge [sflag:s8], $0x500;
	[dreg:$0x19] =	wrdreg s28  }
0xee: {  	s17 =	sadd.s32 $0xFFFFFFFF, s2;
	s18 =	rddreg [dreg:$0x16];
	[sflag:s8] =	ssyncset.done $0x0  }
0xef: {  	s25 =	simm.s32 $0x2AF8;
	s10 =	simm.s32 $0x2EE0;
	s2 =	simm.s32 $0xBB8  }
0xf0: {  	s9 =	simm.s32 $0x32C8;
	s24 =	simm.s32 $0xFA0;
	s1 =	simm.s32 $0x36B0  }
0xf1: {  	s12 =	simm.s32 $0x1388;
	s4 =	simm.s32 $0x1770;
	s28 =	simm.s32 $0x3E80  }
0xf2: {  	s29 =	simm.s32 $0x1B58;
	s23 =	simm.s32 $0x1F40;
	s22 =	simm.s32 $0x4E20  }
.LBB2_4:
0xf3: {  	[sflag:s8] =	ssyncadd.s32 $0xFFFFFB00;
	s0 =	rddreg [dreg:$0x19]  }
0xf4: {  	[tilespmem:s5], [sflag:$0x5] =	stream.linear.gather [hbm4b:s0+s5], $0x3E8, $0x38;
	[tilespmem:$0x17020] =	vst v63  }
0xf5: {  	s20 =	rddreg [dreg:$0x3];
	s0 =	simm.s32 $0x2710  }
0xf6: {  	[tilespmem:s0], [sflag:$0x5] =	stream.linear.gather [hbm4b:s20+s5], $0x3E8, $0x38;
	[tilespmem:$0x17020] =	vst v63  }
0xf7: {  	s21 =	rddreg [dreg:$0x4]  }
0xf8: {  	[tilespmem:s6], [sflag:$0x5] =	stream.linear.gather [hbm4b:s21+s5], $0x3E8, $0x38;
	[tilespmem:$0x17020] =	vst v63  }
0xf9: {  	s26 =	rddreg [dreg:$0x5]  }
0xfa: {  	[tilespmem:s25], [sflag:$0x5] =	stream.linear.gather [hbm4b:s26+s5], $0x3E8, $0x38;
	[tilespmem:$0x17020] =	vst v63  }
0xfb: {  	s7 =	rddreg [dreg:$0x6];
	s26 =	simm.s32 $0x7D0  }
0xfc: {  	[tilespmem:s26], [sflag:$0x5] =	stream.linear.gather [hbm4b:s7+s5], $0x3E8, $0x38;
	[tilespmem:$0x17020] =	vst v63  }
0xfd: {  	s11 =	rddreg [dreg:$0x7]  }
0xfe: {  	[tilespmem:s10], [sflag:$0x5] =	stream.linear.gather [hbm4b:s11+s5], $0x3E8, $0x38;
	[tilespmem:$0x17020] =	vst v63  }
0xff: {  	s14 =	rddreg [dreg:$0x8]  }
0x100: {  	[tilespmem:s2], [sflag:$0x5] =	stream.linear.gather [hbm4b:s14+s5], $0x3E8, $0x38;
	[tilespmem:$0x17020] =	vst v63  }
0x101: {  	s7 =	rddreg [dreg:$0x9]  }
0x102: {  	[tilespmem:s9], [sflag:$0x5] =	stream.linear.gather [hbm4b:s7+s5], $0x3E8, $0x38;
	[tilespmem:$0x17020] =	vst v63  }
0x103: {  	s11 =	rddreg [dreg:$0xa]  }
0x104: {  	[tilespmem:s24], [sflag:$0x5] =	stream.linear.gather [hbm4b:s11+s5], $0x3E8, $0x38;
	[tilespmem:$0x17020] =	vst v63  }
0x105: {  	s14 =	rddreg [dreg:$0xb]  }
0x106: {  	[tilespmem:s1], [sflag:$0x5] =	stream.linear.gather [hbm4b:s14+s5], $0x3E8, $0x38;
	[tilespmem:$0x17020] =	vst v63  }
0x107: {  	s7 =	rddreg [dreg:$0xc]  }
0x108: {  	[tilespmem:s12], [sflag:$0x5] =	stream.linear.gather [hbm4b:s7+s5], $0x3E8, $0x38;
	[tilespmem:$0x17020] =	vst v63  }
0x109: {  	s30 =	smov.u32 s31;
	s31 =	simm.s32 $0x3A98;
	s11 =	rddreg [dreg:$0xd]  }
0x10a: {  	[tilespmem:s31], [sflag:$0x5] =	stream.linear.gather [hbm4b:s11+s5], $0x3E8, $0x38;
	[tilespmem:$0x17020] =	vst v63  }
0x10b: {  	s14 =	rddreg [dreg:$0xe]  }
0x10c: {  	[tilespmem:s4], [sflag:$0x5] =	stream.linear.gather [hbm4b:s14+s5], $0x3E8, $0x38;
	[tilespmem:$0x17020] =	vst v63  }
0x10d: {  	s7 =	rddreg [dreg:$0xf]  }
0x10e: {  	[tilespmem:s28], [sflag:$0x5] =	stream.linear.gather [hbm4b:s7+s5], $0x3E8, $0x38;
	[tilespmem:$0x17020] =	vst v63  }
0x10f: {  	s11 =	rddreg [dreg:$0x10]  }
0x110: {  	[tilespmem:s29], [sflag:$0x5] =	stream.linear.gather [hbm4b:s11+s5], $0x3E8, $0x38;
	[tilespmem:$0x17020] =	vst v63  }
0x111: {  	s14 =	rddreg [dreg:$0x11];
	s7 =	simm.s32 $0x4268  }
0x112: {  	[tilespmem:s7], [sflag:$0x5] =	stream.linear.gather [hbm4b:s14+s5], $0x3E8, $0x38;
	[tilespmem:$0x17020] =	vst v63  }
0x113: {  	s11 =	rddreg [dreg:$0x12]  }
0x114: {  	[tilespmem:s23], [sflag:$0x5] =	stream.linear.gather [hbm4b:s11+s5], $0x3E8, $0x38;
	[tilespmem:$0x17020] =	vst v63  }
0x115: {  	s14 =	rddreg [dreg:$0x13];
	s11 =	simm.s32 $0x4650  }
0x116: {  	[tilespmem:s11], [sflag:$0x5] =	stream.linear.gather [hbm4b:s14+s5], $0x3E8, $0x38;
	[tilespmem:$0x17020] =	vst v63  }
0x117: {  	s21 =	rddreg [dreg:$0x14];
	s11 =	simm.s32 $0x2328  }
0x118: {  	[tilespmem:s11], [sflag:$0x5] =	stream.linear.gather [hbm4b:s21+s5], $0x3E8, $0x38;
	[tilespmem:$0x17020] =	vst v63  }
0x119: {  	s20 =	rddreg [dreg:$0x15];
	s21 =	simm.s32 $0x4A38  }
0x11a: {  	[tilespmem:s21], [sflag:$0x5] =	stream.linear.gather [hbm4b:s20+s5], $0x3E8, $0x38;
	[tilespmem:$0x17020] =	vst v63  }
0x11b: {  	s20 =	rddreg [dreg:$0x18]  }
0x11c: {  	[spmem:s20], [sflag:s30] =	dma.local [hbm:s18], $0x500  }
0x11d: {  	_ =	swait.ge [sflag:s8], $0x500  }
0x11e: {  	[sflag:s8] =	ssyncset.done $0x0  }
0x11f: {  	[sflag:s8] =	ssyncadd.s32 $0xFFFFFB00  }
0x120: {  	_ =	swait.ge [sflag:s15], $0x3E8  }
0x121: {  	[sflag:s15] =	ssyncset.done $0x0  }
0x122: {  	[sflag:s15] =	ssyncadd.s32 $0xFFFFFC18  }
0x123: {  	_ =	swait.ge [sflag:s15], $0x3E8  }
0x124: {  	[sflag:s15] =	ssyncset.done $0x0  }
0x125: {  	[sflag:s15] =	ssyncadd.s32 $0xFFFFFC18  }
0x126: {  	_ =	swait.ge [sflag:s15], $0x3E8  }
0x127: {  	[sflag:s15] =	ssyncset.done $0x0  }
0x128: {  	[sflag:s15] =	ssyncadd.s32 $0xFFFFFC18  }
0x129: {  	_ =	swait.ge [sflag:s15], $0x3E8  }
0x12a: {  	[sflag:s15] =	ssyncset.done $0x0  }
0x12b: {  	[sflag:s15] =	ssyncadd.s32 $0xFFFFFC18  }
0x12c: {  	_ =	swait.ge [sflag:s15], $0x3E8  }
0x12d: {  	[sflag:s15] =	ssyncset.done $0x0  }
0x12e: {  	[sflag:s15] =	ssyncadd.s32 $0xFFFFFC18  }
0x12f: {  	_ =	swait.ge [sflag:s15], $0x3E8  }
0x130: {  	[sflag:s15] =	ssyncset.done $0x0  }
0x131: {  	[sflag:s15] =	ssyncadd.s32 $0xFFFFFC18  }
0x132: {  	_ =	swait.ge [sflag:s15], $0x3E8  }
0x133: {  	[sflag:s15] =	ssyncset.done $0x0  }
0x134: {  	[sflag:s15] =	ssyncadd.s32 $0xFFFFFC18  }
0x135: {  	_ =	swait.ge [sflag:s15], $0x3E8  }
0x136: {  	[sflag:s15] =	ssyncset.done $0x0  }
0x137: {  	[sflag:s15] =	ssyncadd.s32 $0xFFFFFC18  }
0x138: {  	_ =	swait.ge [sflag:s15], $0x3E8  }
0x139: {  	[sflag:s15] =	ssyncset.done $0x0  }
0x13a: {  	[sflag:s15] =	ssyncadd.s32 $0xFFFFFC18  }
0x13b: {  	_ =	swait.ge [sflag:s15], $0x3E8  }
0x13c: {  	[sflag:s15] =	ssyncset.done $0x0  }
0x13d: {  	[sflag:s15] =	ssyncadd.s32 $0xFFFFFC18  }
0x13e: {  	_ =	swait.ge [sflag:s15], $0x3E8  }
0x13f: {  	[sflag:s15] =	ssyncset.done $0x0  }
0x140: {  	[sflag:s15] =	ssyncadd.s32 $0xFFFFFC18  }
0x141: {  	_ =	swait.ge [sflag:s15], $0x3E8  }
0x142: {  	[sflag:s15] =	ssyncset.done $0x0  }
0x143: {  	[sflag:s15] =	ssyncadd.s32 $0xFFFFFC18  }
0x144: {  	_ =	swait.ge [sflag:s15], $0x3E8  }
0x145: {  	[sflag:s15] =	ssyncset.done $0x0  }
0x146: {  	[sflag:s15] =	ssyncadd.s32 $0xFFFFFC18  }
0x147: {  	_ =	swait.ge [sflag:s15], $0x3E8  }
0x148: {  	[sflag:s15] =	ssyncset.done $0x0  }
0x149: {  	[sflag:s15] =	ssyncadd.s32 $0xFFFFFC18  }
0x14a: {  	_ =	swait.ge [sflag:s15], $0x3E8  }
0x14b: {  	[sflag:s15] =	ssyncset.done $0x0  }
0x14c: {  	[sflag:s15] =	ssyncadd.s32 $0xFFFFFC18  }
0x14d: {  	_ =	swait.ge [sflag:s15], $0x3E8  }
0x14e: {  	[sflag:s15] =	ssyncset.done $0x0  }
0x14f: {  	[sflag:s15] =	ssyncadd.s32 $0xFFFFFC18  }
0x150: {  	_ =	swait.ge [sflag:s15], $0x3E8  }
0x151: {  	[sflag:s15] =	ssyncset.done $0x0  }
0x152: {  	[sflag:s15] =	ssyncadd.s32 $0xFFFFFC18  }
0x153: {  	_ =	swait.ge [sflag:s15], $0x3E8  }
0x154: {  	[sflag:s15] =	ssyncset.done $0x0  }
0x155: {  	[sflag:s15] =	ssyncadd.s32 $0xFFFFFC18  }
0x156: {  	_ =	swait.ge [sflag:s15], $0x3E8  }
0x157: {  	[sflag:s15] =	ssyncset.done $0x0  }
0x158: {  	[sflag:s15] =	ssyncadd.s32 $0xFFFFFC18  }
0x159: {  	_ =	swait.ge [sflag:s15], $0x3E8  }
0x15a: {  	[sflag:s15] =	ssyncset.done $0x0  }
0x15b: {  	[sflag:s15] =	ssyncadd.s32 $0xFFFFFC18  }
0x15c: {  	[bflag:$0x0] =	sbarrier.arrive $0xFFFF  }
0x15d: {  	[tilespmem:s22], [sflag:$0x1] =	stream.indirect.gather [hbm4b:s3+s6], $0x10, s5, s6, $0xb8;
	[tilespmem:$0x17020] =	vst v63  }
0x15e: {  	s14 =	simm.s32 $0x8CA0  }
0x15f: {  	[tilespmem:s14], [sflag:$0x2] =	stream.indirect.gather [hbm4b:s3+s6], $0x10, s6, s6, $0xb8;
	[tilespmem:$0x17020] =	vst v63  }
0x160: {  	s18 =	simm.s32 $0xCB20  }
0x161: {  	[tilespmem:s18], [sflag:$0x3] =	stream.indirect.gather [hbm4b:s3+s6], $0x10, s26, s6, $0xb8;
	[tilespmem:$0x17020] =	vst v63  }
0x162: {  	_ =	swait.ge [sflag:s16], $0x3E80  }
0x163: {  	[sflag:s16] =	ssyncset.done $0x0  }
0x164: {  	s20 =	simm.s32 $0x109A0;
	[sflag:s16] =	ssyncadd.s32 $0xFFFFC180  }
0x165: {  	[tilespmem:s20], [sflag:$0x4] =	stream.indirect.gather [hbm4b:s3+s6], $0x10, s2, s6, $0xb8;
	[tilespmem:$0x17020] =	vst v63  }
0x166: {  	_ = 	snop  }
0x167: {  	[spmem:s19] =	stream.indirect.scatter.add.bf16 [tilespmem:s22], [sflag:$0x6], $0x10, s0, s6, $0xb8;
	[tilespmem:$0x17020] =	vst v63  }
0x168: {  	_ =	swait.ge [sflag:s8], $0x3E80  }
0x169: {  	[sflag:s8] =	ssyncset.done $0x0  }
0x16a: {  	[sflag:s8] =	ssyncadd.s32 $0xFFFFC180  }
0x16b: {  	_ =	swait.ge [sflag:s13], $0x3E80  }
0x16c: {  	[sflag:s13] =	ssyncset.done $0x0  }
0x16d: {  	[sflag:s13] =	ssyncadd.s32 $0xFFFFC180  }
0x16e: {  	[tilespmem:s22], [sflag:$0x1] =	stream.indirect.gather [hbm4b:s3+s6], $0x10, s24, s6, $0xb8;
	[tilespmem:$0x17020] =	vst v63  }
0x16f: {  	_ = 	snop  }
0x170: {  	[spmem:s19] =	stream.indirect.scatter.add.bf16 [tilespmem:s14], [sflag:$0x6], $0x10, s25, s6, $0xb8;
	[tilespmem:$0x17020] =	vst v63  }
0x171: {  	_ =	swait.ge [sflag:s8], $0x3E80  }
0x172: {  	[sflag:s8] =	ssyncset.done $0x0  }
0x173: {  	s26 =	simm.s32 $0x3;
	[sflag:s8] =	ssyncadd.s32 $0xFFFFC180  }
0x174: {  	_ =	swait.ge [sflag:s26], $0x3E80  }
0x175: {  	[sflag:s26] =	ssyncset.done $0x0  }
0x176: {  	[sflag:s26] =	ssyncadd.s32 $0xFFFFC180  }
0x177: {  	[tilespmem:s14], [sflag:$0x2] =	stream.indirect.gather [hbm4b:s3+s6], $0x10, s12, s6, $0xb8;
	[tilespmem:$0x17020] =	vst v63  }
0x178: {  	_ = 	snop  }
0x179: {  	[spmem:s19] =	stream.indirect.scatter.add.bf16 [tilespmem:s18], [sflag:$0x6], $0x10, s10, s6, $0xb8;
	[tilespmem:$0x17020] =	vst v63  }
0x17a: {  	_ =	swait.ge [sflag:s8], $0x3E80  }
0x17b: {  	[sflag:s8] =	ssyncset.done $0x0  }
0x17c: {  	s0 =	simm.s32 $0x4;
	[sflag:s8] =	ssyncadd.s32 $0xFFFFC180  }
0x17d: {  	_ =	swait.ge [sflag:s0], $0x3E80  }
0x17e: {  	[sflag:s0] =	ssyncset.done $0x0  }
0x17f: {  	[sflag:s0] =	ssyncadd.s32 $0xFFFFC180  }
0x180: {  	[tilespmem:s18], [sflag:$0x3] =	stream.indirect.gather [hbm4b:s3+s6], $0x10, s4, s6, $0xb8;
	[tilespmem:$0x17020] =	vst v63  }
0x181: {  	_ = 	snop  }
0x182: {  	[spmem:s19] =	stream.indirect.scatter.add.bf16 [tilespmem:s20], [sflag:$0x6], $0x10, s9, s6, $0xb8;
	[tilespmem:$0x17020] =	vst v63  }
0x183: {  	_ =	swait.ge [sflag:s8], $0x3E80  }
0x184: {  	[sflag:s8] =	ssyncset.done $0x0  }
0x185: {  	[sflag:s8] =	ssyncadd.s32 $0xFFFFC180  }
0x186: {  	_ =	swait.ge [sflag:s16], $0x3E80  }
0x187: {  	[sflag:s16] =	ssyncset.done $0x0  }
0x188: {  	[sflag:s16] =	ssyncadd.s32 $0xFFFFC180  }
0x189: {  	[tilespmem:s20], [sflag:$0x4] =	stream.indirect.gather [hbm4b:s3+s6], $0x10, s29, s6, $0xb8;
	[tilespmem:$0x17020] =	vst v63  }
0x18a: {  	_ = 	snop  }
0x18b: {  	[spmem:s19] =	stream.indirect.scatter.add.bf16 [tilespmem:s22], [sflag:$0x6], $0x10, s1, s6, $0xb8;
	[tilespmem:$0x17020] =	vst v63  }
0x18c: {  	_ =	swait.ge [sflag:s8], $0x3E80  }
0x18d: {  	[sflag:s8] =	ssyncset.done $0x0  }
0x18e: {  	[sflag:s8] =	ssyncadd.s32 $0xFFFFC180  }
0x18f: {  	_ =	swait.ge [sflag:s13], $0x3E80  }
0x190: {  	[sflag:s13] =	ssyncset.done $0x0  }
0x191: {  	[sflag:s13] =	ssyncadd.s32 $0xFFFFC180  }
0x192: {  	[tilespmem:s22], [sflag:$0x1] =	stream.indirect.gather [hbm4b:s3+s6], $0x10, s23, s6, $0xb8;
	[tilespmem:$0x17020] =	vst v63  }
0x193: {  	_ = 	snop  }
0x194: {  	[spmem:s19] =	stream.indirect.scatter.add.bf16 [tilespmem:s14], [sflag:$0x6], $0x10, s31, s6, $0xb8;
	[tilespmem:$0x17020] =	vst v63  }
0x195: {  	_ =	swait.ge [sflag:s8], $0x3E80  }
0x196: {  	[sflag:s8] =	ssyncset.done $0x0  }
0x197: {  	[sflag:s8] =	ssyncadd.s32 $0xFFFFC180  }
0x198: {  	_ =	swait.ge [sflag:s26], $0x3E80  }
0x199: {  	[sflag:s26] =	ssyncset.done $0x0  }
0x19a: {  	[sflag:s26] =	ssyncadd.s32 $0xFFFFC180  }
0x19b: {  	[tilespmem:s14], [sflag:$0x2] =	stream.indirect.gather [hbm4b:s3+s6], $0x10, s11, s6, $0xb8;
	[tilespmem:$0x17020] =	vst v63  }
0x19c: {  	_ = 	snop  }
0x19d: {  	[spmem:s19] =	stream.indirect.scatter.add.bf16 [tilespmem:s18], [sflag:$0x6], $0x10, s28, s6, $0xb8;
	[tilespmem:$0x17020] =	vst v63  }
0x19e: {  	_ =	swait.ge [sflag:s8], $0x3E80  }
0x19f: {  	[sflag:s8] =	ssyncset.done $0x0  }
0x1a0: {  	[sflag:s8] =	ssyncadd.s32 $0xFFFFC180  }
0x1a1: {  	_ =	swait.ge [sflag:s0], $0x3E80  }
0x1a2: {  	[sflag:s0] =	ssyncset.done $0x0  }
0x1a3: {  	[sflag:s0] =	ssyncadd.s32 $0xFFFFC180  }
0x1a4: {  	[spmem:s19] =	stream.indirect.scatter.add.bf16 [tilespmem:s20], [sflag:$0x6], $0x10, s7, s6, $0xb8;
	[tilespmem:$0x17020] =	vst v63  }
0x1a5: {  	s7 =	rddreg [dreg:$0x18];
	_ =	swait.ge [sflag:s8], $0x3E80  }
0x1a6: {  	[sflag:s8] =	ssyncset.done $0x0  }
0x1a7: {  	[sflag:s8] =	ssyncadd.s32 $0xFFFFC180  }
0x1a8: {  	_ =	swait.ge [sflag:s16], $0x3E80  }
0x1a9: {  	[sflag:s16] =	ssyncset.done $0x0  }
0x1aa: {  	s14 =	simm.s32 $0x4E20;
	s20 =	simm.s32 $0x4650;
	[sflag:s16] =	ssyncadd.s32 $0xFFFFC180  }
0x1ab: {  	[spmem:s19] =	stream.indirect.scatter.add.bf16 [tilespmem:s14], [sflag:$0x6], $0x10, s20, s6, $0xb8;
	[tilespmem:$0x17020] =	vst v63  }
0x1ac: {  	_ =	swait.ge [sflag:s8], $0x3E80  }
0x1ad: {  	[sflag:s8] =	ssyncset.done $0x0  }
0x1ae: {  	[sflag:s8] =	ssyncadd.s32 $0xFFFFC180  }
0x1af: {  	_ =	swait.ge [sflag:s13], $0x3E80  }
0x1b0: {  	[sflag:s13] =	ssyncset.done $0x0  }
0x1b1: {  	s11 =	simm.s32 $0x8CA0;
	[sflag:s13] =	ssyncadd.s32 $0xFFFFC180  }
0x1b2: {  	[spmem:s19] =	stream.indirect.scatter.add.bf16 [tilespmem:s11], [sflag:$0x6], $0x10, s21, s6, $0xb8;
	[tilespmem:$0x17020] =	vst v63  }
0x1b3: {  	_ =	swait.ge [sflag:s8], $0x3E80  }
0x1b4: {  	[sflag:s8] =	ssyncset.done $0x0  }
0x1b5: {  	p1 =	sne.s32 s17, $0x1;
	[sflag:s8] =	ssyncadd.s32 $0xFFFFC180  }
.Ltmp2:
0x1b6: {  	[bflag:$0x0] =	sbarrier.arrive $0xFFFF;
	(pc) =	sbr.rel @p1 .LBB2_4-.Ltmp2, $4  }
0x1b7: {  	s21 =	rddreg [dreg:$0x17]  }
0x1b8: {  	[hbm:s21], [sflag:s30] =	dma.local [spmem:s7], $0x500  }
0x1b9: {  	s17 =	sadd.s32 $0xFFFFFFFF, s17;
	_ =	swait.ge [sflag:s8], $0x500  }
0x1ba: {  	s31 =	smov.u32 s30;
	s18 =	rddreg [dreg:$0x16];
	[sflag:s8] =	ssyncset.done $0x0  }
0x1bb: {  	s20 =	stileid.u32  }
0x1bc: {  	s22 =	rddreg [dreg:$0x2];
	s21 =	simm.s32 $0xBB8;
	s29 =	simm.s32 $0x7D0  }
0x1bd: {  	s28 =	rddreg [dreg:$0x19];
	s2 =	simm.s32 $0x109A0;
	s23 =	simm.s32 $0xCB20  }
.LBB2_6:
0x1be: {  	[sflag:s8] =	ssyncadd.s32 @p0 $0xFFFFFB00  }
0x1bf: {  	[tilespmem:s5], [sflag:$0x5] =	stream.linear.gather [hbm4b:s28+s5], $0x3E8, $0x38;
	[tilespmem:$0x17020] =	vst v63  }
0x1c0: {  	s17 =	rddreg [dreg:$0x3];
	s0 =	simm.s32 $0x2710  }
0x1c1: {  	[tilespmem:s0], [sflag:$0x5] =	stream.linear.gather [hbm4b:s17+s5], $0x3E8, $0x38;
	[tilespmem:$0x17020] =	vst v63  }
0x1c2: {  	s12 =	rddreg [dreg:$0x4]  }
0x1c3: {  	[tilespmem:s6], [sflag:$0x5] =	stream.linear.gather [hbm4b:s12+s5], $0x3E8, $0x38;
	[tilespmem:$0x17020] =	vst v63  }
0x1c4: {  	s24 =	rddreg [dreg:$0x5];
	s10 =	simm.s32 $0x2AF8  }
0x1c5: {  	[tilespmem:s10], [sflag:$0x5] =	stream.linear.gather [hbm4b:s24+s5], $0x3E8, $0x38;
	[tilespmem:$0x17020] =	vst v63  }
0x1c6: {  	s25 =	rddreg [dreg:$0x6]  }
0x1c7: {  	[tilespmem:s29], [sflag:$0x5] =	stream.linear.gather [hbm4b:s25+s5], $0x3E8, $0x38;
	[tilespmem:$0x17020] =	vst v63  }
0x1c8: {  	s31 =	simm.s32 $0x2EE0;
	s28 =	rddreg [dreg:$0x7]  }
0x1c9: {  	[tilespmem:s31], [sflag:$0x5] =	stream.linear.gather [hbm4b:s28+s5], $0x3E8, $0x38;
	[tilespmem:$0x17020] =	vst v63  }
0x1ca: {  	s29 =	rddreg [dreg:$0x8]  }
0x1cb: {  	[tilespmem:s21], [sflag:$0x5] =	stream.linear.gather [hbm4b:s29+s5], $0x3E8, $0x38;
	[tilespmem:$0x17020] =	vst v63  }
0x1cc: {  	s1 =	rddreg [dreg:$0x9];
	s29 =	simm.s32 $0x32C8  }
0x1cd: {  	[tilespmem:s29], [sflag:$0x5] =	stream.linear.gather [hbm4b:s1+s5], $0x3E8, $0x38;
	[tilespmem:$0x17020] =	vst v63  }
0x1ce: {  	s4 =	rddreg [dreg:$0xa];
	s21 =	simm.s32 $0xFA0  }
0x1cf: {  	[tilespmem:s21], [sflag:$0x5] =	stream.linear.gather [hbm4b:s4+s5], $0x3E8, $0x38;
	[tilespmem:$0x17020] =	vst v63  }
0x1d0: {  	s9 =	rddreg [dreg:$0xb];
	s1 =	simm.s32 $0x36B0  }
0x1d1: {  	[tilespmem:s1], [sflag:$0x5] =	stream.linear.gather [hbm4b:s9+s5], $0x3E8, $0x38;
	[tilespmem:$0x17020] =	vst v63  }
0x1d2: {  	s24 =	rddreg [dreg:$0xc];
	s1 =	simm.s32 $0x1388  }
0x1d3: {  	[tilespmem:s1], [sflag:$0x5] =	stream.linear.gather [hbm4b:s24+s5], $0x3E8, $0x38;
	[tilespmem:$0x17020] =	vst v63  }
0x1d4: {  	s25 =	rddreg [dreg:$0xd];
	s4 =	simm.s32 $0x3A98  }
0x1d5: {  	[tilespmem:s4], [sflag:$0x5] =	stream.linear.gather [hbm4b:s25+s5], $0x3E8, $0x38;
	[tilespmem:$0x17020] =	vst v63  }
0x1d6: {  	s28 =	rddreg [dreg:$0xe];
	s9 =	simm.s32 $0x1770  }
0x1d7: {  	[tilespmem:s9], [sflag:$0x5] =	stream.linear.gather [hbm4b:s28+s5], $0x3E8, $0x38;
	[tilespmem:$0x17020] =	vst v63  }
0x1d8: {  	s24 =	rddreg [dreg:$0xf];
	s28 =	simm.s32 $0x3E80  }
0x1d9: {  	[tilespmem:s28], [sflag:$0x5] =	stream.linear.gather [hbm4b:s24+s5], $0x3E8, $0x38;
	[tilespmem:$0x17020] =	vst v63  }
0x1da: {  	s25 =	rddreg [dreg:$0x10];
	s24 =	simm.s32 $0x1B58  }
0x1db: {  	[tilespmem:s24], [sflag:$0x5] =	stream.linear.gather [hbm4b:s25+s5], $0x3E8, $0x38;
	[tilespmem:$0x17020] =	vst v63  }
0x1dc: {  	s4 =	rddreg [dreg:$0x11];
	s25 =	simm.s32 $0x4268  }
0x1dd: {  	[tilespmem:s25], [sflag:$0x5] =	stream.linear.gather [hbm4b:s4+s5], $0x3E8, $0x38;
	[tilespmem:$0x17020] =	vst v63  }
0x1de: {  	s12 =	rddreg [dreg:$0x12];
	s4 =	simm.s32 $0x1F40  }
0x1df: {  	[tilespmem:s4], [sflag:$0x5] =	stream.linear.gather [hbm4b:s12+s5], $0x3E8, $0x38;
	[tilespmem:$0x17020] =	vst v63  }
0x1e0: {  	s28 =	rddreg [dreg:$0x13];
	s25 =	simm.s32 $0x4650  }
0x1e1: {  	[tilespmem:s25], [sflag:$0x5] =	stream.linear.gather [hbm4b:s28+s5], $0x3E8, $0x38;
	[tilespmem:$0x17020] =	vst v63  }
0x1e2: {  	s12 =	rddreg [dreg:$0x14];
	s28 =	simm.s32 $0x2328  }
0x1e3: {  	[tilespmem:s28], [sflag:$0x5] =	stream.linear.gather [hbm4b:s12+s5], $0x3E8, $0x38;
	[tilespmem:$0x17020] =	vst v63  }
0x1e4: {  	s17 =	rddreg [dreg:$0x15];
	s12 =	simm.s32 $0x4A38  }
0x1e5: {  	[tilespmem:s12], [sflag:$0x5] =	stream.linear.gather [hbm4b:s17+s5], $0x3E8, $0x38;
	[tilespmem:$0x17020] =	vst v63  }
0x1e6: {  	[spmem:s7], [sflag:s30] =	dma.local [hbm:s18], $0x500  }
0x1e7: {  	_ =	swait.ge [sflag:s8], $0x500  }
0x1e8: {  	[sflag:s8] =	ssyncset.done $0x0  }
0x1e9: {  	[sflag:s8] =	ssyncadd.s32 $0xFFFFFB00  }
0x1ea: {  	_ =	swait.ge [sflag:s15], $0x3E8  }
0x1eb: {  	[sflag:s15] =	ssyncset.done $0x0  }
0x1ec: {  	[sflag:s15] =	ssyncadd.s32 $0xFFFFFC18  }
0x1ed: {  	_ =	swait.ge [sflag:s15], $0x3E8  }
0x1ee: {  	[sflag:s15] =	ssyncset.done $0x0  }
0x1ef: {  	[sflag:s15] =	ssyncadd.s32 $0xFFFFFC18  }
0x1f0: {  	_ =	swait.ge [sflag:s15], $0x3E8  }
0x1f1: {  	[sflag:s15] =	ssyncset.done $0x0  }
0x1f2: {  	[sflag:s15] =	ssyncadd.s32 $0xFFFFFC18  }
0x1f3: {  	_ =	swait.ge [sflag:s15], $0x3E8  }
0x1f4: {  	[sflag:s15] =	ssyncset.done $0x0  }
0x1f5: {  	[sflag:s15] =	ssyncadd.s32 $0xFFFFFC18  }
0x1f6: {  	_ =	swait.ge [sflag:s15], $0x3E8  }
0x1f7: {  	[sflag:s15] =	ssyncset.done $0x0  }
0x1f8: {  	[sflag:s15] =	ssyncadd.s32 $0xFFFFFC18  }
0x1f9: {  	_ =	swait.ge [sflag:s15], $0x3E8  }
0x1fa: {  	[sflag:s15] =	ssyncset.done $0x0  }
0x1fb: {  	[sflag:s15] =	ssyncadd.s32 $0xFFFFFC18  }
0x1fc: {  	_ =	swait.ge [sflag:s15], $0x3E8  }
0x1fd: {  	[sflag:s15] =	ssyncset.done $0x0  }
0x1fe: {  	[sflag:s15] =	ssyncadd.s32 $0xFFFFFC18  }
0x1ff: {  	_ =	swait.ge [sflag:s15], $0x3E8  }
0x200: {  	[sflag:s15] =	ssyncset.done $0x0  }
0x201: {  	[sflag:s15] =	ssyncadd.s32 $0xFFFFFC18  }
0x202: {  	_ =	swait.ge [sflag:s15], $0x3E8  }
0x203: {  	[sflag:s15] =	ssyncset.done $0x0  }
0x204: {  	[sflag:s15] =	ssyncadd.s32 $0xFFFFFC18  }
0x205: {  	_ =	swait.ge [sflag:s15], $0x3E8  }
0x206: {  	[sflag:s15] =	ssyncset.done $0x0  }
0x207: {  	[sflag:s15] =	ssyncadd.s32 $0xFFFFFC18  }
0x208: {  	_ =	swait.ge [sflag:s15], $0x3E8  }
0x209: {  	[sflag:s15] =	ssyncset.done $0x0  }
0x20a: {  	[sflag:s15] =	ssyncadd.s32 $0xFFFFFC18  }
0x20b: {  	_ =	swait.ge [sflag:s15], $0x3E8  }
0x20c: {  	[sflag:s15] =	ssyncset.done $0x0  }
0x20d: {  	[sflag:s15] =	ssyncadd.s32 $0xFFFFFC18  }
0x20e: {  	_ =	swait.ge [sflag:s15], $0x3E8  }
0x20f: {  	[sflag:s15] =	ssyncset.done $0x0  }
0x210: {  	[sflag:s15] =	ssyncadd.s32 $0xFFFFFC18  }
0x211: {  	_ =	swait.ge [sflag:s15], $0x3E8  }
0x212: {  	[sflag:s15] =	ssyncset.done $0x0  }
0x213: {  	[sflag:s15] =	ssyncadd.s32 $0xFFFFFC18  }
0x214: {  	_ =	swait.ge [sflag:s15], $0x3E8  }
0x215: {  	[sflag:s15] =	ssyncset.done $0x0  }
0x216: {  	[sflag:s15] =	ssyncadd.s32 $0xFFFFFC18  }
0x217: {  	_ =	swait.ge [sflag:s15], $0x3E8  }
0x218: {  	[sflag:s15] =	ssyncset.done $0x0  }
0x219: {  	[sflag:s15] =	ssyncadd.s32 $0xFFFFFC18  }
0x21a: {  	_ =	swait.ge [sflag:s15], $0x3E8  }
0x21b: {  	[sflag:s15] =	ssyncset.done $0x0  }
0x21c: {  	[sflag:s15] =	ssyncadd.s32 $0xFFFFFC18  }
0x21d: {  	_ =	swait.ge [sflag:s15], $0x3E8  }
0x21e: {  	[sflag:s15] =	ssyncset.done $0x0  }
0x21f: {  	[sflag:s15] =	ssyncadd.s32 $0xFFFFFC18  }
0x220: {  	_ =	swait.ge [sflag:s15], $0x3E8  }
0x221: {  	[sflag:s15] =	ssyncset.done $0x0  }
0x222: {  	[sflag:s15] =	ssyncadd.s32 $0xFFFFFC18  }
0x223: {  	_ =	swait.ge [sflag:s15], $0x3E8  }
0x224: {  	[sflag:s15] =	ssyncset.done $0x0  }
0x225: {  	[sflag:s15] =	ssyncadd.s32 $0xFFFFFC18  }
0x226: {  	[bflag:$0x0] =	sbarrier.arrive $0xFFFF  }
0x227: {  	[tilespmem:s14], [sflag:$0x1] =	stream.indirect.gather [hbm4b:s3+s6], $0x10, s5, s6, $0xb8;
	[tilespmem:$0x17020] =	vst v63  }
0x228: {  	_ = 	snop  }
0x229: {  	[tilespmem:s11], [sflag:$0x2] =	stream.indirect.gather [hbm4b:s3+s6], $0x10, s6, s6, $0xb8;
	[tilespmem:$0x17020] =	vst v63  }
0x22a: {  	s25 =	simm.s32 $0x7D0  }
0x22b: {  	[tilespmem:s23], [sflag:$0x3] =	stream.indirect.gather [hbm4b:s3+s6], $0x10, s25, s6, $0xb8;
	[tilespmem:$0x17020] =	vst v63  }
0x22c: {  	_ =	swait.ge [sflag:s16], $0x3E80  }
0x22d: {  	[sflag:s16] =	ssyncset.done $0x0  }
0x22e: {  	s18 =	simm.s32 $0xBB8;
	[sflag:s16] =	ssyncadd.s32 $0xFFFFC180  }
0x22f: {  	[tilespmem:s2], [sflag:$0x4] =	stream.indirect.gather [hbm4b:s3+s6], $0x10, s18, s6, $0xb8;
	[tilespmem:$0x17020] =	vst v63  }
0x230: {  	_ = 	snop  }
0x231: {  	[spmem:s19] =	stream.indirect.scatter.add.bf16 [tilespmem:s14], [sflag:$0x6], $0x10, s0, s6, $0xb8;
	[tilespmem:$0x17020] =	vst v63  }
0x232: {  	_ =	swait.ge [sflag:s8], $0x3E80  }
0x233: {  	[sflag:s8] =	ssyncset.done $0x0  }
0x234: {  	[sflag:s8] =	ssyncadd.s32 $0xFFFFC180  }
0x235: {  	_ =	swait.ge [sflag:s13], $0x3E80  }
0x236: {  	[sflag:s13] =	ssyncset.done $0x0  }
0x237: {  	[sflag:s13] =	ssyncadd.s32 $0xFFFFC180  }
0x238: {  	[tilespmem:s14], [sflag:$0x1] =	stream.indirect.gather [hbm4b:s3+s6], $0x10, s21, s6, $0xb8;
	[tilespmem:$0x17020] =	vst v63  }
0x239: {  	_ = 	snop  }
0x23a: {  	[spmem:s19] =	stream.indirect.scatter.add.bf16 [tilespmem:s11], [sflag:$0x6], $0x10, s10, s6, $0xb8;
	[tilespmem:$0x17020] =	vst v63  }
0x23b: {  	_ =	swait.ge [sflag:s8], $0x3E80  }
0x23c: {  	[sflag:s8] =	ssyncset.done $0x0  }
0x23d: {  	[sflag:s8] =	ssyncadd.s32 $0xFFFFC180  }
0x23e: {  	_ =	swait.ge [sflag:s26], $0x3E80  }
0x23f: {  	[sflag:s26] =	ssyncset.done $0x0  }
0x240: {  	[sflag:s26] =	ssyncadd.s32 $0xFFFFC180  }
0x241: {  	[tilespmem:s11], [sflag:$0x2] =	stream.indirect.gather [hbm4b:s3+s6], $0x10, s1, s6, $0xb8;
	[tilespmem:$0x17020] =	vst v63  }
0x242: {  	_ = 	snop  }
0x243: {  	[spmem:s19] =	stream.indirect.scatter.add.bf16 [tilespmem:s23], [sflag:$0x6], $0x10, s31, s6, $0xb8;
	[tilespmem:$0x17020] =	vst v63  }
0x244: {  	_ =	swait.ge [sflag:s8], $0x3E80  }
0x245: {  	[sflag:s8] =	ssyncset.done $0x0  }
0x246: {  	s21 =	simm.s32 $0x4;
	[sflag:s8] =	ssyncadd.s32 $0xFFFFC180  }
0x247: {  	_ =	swait.ge [sflag:s21], $0x3E80  }
0x248: {  	[sflag:s21] =	ssyncset.done $0x0  }
0x249: {  	[sflag:s21] =	ssyncadd.s32 $0xFFFFC180  }
0x24a: {  	[tilespmem:s23], [sflag:$0x3] =	stream.indirect.gather [hbm4b:s3+s6], $0x10, s9, s6, $0xb8;
	[tilespmem:$0x17020] =	vst v63  }
0x24b: {  	_ = 	snop  }
0x24c: {  	[spmem:s19] =	stream.indirect.scatter.add.bf16 [tilespmem:s2], [sflag:$0x6], $0x10, s29, s6, $0xb8;
	[tilespmem:$0x17020] =	vst v63  }
0x24d: {  	_ =	swait.ge [sflag:s8], $0x3E80  }
0x24e: {  	[sflag:s8] =	ssyncset.done $0x0  }
0x24f: {  	[sflag:s8] =	ssyncadd.s32 $0xFFFFC180  }
0x250: {  	_ =	swait.ge [sflag:s16], $0x3E80  }
0x251: {  	[sflag:s16] =	ssyncset.done $0x0  }
0x252: {  	[sflag:s16] =	ssyncadd.s32 $0xFFFFC180  }
0x253: {  	[tilespmem:s2], [sflag:$0x4] =	stream.indirect.gather [hbm4b:s3+s6], $0x10, s24, s6, $0xb8;
	[tilespmem:$0x17020] =	vst v63  }
0x254: {  	s24 =	simm.s32 $0x36B0  }
0x255: {  	[spmem:s19] =	stream.indirect.scatter.add.bf16 [tilespmem:s14], [sflag:$0x6], $0x10, s24, s6, $0xb8;
	[tilespmem:$0x17020] =	vst v63  }
0x256: {  	_ =	swait.ge [sflag:s8], $0x3E80  }
0x257: {  	[sflag:s8] =	ssyncset.done $0x0  }
0x258: {  	[sflag:s8] =	ssyncadd.s32 $0xFFFFC180  }
0x259: {  	_ =	swait.ge [sflag:s13], $0x3E80  }
0x25a: {  	[sflag:s13] =	ssyncset.done $0x0  }
0x25b: {  	[sflag:s13] =	ssyncadd.s32 $0xFFFFC180  }
0x25c: {  	[tilespmem:s14], [sflag:$0x1] =	stream.indirect.gather [hbm4b:s3+s6], $0x10, s4, s6, $0xb8;
	[tilespmem:$0x17020] =	vst v63  }
0x25d: {  	s25 =	simm.s32 $0x3A98  }
0x25e: {  	[spmem:s19] =	stream.indirect.scatter.add.bf16 [tilespmem:s11], [sflag:$0x6], $0x10, s25, s6, $0xb8;
	[tilespmem:$0x17020] =	vst v63  }
0x25f: {  	_ =	swait.ge [sflag:s8], $0x3E80  }
0x260: {  	[sflag:s8] =	ssyncset.done $0x0  }
0x261: {  	[sflag:s8] =	ssyncadd.s32 $0xFFFFC180  }
0x262: {  	_ =	swait.ge [sflag:s26], $0x3E80  }
0x263: {  	[sflag:s26] =	ssyncset.done $0x0  }
0x264: {  	[sflag:s26] =	ssyncadd.s32 $0xFFFFC180  }
0x265: {  	[tilespmem:s11], [sflag:$0x2] =	stream.indirect.gather [hbm4b:s3+s6], $0x10, s28, s6, $0xb8;
	[tilespmem:$0x17020] =	vst v63  }
0x266: {  	s26 =	simm.s32 $0x3E80  }
0x267: {  	[spmem:s19] =	stream.indirect.scatter.add.bf16 [tilespmem:s23], [sflag:$0x6], $0x10, s26, s6, $0xb8;
	[tilespmem:$0x17020] =	vst v63  }
0x268: {  	_ =	swait.ge [sflag:s8], $0x3E80  }
0x269: {  	[sflag:s8] =	ssyncset.done $0x0  }
0x26a: {  	[sflag:s8] =	ssyncadd.s32 $0xFFFFC180  }
0x26b: {  	_ =	swait.ge [sflag:s21], $0x3E80  }
0x26c: {  	[sflag:s21] =	ssyncset.done $0x0  }
0x26d: {  	s28 =	simm.s32 $0x4268;
	[sflag:s21] =	ssyncadd.s32 $0xFFFFC180  }
0x26e: {  	[spmem:s19] =	stream.indirect.scatter.add.bf16 [tilespmem:s2], [sflag:$0x6], $0x10, s28, s6, $0xb8;
	[tilespmem:$0x17020] =	vst v63  }
0x26f: {  	_ =	swait.ge [sflag:s8], $0x3E80  }
0x270: {  	[sflag:s8] =	ssyncset.done $0x0  }
0x271: {  	[sflag:s8] =	ssyncadd.s32 $0xFFFFC180  }
0x272: {  	_ =	swait.ge [sflag:s16], $0x3E80  }
0x273: {  	[sflag:s16] =	ssyncset.done $0x0  }
0x274: {  	s29 =	simm.s32 $0x4650;
	[sflag:s16] =	ssyncadd.s32 $0xFFFFC180  }
0x275: {  	[spmem:s19] =	stream.indirect.scatter.add.bf16 [tilespmem:s14], [sflag:$0x6], $0x10, s29, s6, $0xb8;
	[tilespmem:$0x17020] =	vst v63  }
0x276: {  	_ =	swait.ge [sflag:s8], $0x3E80  }
0x277: {  	[sflag:s8] =	ssyncset.done $0x0  }
0x278: {  	[sflag:s8] =	ssyncadd.s32 $0xFFFFC180  }
0x279: {  	_ =	swait.ge [sflag:s13], $0x3E80  }
0x27a: {  	[sflag:s13] =	ssyncset.done $0x0  }
0x27b: {  	[sflag:s13] =	ssyncadd.s32 $0xFFFFC180  }
0x27c: {  	[spmem:s19] =	stream.indirect.scatter.add.bf16 [tilespmem:s11], [sflag:$0x6], $0x10, s12, s6, $0xb8;
	[tilespmem:$0x17020] =	vst v63  }
0x27d: {  	_ =	swait.ge [sflag:s8], $0x3E80  }
0x27e: {  	[sflag:s8] =	ssyncset.done $0x0  }
0x27f: {  	[sflag:s8] =	ssyncadd.s32 $0xFFFFC180  }
0x280: {  	[bflag:$0x0] =	sbarrier.arrive $0xFFFF  }
0x281: {  	s31 =	rddreg [dreg:$0x17]  }
0x282: {  	[hbm:s31], [sflag:s30] =	dma.local [spmem:s7], $0x500  }
0x283: {  	_ =	swait.ge [sflag:s8], $0x500  }
0x284: {  	[sflag:s8] =	ssyncset.done $0x0  }
0x285: {  	[sflag:s8] =	ssyncadd.s32 $0xFFFFFB00  }
0x286: {  	_ =	sfence.sel $0x180000  }
0x287: {  	[bflag:$0x0] =	sbarrier.arrive $0xFFFF  }
0x288: {  	p0 =	sne.s32 s20, $0x0;
	_ =	strace $0x9000004A  }
0x289: {  	s0 =	sadd.s32 @!p0 $0x100000, s22;
	[bflag:$0x2] =	sbarrier.arrive $0xFFFF  }
0x28a: {  	[sflag:s0] =	ssyncadd.tile.s32 @!p0 $0x1;
	_ =	shalt  }
.LBB2_1:
.Ltmp3:
0x28b: {  	(pc) =	sbr.rel .LBB2_6-.Ltmp3, $2  }
0x28c: {  	_ =	sdelay $0x2  }
0x28d: {  	s30 =	smov.u32 s31  }
.LBB2_7:
.Ltmp4:
0x28e: {  	(pc) =	sbr.rel .LBB2_6-.Ltmp4, $4  }
0x28f: {  	_ = 	snop  }
0x290: {  	s30 =	smov.u32 s31;
	s20 =	stileid.u32  }
0x291: {  	s22 =	rddreg [dreg:$0x2];
	s21 =	simm.s32 $0xBB8;
	s29 =	simm.s32 $0x7D0  }
0x292: {  	s28 =	rddreg [dreg:$0x19];
	s2 =	simm.s32 $0x109A0;
	s23 =	simm.s32 $0xCB20  }
.Lfunc_end2:
_tile_overlayer_lowered:
.L_overlay_start_2:
0x293: {  	(tag) =	ssettag $0x2  }
0x294: {  	s0 =	rddreg [dreg:$0x0];
	s2 =	stileid.u32  }
0x295: {  	s1 =	rddreg [dreg:$0x1];
	p0 =	sne.s32 s2, $0x0  }
0x296: {  	s3 =	rddreg [dreg:$0x2];
	[bflag:$0x3] =	sbarrier.arrive $0xFFFF;
	s2 =	simm.s32 @!p0 $0x1C06  }
0x297: {  	[timem:s3], [sflag:s2] =	dma.local @!p0 [hbm:s0], s1  }
0x298: {  	s0 =	simm.s32 @!p0 $0x6  }
0x299: {  	_ =	swait.ge @!p0 [sflag:s0], s1  }
0x29a: {  	s1 =	ssub.s32 @!p0 $0x0, s1;
	[sflag:s0] =	ssyncset.done @!p0 $0x0  }
0x29b: {  	[sflag:s0] =	ssyncadd.s32 @!p0 s1  }
0x29c: {  	[bflag:$0x3] =	sbarrier.arrive $0xFFFF  }
0x29d: {  	_ =	shalt  }

// kernel: kernel.7.cloned.1.call-start
scs
__scs_entry_jumppad:
0x0: {  	(pc) =	sbr.rel $0x88, $3  }
0x1: {  	(tag) =	ssettag $0x0;
	lr =	simm.s32 $0x1  }
0x2: {  	[smem:$0x3F96] =	sst lr;
	_ =	strace $0xD0000000  }
0x3: {  	_ = 	snop  }
0x4: {  	_ = 	snop  }
0x5: {  	_ = 	snop  }
0x6: {  	_ = 	snop  }
0x7: {  	_ = 	snop  }
__scs_overlays_trampoline_lowered:
0x8: {  	[smem:$0x3FA5] =	sst s0  }
0x9: {  	[smem:$0x3FA6] =	sst s1  }
0xa: {  	[smem:$0x3FA7] =	sst s2  }
0xb: {  	[smem:$0x3FA8] =	sst s3  }
0xc: {  	[smem:$0x3FA9] =	sst s4  }
0xd: {  	[smem:$0x3FAA] =	sst s5  }
0xe: {  	[smem:$0x3FAB] =	sst s6  }
0xf: {  	[smem:$0x3FAC] =	sst s7  }
0x10: {  	[smem:$0x3FAD] =	sst s8  }
0x11: {  	[smem:$0x3FAE] =	sst s9;
	s0 =	simm.s32 @!p0 $0x0  }
0x12: {  	s1 =	sld [smem:$0x3F94];
	s0 =	simm.s32 @p0 $0x1  }
0x13: {  	[smem:$0x3FAF] =	sst s0;
	s0 =	simm.s32 @!p1 $0x0  }
0x14: {  	s2 =	sld [smem:$0x3F93];
	s0 =	simm.s32 @p1 $0x1  }
0x15: {  	[smem:$0x3FB0] =	sst s0;
	s0 =	simm.s32 @!p2 $0x0  }
0x16: {  	s3 =	sld [smem:$0x3FDB];
	s0 =	simm.s32 @p2 $0x1  }
0x17: {  	s4 =	simm.s32 $0x1BF5;
	[smem:$0x3FB2] =	sst s0  }
0x18: {  	s0 =	sld [smem:$0x3F95];
	_ =	swait.ge [sflag:s4], $0x0  }
0x19: {  	s7 =	sld [smem:$0x3F96]  }
0x1a: {  	s8 =	sadd.s32 $0xFFFFE003, lr  }
0x1b: {  	s9 =	sadd.s32 $0xFFFFFEF7, lr;
	s5 =	simm.s32 $0xFFFFFFFF;
	p2 =	slt.u32 s8, $0xFFFFF086  }
0x1c: {  	p1 =	slt.u32 s9, $0xF7A;
	s5 =	simm.s32 @!p2 $0x0  }
0x1d: {  	s5 =	simm.s32 @p1 $0x1;
	p0 =	seq.s32 s7, s2  }
0x1e: {  	s7 =	smul.u32 @!p0 $0xF7A, s2;
	p2 =	seq.s32 @!p0 s5, $0x0  }
0x1f: {  	s9 =	smul.u32 $0xF7A, s1;
	s8 =	simm.s32 @!p0 $0x1BF5;
	p2 =	por !p2, p0  }
0x20: {  	[sflag:s8] =	ssyncset.s32 @!p0 $0xFFFFF086;
	s6 =	sadd.s32 @!p0 s3, s7;
	s7 =	simm.s32 @!p0 $0x108  }
0x21: {  	s3 =	sadd.s32 s3, s9;
	s6 =	sadd.s32 @!p0 $0x88, s6;
	s7 =	simm.s32 @p2 $0x1082  }
0x22: {  	[simem:s7], [sflag:s8] =	dma.local @!p0 [hbm:s6], $0xF7A  }
0x23: {  	s9 =	sor.u32 $0xD0000000, s2;
	s6 =	simm.s32 $0x108;
	_ =	swait.ge @!p0 [sflag:s8], $0x0  }
0x24: {  	s3 =	sadd.s32 $0x88, s3;
	s6 =	simm.s32 @!p1 $0x1082;
	[sflag:s4] =	ssyncset.s32 $0xFFFFF086  }
0x25: {  	[simem:s6], [sflag:s4] =	dma.local [hbm:s3], $0xF7A  }
0x26: {  	[smem:$0x3F96] =	sst s1;
	(tag) =	ssettag s2;
	_ =	strace s9  }
0x27: {  	s1 =	sld [smem:$0x3FA6]  }
0x28: {  	s2 =	sld [smem:$0x3FA7]  }
0x29: {  	s4 =	sld [smem:$0x3FA9]  }
0x2a: {  	p0 =	seq.s32 s5, $0x0;
	s5 =	sld [smem:$0x3FAA]  }
0x2b: {  	s6 =	sld [smem:$0x3FAB]  }
0x2c: {  	s7 =	sld [smem:$0x3FAC]  }
0x2d: {  	s3 =	simm.s32 $0x108;
	s8 =	sld [smem:$0x3FAD]  }
0x2e: {  	s3 =	simm.s32 @!p0 $0x1082;
	s9 =	sld [smem:$0x3FAE]  }
0x2f: {  	lr =	sadd.s32 s0, s3;
	s0 =	sld [smem:$0x3FA5]  }
0x30: {  	s3 =	sld [smem:$0x3FA8]  }
0x31: {  	[smem:$0x3FB1] =	sst s10  }
0x32: {  	s10 =	sld [smem:$0x3FAF];
	_ =	sdelay $0x3  }
0x33: {  	p0 =	seq.s32 s10, $0x1;
	s10 =	sld [smem:$0x3FB1];
	_ =	sdelay $0x3  }
0x34: {  	[smem:$0x3FB1] =	sst s10  }
0x35: {  	s10 =	sld [smem:$0x3FB0];
	_ =	sdelay $0x3  }
0x36: {  	p1 =	seq.s32 s10, $0x1;
	s10 =	sld [smem:$0x3FB1];
	_ =	sdelay $0x3  }
0x37: {  	[smem:$0x3FB1] =	sst s10  }
0x38: {  	s10 =	sld [smem:$0x3FB2]  }
0x39: {  	_ = 	snop;
	(pc) =	sbr.ind lr, $3  }
0x3a: {  	_ = 	snop  }
0x3b: {  	_ = 	snop  }
0x3c: {  	p2 =	seq.s32 s10, $0x1;
	s10 =	sld [smem:$0x3FB1]  }
0x3d: {  	_ =	shalt  }
0x3e: {  	_ =	shalt  }
0x3f: {  	_ =	shalt  }
0x40: {  	_ =	shalt  }
0x41: {  	_ =	shalt  }
0x42: {  	_ =	shalt  }
0x43: {  	_ =	shalt  }
0x44: {  	_ =	shalt  }
0x45: {  	_ =	shalt  }
0x46: {  	_ =	shalt  }
0x47: {  	_ =	shalt  }
0x48: {  	_ =	shalt  }
0x49: {  	_ =	shalt  }
0x4a: {  	_ =	shalt  }
0x4b: {  	_ =	shalt  }
0x4c: {  	_ =	shalt  }
0x4d: {  	_ =	shalt  }
0x4e: {  	_ =	shalt  }
0x4f: {  	_ =	shalt  }
0x50: {  	_ =	shalt  }
0x51: {  	_ =	shalt  }
0x52: {  	_ =	shalt  }
0x53: {  	_ =	shalt  }
0x54: {  	_ =	shalt  }
0x55: {  	_ =	shalt  }
0x56: {  	_ =	shalt  }
0x57: {  	_ =	shalt  }
0x58: {  	_ =	shalt  }
0x59: {  	_ =	shalt  }
0x5a: {  	_ =	shalt  }
0x5b: {  	_ =	shalt  }
0x5c: {  	_ =	shalt  }
0x5d: {  	_ =	shalt  }
0x5e: {  	_ =	shalt  }
0x5f: {  	_ =	shalt  }
0x60: {  	_ =	shalt  }
0x61: {  	_ =	shalt  }
0x62: {  	_ =	shalt  }
0x63: {  	_ =	shalt  }
0x64: {  	_ =	shalt  }
0x65: {  	_ =	shalt  }
0x66: {  	_ =	shalt  }
0x67: {  	_ =	shalt  }
0x68: {  	_ =	shalt  }
0x69: {  	_ =	shalt  }
0x6a: {  	_ =	shalt  }
0x6b: {  	_ =	shalt  }
0x6c: {  	_ =	shalt  }
0x6d: {  	_ =	shalt  }
0x6e: {  	_ =	shalt  }
0x6f: {  	_ =	shalt  }
0x70: {  	_ =	shalt  }
0x71: {  	_ =	shalt  }
0x72: {  	_ =	shalt  }
0x73: {  	_ =	shalt  }
0x74: {  	_ =	shalt  }
0x75: {  	_ =	shalt  }
0x76: {  	_ =	shalt  }
0x77: {  	_ =	shalt  }
0x78: {  	_ =	shalt  }
0x79: {  	_ =	shalt  }
0x7a: {  	_ =	shalt  }
0x7b: {  	_ =	shalt  }
0x7c: {  	_ =	shalt  }
0x7d: {  	_ =	shalt  }
0x7e: {  	_ =	shalt  }
0x7f: {  	_ =	shalt  }
0x80: {  	_ =	shalt  }
0x81: {  	_ =	shalt  }
0x82: {  	_ =	shalt  }
0x83: {  	_ =	shalt  }
0x84: {  	_ =	shalt  }
0x85: {  	_ =	shalt  }
0x86: {  	_ =	shalt  }
0x87: {  	_ =	shalt  }
.Lfunc_end0:
.L_simem_size_0:
called_computation_lowered:
.L_overlay_start_0:
0x88: {  	s2 =	sld [smem:$0x3FD9]  }
0x89: {  	s3 =	sld [smem:$0x3FFE];
	_ =	sdelay $0x1  }
0x8a: {  	s1 =	srdreg.scid  }
0x8b: {  	s0 =	sand.u32 $0x1, s1  }
0x8c: {  	s16 =	sshll.u32 s0, $0xA;
	s2 =	sadd.s32 s3, s2  }
0x8d: {  	s2 =	sadd.s32 s2, s16  }
0x8e: {  	[smem:$0x3FBD] =	sst s2  }
0x8f: {  	_ = 	snop  }
0x90: {  	(tm) =	ssettm $0x1  }
0x91: {  	s17 =	sld [smem:$0x3FFB];
	_ =	sdelay $0x3  }
0x92: {  	_ =	strace s17  }
0x93: {  	s2 =	sld [smem:$0x3FFC];
	_ =	sdelay $0x3  }
0x94: {  	_ =	strace s2  }
0x95: {  	s2 =	sld [smem:$0x3FFD];
	_ =	sdelay $0x3  }
0x96: {  	_ =	strace s2  }
0x97: {  	_ =	strace $0x8FFFFFFF  }
0x98: {  	s18 =	sld [smem:$0x3FDB];
	_ =	sdelay $0x1  }
0x99: {  	s19 =	simm.s32 $_scs_section_size  }
0x9a: {  	s4 =	simm.s32 $_size__tile_overlayer_lowered;
	s5 =	simm.s32 $_tile_overlayer_lowered  }
0x9b: {  	s22 =	simm.s32 $0x1BFF;
	s21 =	sshll.u32 s5, $0x1;
	s2 =	sadd.s32 s19, s18  }
0x9c: {  	s6 =	simm.s32 $0x0;
	s20 =	sshll.u32 s4, $0x1;
	s4 =	sadd.s32 s21, s2  }
0x9d: {  	[timem:s6], [sflag:s22] =	dma.local [hbm:s4], s20  }
0x9e: {  	_ =	swait.ge [sflag:s22], s20  }
0x9f: {  	s3 =	ssub.s32 $0x0, s20;
	[sflag:s22] =	ssyncset.done $0x0  }
0xa0: {  	[sflag:s22] =	ssyncadd.s32 s3;
	_ =	sdelay $0x1  }
0xa1: {  	s23 =	simm.s32 $0x1B8B  }
0xa2: {  	_ =	swait.ge [sflag:s23], $0x1  }
0xa3: {  	[sflag:s23] =	ssyncset.done $0x0  }
0xa4: {  	s25 =	simm.s32 $0x1B8E;
	s24 =	sld [smem:$0x3FFE];
	[sflag:s23] =	ssyncadd.s32 $0xFFFFFFFF  }
0xa5: {  	s26 =	simm.s32 $execute0_lowered;
	[smem:$0x3FD2] =	sst s25  }
0xa6: {  	s4 =	sshll.u32 s26, $0x1;
	_ =	strace $0x80000046;
	[dreg:$0x1] =	wrdreg $0xFFFFFFFF  }
0xa7: {  	s28 =	simm.s32 $_size_execute0_lowered;
	s2 =	sadd.s32 s2, s4;
	[dreg:$0x0] =	wrdreg $0x0  }
0xa8: {  	s4 =	sshll.u32 s28, $0x1;
	[dreg:$0x2] =	wrdreg s2  }
0xa9: {  	[dreg:$0x3] =	wrdreg s4  }
0xaa: {  	[dreg:$0x4] =	wrdreg $0xC0  }
0xab: {  	_ =	task [dreg:s6], $0x5FFFF  }
0xac: {  	[dreg:$0x1] =	wrdreg $0xFFFFFFFF  }
0xad: {  	[dreg:$0x0] =	wrdreg $0x60  }
0xae: {  	[dreg:$0x2] =	wrdreg s24  }
0xaf: {  	[dreg:$0x3] =	wrdreg $0x167600  }
0xb0: {  	[dreg:$0x4] =	wrdreg $0x1B7600  }
0xb1: {  	[dreg:$0x5] =	wrdreg $0x9  }
0xb2: {  	_ =	task.clear_ibuf [dreg:s6], $0x6FFFF;
	_ =	strace $0x90000046  }
0xb3: {  	s29 =	simm.s32 $0x9;
	_ =	strace $0x80000048  }
0xb4: {  	_ =	swait.ge [sflag:s29], $0x1  }
0xb5: {  	[sflag:s29] =	ssyncadd.s32 $0xFFFFFFFF  }
0xb6: {  	_ =	strace $0x90000048  }
0xb7: {  	_ =	sfence  }
0xb8: {  	s30 =	sld [smem:$0x0];
	_ =	sdelay $0x2  }
0xb9: {  	s31 =	sshll.u32 s1, $0xD;
	s1 =	sshrl.u32 s1, $0x2  }
0xba: {  	s3 =	sand.u32 $0x4000, s31;
	s1 =	sadd.s32 s1, s30  }
0xbb: {  	s0 =	sor.u32 s3, s0;
	s1 =	sshll.u32 s1, $0x11  }
0xbc: {  	s0 =	sor.u32 s1, s0  }
0xbd: {  	s0 =	sadd.s32 $0x8F2B, s0  }
0xbe: {  	[sflag:s0] =	ssyncadd.remote.s32 $0x1  }
0xbf: {  	_ =	sfence.sel $0xFFFF  }
0xc0: {  	[dreg:$0x0] =	wrdreg $0xFFFFFFFF;
	(pc) =	sbr.abs _section_cstart, $3  }
0xc1: {  	[dreg:$0x1] =	wrdreg $0xFFFFFFFF  }
0xc2: {  	_ =	task.clear_ibuf [dreg:s6], $0x2FFFF;
	_ =	strace $0x9FFFFFFF  }
0xc3: {  	(tm) =	ssettm $0x7FFFFFFF  }
tec
execute0_lowered:
.L_overlay_start_1:
0x0: {  	(tag) =	ssettag $0x1  }
0x1: {  	s7 =	rddreg [dreg:$0x0]  }
0x2: {  	s3 =	rddreg [dreg:$0x1]  }
0x3: {  	s2 =	rddreg [dreg:$0x2];
	s0 =	srdreg.scid  }
0x4: {  	s31 =	stileid.u32;
	s10 =	simm.s32 $0x0;
	s30 =	simm.s32 $0x2EE0  }
0x5: {  	s29 =	simm.s32 $0x32C8;
	s28 =	simm.s32 $0x36B0;
	p0 =	por $0x0, $0x0  }
0x6: {  	s8 =	sand.u32 $0x1, s0;
	s0 =	smul.u32 $0xA000, s31;
	[smem:$0x7FF] =	sst s10  }
0x7: {  	s4 =	sadd.s32 $0xF800, s7;
	s6 =	sadd.s32 $0x19600, s7;
	s11 =	sadd.s32 $0x2D000, s7  }
0x8: {  	s1 =	sshll.u32 s8, $0x4;
	_ =	strace $0x80000047;
	s18 =	smul.u32 $0xA0000, s8  }
0x9: {  	s24 =	smul.u32 $0x28000, s8;
	s1 =	sor.u32 s31, s1;
	s5 =	sshrl.u32 s0, $0x4  }
0xa: {  	[dreg:$0x4] =	wrdreg s11;
	s9 =	smul.u32 $0x2710, s1;
	s5 =	sadd.s32 s5, s7  }
0xb: {  	s8 =	ssub.s32 $0x2, s8;
	s1 =	smul.u32 $0x2800, s31;
	s5 =	sadd.s32 $0x3000, s5  }
0xc: {  	s12 =	sshrl.u32 s9, $0x3;
	s14 =	sadd.s32 $0x3E8, s9;
	s13 =	sadd.s32 $0x4E5E8, s9  }
0xd: {  	s16 =	sshrl.u32 s1, $0x4;
	s19 =	sadd.s32 $0xBB8, s9;
	s25 =	sadd.s32 $0x1388, s9  }
0xe: {  	[dreg:$0x18] =	wrdreg s5;
	s20 =	sadd.s32 s6, s12;
	s11 =	sshrl.u32 s14, $0x3  }
0xf: {  	s15 =	sshrl.u32 s13, $0x3;
	s13 =	sadd.s32 s0, s18;
	s12 =	sadd.s32 $0x9C40, s20  }
0x10: {  	s0 =	sshrl.u32 s0, $0x1;
	s11 =	sadd.s32 s6, s11;
	[dreg:$0x5] =	wrdreg s12  }
0x11: {  	s17 =	sadd.s32 $0xFA, s20;
	s14 =	sadd.s32 $0x9D3A, s20;
	[dreg:$0x6] =	wrdreg s11  }
0x12: {  	s13 =	sshrl.u32 s13, $0x4;
	s23 =	sadd.s32 $0x1F4, s20;
	[dreg:$0x8] =	wrdreg s17  }
0x13: {  	s26 =	sadd.s32 $0x9E34, s20;
	s18 =	sadd.s32 $0x2EE, s20;
	[dreg:$0x9] =	wrdreg s14  }
0x14: {  	s12 =	sadd.s32 s6, s15;
	s11 =	sadd.s32 s16, s7;
	[dreg:$0xc] =	wrdreg s23  }
0x15: {  	s15 =	sadd.s32 $0x4EDB8, s9;
	s16 =	sadd.s32 $0x4F588, s9;
	[dreg:$0xd] =	wrdreg s26  }
0x16: {  	s13 =	sadd.s32 s13, s7;
	s14 =	sadd.s32 s1, s24;
	[dreg:$0x10] =	wrdreg s18  }
0x17: {  	s26 =	sshrl.u32 s8, $0x1;
	s18 =	sadd.s32 s0, s3;
	s1 =	sshrl.u32 s1, $0x1  }
0x18: {  	[dreg:$0x7] =	wrdreg s12;
	s12 =	sshrl.u32 s19, $0x3;
	s21 =	sshrl.u32 s15, $0x3  }
0x19: {  	s16 =	sshrl.u32 s16, $0x3;
	s14 =	sshrl.u32 s14, $0x4;
	s19 =	sadd.s32 $0x1B58, s9  }
0x1a: {  	s8 =	ssub.s32 s8, s26;
	s26 =	sshrl.u32 s18, $0x3;
	s18 =	simm.s32 $0x4E20  }
0x1b: {  	s15 =	simm.s32 $0x2;
	s12 =	sadd.s32 s6, s12;
	[dreg:$0x1c] =	wrdreg s26  }
0x1c: {  	s22 =	sadd.s32 s6, s21;
	s17 =	sadd.s32 s6, s16;
	s26 =	rddreg [dreg:$0x18]  }
0x1d: {  	s21 =	sadd.s32 $0x9F2E, s20;
	s7 =	sadd.s32 s14, s7;
	[dreg:$0xa] =	wrdreg s12  }
0x1e: {  	s16 =	sadd.s32 $0x2328, s9;
	s14 =	simm.s32 $0xCB20;
	[dreg:$0xb] =	wrdreg s22  }
0x1f: {  	s12 =	sshrl.u32 s25, $0x3;
	[dreg:$0xf] =	wrdreg s17;
	s22 =	sadd.s32 $0x4FD58, s9  }
0x20: {  	[dreg:$0x11] =	wrdreg s21;
	s25 =	sadd.s32 $0x3E8, s20;
	s17 =	sadd.s32 $0xA028, s20  }
0x21: {  	s9 =	sadd.s32 $0x50528, s9;
	s21 =	sshll.u32 s31, $0x6;
	[dreg:$0x14] =	wrdreg s25  }
0x22: {  	s12 =	sadd.s32 s6, s12;
	s23 =	sshrl.u32 s22, $0x3;
	[dreg:$0x15] =	wrdreg s17  }
0x23: {  	s9 =	sshrl.u32 s9, $0x3;
	s22 =	sadd.s32 $0x32400, s13;
	s5 =	sor.u32 $0x1C04, s21  }
0x24: {  	s25 =	smax.u32 s8, $0x1;
	s17 =	simm.s32 $0x2710;
	s13 =	simm.s32 $0x3A98  }
0x25: {  	[dreg:$0xe] =	wrdreg s12;
	s12 =	sshrl.u32 s19, $0x3;
	s24 =	sadd.s32 s6, s23  }
0x26: {  	s19 =	sadd.s32 $0xD000, s11;
	[dreg:$0x1a] =	wrdreg s22;
	s23 =	sadd.s32 $0x2D400, s7  }
0x27: {  	p1 =	sne.s32 s25, $0x1;
	s7 =	sadd.s32 $0xFFFFFFFF, s25;
	[dreg:$0x13] =	wrdreg s24  }
0x28: {  	s22 =	simm.s32 $0x3;
	s12 =	sadd.s32 s6, s12;
	[dreg:$0x19] =	wrdreg s19  }
.Ltmp0:
0x29: {  	s24 =	sadd.s32 s1, s2;
	[dreg:$0x1b] =	wrdreg s23;
	(pc) =	sbr.rel @!p1 .LBB2_1-.Ltmp0, $4  }
0x2a: {  	s1 =	simm.s32 $0x2AF8;
	[dreg:$0x12] =	wrdreg s12;
	s12 =	sshrl.u32 s16, $0x3  }
0x2b: {  	s19 =	simm.s32 $0x1;
	s8 =	sshrl.u32 s24, $0x3;
	s12 =	sadd.s32 s6, s12  }
0x2c: {  	s6 =	sadd.s32 s6, s9;
	s9 =	simm.s32 $0x4;
	[dreg:$0x16] =	wrdreg s12  }
0x2d: {  	[dreg:$0x17] =	wrdreg s6;
	s6 =	simm.s32 $0x3E8;
	s12 =	simm.s32 $0x14820  }
0x2e: {  	s24 =	rddreg [dreg:$0x5]  }
0x2f: {  	[tilespmem:s10], [sflag:$0x3] =	stream.linear.gather [hbm4b:s20+s10], $0x3E8, $0x38;
	[tilespmem:$0x1CB60] =	vst v63  }
0x30: {  	s0 =	rddreg [dreg:$0x6]  }
0x31: {  	s23 =	rddreg [dreg:$0x7]  }
0x32: {  	[tilespmem:s17], [sflag:$0x3] =	stream.linear.gather [hbm4b:s24+s10], $0x3E8, $0x38;
	[tilespmem:$0x1CB60] =	vst v63  }
0x33: {  	s25 =	rddreg [dreg:$0x8]  }
0x34: {  	[tilespmem:s6], [sflag:$0x3] =	stream.linear.gather [hbm4b:s0+s10], $0x3E8, $0x38;
	[tilespmem:$0x1CB60] =	vst v63  }
0x35: {  	s31 =	rddreg [dreg:$0x9]  }
0x36: {  	[tilespmem:s1], [sflag:$0x3] =	stream.linear.gather [hbm4b:s23+s10], $0x3E8, $0x38;
	[tilespmem:$0x1CB60] =	vst v63  }
0x37: {  	s11 =	rddreg [dreg:$0xa];
	s1 =	simm.s32 $0x7D0  }
0x38: {  	[tilespmem:s1], [sflag:$0x3] =	stream.linear.gather [hbm4b:s25+s10], $0x3E8, $0x38;
	[tilespmem:$0x1CB60] =	vst v63  }
0x39: {  	s16 =	rddreg [dreg:$0xb]  }
0x3a: {  	[tilespmem:s30], [sflag:$0x3] =	stream.linear.gather [hbm4b:s31+s10], $0x3E8, $0x38;
	[tilespmem:$0x1CB60] =	vst v63  }
0x3b: {  	s21 =	rddreg [dreg:$0xd];
	s30 =	simm.s32 $0xBB8  }
0x3c: {  	[tilespmem:s30], [sflag:$0x3] =	stream.linear.gather [hbm4b:s11+s10], $0x3E8, $0x38;
	[tilespmem:$0x1CB60] =	vst v63  }
0x3d: {  	s17 =	rddreg [dreg:$0xc]  }
0x3e: {  	[tilespmem:s29], [sflag:$0x3] =	stream.linear.gather [hbm4b:s16+s10], $0x3E8, $0x38;
	[tilespmem:$0x1CB60] =	vst v63  }
0x3f: {  	s23 =	rddreg [dreg:$0xe];
	s11 =	simm.s32 $0xFA0  }
0x40: {  	[tilespmem:s11], [sflag:$0x3] =	stream.linear.gather [hbm4b:s17+s10], $0x3E8, $0x38;
	[tilespmem:$0x1CB60] =	vst v63  }
0x41: {  	s25 =	rddreg [dreg:$0xf]  }
0x42: {  	[tilespmem:s28], [sflag:$0x3] =	stream.linear.gather [hbm4b:s21+s10], $0x3E8, $0x38;
	[tilespmem:$0x1CB60] =	vst v63  }
0x43: {  	s31 =	smov.u32 s8;
	s8 =	rddreg [dreg:$0x10];
	s17 =	simm.s32 $0x1388  }
0x44: {  	[tilespmem:s17], [sflag:$0x3] =	stream.linear.gather [hbm4b:s23+s10], $0x3E8, $0x38;
	[tilespmem:$0x1CB60] =	vst v63  }
0x45: {  	[dreg:$0x1f] =	wrdreg s8  }
0x46: {  	[tilespmem:s13], [sflag:$0x3] =	stream.linear.gather [hbm4b:s25+s10], $0x3E8, $0x38;
	[tilespmem:$0x1CB60] =	vst v63  }
0x47: {  	s8 =	simm.s32 $0x1770;
	s23 =	rddreg [dreg:$0x1f]  }
0x48: {  	[tilespmem:s8], [sflag:$0x3] =	stream.linear.gather [hbm4b:s23+s10], $0x3E8, $0x38;
	[tilespmem:$0x1CB60] =	vst v63  }
0x49: {  	s24 =	rddreg [dreg:$0x11];
	s25 =	simm.s32 $0x3E80  }
0x4a: {  	[tilespmem:s25], [sflag:$0x3] =	stream.linear.gather [hbm4b:s24+s10], $0x3E8, $0x38;
	[tilespmem:$0x1CB60] =	vst v63  }
0x4b: {  	s23 =	rddreg [dreg:$0x12];
	s8 =	simm.s32 $0x1B58  }
0x4c: {  	[tilespmem:s8], [sflag:$0x3] =	stream.linear.gather [hbm4b:s23+s10], $0x3E8, $0x38;
	[tilespmem:$0x1CB60] =	vst v63  }
0x4d: {  	s0 =	simm.s32 $0x4268;
	s24 =	rddreg [dreg:$0x13]  }
0x4e: {  	[tilespmem:s0], [sflag:$0x3] =	stream.linear.gather [hbm4b:s24+s10], $0x3E8, $0x38;
	[tilespmem:$0x1CB60] =	vst v63  }
0x4f: {  	s23 =	rddreg [dreg:$0x14];
	s8 =	simm.s32 $0x1F40  }
0x50: {  	[tilespmem:s8], [sflag:$0x3] =	stream.linear.gather [hbm4b:s23+s10], $0x3E8, $0x38;
	[tilespmem:$0x1CB60] =	vst v63  }
0x51: {  	s21 =	simm.s32 $0x4650;
	s24 =	rddreg [dreg:$0x15]  }
0x52: {  	[tilespmem:s21], [sflag:$0x3] =	stream.linear.gather [hbm4b:s24+s10], $0x3E8, $0x38;
	[tilespmem:$0x1CB60] =	vst v63  }
0x53: {  	s23 =	rddreg [dreg:$0x16];
	s8 =	simm.s32 $0x2328  }
0x54: {  	[tilespmem:s8], [sflag:$0x3] =	stream.linear.gather [hbm4b:s23+s10], $0x3E8, $0x38;
	[tilespmem:$0x1CB60] =	vst v63  }
0x55: {  	s13 =	simm.s32 $0x4A38;
	s24 =	rddreg [dreg:$0x17]  }
0x56: {  	[tilespmem:s13], [sflag:$0x3] =	stream.linear.gather [hbm4b:s24+s10], $0x3E8, $0x38;
	[tilespmem:$0x1CB60] =	vst v63  }
0x57: {  	s13 =	rddreg [dreg:$0x1c]  }
0x58: {  	[spmem:s13], [sflag:s5] =	dma.local [hbm:s26], $0xA00  }
0x59: {  	_ =	swait.ge [sflag:s9], $0xA00  }
0x5a: {  	[sflag:s9] =	ssyncset.done $0x0  }
0x5b: {  	s23 =	rddreg [dreg:$0x19];
	[sflag:s9] =	ssyncadd.s32 $0xFFFFF600  }
0x5c: {  	[spmem:s31], [sflag:s5] =	dma.local [hbm:s23], $0x280  }
0x5d: {  	_ =	swait.ge [sflag:s9], $0x280  }
0x5e: {  	[sflag:s9] =	ssyncset.done $0x0  }
0x5f: {  	s26 =	rddreg [dreg:$0x4];
	[sflag:s9] =	ssyncadd.s32 $0xFFFFFD80  }
0x60: {  	[tilespmem:s12], [sflag:$0x4] =	stream.linear.gather [hbm4b:s26+s10], $0x1F40, $0x38;
	[tilespmem:$0x1CB60] =	vst v63  }
0x61: {  	_ =	swait.ge [sflag:s9], $0x1F40  }
0x62: {  	[sflag:s9] =	ssyncset.done $0x0  }
0x63: {  	[sflag:s9] =	ssyncadd.s32 $0xFFFFE0C0  }
0x64: {  	_ =	swait.ge [sflag:s22], $0x3E8  }
0x65: {  	[sflag:s22] =	ssyncset.done $0x0  }
0x66: {  	[sflag:s22] =	ssyncadd.s32 $0xFFFFFC18  }
0x67: {  	_ =	swait.ge [sflag:s22], $0x3E8  }
0x68: {  	[sflag:s22] =	ssyncset.done $0x0  }
0x69: {  	[sflag:s22] =	ssyncadd.s32 $0xFFFFFC18  }
0x6a: {  	_ =	swait.ge [sflag:s22], $0x3E8  }
0x6b: {  	[sflag:s22] =	ssyncset.done $0x0  }
0x6c: {  	[sflag:s22] =	ssyncadd.s32 $0xFFFFFC18  }
0x6d: {  	_ =	swait.ge [sflag:s22], $0x3E8  }
0x6e: {  	[sflag:s22] =	ssyncset.done $0x0  }
0x6f: {  	[sflag:s22] =	ssyncadd.s32 $0xFFFFFC18  }
0x70: {  	_ =	swait.ge [sflag:s22], $0x3E8  }
0x71: {  	[sflag:s22] =	ssyncset.done $0x0  }
0x72: {  	[sflag:s22] =	ssyncadd.s32 $0xFFFFFC18  }
0x73: {  	_ =	swait.ge [sflag:s22], $0x3E8  }
0x74: {  	[sflag:s22] =	ssyncset.done $0x0  }
0x75: {  	[sflag:s22] =	ssyncadd.s32 $0xFFFFFC18  }
0x76: {  	_ =	swait.ge [sflag:s22], $0x3E8  }
0x77: {  	[sflag:s22] =	ssyncset.done $0x0  }
0x78: {  	[sflag:s22] =	ssyncadd.s32 $0xFFFFFC18  }
0x79: {  	_ =	swait.ge [sflag:s22], $0x3E8  }
0x7a: {  	[sflag:s22] =	ssyncset.done $0x0  }
0x7b: {  	[sflag:s22] =	ssyncadd.s32 $0xFFFFFC18  }
0x7c: {  	_ =	swait.ge [sflag:s22], $0x3E8  }
0x7d: {  	[sflag:s22] =	ssyncset.done $0x0  }
0x7e: {  	[sflag:s22] =	ssyncadd.s32 $0xFFFFFC18  }
0x7f: {  	_ =	swait.ge [sflag:s22], $0x3E8  }
0x80: {  	[sflag:s22] =	ssyncset.done $0x0  }
0x81: {  	[sflag:s22] =	ssyncadd.s32 $0xFFFFFC18  }
0x82: {  	_ =	swait.ge [sflag:s22], $0x3E8  }
0x83: {  	[sflag:s22] =	ssyncset.done $0x0  }
0x84: {  	[sflag:s22] =	ssyncadd.s32 $0xFFFFFC18  }
0x85: {  	_ =	swait.ge [sflag:s22], $0x3E8  }
0x86: {  	[sflag:s22] =	ssyncset.done $0x0  }
0x87: {  	[sflag:s22] =	ssyncadd.s32 $0xFFFFFC18  }
0x88: {  	_ =	swait.ge [sflag:s22], $0x3E8  }
0x89: {  	[sflag:s22] =	ssyncset.done $0x0  }
0x8a: {  	[sflag:s22] =	ssyncadd.s32 $0xFFFFFC18  }
0x8b: {  	_ =	swait.ge [sflag:s22], $0x3E8  }
0x8c: {  	[sflag:s22] =	ssyncset.done $0x0  }
0x8d: {  	[sflag:s22] =	ssyncadd.s32 $0xFFFFFC18  }
0x8e: {  	_ =	swait.ge [sflag:s22], $0x3E8  }
0x8f: {  	[sflag:s22] =	ssyncset.done $0x0  }
0x90: {  	[sflag:s22] =	ssyncadd.s32 $0xFFFFFC18  }
0x91: {  	_ =	swait.ge [sflag:s22], $0x3E8  }
0x92: {  	[sflag:s22] =	ssyncset.done $0x0  }
0x93: {  	[sflag:s22] =	ssyncadd.s32 $0xFFFFFC18  }
0x94: {  	_ =	swait.ge [sflag:s22], $0x3E8  }
0x95: {  	[sflag:s22] =	ssyncset.done $0x0  }
0x96: {  	[sflag:s22] =	ssyncadd.s32 $0xFFFFFC18  }
0x97: {  	_ =	swait.ge [sflag:s22], $0x3E8  }
0x98: {  	[sflag:s22] =	ssyncset.done $0x0  }
0x99: {  	[sflag:s22] =	ssyncadd.s32 $0xFFFFFC18  }
0x9a: {  	_ =	swait.ge [sflag:s22], $0x3E8  }
0x9b: {  	[sflag:s22] =	ssyncset.done $0x0  }
0x9c: {  	[sflag:s22] =	ssyncadd.s32 $0xFFFFFC18  }
0x9d: {  	_ =	swait.ge [sflag:s22], $0x3E8  }
0x9e: {  	[sflag:s22] =	ssyncset.done $0x0  }
0x9f: {  	[sflag:s22] =	ssyncadd.s32 $0xFFFFFC18  }
0xa0: {  	[bflag:$0x0] =	sbarrier.arrive $0xFFFF  }
0xa1: {  	[tilespmem:s18], [sflag:$0x1] =	stream.indirect.gather [hbm4b:s4+s6], $0x20, s10, s6, $0xb8;
	[tilespmem:$0x1CB60] =	vst v63  }
0xa2: {  	_ =	swait.ge [sflag:s19], $0x7D00  }
0xa3: {  	[sflag:s19] =	ssyncset.done $0x0  }
0xa4: {  	[sflag:s19] =	ssyncadd.s32 $0xFFFF8300  }
0xa5: {  	[tilespmem:s14], [sflag:$0x2] =	stream.indirect.gather [hbm4b:s4+s6], $0x20, s6, s6, $0xb8;
	[tilespmem:$0x1CB60] =	vst v63  }
0xa6: {  	s16 =	simm.s32 $0x2710  }
0xa7: {  	[spmem:s3] =	stream.indirect.scatter.add.bf16 [tilespmem:s18], [sflag:$0x4], $0x20, s16, s6, $0xb8;
	[tilespmem:$0x1CB60] =	vst v63  }
0xa8: {  	_ =	swait.ge [sflag:s9], $0x7D00  }
0xa9: {  	[sflag:s9] =	ssyncset.done $0x0  }
0xaa: {  	[sflag:s9] =	ssyncadd.s32 $0xFFFF8300  }
0xab: {  	[spmem:s2] =	stream.indirect.scatter.add.bf16 [tilespmem:s12], [sflag:$0x4], $0x8, s16, s6, $0xb8;
	[tilespmem:$0x1CB60] =	vst v63  }
0xac: {  	_ =	swait.ge [sflag:s9], $0x1F40  }
0xad: {  	[sflag:s9] =	ssyncset.done $0x0  }
0xae: {  	[sflag:s9] =	ssyncadd.s32 $0xFFFFE0C0  }
0xaf: {  	_ =	swait.ge [sflag:s15], $0x7D00  }
0xb0: {  	[sflag:s15] =	ssyncset.done $0x0  }
0xb1: {  	[sflag:s15] =	ssyncadd.s32 $0xFFFF8300  }
0xb2: {  	[tilespmem:s18], [sflag:$0x1] =	stream.indirect.gather [hbm4b:s4+s6], $0x20, s1, s6, $0xb8;
	[tilespmem:$0x1CB60] =	vst v63  }
0xb3: {  	s1 =	simm.s32 $0x2AF8  }
0xb4: {  	[spmem:s3] =	stream.indirect.scatter.add.bf16 [tilespmem:s14], [sflag:$0x4], $0x20, s1, s6, $0xb8;
	[tilespmem:$0x1CB60] =	vst v63  }
0xb5: {  	_ =	swait.ge [sflag:s9], $0x7D00  }
0xb6: {  	[sflag:s9] =	ssyncset.done $0x0  }
0xb7: {  	[sflag:s9] =	ssyncadd.s32 $0xFFFF8300  }
0xb8: {  	[spmem:s2] =	stream.indirect.scatter.add.bf16 [tilespmem:s12], [sflag:$0x4], $0x8, s1, s6, $0xb8;
	[tilespmem:$0x1CB60] =	vst v63  }
0xb9: {  	_ =	swait.ge [sflag:s9], $0x1F40  }
0xba: {  	[sflag:s9] =	ssyncset.done $0x0  }
0xbb: {  	[sflag:s9] =	ssyncadd.s32 $0xFFFFE0C0  }
0xbc: {  	_ =	swait.ge [sflag:s19], $0x7D00  }
0xbd: {  	[sflag:s19] =	ssyncset.done $0x0  }
0xbe: {  	[sflag:s19] =	ssyncadd.s32 $0xFFFF8300  }
0xbf: {  	[tilespmem:s14], [sflag:$0x2] =	stream.indirect.gather [hbm4b:s4+s6], $0x20, s30, s6, $0xb8;
	[tilespmem:$0x1CB60] =	vst v63  }
0xc0: {  	s30 =	simm.s32 $0x2EE0  }
0xc1: {  	[spmem:s3] =	stream.indirect.scatter.add.bf16 [tilespmem:s18], [sflag:$0x4], $0x20, s30, s6, $0xb8;
	[tilespmem:$0x1CB60] =	vst v63  }
0xc2: {  	_ =	swait.ge [sflag:s9], $0x7D00  }
0xc3: {  	[sflag:s9] =	ssyncset.done $0x0  }
0xc4: {  	[sflag:s9] =	ssyncadd.s32 $0xFFFF8300  }
0xc5: {  	[spmem:s2] =	stream.indirect.scatter.add.bf16 [tilespmem:s12], [sflag:$0x4], $0x8, s30, s6, $0xb8;
	[tilespmem:$0x1CB60] =	vst v63  }
0xc6: {  	_ =	swait.ge [sflag:s9], $0x1F40  }
0xc7: {  	[sflag:s9] =	ssyncset.done $0x0  }
0xc8: {  	[sflag:s9] =	ssyncadd.s32 $0xFFFFE0C0  }
0xc9: {  	_ =	swait.ge [sflag:s15], $0x7D00  }
0xca: {  	[sflag:s15] =	ssyncset.done $0x0  }
0xcb: {  	[sflag:s15] =	ssyncadd.s32 $0xFFFF8300  }
0xcc: {  	[tilespmem:s18], [sflag:$0x1] =	stream.indirect.gather [hbm4b:s4+s6], $0x20, s11, s6, $0xb8;
	[tilespmem:$0x1CB60] =	vst v63  }
0xcd: {  	_ = 	snop  }
0xce: {  	[spmem:s3] =	stream.indirect.scatter.add.bf16 [tilespmem:s14], [sflag:$0x4], $0x20, s29, s6, $0xb8;
	[tilespmem:$0x1CB60] =	vst v63  }
0xcf: {  	_ =	swait.ge [sflag:s9], $0x7D00  }
0xd0: {  	[sflag:s9] =	ssyncset.done $0x0  }
0xd1: {  	[sflag:s9] =	ssyncadd.s32 $0xFFFF8300  }
0xd2: {  	[spmem:s2] =	stream.indirect.scatter.add.bf16 [tilespmem:s12], [sflag:$0x4], $0x8, s29, s6, $0xb8;
	[tilespmem:$0x1CB60] =	vst v63  }
0xd3: {  	_ =	swait.ge [sflag:s9], $0x1F40  }
0xd4: {  	[sflag:s9] =	ssyncset.done $0x0  }
0xd5: {  	[sflag:s9] =	ssyncadd.s32 $0xFFFFE0C0  }
0xd6: {  	_ =	swait.ge [sflag:s19], $0x7D00  }
0xd7: {  	[sflag:s19] =	ssyncset.done $0x0  }
0xd8: {  	[sflag:s19] =	ssyncadd.s32 $0xFFFF8300  }
0xd9: {  	[tilespmem:s14], [sflag:$0x2] =	stream.indirect.gather [hbm4b:s4+s6], $0x20, s17, s6, $0xb8;
	[tilespmem:$0x1CB60] =	vst v63  }
0xda: {  	_ = 	snop  }
0xdb: {  	[spmem:s3] =	stream.indirect.scatter.add.bf16 [tilespmem:s18], [sflag:$0x4], $0x20, s28, s6, $0xb8;
	[tilespmem:$0x1CB60] =	vst v63  }
0xdc: {  	_ =	swait.ge [sflag:s9], $0x7D00  }
0xdd: {  	[sflag:s9] =	ssyncset.done $0x0  }
0xde: {  	[sflag:s9] =	ssyncadd.s32 $0xFFFF8300  }
0xdf: {  	[spmem:s2] =	stream.indirect.scatter.add.bf16 [tilespmem:s12], [sflag:$0x4], $0x8, s28, s6, $0xb8;
	[tilespmem:$0x1CB60] =	vst v63  }
0xe0: {  	_ =	swait.ge [sflag:s9], $0x1F40  }
0xe1: {  	[sflag:s9] =	ssyncset.done $0x0  }
0xe2: {  	[sflag:s9] =	ssyncadd.s32 $0xFFFFE0C0  }
0xe3: {  	_ =	swait.ge [sflag:s15], $0x7D00  }
0xe4: {  	[sflag:s15] =	ssyncset.done $0x0  }
0xe5: {  	s13 =	simm.s32 $0x1770;
	[sflag:s15] =	ssyncadd.s32 $0xFFFF8300  }
0xe6: {  	[tilespmem:s18], [sflag:$0x1] =	stream.indirect.gather [hbm4b:s4+s6], $0x20, s13, s6, $0xb8;
	[tilespmem:$0x1CB60] =	vst v63  }
0xe7: {  	s16 =	simm.s32 $0x3A98  }
0xe8: {  	[spmem:s3] =	stream.indirect.scatter.add.bf16 [tilespmem:s14], [sflag:$0x4], $0x20, s16, s6, $0xb8;
	[tilespmem:$0x1CB60] =	vst v63  }
0xe9: {  	_ =	swait.ge [sflag:s9], $0x7D00  }
0xea: {  	[sflag:s9] =	ssyncset.done $0x0  }
0xeb: {  	[sflag:s9] =	ssyncadd.s32 $0xFFFF8300  }
0xec: {  	[spmem:s2] =	stream.indirect.scatter.add.bf16 [tilespmem:s12], [sflag:$0x4], $0x8, s16, s6, $0xb8;
	[tilespmem:$0x1CB60] =	vst v63  }
0xed: {  	_ =	swait.ge [sflag:s9], $0x1F40  }
0xee: {  	[sflag:s9] =	ssyncset.done $0x0  }
0xef: {  	[sflag:s9] =	ssyncadd.s32 $0xFFFFE0C0  }
0xf0: {  	_ =	swait.ge [sflag:s19], $0x7D00  }
0xf1: {  	[sflag:s19] =	ssyncset.done $0x0  }
0xf2: {  	s17 =	simm.s32 $0x1B58;
	[sflag:s19] =	ssyncadd.s32 $0xFFFF8300  }
0xf3: {  	[tilespmem:s14], [sflag:$0x2] =	stream.indirect.gather [hbm4b:s4+s6], $0x20, s17, s6, $0xb8;
	[tilespmem:$0x1CB60] =	vst v63  }
0xf4: {  	_ = 	snop  }
0xf5: {  	[spmem:s3] =	stream.indirect.scatter.add.bf16 [tilespmem:s18], [sflag:$0x4], $0x20, s25, s6, $0xb8;
	[tilespmem:$0x1CB60] =	vst v63  }
0xf6: {  	_ =	swait.ge [sflag:s9], $0x7D00  }
0xf7: {  	[sflag:s9] =	ssyncset.done $0x0  }
0xf8: {  	[sflag:s9] =	ssyncadd.s32 $0xFFFF8300  }
0xf9: {  	[spmem:s2] =	stream.indirect.scatter.add.bf16 [tilespmem:s12], [sflag:$0x4], $0x8, s25, s6, $0xb8;
	[tilespmem:$0x1CB60] =	vst v63  }
0xfa: {  	_ =	swait.ge [sflag:s9], $0x1F40  }
0xfb: {  	[sflag:s9] =	ssyncset.done $0x0  }
0xfc: {  	[sflag:s9] =	ssyncadd.s32 $0xFFFFE0C0  }
0xfd: {  	_ =	swait.ge [sflag:s15], $0x7D00  }
0xfe: {  	[sflag:s15] =	ssyncset.done $0x0  }
0xff: {  	s23 =	simm.s32 $0x1F40;
	[sflag:s15] =	ssyncadd.s32 $0xFFFF8300  }
0x100: {  	[tilespmem:s18], [sflag:$0x1] =	stream.indirect.gather [hbm4b:s4+s6], $0x20, s23, s6, $0xb8;
	[tilespmem:$0x1CB60] =	vst v63  }
0x101: {  	_ = 	snop  }
0x102: {  	[spmem:s3] =	stream.indirect.scatter.add.bf16 [tilespmem:s14], [sflag:$0x4], $0x20, s0, s6, $0xb8;
	[tilespmem:$0x1CB60] =	vst v63  }
0x103: {  	_ =	swait.ge [sflag:s9], $0x7D00  }
0x104: {  	[sflag:s9] =	ssyncset.done $0x0  }
0x105: {  	[sflag:s9] =	ssyncadd.s32 $0xFFFF8300  }
0x106: {  	[spmem:s2] =	stream.indirect.scatter.add.bf16 [tilespmem:s12], [sflag:$0x4], $0x8, s0, s6, $0xb8;
	[tilespmem:$0x1CB60] =	vst v63  }
0x107: {  	_ =	swait.ge [sflag:s9], $0x1F40  }
0x108: {  	[sflag:s9] =	ssyncset.done $0x0  }
0x109: {  	[sflag:s9] =	ssyncadd.s32 $0xFFFFE0C0  }
0x10a: {  	_ =	swait.ge [sflag:s19], $0x7D00  }
0x10b: {  	[sflag:s19] =	ssyncset.done $0x0  }
0x10c: {  	s8 =	simm.s32 $0x2328;
	[sflag:s19] =	ssyncadd.s32 $0xFFFF8300  }
0x10d: {  	[tilespmem:s14], [sflag:$0x2] =	stream.indirect.gather [hbm4b:s4+s6], $0x20, s8, s6, $0xb8;
	[tilespmem:$0x1CB60] =	vst v63  }
0x10e: {  	_ = 	snop  }
0x10f: {  	[spmem:s3] =	stream.indirect.scatter.add.bf16 [tilespmem:s18], [sflag:$0x4], $0x20, s21, s6, $0xb8;
	[tilespmem:$0x1CB60] =	vst v63  }
0x110: {  	_ =	swait.ge [sflag:s9], $0x7D00  }
0x111: {  	[sflag:s9] =	ssyncset.done $0x0  }
0x112: {  	[sflag:s9] =	ssyncadd.s32 $0xFFFF8300  }
0x113: {  	[spmem:s2] =	stream.indirect.scatter.add.bf16 [tilespmem:s12], [sflag:$0x4], $0x8, s21, s6, $0xb8;
	[tilespmem:$0x1CB60] =	vst v63  }
0x114: {  	_ =	swait.ge [sflag:s9], $0x1F40  }
0x115: {  	[sflag:s9] =	ssyncset.done $0x0  }
0x116: {  	[sflag:s9] =	ssyncadd.s32 $0xFFFFE0C0  }
0x117: {  	_ =	swait.ge [sflag:s15], $0x7D00  }
0x118: {  	[sflag:s15] =	ssyncset.done $0x0  }
0x119: {  	s24 =	simm.s32 $0x4A38;
	[sflag:s15] =	ssyncadd.s32 $0xFFFF8300  }
0x11a: {  	[spmem:s3] =	stream.indirect.scatter.add.bf16 [tilespmem:s14], [sflag:$0x4], $0x20, s24, s6, $0xb8;
	[tilespmem:$0x1CB60] =	vst v63  }
0x11b: {  	_ =	swait.ge [sflag:s9], $0x7D00  }
0x11c: {  	[sflag:s9] =	ssyncset.done $0x0  }
0x11d: {  	[sflag:s9] =	ssyncadd.s32 $0xFFFF8300  }
0x11e: {  	[spmem:s2] =	stream.indirect.scatter.add.bf16 [tilespmem:s12], [sflag:$0x4], $0x8, s24, s6, $0xb8;
	[tilespmem:$0x1CB60] =	vst v63  }
0x11f: {  	_ =	swait.ge [sflag:s9], $0x1F40  }
0x120: {  	[sflag:s9] =	ssyncset.done $0x0  }
0x121: {  	[sflag:s9] =	ssyncadd.s32 $0xFFFFE0C0  }
0x122: {  	[bflag:$0x0] =	sbarrier.arrive $0xFFFF  }
0x123: {  	p1 =	sne.s32 s7, $0x1;
	p0 =	por $0x1, $0x1;
	s25 =	rddreg [dreg:$0x1a]  }
0x124: {  	s11 =	simm.s32 $0x32C8;
	s28 =	simm.s32 $0x36B0;
	s26 =	rddreg [dreg:$0x1c]  }
0x125: {  	[hbm:s25], [sflag:s5] =	dma.local [spmem:s26], $0xA00  }
0x126: {  	s16 =	simm.s32 $0x4650;
	s23 =	simm.s32 $0x3E80;
	_ =	swait.ge [sflag:s9], $0xA00  }
.Ltmp1:
0x127: {  	[dreg:$0x1d] =	wrdreg s31;
	[sflag:s9] =	ssyncset.done $0x0;
	(pc) =	sbr.rel @!p1 .LBB2_7-.Ltmp1, $4  }
0x128: {  	s24 =	sadd.s32 $0xFFFFFFFF, s7;
	s29 =	rddreg [dreg:$0x1b];
	[sflag:s9] =	ssyncadd.s32 $0xFFFFF600  }
0x129: {  	[hbm:s29], [sflag:s5] =	dma.local [spmem:s31], $0x280  }
0x12a: {  	s25 =	simm.s32 $0x3A98;
	_ =	swait.ge [sflag:s9], $0x280;
	[dreg:$0x1e] =	wrdreg s20  }
0x12b: {  	s20 =	simm.s32 $0x4268;
	s26 =	rddreg [dreg:$0x18];
	[sflag:s9] =	ssyncset.done $0x0  }
0x12c: {  	s8 =	simm.s32 $0x2710;
	s17 =	simm.s32 $0x1388  }
0x12d: {  	s21 =	simm.s32 $0x1B58;
	s7 =	simm.s32 $0x1F40;
	s13 =	simm.s32 $0x2328  }
.LBB2_4:
0x12e: {  	[sflag:s9] =	ssyncadd.s32 $0xFFFFFD80;
	s0 =	rddreg [dreg:$0x1e]  }
0x12f: {  	[tilespmem:s10], [sflag:$0x3] =	stream.linear.gather [hbm4b:s0+s10], $0x3E8, $0x38;
	[tilespmem:$0x1CB60] =	vst v63  }
0x130: {  	s29 =	rddreg [dreg:$0x5]  }
0x131: {  	[tilespmem:s8], [sflag:$0x3] =	stream.linear.gather [hbm4b:s29+s10], $0x3E8, $0x38;
	[tilespmem:$0x1CB60] =	vst v63  }
0x132: {  	s31 =	rddreg [dreg:$0x6]  }
0x133: {  	[tilespmem:s6], [sflag:$0x3] =	stream.linear.gather [hbm4b:s31+s10], $0x3E8, $0x38;
	[tilespmem:$0x1CB60] =	vst v63  }
0x134: {  	s0 =	rddreg [dreg:$0x7]  }
0x135: {  	[tilespmem:s1], [sflag:$0x3] =	stream.linear.gather [hbm4b:s0+s10], $0x3E8, $0x38;
	[tilespmem:$0x1CB60] =	vst v63  }
0x136: {  	s31 =	rddreg [dreg:$0x8];
	s1 =	simm.s32 $0x7D0  }
0x137: {  	[tilespmem:s1], [sflag:$0x3] =	stream.linear.gather [hbm4b:s31+s10], $0x3E8, $0x38;
	[tilespmem:$0x1CB60] =	vst v63  }
0x138: {  	s0 =	rddreg [dreg:$0x9]  }
0x139: {  	[tilespmem:s30], [sflag:$0x3] =	stream.linear.gather [hbm4b:s0+s10], $0x3E8, $0x38;
	[tilespmem:$0x1CB60] =	vst v63  }
0x13a: {  	s31 =	rddreg [dreg:$0xa];
	s30 =	simm.s32 $0xBB8  }
0x13b: {  	[tilespmem:s30], [sflag:$0x3] =	stream.linear.gather [hbm4b:s31+s10], $0x3E8, $0x38;
	[tilespmem:$0x1CB60] =	vst v63  }
0x13c: {  	s0 =	rddreg [dreg:$0xb]  }
0x13d: {  	[tilespmem:s11], [sflag:$0x3] =	stream.linear.gather [hbm4b:s0+s10], $0x3E8, $0x38;
	[tilespmem:$0x1CB60] =	vst v63  }
0x13e: {  	s31 =	rddreg [dreg:$0xc];
	s11 =	simm.s32 $0xFA0  }
0x13f: {  	[tilespmem:s11], [sflag:$0x3] =	stream.linear.gather [hbm4b:s31+s10], $0x3E8, $0x38;
	[tilespmem:$0x1CB60] =	vst v63  }
0x140: {  	s0 =	rddreg [dreg:$0xd]  }
0x141: {  	[tilespmem:s28], [sflag:$0x3] =	stream.linear.gather [hbm4b:s0+s10], $0x3E8, $0x38;
	[tilespmem:$0x1CB60] =	vst v63  }
0x142: {  	s31 =	rddreg [dreg:$0xe]  }
0x143: {  	[tilespmem:s17], [sflag:$0x3] =	stream.linear.gather [hbm4b:s31+s10], $0x3E8, $0x38;
	[tilespmem:$0x1CB60] =	vst v63  }
0x144: {  	s0 =	rddreg [dreg:$0xf]  }
0x145: {  	[tilespmem:s25], [sflag:$0x3] =	stream.linear.gather [hbm4b:s0+s10], $0x3E8, $0x38;
	[tilespmem:$0x1CB60] =	vst v63  }
0x146: {  	s31 =	rddreg [dreg:$0x10];
	s0 =	simm.s32 $0x1770  }
0x147: {  	[tilespmem:s0], [sflag:$0x3] =	stream.linear.gather [hbm4b:s31+s10], $0x3E8, $0x38;
	[tilespmem:$0x1CB60] =	vst v63  }
0x148: {  	s29 =	rddreg [dreg:$0x11]  }
0x149: {  	[tilespmem:s23], [sflag:$0x3] =	stream.linear.gather [hbm4b:s29+s10], $0x3E8, $0x38;
	[tilespmem:$0x1CB60] =	vst v63  }
0x14a: {  	s31 =	rddreg [dreg:$0x12]  }
0x14b: {  	[tilespmem:s21], [sflag:$0x3] =	stream.linear.gather [hbm4b:s31+s10], $0x3E8, $0x38;
	[tilespmem:$0x1CB60] =	vst v63  }
0x14c: {  	s29 =	rddreg [dreg:$0x13]  }
0x14d: {  	[tilespmem:s20], [sflag:$0x3] =	stream.linear.gather [hbm4b:s29+s10], $0x3E8, $0x38;
	[tilespmem:$0x1CB60] =	vst v63  }
0x14e: {  	s31 =	rddreg [dreg:$0x14]  }
0x14f: {  	[tilespmem:s7], [sflag:$0x3] =	stream.linear.gather [hbm4b:s31+s10], $0x3E8, $0x38;
	[tilespmem:$0x1CB60] =	vst v63  }
0x150: {  	s29 =	rddreg [dreg:$0x15]  }
0x151: {  	[tilespmem:s16], [sflag:$0x3] =	stream.linear.gather [hbm4b:s29+s10], $0x3E8, $0x38;
	[tilespmem:$0x1CB60] =	vst v63  }
0x152: {  	s31 =	rddreg [dreg:$0x16]  }
0x153: {  	[tilespmem:s13], [sflag:$0x3] =	stream.linear.gather [hbm4b:s31+s10], $0x3E8, $0x38;
	[tilespmem:$0x1CB60] =	vst v63  }
0x154: {  	s29 =	rddreg [dreg:$0x17];
	s31 =	simm.s32 $0x4A38  }
0x155: {  	[tilespmem:s31], [sflag:$0x3] =	stream.linear.gather [hbm4b:s29+s10], $0x3E8, $0x38;
	[tilespmem:$0x1CB60] =	vst v63  }
0x156: {  	s29 =	rddreg [dreg:$0x1c]  }
0x157: {  	[spmem:s29], [sflag:s5] =	dma.local [hbm:s26], $0xA00  }
0x158: {  	_ =	swait.ge [sflag:s9], $0xA00  }
0x159: {  	[sflag:s9] =	ssyncset.done $0x0;
	s26 =	rddreg [dreg:$0x19]  }
0x15a: {  	s29 =	rddreg [dreg:$0x1d];
	[sflag:s9] =	ssyncadd.s32 $0xFFFFF600  }
0x15b: {  	[spmem:s29], [sflag:s5] =	dma.local [hbm:s26], $0x280  }
0x15c: {  	_ =	swait.ge [sflag:s9], $0x280  }
0x15d: {  	[sflag:s9] =	ssyncset.done $0x0  }
0x15e: {  	s26 =	rddreg [dreg:$0x4];
	[sflag:s9] =	ssyncadd.s32 $0xFFFFFD80  }
0x15f: {  	[tilespmem:s12], [sflag:$0x4] =	stream.linear.gather [hbm4b:s26+s10], $0x1F40, $0x38;
	[tilespmem:$0x1CB60] =	vst v63  }
0x160: {  	_ =	swait.ge [sflag:s9], $0x1F40  }
0x161: {  	[sflag:s9] =	ssyncset.done $0x0  }
0x162: {  	[sflag:s9] =	ssyncadd.s32 $0xFFFFE0C0  }
0x163: {  	_ =	swait.ge [sflag:s22], $0x3E8  }
0x164: {  	[sflag:s22] =	ssyncset.done $0x0  }
0x165: {  	[sflag:s22] =	ssyncadd.s32 $0xFFFFFC18  }
0x166: {  	_ =	swait.ge [sflag:s22], $0x3E8  }
0x167: {  	[sflag:s22] =	ssyncset.done $0x0  }
0x168: {  	[sflag:s22] =	ssyncadd.s32 $0xFFFFFC18  }
0x169: {  	_ =	swait.ge [sflag:s22], $0x3E8  }
0x16a: {  	[sflag:s22] =	ssyncset.done $0x0  }
0x16b: {  	[sflag:s22] =	ssyncadd.s32 $0xFFFFFC18  }
0x16c: {  	_ =	swait.ge [sflag:s22], $0x3E8  }
0x16d: {  	[sflag:s22] =	ssyncset.done $0x0  }
0x16e: {  	[sflag:s22] =	ssyncadd.s32 $0xFFFFFC18  }
0x16f: {  	_ =	swait.ge [sflag:s22], $0x3E8  }
0x170: {  	[sflag:s22] =	ssyncset.done $0x0  }
0x171: {  	[sflag:s22] =	ssyncadd.s32 $0xFFFFFC18  }
0x172: {  	_ =	swait.ge [sflag:s22], $0x3E8  }
0x173: {  	[sflag:s22] =	ssyncset.done $0x0  }
0x174: {  	[sflag:s22] =	ssyncadd.s32 $0xFFFFFC18  }
0x175: {  	_ =	swait.ge [sflag:s22], $0x3E8  }
0x176: {  	[sflag:s22] =	ssyncset.done $0x0  }
0x177: {  	[sflag:s22] =	ssyncadd.s32 $0xFFFFFC18  }
0x178: {  	_ =	swait.ge [sflag:s22], $0x3E8  }
0x179: {  	[sflag:s22] =	ssyncset.done $0x0  }
0x17a: {  	[sflag:s22] =	ssyncadd.s32 $0xFFFFFC18  }
0x17b: {  	_ =	swait.ge [sflag:s22], $0x3E8  }
0x17c: {  	[sflag:s22] =	ssyncset.done $0x0  }
0x17d: {  	[sflag:s22] =	ssyncadd.s32 $0xFFFFFC18  }
0x17e: {  	_ =	swait.ge [sflag:s22], $0x3E8  }
0x17f: {  	[sflag:s22] =	ssyncset.done $0x0  }
0x180: {  	[sflag:s22] =	ssyncadd.s32 $0xFFFFFC18  }
0x181: {  	_ =	swait.ge [sflag:s22], $0x3E8  }
0x182: {  	[sflag:s22] =	ssyncset.done $0x0  }
0x183: {  	[sflag:s22] =	ssyncadd.s32 $0xFFFFFC18  }
0x184: {  	_ =	swait.ge [sflag:s22], $0x3E8  }
0x185: {  	[sflag:s22] =	ssyncset.done $0x0  }
0x186: {  	[sflag:s22] =	ssyncadd.s32 $0xFFFFFC18  }
0x187: {  	_ =	swait.ge [sflag:s22], $0x3E8  }
0x188: {  	[sflag:s22] =	ssyncset.done $0x0  }
0x189: {  	[sflag:s22] =	ssyncadd.s32 $0xFFFFFC18  }
0x18a: {  	_ =	swait.ge [sflag:s22], $0x3E8  }
0x18b: {  	[sflag:s22] =	ssyncset.done $0x0  }
0x18c: {  	[sflag:s22] =	ssyncadd.s32 $0xFFFFFC18  }
0x18d: {  	_ =	swait.ge [sflag:s22], $0x3E8  }
0x18e: {  	[sflag:s22] =	ssyncset.done $0x0  }
0x18f: {  	[sflag:s22] =	ssyncadd.s32 $0xFFFFFC18  }
0x190: {  	_ =	swait.ge [sflag:s22], $0x3E8  }
0x191: {  	[sflag:s22] =	ssyncset.done $0x0  }
0x192: {  	[sflag:s22] =	ssyncadd.s32 $0xFFFFFC18  }
0x193: {  	_ =	swait.ge [sflag:s22], $0x3E8  }
0x194: {  	[sflag:s22] =	ssyncset.done $0x0  }
0x195: {  	[sflag:s22] =	ssyncadd.s32 $0xFFFFFC18  }
0x196: {  	_ =	swait.ge [sflag:s22], $0x3E8  }
0x197: {  	[sflag:s22] =	ssyncset.done $0x0  }
0x198: {  	[sflag:s22] =	ssyncadd.s32 $0xFFFFFC18  }
0x199: {  	_ =	swait.ge [sflag:s22], $0x3E8  }
0x19a: {  	[sflag:s22] =	ssyncset.done $0x0  }
0x19b: {  	[sflag:s22] =	ssyncadd.s32 $0xFFFFFC18  }
0x19c: {  	_ =	swait.ge [sflag:s22], $0x3E8  }
0x19d: {  	[sflag:s22] =	ssyncset.done $0x0  }
0x19e: {  	[sflag:s22] =	ssyncadd.s32 $0xFFFFFC18  }
0x19f: {  	[bflag:$0x0] =	sbarrier.arrive $0xFFFF  }
0x1a0: {  	[tilespmem:s18], [sflag:$0x1] =	stream.indirect.gather [hbm4b:s4+s6], $0x20, s10, s6, $0xb8;
	[tilespmem:$0x1CB60] =	vst v63  }
0x1a1: {  	_ =	swait.ge [sflag:s19], $0x7D00  }
0x1a2: {  	[sflag:s19] =	ssyncset.done $0x0  }
0x1a3: {  	[sflag:s19] =	ssyncadd.s32 $0xFFFF8300  }
0x1a4: {  	[tilespmem:s14], [sflag:$0x2] =	stream.indirect.gather [hbm4b:s4+s6], $0x20, s6, s6, $0xb8;
	[tilespmem:$0x1CB60] =	vst v63  }
0x1a5: {  	_ = 	snop  }
0x1a6: {  	[spmem:s3] =	stream.indirect.scatter.add.bf16 [tilespmem:s18], [sflag:$0x4], $0x20, s8, s6, $0xb8;
	[tilespmem:$0x1CB60] =	vst v63  }
0x1a7: {  	_ =	swait.ge [sflag:s9], $0x7D00  }
0x1a8: {  	[sflag:s9] =	ssyncset.done $0x0  }
0x1a9: {  	[sflag:s9] =	ssyncadd.s32 $0xFFFF8300  }
0x1aa: {  	[spmem:s2] =	stream.indirect.scatter.add.bf16 [tilespmem:s12], [sflag:$0x4], $0x8, s8, s6, $0xb8;
	[tilespmem:$0x1CB60] =	vst v63  }
0x1ab: {  	_ =	swait.ge [sflag:s9], $0x1F40  }
0x1ac: {  	[sflag:s9] =	ssyncset.done $0x0  }
0x1ad: {  	[sflag:s9] =	ssyncadd.s32 $0xFFFFE0C0  }
0x1ae: {  	_ =	swait.ge [sflag:s15], $0x7D00  }
0x1af: {  	[sflag:s15] =	ssyncset.done $0x0  }
0x1b0: {  	[sflag:s15] =	ssyncadd.s32 $0xFFFF8300  }
0x1b1: {  	[tilespmem:s18], [sflag:$0x1] =	stream.indirect.gather [hbm4b:s4+s6], $0x20, s1, s6, $0xb8;
	[tilespmem:$0x1CB60] =	vst v63  }
0x1b2: {  	s1 =	simm.s32 $0x2AF8  }
0x1b3: {  	[spmem:s3] =	stream.indirect.scatter.add.bf16 [tilespmem:s14], [sflag:$0x4], $0x20, s1, s6, $0xb8;
	[tilespmem:$0x1CB60] =	vst v63  }
0x1b4: {  	_ =	swait.ge [sflag:s9], $0x7D00  }
0x1b5: {  	[sflag:s9] =	ssyncset.done $0x0  }
0x1b6: {  	[sflag:s9] =	ssyncadd.s32 $0xFFFF8300  }
0x1b7: {  	[spmem:s2] =	stream.indirect.scatter.add.bf16 [tilespmem:s12], [sflag:$0x4], $0x8, s1, s6, $0xb8;
	[tilespmem:$0x1CB60] =	vst v63  }
0x1b8: {  	_ =	swait.ge [sflag:s9], $0x1F40  }
0x1b9: {  	[sflag:s9] =	ssyncset.done $0x0  }
0x1ba: {  	[sflag:s9] =	ssyncadd.s32 $0xFFFFE0C0  }
0x1bb: {  	_ =	swait.ge [sflag:s19], $0x7D00  }
0x1bc: {  	[sflag:s19] =	ssyncset.done $0x0  }
0x1bd: {  	[sflag:s19] =	ssyncadd.s32 $0xFFFF8300  }
0x1be: {  	[tilespmem:s14], [sflag:$0x2] =	stream.indirect.gather [hbm4b:s4+s6], $0x20, s30, s6, $0xb8;
	[tilespmem:$0x1CB60] =	vst v63  }
0x1bf: {  	s30 =	simm.s32 $0x2EE0  }
0x1c0: {  	[spmem:s3] =	stream.indirect.scatter.add.bf16 [tilespmem:s18], [sflag:$0x4], $0x20, s30, s6, $0xb8;
	[tilespmem:$0x1CB60] =	vst v63  }
0x1c1: {  	_ =	swait.ge [sflag:s9], $0x7D00  }
0x1c2: {  	[sflag:s9] =	ssyncset.done $0x0  }
0x1c3: {  	[sflag:s9] =	ssyncadd.s32 $0xFFFF8300  }
0x1c4: {  	[spmem:s2] =	stream.indirect.scatter.add.bf16 [tilespmem:s12], [sflag:$0x4], $0x8, s30, s6, $0xb8;
	[tilespmem:$0x1CB60] =	vst v63  }
0x1c5: {  	_ =	swait.ge [sflag:s9], $0x1F40  }
0x1c6: {  	[sflag:s9] =	ssyncset.done $0x0  }
0x1c7: {  	[sflag:s9] =	ssyncadd.s32 $0xFFFFE0C0  }
0x1c8: {  	_ =	swait.ge [sflag:s15], $0x7D00  }
0x1c9: {  	[sflag:s15] =	ssyncset.done $0x0  }
0x1ca: {  	[sflag:s15] =	ssyncadd.s32 $0xFFFF8300  }
0x1cb: {  	[tilespmem:s18], [sflag:$0x1] =	stream.indirect.gather [hbm4b:s4+s6], $0x20, s11, s6, $0xb8;
	[tilespmem:$0x1CB60] =	vst v63  }
0x1cc: {  	s11 =	simm.s32 $0x32C8  }
0x1cd: {  	[spmem:s3] =	stream.indirect.scatter.add.bf16 [tilespmem:s14], [sflag:$0x4], $0x20, s11, s6, $0xb8;
	[tilespmem:$0x1CB60] =	vst v63  }
0x1ce: {  	_ =	swait.ge [sflag:s9], $0x7D00  }
0x1cf: {  	[sflag:s9] =	ssyncset.done $0x0  }
0x1d0: {  	[sflag:s9] =	ssyncadd.s32 $0xFFFF8300  }
0x1d1: {  	[spmem:s2] =	stream.indirect.scatter.add.bf16 [tilespmem:s12], [sflag:$0x4], $0x8, s11, s6, $0xb8;
	[tilespmem:$0x1CB60] =	vst v63  }
0x1d2: {  	_ =	swait.ge [sflag:s9], $0x1F40  }
0x1d3: {  	[sflag:s9] =	ssyncset.done $0x0  }
0x1d4: {  	[sflag:s9] =	ssyncadd.s32 $0xFFFFE0C0  }
0x1d5: {  	_ =	swait.ge [sflag:s19], $0x7D00  }
0x1d6: {  	[sflag:s19] =	ssyncset.done $0x0  }
0x1d7: {  	[sflag:s19] =	ssyncadd.s32 $0xFFFF8300  }
0x1d8: {  	[tilespmem:s14], [sflag:$0x2] =	stream.indirect.gather [hbm4b:s4+s6], $0x20, s17, s6, $0xb8;
	[tilespmem:$0x1CB60] =	vst v63  }
0x1d9: {  	_ = 	snop  }
0x1da: {  	[spmem:s3] =	stream.indirect.scatter.add.bf16 [tilespmem:s18], [sflag:$0x4], $0x20, s28, s6, $0xb8;
	[tilespmem:$0x1CB60] =	vst v63  }
0x1db: {  	_ =	swait.ge [sflag:s9], $0x7D00  }
0x1dc: {  	[sflag:s9] =	ssyncset.done $0x0  }
0x1dd: {  	[sflag:s9] =	ssyncadd.s32 $0xFFFF8300  }
0x1de: {  	[spmem:s2] =	stream.indirect.scatter.add.bf16 [tilespmem:s12], [sflag:$0x4], $0x8, s28, s6, $0xb8;
	[tilespmem:$0x1CB60] =	vst v63  }
0x1df: {  	_ =	swait.ge [sflag:s9], $0x1F40  }
0x1e0: {  	[sflag:s9] =	ssyncset.done $0x0  }
0x1e1: {  	[sflag:s9] =	ssyncadd.s32 $0xFFFFE0C0  }
0x1e2: {  	_ =	swait.ge [sflag:s15], $0x7D00  }
0x1e3: {  	[sflag:s15] =	ssyncset.done $0x0  }
0x1e4: {  	[sflag:s15] =	ssyncadd.s32 $0xFFFF8300  }
0x1e5: {  	[tilespmem:s18], [sflag:$0x1] =	stream.indirect.gather [hbm4b:s4+s6], $0x20, s0, s6, $0xb8;
	[tilespmem:$0x1CB60] =	vst v63  }
0x1e6: {  	_ = 	snop  }
0x1e7: {  	[spmem:s3] =	stream.indirect.scatter.add.bf16 [tilespmem:s14], [sflag:$0x4], $0x20, s25, s6, $0xb8;
	[tilespmem:$0x1CB60] =	vst v63  }
0x1e8: {  	_ =	swait.ge [sflag:s9], $0x7D00  }
0x1e9: {  	[sflag:s9] =	ssyncset.done $0x0  }
0x1ea: {  	[sflag:s9] =	ssyncadd.s32 $0xFFFF8300  }
0x1eb: {  	[spmem:s2] =	stream.indirect.scatter.add.bf16 [tilespmem:s12], [sflag:$0x4], $0x8, s25, s6, $0xb8;
	[tilespmem:$0x1CB60] =	vst v63  }
0x1ec: {  	_ =	swait.ge [sflag:s9], $0x1F40  }
0x1ed: {  	[sflag:s9] =	ssyncset.done $0x0  }
0x1ee: {  	[sflag:s9] =	ssyncadd.s32 $0xFFFFE0C0  }
0x1ef: {  	_ =	swait.ge [sflag:s19], $0x7D00  }
0x1f0: {  	[sflag:s19] =	ssyncset.done $0x0  }
0x1f1: {  	[sflag:s19] =	ssyncadd.s32 $0xFFFF8300  }
0x1f2: {  	[tilespmem:s14], [sflag:$0x2] =	stream.indirect.gather [hbm4b:s4+s6], $0x20, s21, s6, $0xb8;
	[tilespmem:$0x1CB60] =	vst v63  }
0x1f3: {  	_ = 	snop  }
0x1f4: {  	[spmem:s3] =	stream.indirect.scatter.add.bf16 [tilespmem:s18], [sflag:$0x4], $0x20, s23, s6, $0xb8;
	[tilespmem:$0x1CB60] =	vst v63  }
0x1f5: {  	_ =	swait.ge [sflag:s9], $0x7D00  }
0x1f6: {  	[sflag:s9] =	ssyncset.done $0x0  }
0x1f7: {  	[sflag:s9] =	ssyncadd.s32 $0xFFFF8300  }
0x1f8: {  	[spmem:s2] =	stream.indirect.scatter.add.bf16 [tilespmem:s12], [sflag:$0x4], $0x8, s23, s6, $0xb8;
	[tilespmem:$0x1CB60] =	vst v63  }
0x1f9: {  	_ =	swait.ge [sflag:s9], $0x1F40  }
0x1fa: {  	[sflag:s9] =	ssyncset.done $0x0  }
0x1fb: {  	[sflag:s9] =	ssyncadd.s32 $0xFFFFE0C0  }
0x1fc: {  	_ =	swait.ge [sflag:s15], $0x7D00  }
0x1fd: {  	[sflag:s15] =	ssyncset.done $0x0  }
0x1fe: {  	[sflag:s15] =	ssyncadd.s32 $0xFFFF8300  }
0x1ff: {  	[tilespmem:s18], [sflag:$0x1] =	stream.indirect.gather [hbm4b:s4+s6], $0x20, s7, s6, $0xb8;
	[tilespmem:$0x1CB60] =	vst v63  }
0x200: {  	_ = 	snop  }
0x201: {  	[spmem:s3] =	stream.indirect.scatter.add.bf16 [tilespmem:s14], [sflag:$0x4], $0x20, s20, s6, $0xb8;
	[tilespmem:$0x1CB60] =	vst v63  }
0x202: {  	_ =	swait.ge [sflag:s9], $0x7D00  }
0x203: {  	[sflag:s9] =	ssyncset.done $0x0  }
0x204: {  	[sflag:s9] =	ssyncadd.s32 $0xFFFF8300  }
0x205: {  	[spmem:s2] =	stream.indirect.scatter.add.bf16 [tilespmem:s12], [sflag:$0x4], $0x8, s20, s6, $0xb8;
	[tilespmem:$0x1CB60] =	vst v63  }
0x206: {  	_ =	swait.ge [sflag:s9], $0x1F40  }
0x207: {  	[sflag:s9] =	ssyncset.done $0x0  }
0x208: {  	[sflag:s9] =	ssyncadd.s32 $0xFFFFE0C0  }
0x209: {  	_ =	swait.ge [sflag:s19], $0x7D00  }
0x20a: {  	[sflag:s19] =	ssyncset.done $0x0  }
0x20b: {  	[sflag:s19] =	ssyncadd.s32 $0xFFFF8300  }
0x20c: {  	[tilespmem:s14], [sflag:$0x2] =	stream.indirect.gather [hbm4b:s4+s6], $0x20, s13, s6, $0xb8;
	[tilespmem:$0x1CB60] =	vst v63  }
0x20d: {  	_ = 	snop  }
0x20e: {  	[spmem:s3] =	stream.indirect.scatter.add.bf16 [tilespmem:s18], [sflag:$0x4], $0x20, s16, s6, $0xb8;
	[tilespmem:$0x1CB60] =	vst v63  }
0x20f: {  	_ =	swait.ge [sflag:s9], $0x7D00  }
0x210: {  	[sflag:s9] =	ssyncset.done $0x0  }
0x211: {  	[sflag:s9] =	ssyncadd.s32 $0xFFFF8300  }
0x212: {  	[spmem:s2] =	stream.indirect.scatter.add.bf16 [tilespmem:s12], [sflag:$0x4], $0x8, s16, s6, $0xb8;
	[tilespmem:$0x1CB60] =	vst v63  }
0x213: {  	_ =	swait.ge [sflag:s9], $0x1F40  }
0x214: {  	[sflag:s9] =	ssyncset.done $0x0  }
0x215: {  	[sflag:s9] =	ssyncadd.s32 $0xFFFFE0C0  }
0x216: {  	_ =	swait.ge [sflag:s15], $0x7D00  }
0x217: {  	[sflag:s15] =	ssyncset.done $0x0  }
0x218: {  	[sflag:s15] =	ssyncadd.s32 $0xFFFF8300  }
0x219: {  	[spmem:s3] =	stream.indirect.scatter.add.bf16 [tilespmem:s14], [sflag:$0x4], $0x20, s31, s6, $0xb8;
	[tilespmem:$0x1CB60] =	vst v63  }
0x21a: {  	_ =	swait.ge [sflag:s9], $0x7D00  }
0x21b: {  	[sflag:s9] =	ssyncset.done $0x0  }
0x21c: {  	[sflag:s9] =	ssyncadd.s32 $0xFFFF8300  }
0x21d: {  	[spmem:s2] =	stream.indirect.scatter.add.bf16 [tilespmem:s12], [sflag:$0x4], $0x8, s31, s6, $0xb8;
	[tilespmem:$0x1CB60] =	vst v63  }
0x21e: {  	_ =	swait.ge [sflag:s9], $0x1F40  }
0x21f: {  	[sflag:s9] =	ssyncset.done $0x0  }
0x220: {  	[sflag:s9] =	ssyncadd.s32 $0xFFFFE0C0  }
0x221: {  	[bflag:$0x0] =	sbarrier.arrive $0xFFFF  }
0x222: {  	s0 =	rddreg [dreg:$0x1a]  }
0x223: {  	s31 =	rddreg [dreg:$0x1c]  }
0x224: {  	[hbm:s0], [sflag:s5] =	dma.local [spmem:s31], $0xA00  }
0x225: {  	p1 =	sne.s32 s24, $0x1;
	_ =	swait.ge [sflag:s9], $0xA00  }
.Ltmp2:
0x226: {  	[sflag:s9] =	ssyncset.done $0x0;
	(pc) =	sbr.rel @p1 .LBB2_4-.Ltmp2, $4  }
0x227: {  	s31 =	rddreg [dreg:$0x1b];
	[sflag:s9] =	ssyncadd.s32 $0xFFFFF600  }
0x228: {  	[hbm:s31], [sflag:s5] =	dma.local [spmem:s29], $0x280  }
0x229: {  	_ =	swait.ge [sflag:s9], $0x280  }
0x22a: {  	s24 =	sadd.s32 $0xFFFFFFFF, s24;
	s26 =	rddreg [dreg:$0x18];
	[sflag:s9] =	ssyncset.done $0x0  }
0x22b: {  	s20 =	rddreg [dreg:$0x1e]  }
0x22c: {  	s31 =	stileid.u32;
	s17 =	simm.s32 $0x2710;
	s8 =	rddreg [dreg:$0x1d]  }
.LBB2_6:
0x22d: {  	[sflag:s9] =	ssyncadd.s32 @p0 $0xFFFFFD80;
	s24 =	rddreg [dreg:$0x5]  }
0x22e: {  	[tilespmem:s10], [sflag:$0x3] =	stream.linear.gather [hbm4b:s20+s10], $0x3E8, $0x38;
	[tilespmem:$0x1CB60] =	vst v63  }
0x22f: {  	s21 =	rddreg [dreg:$0x6]  }
0x230: {  	[tilespmem:s17], [sflag:$0x3] =	stream.linear.gather [hbm4b:s24+s10], $0x3E8, $0x38;
	[tilespmem:$0x1CB60] =	vst v63  }
0x231: {  	s29 =	rddreg [dreg:$0x7]  }
0x232: {  	[tilespmem:s6], [sflag:$0x3] =	stream.linear.gather [hbm4b:s21+s10], $0x3E8, $0x38;
	[tilespmem:$0x1CB60] =	vst v63  }
0x233: {  	s0 =	rddreg [dreg:$0x8]  }
0x234: {  	[tilespmem:s1], [sflag:$0x3] =	stream.linear.gather [hbm4b:s29+s10], $0x3E8, $0x38;
	[tilespmem:$0x1CB60] =	vst v63  }
0x235: {  	s7 =	rddreg [dreg:$0xa];
	s29 =	simm.s32 $0x7D0  }
0x236: {  	[tilespmem:s29], [sflag:$0x3] =	stream.linear.gather [hbm4b:s0+s10], $0x3E8, $0x38;
	[tilespmem:$0x1CB60] =	vst v63  }
0x237: {  	s1 =	rddreg [dreg:$0x9]  }
0x238: {  	[tilespmem:s30], [sflag:$0x3] =	stream.linear.gather [hbm4b:s1+s10], $0x3E8, $0x38;
	[tilespmem:$0x1CB60] =	vst v63  }
0x239: {  	s13 =	rddreg [dreg:$0xb];
	s1 =	simm.s32 $0xBB8  }
0x23a: {  	[tilespmem:s1], [sflag:$0x3] =	stream.linear.gather [hbm4b:s7+s10], $0x3E8, $0x38;
	[tilespmem:$0x1CB60] =	vst v63  }
0x23b: {  	s16 =	rddreg [dreg:$0xc]  }
0x23c: {  	[tilespmem:s11], [sflag:$0x3] =	stream.linear.gather [hbm4b:s13+s10], $0x3E8, $0x38;
	[tilespmem:$0x1CB60] =	vst v63  }
0x23d: {  	s23 =	rddreg [dreg:$0xe];
	s7 =	simm.s32 $0xFA0  }
0x23e: {  	[tilespmem:s7], [sflag:$0x3] =	stream.linear.gather [hbm4b:s16+s10], $0x3E8, $0x38;
	[tilespmem:$0x1CB60] =	vst v63  }
0x23f: {  	s25 =	simm.s32 $0x36B0;
	s20 =	rddreg [dreg:$0xd]  }
0x240: {  	[tilespmem:s25], [sflag:$0x3] =	stream.linear.gather [hbm4b:s20+s10], $0x3E8, $0x38;
	[tilespmem:$0x1CB60] =	vst v63  }
0x241: {  	s28 =	rddreg [dreg:$0xf];
	s11 =	simm.s32 $0x1388  }
0x242: {  	[tilespmem:s11], [sflag:$0x3] =	stream.linear.gather [hbm4b:s23+s10], $0x3E8, $0x38;
	[tilespmem:$0x1CB60] =	vst v63  }
0x243: {  	s24 =	rddreg [dreg:$0x17];
	s23 =	simm.s32 $0x3A98  }
0x244: {  	[tilespmem:s23], [sflag:$0x3] =	stream.linear.gather [hbm4b:s28+s10], $0x3E8, $0x38;
	[tilespmem:$0x1CB60] =	vst v63  }
0x245: {  	s13 =	rddreg [dreg:$0x10];
	s28 =	simm.s32 $0x1770  }
0x246: {  	[tilespmem:s28], [sflag:$0x3] =	stream.linear.gather [hbm4b:s13+s10], $0x3E8, $0x38;
	[tilespmem:$0x1CB60] =	vst v63  }
0x247: {  	s16 =	rddreg [dreg:$0x11];
	s20 =	simm.s32 $0x3E80  }
0x248: {  	[tilespmem:s20], [sflag:$0x3] =	stream.linear.gather [hbm4b:s16+s10], $0x3E8, $0x38;
	[tilespmem:$0x1CB60] =	vst v63  }
0x249: {  	s11 =	rddreg [dreg:$0x12];
	s28 =	simm.s32 $0x1B58  }
0x24a: {  	[tilespmem:s28], [sflag:$0x3] =	stream.linear.gather [hbm4b:s11+s10], $0x3E8, $0x38;
	[tilespmem:$0x1CB60] =	vst v63  }
0x24b: {  	s13 =	rddreg [dreg:$0x13];
	s16 =	simm.s32 $0x4268  }
0x24c: {  	[tilespmem:s16], [sflag:$0x3] =	stream.linear.gather [hbm4b:s13+s10], $0x3E8, $0x38;
	[tilespmem:$0x1CB60] =	vst v63  }
0x24d: {  	s7 =	rddreg [dreg:$0x14];
	s28 =	simm.s32 $0x1F40  }
0x24e: {  	[tilespmem:s28], [sflag:$0x3] =	stream.linear.gather [hbm4b:s7+s10], $0x3E8, $0x38;
	[tilespmem:$0x1CB60] =	vst v63  }
0x24f: {  	s11 =	rddreg [dreg:$0x15];
	s13 =	simm.s32 $0x4650  }
0x250: {  	[tilespmem:s13], [sflag:$0x3] =	stream.linear.gather [hbm4b:s11+s10], $0x3E8, $0x38;
	[tilespmem:$0x1CB60] =	vst v63  }
0x251: {  	s7 =	rddreg [dreg:$0x16];
	s11 =	simm.s32 $0x2328  }
0x252: {  	[tilespmem:s11], [sflag:$0x3] =	stream.linear.gather [hbm4b:s7+s10], $0x3E8, $0x38;
	[tilespmem:$0x1CB60] =	vst v63  }
0x253: {  	s11 =	simm.s32 $0x4A38;
	s7 =	rddreg [dreg:$0x1c]  }
0x254: {  	[tilespmem:s11], [sflag:$0x3] =	stream.linear.gather [hbm4b:s24+s10], $0x3E8, $0x38;
	[tilespmem:$0x1CB60] =	vst v63  }
0x255: {  	[spmem:s7], [sflag:s5] =	dma.local [hbm:s26], $0xA00  }
0x256: {  	_ =	swait.ge [sflag:s9], $0xA00  }
0x257: {  	[sflag:s9] =	ssyncset.done $0x0  }
0x258: {  	s24 =	rddreg [dreg:$0x19];
	[sflag:s9] =	ssyncadd.s32 $0xFFFFF600  }
0x259: {  	[spmem:s8], [sflag:s5] =	dma.local [hbm:s24], $0x280  }
0x25a: {  	_ =	swait.ge [sflag:s9], $0x280  }
0x25b: {  	[sflag:s9] =	ssyncset.done $0x0  }
0x25c: {  	s26 =	rddreg [dreg:$0x4];
	[sflag:s9] =	ssyncadd.s32 $0xFFFFFD80  }
0x25d: {  	[tilespmem:s12], [sflag:$0x4] =	stream.linear.gather [hbm4b:s26+s10], $0x1F40, $0x38;
	[tilespmem:$0x1CB60] =	vst v63  }
0x25e: {  	_ =	swait.ge [sflag:s9], $0x1F40  }
0x25f: {  	[sflag:s9] =	ssyncset.done $0x0  }
0x260: {  	[sflag:s9] =	ssyncadd.s32 $0xFFFFE0C0  }
0x261: {  	_ =	swait.ge [sflag:s22], $0x3E8  }
0x262: {  	[sflag:s22] =	ssyncset.done $0x0  }
0x263: {  	[sflag:s22] =	ssyncadd.s32 $0xFFFFFC18  }
0x264: {  	_ =	swait.ge [sflag:s22], $0x3E8  }
0x265: {  	[sflag:s22] =	ssyncset.done $0x0  }
0x266: {  	[sflag:s22] =	ssyncadd.s32 $0xFFFFFC18  }
0x267: {  	_ =	swait.ge [sflag:s22], $0x3E8  }
0x268: {  	[sflag:s22] =	ssyncset.done $0x0  }
0x269: {  	[sflag:s22] =	ssyncadd.s32 $0xFFFFFC18  }
0x26a: {  	_ =	swait.ge [sflag:s22], $0x3E8  }
0x26b: {  	[sflag:s22] =	ssyncset.done $0x0  }
0x26c: {  	[sflag:s22] =	ssyncadd.s32 $0xFFFFFC18  }
0x26d: {  	_ =	swait.ge [sflag:s22], $0x3E8  }
0x26e: {  	[sflag:s22] =	ssyncset.done $0x0  }
0x26f: {  	[sflag:s22] =	ssyncadd.s32 $0xFFFFFC18  }
0x270: {  	_ =	swait.ge [sflag:s22], $0x3E8  }
0x271: {  	[sflag:s22] =	ssyncset.done $0x0  }
0x272: {  	[sflag:s22] =	ssyncadd.s32 $0xFFFFFC18  }
0x273: {  	_ =	swait.ge [sflag:s22], $0x3E8  }
0x274: {  	[sflag:s22] =	ssyncset.done $0x0  }
0x275: {  	[sflag:s22] =	ssyncadd.s32 $0xFFFFFC18  }
0x276: {  	_ =	swait.ge [sflag:s22], $0x3E8  }
0x277: {  	[sflag:s22] =	ssyncset.done $0x0  }
0x278: {  	[sflag:s22] =	ssyncadd.s32 $0xFFFFFC18  }
0x279: {  	_ =	swait.ge [sflag:s22], $0x3E8  }
0x27a: {  	[sflag:s22] =	ssyncset.done $0x0  }
0x27b: {  	[sflag:s22] =	ssyncadd.s32 $0xFFFFFC18  }
0x27c: {  	_ =	swait.ge [sflag:s22], $0x3E8  }
0x27d: {  	[sflag:s22] =	ssyncset.done $0x0  }
0x27e: {  	[sflag:s22] =	ssyncadd.s32 $0xFFFFFC18  }
0x27f: {  	_ =	swait.ge [sflag:s22], $0x3E8  }
0x280: {  	[sflag:s22] =	ssyncset.done $0x0  }
0x281: {  	[sflag:s22] =	ssyncadd.s32 $0xFFFFFC18  }
0x282: {  	_ =	swait.ge [sflag:s22], $0x3E8  }
0x283: {  	[sflag:s22] =	ssyncset.done $0x0  }
0x284: {  	[sflag:s22] =	ssyncadd.s32 $0xFFFFFC18  }
0x285: {  	_ =	swait.ge [sflag:s22], $0x3E8  }
0x286: {  	[sflag:s22] =	ssyncset.done $0x0  }
0x287: {  	[sflag:s22] =	ssyncadd.s32 $0xFFFFFC18  }
0x288: {  	_ =	swait.ge [sflag:s22], $0x3E8  }
0x289: {  	[sflag:s22] =	ssyncset.done $0x0  }
0x28a: {  	[sflag:s22] =	ssyncadd.s32 $0xFFFFFC18  }
0x28b: {  	_ =	swait.ge [sflag:s22], $0x3E8  }
0x28c: {  	[sflag:s22] =	ssyncset.done $0x0  }
0x28d: {  	[sflag:s22] =	ssyncadd.s32 $0xFFFFFC18  }
0x28e: {  	_ =	swait.ge [sflag:s22], $0x3E8  }
0x28f: {  	[sflag:s22] =	ssyncset.done $0x0  }
0x290: {  	[sflag:s22] =	ssyncadd.s32 $0xFFFFFC18  }
0x291: {  	_ =	swait.ge [sflag:s22], $0x3E8  }
0x292: {  	[sflag:s22] =	ssyncset.done $0x0  }
0x293: {  	[sflag:s22] =	ssyncadd.s32 $0xFFFFFC18  }
0x294: {  	_ =	swait.ge [sflag:s22], $0x3E8  }
0x295: {  	[sflag:s22] =	ssyncset.done $0x0  }
0x296: {  	[sflag:s22] =	ssyncadd.s32 $0xFFFFFC18  }
0x297: {  	_ =	swait.ge [sflag:s22], $0x3E8  }
0x298: {  	[sflag:s22] =	ssyncset.done $0x0  }
0x299: {  	[sflag:s22] =	ssyncadd.s32 $0xFFFFFC18  }
0x29a: {  	_ =	swait.ge [sflag:s22], $0x3E8  }
0x29b: {  	[sflag:s22] =	ssyncset.done $0x0  }
0x29c: {  	[sflag:s22] =	ssyncadd.s32 $0xFFFFFC18  }
0x29d: {  	[bflag:$0x0] =	sbarrier.arrive $0xFFFF  }
0x29e: {  	[tilespmem:s18], [sflag:$0x1] =	stream.indirect.gather [hbm4b:s4+s6], $0x20, s10, s6, $0xb8;
	[tilespmem:$0x1CB60] =	vst v63  }
0x29f: {  	_ =	swait.ge [sflag:s19], $0x7D00  }
0x2a0: {  	[sflag:s19] =	ssyncset.done $0x0  }
0x2a1: {  	[sflag:s19] =	ssyncadd.s32 $0xFFFF8300  }
0x2a2: {  	[tilespmem:s14], [sflag:$0x2] =	stream.indirect.gather [hbm4b:s4+s6], $0x20, s6, s6, $0xb8;
	[tilespmem:$0x1CB60] =	vst v63  }
0x2a3: {  	_ = 	snop  }
0x2a4: {  	[spmem:s3] =	stream.indirect.scatter.add.bf16 [tilespmem:s18], [sflag:$0x4], $0x20, s17, s6, $0xb8;
	[tilespmem:$0x1CB60] =	vst v63  }
0x2a5: {  	_ =	swait.ge [sflag:s9], $0x7D00  }
0x2a6: {  	[sflag:s9] =	ssyncset.done $0x0  }
0x2a7: {  	[sflag:s9] =	ssyncadd.s32 $0xFFFF8300  }
0x2a8: {  	[spmem:s2] =	stream.indirect.scatter.add.bf16 [tilespmem:s12], [sflag:$0x4], $0x8, s17, s6, $0xb8;
	[tilespmem:$0x1CB60] =	vst v63  }
0x2a9: {  	_ =	swait.ge [sflag:s9], $0x1F40  }
0x2aa: {  	[sflag:s9] =	ssyncset.done $0x0  }
0x2ab: {  	[sflag:s9] =	ssyncadd.s32 $0xFFFFE0C0  }
0x2ac: {  	_ =	swait.ge [sflag:s15], $0x7D00  }
0x2ad: {  	[sflag:s15] =	ssyncset.done $0x0  }
0x2ae: {  	[sflag:s15] =	ssyncadd.s32 $0xFFFF8300  }
0x2af: {  	[tilespmem:s18], [sflag:$0x1] =	stream.indirect.gather [hbm4b:s4+s6], $0x20, s29, s6, $0xb8;
	[tilespmem:$0x1CB60] =	vst v63  }
0x2b0: {  	s0 =	simm.s32 $0x2AF8  }
0x2b1: {  	[spmem:s3] =	stream.indirect.scatter.add.bf16 [tilespmem:s14], [sflag:$0x4], $0x20, s0, s6, $0xb8;
	[tilespmem:$0x1CB60] =	vst v63  }
0x2b2: {  	_ =	swait.ge [sflag:s9], $0x7D00  }
0x2b3: {  	[sflag:s9] =	ssyncset.done $0x0  }
0x2b4: {  	[sflag:s9] =	ssyncadd.s32 $0xFFFF8300  }
0x2b5: {  	[spmem:s2] =	stream.indirect.scatter.add.bf16 [tilespmem:s12], [sflag:$0x4], $0x8, s0, s6, $0xb8;
	[tilespmem:$0x1CB60] =	vst v63  }
0x2b6: {  	_ =	swait.ge [sflag:s9], $0x1F40  }
0x2b7: {  	[sflag:s9] =	ssyncset.done $0x0  }
0x2b8: {  	[sflag:s9] =	ssyncadd.s32 $0xFFFFE0C0  }
0x2b9: {  	_ =	swait.ge [sflag:s19], $0x7D00  }
0x2ba: {  	[sflag:s19] =	ssyncset.done $0x0  }
0x2bb: {  	[sflag:s19] =	ssyncadd.s32 $0xFFFF8300  }
0x2bc: {  	[tilespmem:s14], [sflag:$0x2] =	stream.indirect.gather [hbm4b:s4+s6], $0x20, s1, s6, $0xb8;
	[tilespmem:$0x1CB60] =	vst v63  }
0x2bd: {  	_ = 	snop  }
0x2be: {  	[spmem:s3] =	stream.indirect.scatter.add.bf16 [tilespmem:s18], [sflag:$0x4], $0x20, s30, s6, $0xb8;
	[tilespmem:$0x1CB60] =	vst v63  }
0x2bf: {  	_ =	swait.ge [sflag:s9], $0x7D00  }
0x2c0: {  	[sflag:s9] =	ssyncset.done $0x0  }
0x2c1: {  	[sflag:s9] =	ssyncadd.s32 $0xFFFF8300  }
0x2c2: {  	[spmem:s2] =	stream.indirect.scatter.add.bf16 [tilespmem:s12], [sflag:$0x4], $0x8, s30, s6, $0xb8;
	[tilespmem:$0x1CB60] =	vst v63  }
0x2c3: {  	_ =	swait.ge [sflag:s9], $0x1F40  }
0x2c4: {  	[sflag:s9] =	ssyncset.done $0x0  }
0x2c5: {  	[sflag:s9] =	ssyncadd.s32 $0xFFFFE0C0  }
0x2c6: {  	_ =	swait.ge [sflag:s15], $0x7D00  }
0x2c7: {  	[sflag:s15] =	ssyncset.done $0x0  }
0x2c8: {  	s21 =	simm.s32 $0xFA0;
	[sflag:s15] =	ssyncadd.s32 $0xFFFF8300  }
0x2c9: {  	[tilespmem:s18], [sflag:$0x1] =	stream.indirect.gather [hbm4b:s4+s6], $0x20, s21, s6, $0xb8;
	[tilespmem:$0x1CB60] =	vst v63  }
0x2ca: {  	s28 =	simm.s32 $0x32C8  }
0x2cb: {  	[spmem:s3] =	stream.indirect.scatter.add.bf16 [tilespmem:s14], [sflag:$0x4], $0x20, s28, s6, $0xb8;
	[tilespmem:$0x1CB60] =	vst v63  }
0x2cc: {  	_ =	swait.ge [sflag:s9], $0x7D00  }
0x2cd: {  	[sflag:s9] =	ssyncset.done $0x0  }
0x2ce: {  	[sflag:s9] =	ssyncadd.s32 $0xFFFF8300  }
0x2cf: {  	[spmem:s2] =	stream.indirect.scatter.add.bf16 [tilespmem:s12], [sflag:$0x4], $0x8, s28, s6, $0xb8;
	[tilespmem:$0x1CB60] =	vst v63  }
0x2d0: {  	_ =	swait.ge [sflag:s9], $0x1F40  }
0x2d1: {  	[sflag:s9] =	ssyncset.done $0x0  }
0x2d2: {  	[sflag:s9] =	ssyncadd.s32 $0xFFFFE0C0  }
0x2d3: {  	_ =	swait.ge [sflag:s19], $0x7D00  }
0x2d4: {  	[sflag:s19] =	ssyncset.done $0x0  }
0x2d5: {  	s22 =	simm.s32 $0x1388;
	[sflag:s19] =	ssyncadd.s32 $0xFFFF8300  }
0x2d6: {  	[tilespmem:s14], [sflag:$0x2] =	stream.indirect.gather [hbm4b:s4+s6], $0x20, s22, s6, $0xb8;
	[tilespmem:$0x1CB60] =	vst v63  }
0x2d7: {  	_ = 	snop  }
0x2d8: {  	[spmem:s3] =	stream.indirect.scatter.add.bf16 [tilespmem:s18], [sflag:$0x4], $0x20, s25, s6, $0xb8;
	[tilespmem:$0x1CB60] =	vst v63  }
0x2d9: {  	_ =	swait.ge [sflag:s9], $0x7D00  }
0x2da: {  	[sflag:s9] =	ssyncset.done $0x0  }
0x2db: {  	[sflag:s9] =	ssyncadd.s32 $0xFFFF8300  }
0x2dc: {  	[spmem:s2] =	stream.indirect.scatter.add.bf16 [tilespmem:s12], [sflag:$0x4], $0x8, s25, s6, $0xb8;
	[tilespmem:$0x1CB60] =	vst v63  }
0x2dd: {  	_ =	swait.ge [sflag:s9], $0x1F40  }
0x2de: {  	[sflag:s9] =	ssyncset.done $0x0  }
0x2df: {  	[sflag:s9] =	ssyncadd.s32 $0xFFFFE0C0  }
0x2e0: {  	_ =	swait.ge [sflag:s15], $0x7D00  }
0x2e1: {  	[sflag:s15] =	ssyncset.done $0x0  }
0x2e2: {  	s24 =	simm.s32 $0x1770;
	[sflag:s15] =	ssyncadd.s32 $0xFFFF8300  }
0x2e3: {  	[tilespmem:s18], [sflag:$0x1] =	stream.indirect.gather [hbm4b:s4+s6], $0x20, s24, s6, $0xb8;
	[tilespmem:$0x1CB60] =	vst v63  }
0x2e4: {  	_ = 	snop  }
0x2e5: {  	[spmem:s3] =	stream.indirect.scatter.add.bf16 [tilespmem:s14], [sflag:$0x4], $0x20, s23, s6, $0xb8;
	[tilespmem:$0x1CB60] =	vst v63  }
0x2e6: {  	_ =	swait.ge [sflag:s9], $0x7D00  }
0x2e7: {  	[sflag:s9] =	ssyncset.done $0x0  }
0x2e8: {  	[sflag:s9] =	ssyncadd.s32 $0xFFFF8300  }
0x2e9: {  	[spmem:s2] =	stream.indirect.scatter.add.bf16 [tilespmem:s12], [sflag:$0x4], $0x8, s23, s6, $0xb8;
	[tilespmem:$0x1CB60] =	vst v63  }
0x2ea: {  	_ =	swait.ge [sflag:s9], $0x1F40  }
0x2eb: {  	[sflag:s9] =	ssyncset.done $0x0  }
0x2ec: {  	[sflag:s9] =	ssyncadd.s32 $0xFFFFE0C0  }
0x2ed: {  	_ =	swait.ge [sflag:s19], $0x7D00  }
0x2ee: {  	[sflag:s19] =	ssyncset.done $0x0  }
0x2ef: {  	s25 =	simm.s32 $0x1B58;
	[sflag:s19] =	ssyncadd.s32 $0xFFFF8300  }
0x2f0: {  	[tilespmem:s14], [sflag:$0x2] =	stream.indirect.gather [hbm4b:s4+s6], $0x20, s25, s6, $0xb8;
	[tilespmem:$0x1CB60] =	vst v63  }
0x2f1: {  	_ = 	snop  }
0x2f2: {  	[spmem:s3] =	stream.indirect.scatter.add.bf16 [tilespmem:s18], [sflag:$0x4], $0x20, s20, s6, $0xb8;
	[tilespmem:$0x1CB60] =	vst v63  }
0x2f3: {  	_ =	swait.ge [sflag:s9], $0x7D00  }
0x2f4: {  	[sflag:s9] =	ssyncset.done $0x0  }
0x2f5: {  	[sflag:s9] =	ssyncadd.s32 $0xFFFF8300  }
0x2f6: {  	[spmem:s2] =	stream.indirect.scatter.add.bf16 [tilespmem:s12], [sflag:$0x4], $0x8, s20, s6, $0xb8;
	[tilespmem:$0x1CB60] =	vst v63  }
0x2f7: {  	_ =	swait.ge [sflag:s9], $0x1F40  }
0x2f8: {  	[sflag:s9] =	ssyncset.done $0x0  }
0x2f9: {  	[sflag:s9] =	ssyncadd.s32 $0xFFFFE0C0  }
0x2fa: {  	_ =	swait.ge [sflag:s15], $0x7D00  }
0x2fb: {  	[sflag:s15] =	ssyncset.done $0x0  }
0x2fc: {  	s26 =	simm.s32 $0x1F40;
	[sflag:s15] =	ssyncadd.s32 $0xFFFF8300  }
0x2fd: {  	[tilespmem:s18], [sflag:$0x1] =	stream.indirect.gather [hbm4b:s4+s6], $0x20, s26, s6, $0xb8;
	[tilespmem:$0x1CB60] =	vst v63  }
0x2fe: {  	_ = 	snop  }
0x2ff: {  	[spmem:s3] =	stream.indirect.scatter.add.bf16 [tilespmem:s14], [sflag:$0x4], $0x20, s16, s6, $0xb8;
	[tilespmem:$0x1CB60] =	vst v63  }
0x300: {  	_ =	swait.ge [sflag:s9], $0x7D00  }
0x301: {  	[sflag:s9] =	ssyncset.done $0x0  }
0x302: {  	[sflag:s9] =	ssyncadd.s32 $0xFFFF8300  }
0x303: {  	[spmem:s2] =	stream.indirect.scatter.add.bf16 [tilespmem:s12], [sflag:$0x4], $0x8, s16, s6, $0xb8;
	[tilespmem:$0x1CB60] =	vst v63  }
0x304: {  	_ =	swait.ge [sflag:s9], $0x1F40  }
0x305: {  	[sflag:s9] =	ssyncset.done $0x0  }
0x306: {  	[sflag:s9] =	ssyncadd.s32 $0xFFFFE0C0  }
0x307: {  	_ =	swait.ge [sflag:s19], $0x7D00  }
0x308: {  	[sflag:s19] =	ssyncset.done $0x0  }
0x309: {  	s28 =	simm.s32 $0x2328;
	[sflag:s19] =	ssyncadd.s32 $0xFFFF8300  }
0x30a: {  	[tilespmem:s14], [sflag:$0x2] =	stream.indirect.gather [hbm4b:s4+s6], $0x20, s28, s6, $0xb8;
	[tilespmem:$0x1CB60] =	vst v63  }
0x30b: {  	_ = 	snop  }
0x30c: {  	[spmem:s3] =	stream.indirect.scatter.add.bf16 [tilespmem:s18], [sflag:$0x4], $0x20, s13, s6, $0xb8;
	[tilespmem:$0x1CB60] =	vst v63  }
0x30d: {  	_ =	swait.ge [sflag:s9], $0x7D00  }
0x30e: {  	[sflag:s9] =	ssyncset.done $0x0  }
0x30f: {  	[sflag:s9] =	ssyncadd.s32 $0xFFFF8300  }
0x310: {  	[spmem:s2] =	stream.indirect.scatter.add.bf16 [tilespmem:s12], [sflag:$0x4], $0x8, s13, s6, $0xb8;
	[tilespmem:$0x1CB60] =	vst v63  }
0x311: {  	_ =	swait.ge [sflag:s9], $0x1F40  }
0x312: {  	[sflag:s9] =	ssyncset.done $0x0  }
0x313: {  	[sflag:s9] =	ssyncadd.s32 $0xFFFFE0C0  }
0x314: {  	_ =	swait.ge [sflag:s15], $0x7D00  }
0x315: {  	[sflag:s15] =	ssyncset.done $0x0  }
0x316: {  	[sflag:s15] =	ssyncadd.s32 $0xFFFF8300  }
0x317: {  	[spmem:s3] =	stream.indirect.scatter.add.bf16 [tilespmem:s14], [sflag:$0x4], $0x20, s11, s6, $0xb8;
	[tilespmem:$0x1CB60] =	vst v63  }
0x318: {  	_ =	swait.ge [sflag:s9], $0x7D00  }
0x319: {  	[sflag:s9] =	ssyncset.done $0x0  }
0x31a: {  	[sflag:s9] =	ssyncadd.s32 $0xFFFF8300  }
0x31b: {  	[spmem:s2] =	stream.indirect.scatter.add.bf16 [tilespmem:s12], [sflag:$0x4], $0x8, s11, s6, $0xb8;
	[tilespmem:$0x1CB60] =	vst v63  }
0x31c: {  	_ =	swait.ge [sflag:s9], $0x1F40  }
0x31d: {  	[sflag:s9] =	ssyncset.done $0x0  }
0x31e: {  	[sflag:s9] =	ssyncadd.s32 $0xFFFFE0C0  }
0x31f: {  	[bflag:$0x0] =	sbarrier.arrive $0xFFFF  }
0x320: {  	s29 =	rddreg [dreg:$0x1a]  }
0x321: {  	[hbm:s29], [sflag:s5] =	dma.local [spmem:s7], $0xA00  }
0x322: {  	_ =	swait.ge [sflag:s9], $0xA00  }
0x323: {  	[sflag:s9] =	ssyncset.done $0x0  }
0x324: {  	s30 =	rddreg [dreg:$0x1b];
	[sflag:s9] =	ssyncadd.s32 $0xFFFFF600  }
0x325: {  	[hbm:s30], [sflag:s5] =	dma.local [spmem:s8], $0x280  }
0x326: {  	_ =	swait.ge [sflag:s9], $0x280  }
0x327: {  	[sflag:s9] =	ssyncset.done $0x0  }
0x328: {  	[sflag:s9] =	ssyncadd.s32 $0xFFFFFD80  }
0x329: {  	_ =	sfence.sel $0x180000  }
0x32a: {  	[bflag:$0x0] =	sbarrier.arrive $0xFFFF  }
0x32b: {  	_ =	strace $0x90000047  }
0x32c: {  	[bflag:$0x2] =	sbarrier.arrive $0xFFFF  }
0x32d: {  	p0 =	sne.s32 s31, $0x0;
	s0 =	rddreg [dreg:$0x3]  }
0x32e: {  	s0 =	sadd.s32 @!p0 $0x100000, s0  }
0x32f: {  	[sflag:s0] =	ssyncadd.tile.s32 @!p0 $0x1;
	_ =	shalt  }
.LBB2_1:
.Ltmp3:
0x330: {  	(pc) =	sbr.rel .LBB2_6-.Ltmp3, $2  }
0x331: {  	_ =	sdelay $0x2  }
0x332: {  	s11 =	simm.s32 $0x32C8  }
.LBB2_7:
.Ltmp4:
0x333: {  	(pc) =	sbr.rel .LBB2_6-.Ltmp4, $3  }
0x334: {  	_ =	sdelay $0x1  }
0x335: {  	s20 =	rddreg [dreg:$0x1e]  }
0x336: {  	s31 =	stileid.u32;
	s17 =	simm.s32 $0x2710;
	s8 =	rddreg [dreg:$0x1d]  }
.Lfunc_end2:
_tile_overlayer_lowered:
.L_overlay_start_2:
0x337: {  	(tag) =	ssettag $0x2  }
0x338: {  	s0 =	rddreg [dreg:$0x0];
	s2 =	stileid.u32  }
0x339: {  	s1 =	rddreg [dreg:$0x1];
	p0 =	sne.s32 s2, $0x0  }
0x33a: {  	s3 =	rddreg [dreg:$0x2];
	[bflag:$0x3] =	sbarrier.arrive $0xFFFF;
	s2 =	simm.s32 @!p0 $0x1C04  }
0x33b: {  	[timem:s3], [sflag:s2] =	dma.local @!p0 [hbm:s0], s1  }
0x33c: {  	s0 =	simm.s32 @!p0 $0x4  }
0x33d: {  	_ =	swait.ge @!p0 [sflag:s0], s1  }
0x33e: {  	s1 =	ssub.s32 @!p0 $0x0, s1;
	[sflag:s0] =	ssyncset.done @!p0 $0x0  }
0x33f: {  	[sflag:s0] =	ssyncadd.s32 @!p0 s1  }
0x340: {  	[bflag:$0x3] =	sbarrier.arrive $0xFFFF  }
0x341: {  	_ =	shalt  }

</sc_bundles>
